<compile_context>
chip_gen: v7x
topology: tpu7x:2x2x1
jax: 0.10.2.dev20260603
libtpu: 0.0.44.dev20260713+nightly
codegen_flags: <defaults>
</compile_context>

<pallas_src>
import functools

import jax
import jax.numpy as jnp
from jax import lax
from jax.experimental import pallas as pl
from jax.experimental.pallas import tpu as pltpu
from jax.experimental.pallas import tpu_sc as plsc

K_POOL = 1024
_NCH = 512
_C = 64


def _rank_body(emb_ref, maskc_ref, maskr_ref, rank_ref):
    N = maskr_ref.shape[2]
    nch = N // _NCH
    TL = emb_ref.shape[2]
    kcol = emb_ref[0, :, TL - 1:TL]
    krow = lax.transpose(kcol, (1, 0))
    neg_inf = jnp.float32(-jnp.inf)
    skr = jnp.where(maskr_ref[0] > 0, krow, neg_inf)
    skc = jnp.where(maskc_ref[0] > 0, kcol, neg_inf)
    iota_lane = lax.broadcasted_iota(jnp.int32, (1, _NCH), 1)
    iota_sub = lax.broadcasted_iota(jnp.int32, (_NCH, 1), 0)
    tie_mask = iota_lane < iota_sub
    acc = [jnp.full((1, _NCH), jnp.float32(j * _NCH)) for j in range(nch)]
    for i in range(nch):
        my = skc[i * _NCH:(i + 1) * _NCH, :]
        mine = skr[:, i * _NCH:(i + 1) * _NCH]
        before = (mine > my) | ((mine == my) & tie_mask)
        part = jnp.sum(before.astype(jnp.float32), axis=1, keepdims=True)
        if i + 1 < nch:
            later = skr[:, (i + 1) * _NCH:]
            T = (later > my).astype(jnp.float32)
            part = part + jnp.sum(T, axis=1, keepdims=True)
            cs = jnp.sum(T, axis=0, keepdims=True)
            for j in range(i + 1, nch):
                acc[j] = acc[j] - cs[:, (j - i - 1) * _NCH:(j - i) * _NCH]
        acc[i] = acc[i] + part.reshape(1, _NCH)
    vc = jnp.full((1, 16), jnp.sum(maskr_ref[0]), jnp.float32)
    rank_row = jnp.concatenate(acc + [vc], axis=1)
    rank_ref[...] = rank_row.astype(jnp.int32).reshape(1, 1, N + 16)


def _tc_rank(embeddings, maski):
    B, N = maski.shape
    F = embeddings.shape[2]
    rank3 = pl.pallas_call(
        _rank_body,
        grid=(B,),
        in_specs=[
            pl.BlockSpec((1, N, min(F, 128)),
                         lambda b: (b, 0, F // min(F, 128) - 1)),
            pl.BlockSpec((1, N, 1), lambda b: (b, 0, 0)),
            pl.BlockSpec((1, 1, N), lambda b: (b, 0, 0)),
        ],
        out_specs=pl.BlockSpec((1, 1, N + 16), lambda b: (b, 0, 0)),
        out_shape=jax.ShapeDtypeStruct((B, 1, N + 16), jnp.int32),
    )(
        embeddings,
        maski.reshape(B, N, 1),
        maski.reshape(B, 1, N),
    )
    return rank3.reshape(B, N + 16)


def _gather_body(nc, N, rpw, F, table_h, rank_h, out_h,
                 rank_v, idx_v, rows_v0, rows_v1, sem0, sem1):
    wid = lax.axis_index("s") * nc + lax.axis_index("c")
    wpb = K_POOL // rpw
    b = wid // wpb
    half = wid - b * wpb
    base = wid * rpw
    pltpu.sync_copy(rank_h.at[b], rank_v)
    vc_b = rank_v[pl.ds(N, 16)][0]
    gbase = b * N

    def inv(t, carry):
        rv = rank_v[pl.ds(t * 16, 16)]
        tgt = rv - half * rpw
        ok = (tgt >= 0) & (tgt < rpw)
        val = gbase + t * 16 + lax.iota(jnp.int32, 16)
        plsc.store_scatter(idx_v, [tgt], val, mask=ok)
        return carry

    lax.fori_loop(0, N // 16, inv, 0)

    bufs = (rows_v0, rows_v1)
    sems = (sem0, sem1)
    nch = rpw // _C

    def start(c):
        return pltpu.async_copy(
            table_h.at[idx_v.at[pl.ds(c * _C, _C)]], bufs[c % 2], sems[c % 2]
        )

    pending = {0: start(0)}
    for c in range(nch):
        if c + 1 < nch:
            pending[c + 1] = start(c + 1)
        pending[c].wait()
        rows_v = bufs[c % 2]
        kstart = half * rpw + c * _C
        @pl.when(kstart + _C > vc_b)
        def _zero_tail():
            def zrow(r, carry):
                @pl.when(kstart + r >= vc_b)
                def _z():
                    for j in range(F // 16):
                        rows_v[r, pl.ds(j * 16, 16)] = jnp.zeros((16,), jnp.float32)
                return carry
            lax.fori_loop(0, _C, zrow, 0)
        pltpu.sync_copy(rows_v, out_h.at[pl.ds(base + c * _C, _C)])


def _sc_gather(table, rank):
    BN, F = table.shape
    B, Np = rank.shape
    N = Np - 16
    mesh = plsc.VectorSubcoreMesh(core_axis_name="c", subcore_axis_name="s")
    NW = mesh.num_cores * mesh.num_subcores
    rpw = B * K_POOL // NW
    body = functools.partial(_gather_body, mesh.num_cores, N, rpw, F)
    fn = pl.kernel(
        body,
        out_type=jax.ShapeDtypeStruct((B * K_POOL, F), jnp.float32),
        mesh=mesh,
        compiler_params=pltpu.CompilerParams(needs_layout_passes=False),
        scratch_types=[
            pltpu.VMEM((Np,), jnp.int32),
            pltpu.VMEM((rpw,), jnp.int32),
            pltpu.VMEM((_C, F), jnp.float32),
            pltpu.VMEM((_C, F), jnp.float32),
            pltpu.SemaphoreType.DMA,
            pltpu.SemaphoreType.DMA,
        ],
    )
    return fn(table, rank)


def kernel(embeddings, mask):
    B, N, F = embeddings.shape
    maski = mask.astype(jnp.int32)
    rank = _tc_rank(embeddings, maski)
    out_flat = _sc_gather(embeddings.reshape(B * N, F), rank)
    return out_flat.reshape(B, K_POOL, F)

# --- scband reference (transcript-rebuilt; emitter-appended) ---
"""Pipeline reference for scband-sort-pooling-77790447665765 (READ-ONLY COPY).

The authoritative reference and input builder live on the scoring server;
editing this copy changes nothing except your own understanding.
"""

import jax, jax.numpy as jnp
import numpy as np

K_POOL = 1024

def setup_inputs(seed: int = 0) -> dict:
    key = jax.random.key(seed)
    k1, k2 = jax.random.split(key)
    embeddings = jax.random.normal(k1, (16, 4096, 512), dtype=jnp.float32)
    mask = jax.random.randint(k2, (16, 4096), 0, 2) > 0
    return {"embeddings": embeddings, "mask": mask}

def reference(embeddings, mask):
    # SortPooling: per graph in the batch, sort valid (masked) nodes in
    # DESCENDING order of the LAST feature column, zero-pad invalid rows
    # to the end (matching tf.boolean_mask + pad semantics), then keep
    # the top K_POOL rows (pad with zeros if N < K_POOL).
    B, N, F = embeddings.shape
    key_col = embeddings[..., -1]
    # invalid rows get -inf so they sort to the bottom, mimicking
    # boolean_mask followed by zero padding at the end
    sort_key = jnp.where(mask, key_col, -jnp.inf)
    idx = jnp.argsort(-sort_key, axis=1)  # descending
    sorted_emb = jnp.take_along_axis(embeddings, idx[:, :, None], axis=1)
    sorted_mask = jnp.take_along_axis(mask, idx, axis=1)
    # zero out the rows that were masked (they are contiguous at the end)
    out = sorted_emb * sorted_mask[:, :, None].astype(embeddings.dtype)
    if N >= K_POOL:
        out = out[:, :K_POOL, :]
    else:
        out = jnp.pad(out, ((0, 0), (0, K_POOL - N), (0, 0)))
    # flatten_output=False -> shape (B, K_POOL, F)
    return out

if __name__ == "__main__":
    import jax
    _d = setup_inputs()
    print(jax.jit(kernel)(*tuple(_d.values())))

</pallas_src>

<mosaic_0001>
#map = affine_map<(d0, d1) -> (0, 0)>
module attributes {stable_mosaic.version = 14 : i64} {
  func.func @_gather_body(%arg0: i32, %arg1: i32, %arg2: memref<65536x512xf32, #tpu.memory_space<hbm>>, %arg3: memref<16x4112xi32, #tpu.memory_space<hbm>>, %arg4: memref<16384x512xf32, #tpu.memory_space<hbm>>, %arg5: memref<4112xi32, #tpu.memory_space<vmem>>, %arg6: memref<512xi32, #tpu.memory_space<vmem>>, %arg7: memref<64x512xf32, #tpu.memory_space<vmem>>, %arg8: memref<64x512xf32, #tpu.memory_space<vmem>>, %arg9: memref<!tpu.dma_semaphore, #tpu.memory_space<semaphore_mem>>, %arg10: memref<!tpu.dma_semaphore, #tpu.memory_space<semaphore_mem>>) attributes {dimension_semantics = [#tpu.dimension_semantics<core_parallel>, #tpu.dimension_semantics<subcore_parallel>], iteration_bounds = array<i64: 2, 16>, scalar_prefetch = 0 : i64, scratch_operands = 6 : i64, tpu.core_type = #tpu.core_type<sc_vector_subcore>, window_params = [{transform_indices = #map}, {transform_indices = #map}, {transform_indices = #map}]} {
    %mul3A = arith.constant 2 : i32
    %mul3A_0 = arith.muli %arg1, %mul3A : i32
    %add3A = arith.addi %mul3A_0, %arg0 : i32
    %jit3A = arith.constant 2 : i32
    %div3A = arith.divsi %add3A, %jit3A : i32
    %sign3A = arith.constant 0 : i32
    %sign3A_1 = arith.cmpi sgt, %add3A, %sign3A : i32
    %sign3A_2 = arith.extui %sign3A_1 : i1 to i32
    %sign3A_3 = arith.constant 0 : i32
    %sign3A_4 = arith.cmpi slt, %add3A, %sign3A_3 : i32
    %sign3A_5 = arith.extui %sign3A_4 : i1 to i32
    %sign3A_6 = arith.subi %sign3A_2, %sign3A_5 : i32
    %sign3A_7 = arith.constant 0 : i32
    %sign3A_8 = arith.cmpi sgt, %jit3A, %sign3A_7 : i32
    %sign3A_9 = arith.extui %sign3A_8 : i1 to i32
    %sign3A_10 = arith.constant 0 : i32
    %sign3A_11 = arith.cmpi slt, %jit3A, %sign3A_10 : i32
    %sign3A_12 = arith.extui %sign3A_11 : i1 to i32
    %sign3A_13 = arith.subi %sign3A_9, %sign3A_12 : i32
    %ne3A = arith.cmpi ne, %sign3A_6, %sign3A_13 : i32
    %rem3A = arith.remsi %add3A, %jit3A : i32
    %ne3A_14 = arith.constant 0 : i32
    %ne3A_15 = arith.cmpi ne, %rem3A, %ne3A_14 : i32
    %and3A = arith.andi %ne3A, %ne3A_15 : i1
    %sub3A = arith.constant 1 : i32
    %sub3A_16 = arith.subi %div3A, %sub3A : i32
    %select_n3A = arith.select %and3A, %sub3A_16, %div3A : i32
    %mul3A_17 = arith.constant 2 : i32
    %mul3A_18 = arith.muli %select_n3A, %mul3A_17 : i32
    %sub3A_19 = arith.subi %add3A, %mul3A_18 : i32
    %mul3A_20 = arith.constant 512 : i32
    %mul3A_21 = arith.muli %add3A, %mul3A_20 : i32
    "tpu.region"() ({
      %run_scoped3A = tpu.sem_alloc : memref<!tpu.dma_semaphore, #tpu.memory_space<semaphore_mem>>
      %dma_start3A_201 = arith.constant 0 : i32
      %dma_start3A_202 = tpu.memref_slice %arg3[%select_n3A, %dma_start3A_201] : memref<16x4112xi32, #tpu.memory_space<hbm>> -> memref<1x4112xi32, #tpu.memory_space<hbm>>
      %dma_start3A_203 = tpu.memref_squeeze %dma_start3A_202 : memref<1x4112xi32, #tpu.memory_space<hbm>> -> memref<4112xi32, #tpu.memory_space<hbm>>
      %dma_start3A_204 = arith.constant 0 : i32
      %dma_start3A_205 = tpu.memref_slice %arg3[%select_n3A, %dma_start3A_204] : memref<16x4112xi32, #tpu.memory_space<hbm>> -> memref<1x4112xi32, #tpu.memory_space<hbm>>
      %dma_start3A_206 = tpu.memref_squeeze %dma_start3A_205 : memref<1x4112xi32, #tpu.memory_space<hbm>> -> memref<4112xi32, #tpu.memory_space<hbm>>
      tpu.enqueue_dma source(%dma_start3A_206 : memref<4112xi32, #tpu.memory_space<hbm>>) target(%arg5 : memref<4112xi32, #tpu.memory_space<vmem>>) target_semaphore(%run_scoped3A : memref<!tpu.dma_semaphore, #tpu.memory_space<semaphore_mem>>)
      %dma_wait3A_207 = arith.constant 0 : i32
      %dma_wait3A_208 = tpu.memref_slice %arg3[%select_n3A, %dma_wait3A_207] : memref<16x4112xi32, #tpu.memory_space<hbm>> -> memref<1x4112xi32, #tpu.memory_space<hbm>>
      %dma_wait3A_209 = tpu.memref_squeeze %dma_wait3A_208 : memref<1x4112xi32, #tpu.memory_space<hbm>> -> memref<4112xi32, #tpu.memory_space<hbm>>
      %dma_wait3A_210 = arith.constant 0 : i32
      %dma_wait3A_211 = tpu.memref_slice %arg3[%select_n3A, %dma_wait3A_210] : memref<16x4112xi32, #tpu.memory_space<hbm>> -> memref<1x4112xi32, #tpu.memory_space<hbm>>
      %dma_wait3A_212 = tpu.memref_squeeze %dma_wait3A_211 : memref<1x4112xi32, #tpu.memory_space<hbm>> -> memref<4112xi32, #tpu.memory_space<hbm>>
      tpu.wait_dma2 semaphore(%run_scoped3A : memref<!tpu.dma_semaphore, #tpu.memory_space<semaphore_mem>>) src(%dma_wait3A_212 : memref<4112xi32, #tpu.memory_space<hbm>>) dst(%arg5 : memref<4112xi32, #tpu.memory_space<vmem>>)
      tpu.yield
    }) : () -> ()
    %get3A = arith.constant 4096 : index
    %get3A_22 = tpu.vector_load %arg5[%get3A] {strides = array<i32>} : memref<4112xi32, #tpu.memory_space<vmem>>, vector<16xi32>,
    %slice3A = vector.extract_strided_slice %get3A_22 {offsets = [0], sizes = [1], strides = [1]} : vector<16xi32> to vector<1xi32>
    %squeeze3A = vector.extract %slice3A[0] : i32 from vector<1xi32>
    %mul3A_23 = arith.constant 4096 : i32
    %mul3A_24 = arith.muli %select_n3A, %mul3A_23 : i32
    %scan3A = arith.constant 0 : i32
    %scan3A_25 = arith.constant 0 : i32
    %scan3A_26 = arith.constant 256 : i32
    %scan3A_27 = arith.addi %scan3A_25, %scan3A_26 : i32
    %scan3A_28 = arith.constant 1 : i32
    scf.for %scan3A_201 = %scan3A_25 to %scan3A_27 step %scan3A_28  : i32 {
      %mul3A_202 = arith.constant 16 : i32
      %mul3A_203 = arith.muli %scan3A_201, %mul3A_202 : i32
      %get3A_204 = arith.index_cast %mul3A_203 : i32 to index
      %get3A_205 = tpu.vector_load %arg5[%get3A_204] {strides = array<i32>} : memref<4112xi32, #tpu.memory_space<vmem>>, vector<16xi32>,
      %mul3A_206 = arith.constant 512 : i32
      %mul3A_207 = arith.muli %sub3A_19, %mul3A_206 : i32
      %sub3A_208 = vector.broadcast %mul3A_207 : i32 to vector<16xi32>
      %sub3A_209 = arith.subi %get3A_205, %sub3A_208 : vector<16xi32>
      %ge3A = arith.constant 0 : i32
      %ge3A_210 = vector.broadcast %ge3A : i32 to vector<16xi32>
      %ge3A_211 = arith.cmpi sge, %sub3A_209, %ge3A_210 : vector<16xi32>
      %lt3A = arith.constant 512 : i32
      %lt3A_212 = vector.broadcast %lt3A : i32 to vector<16xi32>
      %lt3A_213 = arith.cmpi slt, %sub3A_209, %lt3A_212 : vector<16xi32>
      %and3A_214 = arith.andi %ge3A_211, %lt3A_213 : vector<16xi1>
      %mul3A_215 = arith.constant 16 : i32
      %mul3A_216 = arith.muli %scan3A_201, %mul3A_215 : i32
      %add3A_217 = arith.addi %mul3A_24, %mul3A_216 : i32
      %iota3A = tpu.iota {dimensions = array<i32: 0>} : vector<16xi32>
      %add3A_218 = vector.broadcast %add3A_217 : i32 to vector<16xi32>
      %add3A_219 = arith.addi %add3A_218, %iota3A : vector<16xi32>
      tpu.vector_store_idx %arg6[%sub3A_209], %add3A_219 masked %and3A_214 : memref<512xi32, #tpu.memory_space<vmem>>[vector<16xi32>], vector<16xi32>, vector<16xi1>
    }
    %scan3A_29 = arith.constant 256 : i32
    %dma_start3A = arith.constant 0 : i32
    %dma_start3A_30 = tpu.memref_slice %arg6[%dma_start3A] : memref<512xi32, #tpu.memory_space<vmem>> -> memref<64xi32, #tpu.memory_space<vmem>>
    %dma_start3A_31 = arith.constant 0 : i32
    %dma_start3A_32 = arith.constant 0 : i32
    %dma_start3A_33 = tpu.memref_slice %arg2[%dma_start3A_31, %dma_start3A_32] : memref<65536x512xf32, #tpu.memory_space<hbm>> -> memref<65536x512xf32, #tpu.memory_space<hbm>>
    tpu.enqueue_indirect_dma source(%dma_start3A_33 : memref<65536x512xf32, #tpu.memory_space<hbm>>) target(%arg7 : memref<64x512xf32, #tpu.memory_space<vmem>>) offsets(%dma_start3A_30 : memref<64xi32, #tpu.memory_space<vmem>>) semaphore(%arg9 : memref<!tpu.dma_semaphore, #tpu.memory_space<semaphore_mem>>)
    %dma_start3A_34 = arith.constant 64 : i32
    %dma_start3A_35 = tpu.memref_slice %arg6[%dma_start3A_34] : memref<512xi32, #tpu.memory_space<vmem>> -> memref<64xi32, #tpu.memory_space<vmem>>
    %dma_start3A_36 = arith.constant 0 : i32
    %dma_start3A_37 = arith.constant 0 : i32
    %dma_start3A_38 = tpu.memref_slice %arg2[%dma_start3A_36, %dma_start3A_37] : memref<65536x512xf32, #tpu.memory_space<hbm>> -> memref<65536x512xf32, #tpu.memory_space<hbm>>
    tpu.enqueue_indirect_dma source(%dma_start3A_38 : memref<65536x512xf32, #tpu.memory_space<hbm>>) target(%arg8 : memref<64x512xf32, #tpu.memory_space<vmem>>) offsets(%dma_start3A_35 : memref<64xi32, #tpu.memory_space<vmem>>) semaphore(%arg10 : memref<!tpu.dma_semaphore, #tpu.memory_space<semaphore_mem>>)
    %dma_wait3A = arith.constant 0 : i32
    %dma_wait3A_39 = tpu.memref_slice %arg6[%dma_wait3A] : memref<512xi32, #tpu.memory_space<vmem>> -> memref<64xi32, #tpu.memory_space<vmem>>
    %dma_wait3A_40 = arith.constant 0 : i32
    %dma_wait3A_41 = arith.constant 0 : i32
    %dma_wait3A_42 = tpu.memref_slice %arg2[%dma_wait3A_40, %dma_wait3A_41] : memref<65536x512xf32, #tpu.memory_space<hbm>> -> memref<65536x512xf32, #tpu.memory_space<hbm>>
    tpu.wait_indirect_dma semaphore(%arg9 : memref<!tpu.dma_semaphore, #tpu.memory_space<semaphore_mem>>) src(%dma_wait3A_42 : memref<65536x512xf32, #tpu.memory_space<hbm>>) dst(%arg7 : memref<64x512xf32, #tpu.memory_space<vmem>>)
    %mul3A_43 = arith.constant 512 : i32
    %mul3A_44 = arith.muli %sub3A_19, %mul3A_43 : i32
    %add3A_45 = arith.constant 0 : i32
    %add3A_46 = arith.addi %mul3A_44, %add3A_45 : i32
    %add3A_47 = arith.constant 64 : i32
    %add3A_48 = arith.addi %add3A_46, %add3A_47 : i32
    %gt3A = arith.cmpi sgt, %add3A_48, %squeeze3A : i32
    %convert_element_type3A = arith.extui %gt3A : i1 to i32
    %cond3A = arith.constant 0 : i32
    %cond3A_49 = arith.cmpi ne, %convert_element_type3A, %cond3A : i32
    scf.if %cond3A_49 {
      %scan3A_201 = arith.constant 0 : i32
      %scan3A_202 = arith.constant 0 : i32
      %scan3A_203 = arith.constant 64 : i32
      %scan3A_204 = arith.addi %scan3A_202, %scan3A_203 : i32
      %scan3A_205 = arith.constant 1 : i32
      scf.for %scan3A_207 = %scan3A_202 to %scan3A_204 step %scan3A_205  : i32 {
        %add3A_208 = arith.addi %add3A_46, %scan3A_207 : i32
        %ge3A = arith.cmpi sge, %add3A_208, %squeeze3A : i32
        %convert_element_type3A_209 = arith.extui %ge3A : i1 to i32
        %cond3A_210 = arith.constant 0 : i32
        %cond3A_211 = arith.cmpi ne, %convert_element_type3A_209, %cond3A_210 : i32
        scf.if %cond3A_211 {
          %broadcast_in_dim3A = arith.constant 0.000000e+00 : f32
          %broadcast_in_dim3A_212 = vector.broadcast %broadcast_in_dim3A : f32 to vector<16xf32>
          %swap3A = arith.index_cast %scan3A_207 : i32 to index
          %swap3A_213 = arith.constant 0 : index
          %swap3A_214 = tpu.vector_load %arg7[%swap3A, %swap3A_213] {strides = array<i32>} : memref<64x512xf32, #tpu.memory_space<vmem>>, vector<16xf32>,
          tpu.vector_store %arg7[%swap3A, %swap3A_213], %broadcast_in_dim3A_212 {strides = array<i32>} : memref<64x512xf32, #tpu.memory_space<vmem>>, vector<16xf32>,
          %broadcast_in_dim3A_215 = arith.constant 0.000000e+00 : f32
          %broadcast_in_dim3A_216 = vector.broadcast %broadcast_in_dim3A_215 : f32 to vector<16xf32>
          %swap3A_217 = arith.index_cast %scan3A_207 : i32 to index
          %swap3A_218 = arith.constant 16 : index
          %swap3A_219 = tpu.vector_load %arg7[%swap3A_217, %swap3A_218] {strides = array<i32>} : memref<64x512xf32, #tpu.memory_space<vmem>>, vector<16xf32>,
          tpu.vector_store %arg7[%swap3A_217, %swap3A_218], %broadcast_in_dim3A_216 {strides = array<i32>} : memref<64x512xf32, #tpu.memory_space<vmem>>, vector<16xf32>,
          %broadcast_in_dim3A_220 = arith.constant 0.000000e+00 : f32
          %broadcast_in_dim3A_221 = vector.broadcast %broadcast_in_dim3A_220 : f32 to vector<16xf32>
          %swap3A_222 = arith.index_cast %scan3A_207 : i32 to index
          %swap3A_223 = arith.constant 32 : index
          %swap3A_224 = tpu.vector_load %arg7[%swap3A_222, %swap3A_223] {strides = array<i32>} : memref<64x512xf32, #tpu.memory_space<vmem>>, vector<16xf32>,
          tpu.vector_store %arg7[%swap3A_222, %swap3A_223], %broadcast_in_dim3A_221 {strides = array<i32>} : memref<64x512xf32, #tpu.memory_space<vmem>>, vector<16xf32>,
          %broadcast_in_dim3A_225 = arith.constant 0.000000e+00 : f32
          %broadcast_in_dim3A_226 = vector.broadcast %broadcast_in_dim3A_225 : f32 to vector<16xf32>
          %swap3A_227 = arith.index_cast %scan3A_207 : i32 to index
          %swap3A_228 = arith.constant 48 : index
          %swap3A_229 = tpu.vector_load %arg7[%swap3A_227, %swap3A_228] {strides = array<i32>} : memref<64x512xf32, #tpu.memory_space<vmem>>, vector<16xf32>,
          tpu.vector_store %arg7[%swap3A_227, %swap3A_228], %broadcast_in_dim3A_226 {strides = array<i32>} : memref<64x512xf32, #tpu.memory_space<vmem>>, vector<16xf32>,
          %broadcast_in_dim3A_230 = arith.constant 0.000000e+00 : f32
          %broadcast_in_dim3A_231 = vector.broadcast %broadcast_in_dim3A_230 : f32 to vector<16xf32>
          %swap3A_232 = arith.index_cast %scan3A_207 : i32 to index
          %swap3A_233 = arith.constant 64 : index
          %swap3A_234 = tpu.vector_load %arg7[%swap3A_232, %swap3A_233] {strides = array<i32>} : memref<64x512xf32, #tpu.memory_space<vmem>>, vector<16xf32>,
          tpu.vector_store %arg7[%swap3A_232, %swap3A_233], %broadcast_in_dim3A_231 {strides = array<i32>} : memref<64x512xf32, #tpu.memory_space<vmem>>, vector<16xf32>,
          %broadcast_in_dim3A_235 = arith.constant 0.000000e+00 : f32
          %broadcast_in_dim3A_236 = vector.broadcast %broadcast_in_dim3A_235 : f32 to vector<16xf32>
          %swap3A_237 = arith.index_cast %scan3A_207 : i32 to index
          %swap3A_238 = arith.constant 80 : index
          %swap3A_239 = tpu.vector_load %arg7[%swap3A_237, %swap3A_238] {strides = array<i32>} : memref<64x512xf32, #tpu.memory_space<vmem>>, vector<16xf32>,
          tpu.vector_store %arg7[%swap3A_237, %swap3A_238], %broadcast_in_dim3A_236 {strides = array<i32>} : memref<64x512xf32, #tpu.memory_space<vmem>>, vector<16xf32>,
          %broadcast_in_dim3A_240 = arith.constant 0.000000e+00 : f32
          %broadcast_in_dim3A_241 = vector.broadcast %broadcast_in_dim3A_240 : f32 to vector<16xf32>
          %swap3A_242 = arith.index_cast %scan3A_207 : i32 to index
          %swap3A_243 = arith.constant 96 : index
          %swap3A_244 = tpu.vector_load %arg7[%swap3A_242, %swap3A_243] {strides = array<i32>} : memref<64x512xf32, #tpu.memory_space<vmem>>, vector<16xf32>,
          tpu.vector_store %arg7[%swap3A_242, %swap3A_243], %broadcast_in_dim3A_241 {strides = array<i32>} : memref<64x512xf32, #tpu.memory_space<vmem>>, vector<16xf32>,
          %broadcast_in_dim3A_245 = arith.constant 0.000000e+00 : f32
          %broadcast_in_dim3A_246 = vector.broadcast %broadcast_in_dim3A_245 : f32 to vector<16xf32>
          %swap3A_247 = arith.index_cast %scan3A_207 : i32 to index
          %swap3A_248 = arith.constant 112 : index
          %swap3A_249 = tpu.vector_load %arg7[%swap3A_247, %swap3A_248] {strides = array<i32>} : memref<64x512xf32, #tpu.memory_space<vmem>>, vector<16xf32>,
          tpu.vector_store %arg7[%swap3A_247, %swap3A_248], %broadcast_in_dim3A_246 {strides = array<i32>} : memref<64x512xf32, #tpu.memory_space<vmem>>, vector<16xf32>,
          %broadcast_in_dim3A_250 = arith.constant 0.000000e+00 : f32
          %broadcast_in_dim3A_251 = vector.broadcast %broadcast_in_dim3A_250 : f32 to vector<16xf32>
          %swap3A_252 = arith.index_cast %scan3A_207 : i32 to index
          %swap3A_253 = arith.constant 128 : index
          %swap3A_254 = tpu.vector_load %arg7[%swap3A_252, %swap3A_253] {strides = array<i32>} : memref<64x512xf32, #tpu.memory_space<vmem>>, vector<16xf32>,
          tpu.vector_store %arg7[%swap3A_252, %swap3A_253], %broadcast_in_dim3A_251 {strides = array<i32>} : memref<64x512xf32, #tpu.memory_space<vmem>>, vector<16xf32>,
          %broadcast_in_dim3A_255 = arith.constant 0.000000e+00 : f32
          %broadcast_in_dim3A_256 = vector.broadcast %broadcast_in_dim3A_255 : f32 to vector<16xf32>
          %swap3A_257 = arith.index_cast %scan3A_207 : i32 to index
          %swap3A_258 = arith.constant 144 : index
          %swap3A_259 = tpu.vector_load %arg7[%swap3A_257, %swap3A_258] {strides = array<i32>} : memref<64x512xf32, #tpu.memory_space<vmem>>, vector<16xf32>,
          tpu.vector_store %arg7[%swap3A_257, %swap3A_258], %broadcast_in_dim3A_256 {strides = array<i32>} : memref<64x512xf32, #tpu.memory_space<vmem>>, vector<16xf32>,
          %broadcast_in_dim3A_260 = arith.constant 0.000000e+00 : f32
          %broadcast_in_dim3A_261 = vector.broadcast %broadcast_in_dim3A_260 : f32 to vector<16xf32>
          %swap3A_262 = arith.index_cast %scan3A_207 : i32 to index
          %swap3A_263 = arith.constant 160 : index
          %swap3A_264 = tpu.vector_load %arg7[%swap3A_262, %swap3A_263] {strides = array<i32>} : memref<64x512xf32, #tpu.memory_space<vmem>>, vector<16xf32>,
          tpu.vector_store %arg7[%swap3A_262, %swap3A_263], %broadcast_in_dim3A_261 {strides = array<i32>} : memref<64x512xf32, #tpu.memory_space<vmem>>, vector<16xf32>,
          %broadcast_in_dim3A_265 = arith.constant 0.000000e+00 : f32
          %broadcast_in_dim3A_266 = vector.broadcast %broadcast_in_dim3A_265 : f32 to vector<16xf32>
          %swap3A_267 = arith.index_cast %scan3A_207 : i32 to index
          %swap3A_268 = arith.constant 176 : index
          %swap3A_269 = tpu.vector_load %arg7[%swap3A_267, %swap3A_268] {strides = array<i32>} : memref<64x512xf32, #tpu.memory_space<vmem>>, vector<16xf32>,
          tpu.vector_store %arg7[%swap3A_267, %swap3A_268], %broadcast_in_dim3A_266 {strides = array<i32>} : memref<64x512xf32, #tpu.memory_space<vmem>>, vector<16xf32>,
          %broadcast_in_dim3A_270 = arith.constant 0.000000e+00 : f32
          %broadcast_in_dim3A_271 = vector.broadcast %broadcast_in_dim3A_270 : f32 to vector<16xf32>
          %swap3A_272 = arith.index_cast %scan3A_207 : i32 to index
          %swap3A_273 = arith.constant 192 : index
          %swap3A_274 = tpu.vector_load %arg7[%swap3A_272, %swap3A_273] {strides = array<i32>} : memref<64x512xf32, #tpu.memory_space<vmem>>, vector<16xf32>,
          tpu.vector_store %arg7[%swap3A_272, %swap3A_273], %broadcast_in_dim3A_271 {strides = array<i32>} : memref<64x512xf32, #tpu.memory_space<vmem>>, vector<16xf32>,
          %broadcast_in_dim3A_275 = arith.constant 0.000000e+00 : f32
          %broadcast_in_dim3A_276 = vector.broadcast %broadcast_in_dim3A_275 : f32 to vector<16xf32>
          %swap3A_277 = arith.index_cast %scan3A_207 : i32 to index
          %swap3A_278 = arith.constant 208 : index
          %swap3A_279 = tpu.vector_load %arg7[%swap3A_277, %swap3A_278] {strides = array<i32>} : memref<64x512xf32, #tpu.memory_space<vmem>>, vector<16xf32>,
          tpu.vector_store %arg7[%swap3A_277, %swap3A_278], %broadcast_in_dim3A_276 {strides = array<i32>} : memref<64x512xf32, #tpu.memory_space<vmem>>, vector<16xf32>,
          %broadcast_in_dim3A_280 = arith.constant 0.000000e+00 : f32
          %broadcast_in_dim3A_281 = vector.broadcast %broadcast_in_dim3A_280 : f32 to vector<16xf32>
          %swap3A_282 = arith.index_cast %scan3A_207 : i32 to index
          %swap3A_283 = arith.constant 224 : index
          %swap3A_284 = tpu.vector_load %arg7[%swap3A_282, %swap3A_283] {strides = array<i32>} : memref<64x512xf32, #tpu.memory_space<vmem>>, vector<16xf32>,
          tpu.vector_store %arg7[%swap3A_282, %swap3A_283], %broadcast_in_dim3A_281 {strides = array<i32>} : memref<64x512xf32, #tpu.memory_space<vmem>>, vector<16xf32>,
          %broadcast_in_dim3A_285 = arith.constant 0.000000e+00 : f32
          %broadcast_in_dim3A_286 = vector.broadcast %broadcast_in_dim3A_285 : f32 to vector<16xf32>
          %swap3A_287 = arith.index_cast %scan3A_207 : i32 to index
          %swap3A_288 = arith.constant 240 : index
          %swap3A_289 = tpu.vector_load %arg7[%swap3A_287, %swap3A_288] {strides = array<i32>} : memref<64x512xf32, #tpu.memory_space<vmem>>, vector<16xf32>,
          tpu.vector_store %arg7[%swap3A_287, %swap3A_288], %broadcast_in_dim3A_286 {strides = array<i32>} : memref<64x512xf32, #tpu.memory_space<vmem>>, vector<16xf32>,
          %broadcast_in_dim3A_290 = arith.constant 0.000000e+00 : f32
          %broadcast_in_dim3A_291 = vector.broadcast %broadcast_in_dim3A_290 : f32 to vector<16xf32>
          %swap3A_292 = arith.index_cast %scan3A_207 : i32 to index
          %swap3A_293 = arith.constant 256 : index
          %swap3A_294 = tpu.vector_load %arg7[%swap3A_292, %swap3A_293] {strides = array<i32>} : memref<64x512xf32, #tpu.memory_space<vmem>>, vector<16xf32>,
          tpu.vector_store %arg7[%swap3A_292, %swap3A_293], %broadcast_in_dim3A_291 {strides = array<i32>} : memref<64x512xf32, #tpu.memory_space<vmem>>, vector<16xf32>,
          %broadcast_in_dim3A_295 = arith.constant 0.000000e+00 : f32
          %broadcast_in_dim3A_296 = vector.broadcast %broadcast_in_dim3A_295 : f32 to vector<16xf32>
          %swap3A_297 = arith.index_cast %scan3A_207 : i32 to index
          %swap3A_298 = arith.constant 272 : index
          %swap3A_299 = tpu.vector_load %arg7[%swap3A_297, %swap3A_298] {strides = array<i32>} : memref<64x512xf32, #tpu.memory_space<vmem>>, vector<16xf32>,
          tpu.vector_store %arg7[%swap3A_297, %swap3A_298], %broadcast_in_dim3A_296 {strides = array<i32>} : memref<64x512xf32, #tpu.memory_space<vmem>>, vector<16xf32>,
          %broadcast_in_dim3A_300 = arith.constant 0.000000e+00 : f32
          %broadcast_in_dim3A_301 = vector.broadcast %broadcast_in_dim3A_300 : f32 to vector<16xf32>
          %swap3A_302 = arith.index_cast %scan3A_207 : i32 to index
          %swap3A_303 = arith.constant 288 : index
          %swap3A_304 = tpu.vector_load %arg7[%swap3A_302, %swap3A_303] {strides = array<i32>} : memref<64x512xf32, #tpu.memory_space<vmem>>, vector<16xf32>,
          tpu.vector_store %arg7[%swap3A_302, %swap3A_303], %broadcast_in_dim3A_301 {strides = array<i32>} : memref<64x512xf32, #tpu.memory_space<vmem>>, vector<16xf32>,
          %broadcast_in_dim3A_305 = arith.constant 0.000000e+00 : f32
          %broadcast_in_dim3A_306 = vector.broadcast %broadcast_in_dim3A_305 : f32 to vector<16xf32>
          %swap3A_307 = arith.index_cast %scan3A_207 : i32 to index
          %swap3A_308 = arith.constant 304 : index
          %swap3A_309 = tpu.vector_load %arg7[%swap3A_307, %swap3A_308] {strides = array<i32>} : memref<64x512xf32, #tpu.memory_space<vmem>>, vector<16xf32>,
          tpu.vector_store %arg7[%swap3A_307, %swap3A_308], %broadcast_in_dim3A_306 {strides = array<i32>} : memref<64x512xf32, #tpu.memory_space<vmem>>, vector<16xf32>,
          %broadcast_in_dim3A_310 = arith.constant 0.000000e+00 : f32
          %broadcast_in_dim3A_311 = vector.broadcast %broadcast_in_dim3A_310 : f32 to vector<16xf32>
          %swap3A_312 = arith.index_cast %scan3A_207 : i32 to index
          %swap3A_313 = arith.constant 320 : index
          %swap3A_314 = tpu.vector_load %arg7[%swap3A_312, %swap3A_313] {strides = array<i32>} : memref<64x512xf32, #tpu.memory_space<vmem>>, vector<16xf32>,
          tpu.vector_store %arg7[%swap3A_312, %swap3A_313], %broadcast_in_dim3A_311 {strides = array<i32>} : memref<64x512xf32, #tpu.memory_space<vmem>>, vector<16xf32>,
          %broadcast_in_dim3A_315 = arith.constant 0.000000e+00 : f32
          %broadcast_in_dim3A_316 = vector.broadcast %broadcast_in_dim3A_315 : f32 to vector<16xf32>
          %swap3A_317 = arith.index_cast %scan3A_207 : i32 to index
          %swap3A_318 = arith.constant 336 : index
          %swap3A_319 = tpu.vector_load %arg7[%swap3A_317, %swap3A_318] {strides = array<i32>} : memref<64x512xf32, #tpu.memory_space<vmem>>, vector<16xf32>,
          tpu.vector_store %arg7[%swap3A_317, %swap3A_318], %broadcast_in_dim3A_316 {strides = array<i32>} : memref<64x512xf32, #tpu.memory_space<vmem>>, vector<16xf32>,
          %broadcast_in_dim3A_320 = arith.constant 0.000000e+00 : f32
          %broadcast_in_dim3A_321 = vector.broadcast %broadcast_in_dim3A_320 : f32 to vector<16xf32>
          %swap3A_322 = arith.index_cast %scan3A_207 : i32 to index
          %swap3A_323 = arith.constant 352 : index
          %swap3A_324 = tpu.vector_load %arg7[%swap3A_322, %swap3A_323] {strides = array<i32>} : memref<64x512xf32, #tpu.memory_space<vmem>>, vector<16xf32>,
          tpu.vector_store %arg7[%swap3A_322, %swap3A_323], %broadcast_in_dim3A_321 {strides = array<i32>} : memref<64x512xf32, #tpu.memory_space<vmem>>, vector<16xf32>,
          %broadcast_in_dim3A_325 = arith.constant 0.000000e+00 : f32
          %broadcast_in_dim3A_326 = vector.broadcast %broadcast_in_dim3A_325 : f32 to vector<16xf32>
          %swap3A_327 = arith.index_cast %scan3A_207 : i32 to index
          %swap3A_328 = arith.constant 368 : index
          %swap3A_329 = tpu.vector_load %arg7[%swap3A_327, %swap3A_328] {strides = array<i32>} : memref<64x512xf32, #tpu.memory_space<vmem>>, vector<16xf32>,
          tpu.vector_store %arg7[%swap3A_327, %swap3A_328], %broadcast_in_dim3A_326 {strides = array<i32>} : memref<64x512xf32, #tpu.memory_space<vmem>>, vector<16xf32>,
          %broadcast_in_dim3A_330 = arith.constant 0.000000e+00 : f32
          %broadcast_in_dim3A_331 = vector.broadcast %broadcast_in_dim3A_330 : f32 to vector<16xf32>
          %swap3A_332 = arith.index_cast %scan3A_207 : i32 to index
          %swap3A_333 = arith.constant 384 : index
          %swap3A_334 = tpu.vector_load %arg7[%swap3A_332, %swap3A_333] {strides = array<i32>} : memref<64x512xf32, #tpu.memory_space<vmem>>, vector<16xf32>,
          tpu.vector_store %arg7[%swap3A_332, %swap3A_333], %broadcast_in_dim3A_331 {strides = array<i32>} : memref<64x512xf32, #tpu.memory_space<vmem>>, vector<16xf32>,
          %broadcast_in_dim3A_335 = arith.constant 0.000000e+00 : f32
          %broadcast_in_dim3A_336 = vector.broadcast %broadcast_in_dim3A_335 : f32 to vector<16xf32>
          %swap3A_337 = arith.index_cast %scan3A_207 : i32 to index
          %swap3A_338 = arith.constant 400 : index
          %swap3A_339 = tpu.vector_load %arg7[%swap3A_337, %swap3A_338] {strides = array<i32>} : memref<64x512xf32, #tpu.memory_space<vmem>>, vector<16xf32>,
          tpu.vector_store %arg7[%swap3A_337, %swap3A_338], %broadcast_in_dim3A_336 {strides = array<i32>} : memref<64x512xf32, #tpu.memory_space<vmem>>, vector<16xf32>,
          %broadcast_in_dim3A_340 = arith.constant 0.000000e+00 : f32
          %broadcast_in_dim3A_341 = vector.broadcast %broadcast_in_dim3A_340 : f32 to vector<16xf32>
          %swap3A_342 = arith.index_cast %scan3A_207 : i32 to index
          %swap3A_343 = arith.constant 416 : index
          %swap3A_344 = tpu.vector_load %arg7[%swap3A_342, %swap3A_343] {strides = array<i32>} : memref<64x512xf32, #tpu.memory_space<vmem>>, vector<16xf32>,
          tpu.vector_store %arg7[%swap3A_342, %swap3A_343], %broadcast_in_dim3A_341 {strides = array<i32>} : memref<64x512xf32, #tpu.memory_space<vmem>>, vector<16xf32>,
          %broadcast_in_dim3A_345 = arith.constant 0.000000e+00 : f32
          %broadcast_in_dim3A_346 = vector.broadcast %broadcast_in_dim3A_345 : f32 to vector<16xf32>
          %swap3A_347 = arith.index_cast %scan3A_207 : i32 to index
          %swap3A_348 = arith.constant 432 : index
          %swap3A_349 = tpu.vector_load %arg7[%swap3A_347, %swap3A_348] {strides = array<i32>} : memref<64x512xf32, #tpu.memory_space<vmem>>, vector<16xf32>,
          tpu.vector_store %arg7[%swap3A_347, %swap3A_348], %broadcast_in_dim3A_346 {strides = array<i32>} : memref<64x512xf32, #tpu.memory_space<vmem>>, vector<16xf32>,
          %broadcast_in_dim3A_350 = arith.constant 0.000000e+00 : f32
          %broadcast_in_dim3A_351 = vector.broadcast %broadcast_in_dim3A_350 : f32 to vector<16xf32>
          %swap3A_352 = arith.index_cast %scan3A_207 : i32 to index
          %swap3A_353 = arith.constant 448 : index
          %swap3A_354 = tpu.vector_load %arg7[%swap3A_352, %swap3A_353] {strides = array<i32>} : memref<64x512xf32, #tpu.memory_space<vmem>>, vector<16xf32>,
          tpu.vector_store %arg7[%swap3A_352, %swap3A_353], %broadcast_in_dim3A_351 {strides = array<i32>} : memref<64x512xf32, #tpu.memory_space<vmem>>, vector<16xf32>,
          %broadcast_in_dim3A_355 = arith.constant 0.000000e+00 : f32
          %broadcast_in_dim3A_356 = vector.broadcast %broadcast_in_dim3A_355 : f32 to vector<16xf32>
          %swap3A_357 = arith.index_cast %scan3A_207 : i32 to index
          %swap3A_358 = arith.constant 464 : index
          %swap3A_359 = tpu.vector_load %arg7[%swap3A_357, %swap3A_358] {strides = array<i32>} : memref<64x512xf32, #tpu.memory_space<vmem>>, vector<16xf32>,
          tpu.vector_store %arg7[%swap3A_357, %swap3A_358], %broadcast_in_dim3A_356 {strides = array<i32>} : memref<64x512xf32, #tpu.memory_space<vmem>>, vector<16xf32>,
          %broadcast_in_dim3A_360 = arith.constant 0.000000e+00 : f32
          %broadcast_in_dim3A_361 = vector.broadcast %broadcast_in_dim3A_360 : f32 to vector<16xf32>
          %swap3A_362 = arith.index_cast %scan3A_207 : i32 to index
          %swap3A_363 = arith.constant 480 : index
          %swap3A_364 = tpu.vector_load %arg7[%swap3A_362, %swap3A_363] {strides = array<i32>} : memref<64x512xf32, #tpu.memory_space<vmem>>, vector<16xf32>,
          tpu.vector_store %arg7[%swap3A_362, %swap3A_363], %broadcast_in_dim3A_361 {strides = array<i32>} : memref<64x512xf32, #tpu.memory_space<vmem>>, vector<16xf32>,
          %broadcast_in_dim3A_365 = arith.constant 0.000000e+00 : f32
          %broadcast_in_dim3A_366 = vector.broadcast %broadcast_in_dim3A_365 : f32 to vector<16xf32>
          %swap3A_367 = arith.index_cast %scan3A_207 : i32 to index
          %swap3A_368 = arith.constant 496 : index
          %swap3A_369 = tpu.vector_load %arg7[%swap3A_367, %swap3A_368] {strides = array<i32>} : memref<64x512xf32, #tpu.memory_space<vmem>>, vector<16xf32>,
          tpu.vector_store %arg7[%swap3A_367, %swap3A_368], %broadcast_in_dim3A_366 {strides = array<i32>} : memref<64x512xf32, #tpu.memory_space<vmem>>, vector<16xf32>,
        } else {
        }
      }
      %scan3A_206 = arith.constant 64 : i32
    } else {
    }
    %add3A_50 = arith.constant 0 : i32
    %add3A_51 = arith.addi %mul3A_21, %add3A_50 : i32
    "tpu.region"() ({
      %run_scoped3A = tpu.sem_alloc : memref<!tpu.dma_semaphore, #tpu.memory_space<semaphore_mem>>
      %dma_start3A_201 = arith.constant 0 : i32
      %dma_start3A_202 = tpu.memref_slice %arg4[%add3A_51, %dma_start3A_201] : memref<16384x512xf32, #tpu.memory_space<hbm>> -> memref<64x512xf32, #tpu.memory_space<hbm>>
      %dma_start3A_203 = arith.constant 0 : i32
      %dma_start3A_204 = tpu.memref_slice %arg4[%add3A_51, %dma_start3A_203] : memref<16384x512xf32, #tpu.memory_space<hbm>> -> memref<64x512xf32, #tpu.memory_space<hbm>>
      tpu.enqueue_dma source(%arg7 : memref<64x512xf32, #tpu.memory_space<vmem>>) target(%dma_start3A_204 : memref<64x512xf32, #tpu.memory_space<hbm>>) target_semaphore(%run_scoped3A : memref<!tpu.dma_semaphore, #tpu.memory_space<semaphore_mem>>)
      %dma_wait3A_205 = arith.constant 0 : i32
      %dma_wait3A_206 = tpu.memref_slice %arg4[%add3A_51, %dma_wait3A_205] : memref<16384x512xf32, #tpu.memory_space<hbm>> -> memref<64x512xf32, #tpu.memory_space<hbm>>
      %dma_wait3A_207 = arith.constant 0 : i32
      %dma_wait3A_208 = tpu.memref_slice %arg4[%add3A_51, %dma_wait3A_207] : memref<16384x512xf32, #tpu.memory_space<hbm>> -> memref<64x512xf32, #tpu.memory_space<hbm>>
      tpu.wait_dma2 semaphore(%run_scoped3A : memref<!tpu.dma_semaphore, #tpu.memory_space<semaphore_mem>>) src(%arg7 : memref<64x512xf32, #tpu.memory_space<vmem>>) dst(%dma_wait3A_208 : memref<64x512xf32, #tpu.memory_space<hbm>>)
      tpu.yield
    }) : () -> ()
    %dma_start3A_52 = arith.constant 128 : i32
    %dma_start3A_53 = tpu.memref_slice %arg6[%dma_start3A_52] : memref<512xi32, #tpu.memory_space<vmem>> -> memref<64xi32, #tpu.memory_space<vmem>>
    %dma_start3A_54 = arith.constant 0 : i32
    %dma_start3A_55 = arith.constant 0 : i32
    %dma_start3A_56 = tpu.memref_slice %arg2[%dma_start3A_54, %dma_start3A_55] : memref<65536x512xf32, #tpu.memory_space<hbm>> -> memref<65536x512xf32, #tpu.memory_space<hbm>>
    tpu.enqueue_indirect_dma source(%dma_start3A_56 : memref<65536x512xf32, #tpu.memory_space<hbm>>) target(%arg7 : memref<64x512xf32, #tpu.memory_space<vmem>>) offsets(%dma_start3A_53 : memref<64xi32, #tpu.memory_space<vmem>>) semaphore(%arg9 : memref<!tpu.dma_semaphore, #tpu.memory_space<semaphore_mem>>)
    %dma_wait3A_57 = arith.constant 64 : i32
    %dma_wait3A_58 = tpu.memref_slice %arg6[%dma_wait3A_57] : memref<512xi32, #tpu.memory_space<vmem>> -> memref<64xi32, #tpu.memory_space<vmem>>
    %dma_wait3A_59 = arith.constant 0 : i32
    %dma_wait3A_60 = arith.constant 0 : i32
    %dma_wait3A_61 = tpu.memref_slice %arg2[%dma_wait3A_59, %dma_wait3A_60] : memref<65536x512xf32, #tpu.memory_space<hbm>> -> memref<65536x512xf32, #tpu.memory_space<hbm>>
    tpu.wait_indirect_dma semaphore(%arg10 : memref<!tpu.dma_semaphore, #tpu.memory_space<semaphore_mem>>) src(%dma_wait3A_61 : memref<65536x512xf32, #tpu.memory_space<hbm>>) dst(%arg8 : memref<64x512xf32, #tpu.memory_space<vmem>>)
    %mul3A_62 = arith.constant 512 : i32
    %mul3A_63 = arith.muli %sub3A_19, %mul3A_62 : i32
    %add3A_64 = arith.constant 64 : i32
    %add3A_65 = arith.addi %mul3A_63, %add3A_64 : i32
    %add3A_66 = arith.constant 64 : i32
    %add3A_67 = arith.addi %add3A_65, %add3A_66 : i32
    %gt3A_68 = arith.cmpi sgt, %add3A_67, %squeeze3A : i32
    %convert_element_type3A_69 = arith.extui %gt3A_68 : i1 to i32
    %cond3A_70 = arith.constant 0 : i32
    %cond3A_71 = arith.cmpi ne, %convert_element_type3A_69, %cond3A_70 : i32
    scf.if %cond3A_71 {
      %scan3A_201 = arith.constant 0 : i32
      %scan3A_202 = arith.constant 0 : i32
      %scan3A_203 = arith.constant 64 : i32
      %scan3A_204 = arith.addi %scan3A_202, %scan3A_203 : i32
      %scan3A_205 = arith.constant 1 : i32
      scf.for %scan3A_207 = %scan3A_202 to %scan3A_204 step %scan3A_205  : i32 {
        %add3A_208 = arith.addi %add3A_65, %scan3A_207 : i32
        %ge3A = arith.cmpi sge, %add3A_208, %squeeze3A : i32
        %convert_element_type3A_209 = arith.extui %ge3A : i1 to i32
        %cond3A_210 = arith.constant 0 : i32
        %cond3A_211 = arith.cmpi ne, %convert_element_type3A_209, %cond3A_210 : i32
        scf.if %cond3A_211 {
          %broadcast_in_dim3A = arith.constant 0.000000e+00 : f32
          %broadcast_in_dim3A_212 = vector.broadcast %broadcast_in_dim3A : f32 to vector<16xf32>
          %swap3A = arith.index_cast %scan3A_207 : i32 to index
          %swap3A_213 = arith.constant 0 : index
          %swap3A_214 = tpu.vector_load %arg8[%swap3A, %swap3A_213] {strides = array<i32>} : memref<64x512xf32, #tpu.memory_space<vmem>>, vector<16xf32>,
          tpu.vector_store %arg8[%swap3A, %swap3A_213], %broadcast_in_dim3A_212 {strides = array<i32>} : memref<64x512xf32, #tpu.memory_space<vmem>>, vector<16xf32>,
          %broadcast_in_dim3A_215 = arith.constant 0.000000e+00 : f32
          %broadcast_in_dim3A_216 = vector.broadcast %broadcast_in_dim3A_215 : f32 to vector<16xf32>
          %swap3A_217 = arith.index_cast %scan3A_207 : i32 to index
          %swap3A_218 = arith.constant 16 : index
          %swap3A_219 = tpu.vector_load %arg8[%swap3A_217, %swap3A_218] {strides = array<i32>} : memref<64x512xf32, #tpu.memory_space<vmem>>, vector<16xf32>,
          tpu.vector_store %arg8[%swap3A_217, %swap3A_218], %broadcast_in_dim3A_216 {strides = array<i32>} : memref<64x512xf32, #tpu.memory_space<vmem>>, vector<16xf32>,
          %broadcast_in_dim3A_220 = arith.constant 0.000000e+00 : f32
          %broadcast_in_dim3A_221 = vector.broadcast %broadcast_in_dim3A_220 : f32 to vector<16xf32>
          %swap3A_222 = arith.index_cast %scan3A_207 : i32 to index
          %swap3A_223 = arith.constant 32 : index
          %swap3A_224 = tpu.vector_load %arg8[%swap3A_222, %swap3A_223] {strides = array<i32>} : memref<64x512xf32, #tpu.memory_space<vmem>>, vector<16xf32>,
          tpu.vector_store %arg8[%swap3A_222, %swap3A_223], %broadcast_in_dim3A_221 {strides = array<i32>} : memref<64x512xf32, #tpu.memory_space<vmem>>, vector<16xf32>,
          %broadcast_in_dim3A_225 = arith.constant 0.000000e+00 : f32
          %broadcast_in_dim3A_226 = vector.broadcast %broadcast_in_dim3A_225 : f32 to vector<16xf32>
          %swap3A_227 = arith.index_cast %scan3A_207 : i32 to index
          %swap3A_228 = arith.constant 48 : index
          %swap3A_229 = tpu.vector_load %arg8[%swap3A_227, %swap3A_228] {strides = array<i32>} : memref<64x512xf32, #tpu.memory_space<vmem>>, vector<16xf32>,
          tpu.vector_store %arg8[%swap3A_227, %swap3A_228], %broadcast_in_dim3A_226 {strides = array<i32>} : memref<64x512xf32, #tpu.memory_space<vmem>>, vector<16xf32>,
          %broadcast_in_dim3A_230 = arith.constant 0.000000e+00 : f32
          %broadcast_in_dim3A_231 = vector.broadcast %broadcast_in_dim3A_230 : f32 to vector<16xf32>
          %swap3A_232 = arith.index_cast %scan3A_207 : i32 to index
          %swap3A_233 = arith.constant 64 : index
          %swap3A_234 = tpu.vector_load %arg8[%swap3A_232, %swap3A_233] {strides = array<i32>} : memref<64x512xf32, #tpu.memory_space<vmem>>, vector<16xf32>,
          tpu.vector_store %arg8[%swap3A_232, %swap3A_233], %broadcast_in_dim3A_231 {strides = array<i32>} : memref<64x512xf32, #tpu.memory_space<vmem>>, vector<16xf32>,
          %broadcast_in_dim3A_235 = arith.constant 0.000000e+00 : f32
          %broadcast_in_dim3A_236 = vector.broadcast %broadcast_in_dim3A_235 : f32 to vector<16xf32>
          %swap3A_237 = arith.index_cast %scan3A_207 : i32 to index
          %swap3A_238 = arith.constant 80 : index
          %swap3A_239 = tpu.vector_load %arg8[%swap3A_237, %swap3A_238] {strides = array<i32>} : memref<64x512xf32, #tpu.memory_space<vmem>>, vector<16xf32>,
          tpu.vector_store %arg8[%swap3A_237, %swap3A_238], %broadcast_in_dim3A_236 {strides = array<i32>} : memref<64x512xf32, #tpu.memory_space<vmem>>, vector<16xf32>,
          %broadcast_in_dim3A_240 = arith.constant 0.000000e+00 : f32
          %broadcast_in_dim3A_241 = vector.broadcast %broadcast_in_dim3A_240 : f32 to vector<16xf32>
          %swap3A_242 = arith.index_cast %scan3A_207 : i32 to index
          %swap3A_243 = arith.constant 96 : index
          %swap3A_244 = tpu.vector_load %arg8[%swap3A_242, %swap3A_243] {strides = array<i32>} : memref<64x512xf32, #tpu.memory_space<vmem>>, vector<16xf32>,
          tpu.vector_store %arg8[%swap3A_242, %swap3A_243], %broadcast_in_dim3A_241 {strides = array<i32>} : memref<64x512xf32, #tpu.memory_space<vmem>>, vector<16xf32>,
          %broadcast_in_dim3A_245 = arith.constant 0.000000e+00 : f32
          %broadcast_in_dim3A_246 = vector.broadcast %broadcast_in_dim3A_245 : f32 to vector<16xf32>
          %swap3A_247 = arith.index_cast %scan3A_207 : i32 to index
          %swap3A_248 = arith.constant 112 : index
          %swap3A_249 = tpu.vector_load %arg8[%swap3A_247, %swap3A_248] {strides = array<i32>} : memref<64x512xf32, #tpu.memory_space<vmem>>, vector<16xf32>,
          tpu.vector_store %arg8[%swap3A_247, %swap3A_248], %broadcast_in_dim3A_246 {strides = array<i32>} : memref<64x512xf32, #tpu.memory_space<vmem>>, vector<16xf32>,
          %broadcast_in_dim3A_250 = arith.constant 0.000000e+00 : f32
          %broadcast_in_dim3A_251 = vector.broadcast %broadcast_in_dim3A_250 : f32 to vector<16xf32>
          %swap3A_252 = arith.index_cast %scan3A_207 : i32 to index
          %swap3A_253 = arith.constant 128 : index
          %swap3A_254 = tpu.vector_load %arg8[%swap3A_252, %swap3A_253] {strides = array<i32>} : memref<64x512xf32, #tpu.memory_space<vmem>>, vector<16xf32>,
          tpu.vector_store %arg8[%swap3A_252, %swap3A_253], %broadcast_in_dim3A_251 {strides = array<i32>} : memref<64x512xf32, #tpu.memory_space<vmem>>, vector<16xf32>,
          %broadcast_in_dim3A_255 = arith.constant 0.000000e+00 : f32
          %broadcast_in_dim3A_256 = vector.broadcast %broadcast_in_dim3A_255 : f32 to vector<16xf32>
          %swap3A_257 = arith.index_cast %scan3A_207 : i32 to index
          %swap3A_258 = arith.constant 144 : index
          %swap3A_259 = tpu.vector_load %arg8[%swap3A_257, %swap3A_258] {strides = array<i32>} : memref<64x512xf32, #tpu.memory_space<vmem>>, vector<16xf32>,
          tpu.vector_store %arg8[%swap3A_257, %swap3A_258], %broadcast_in_dim3A_256 {strides = array<i32>} : memref<64x512xf32, #tpu.memory_space<vmem>>, vector<16xf32>,
          %broadcast_in_dim3A_260 = arith.constant 0.000000e+00 : f32
          %broadcast_in_dim3A_261 = vector.broadcast %broadcast_in_dim3A_260 : f32 to vector<16xf32>
          %swap3A_262 = arith.index_cast %scan3A_207 : i32 to index
          %swap3A_263 = arith.constant 160 : index
          %swap3A_264 = tpu.vector_load %arg8[%swap3A_262, %swap3A_263] {strides = array<i32>} : memref<64x512xf32, #tpu.memory_space<vmem>>, vector<16xf32>,
          tpu.vector_store %arg8[%swap3A_262, %swap3A_263], %broadcast_in_dim3A_261 {strides = array<i32>} : memref<64x512xf32, #tpu.memory_space<vmem>>, vector<16xf32>,
          %broadcast_in_dim3A_265 = arith.constant 0.000000e+00 : f32
          %broadcast_in_dim3A_266 = vector.broadcast %broadcast_in_dim3A_265 : f32 to vector<16xf32>
          %swap3A_267 = arith.index_cast %scan3A_207 : i32 to index
          %swap3A_268 = arith.constant 176 : index
          %swap3A_269 = tpu.vector_load %arg8[%swap3A_267, %swap3A_268] {strides = array<i32>} : memref<64x512xf32, #tpu.memory_space<vmem>>, vector<16xf32>,
          tpu.vector_store %arg8[%swap3A_267, %swap3A_268], %broadcast_in_dim3A_266 {strides = array<i32>} : memref<64x512xf32, #tpu.memory_space<vmem>>, vector<16xf32>,
          %broadcast_in_dim3A_270 = arith.constant 0.000000e+00 : f32
          %broadcast_in_dim3A_271 = vector.broadcast %broadcast_in_dim3A_270 : f32 to vector<16xf32>
          %swap3A_272 = arith.index_cast %scan3A_207 : i32 to index
          %swap3A_273 = arith.constant 192 : index
          %swap3A_274 = tpu.vector_load %arg8[%swap3A_272, %swap3A_273] {strides = array<i32>} : memref<64x512xf32, #tpu.memory_space<vmem>>, vector<16xf32>,
          tpu.vector_store %arg8[%swap3A_272, %swap3A_273], %broadcast_in_dim3A_271 {strides = array<i32>} : memref<64x512xf32, #tpu.memory_space<vmem>>, vector<16xf32>,
          %broadcast_in_dim3A_275 = arith.constant 0.000000e+00 : f32
          %broadcast_in_dim3A_276 = vector.broadcast %broadcast_in_dim3A_275 : f32 to vector<16xf32>
          %swap3A_277 = arith.index_cast %scan3A_207 : i32 to index
          %swap3A_278 = arith.constant 208 : index
          %swap3A_279 = tpu.vector_load %arg8[%swap3A_277, %swap3A_278] {strides = array<i32>} : memref<64x512xf32, #tpu.memory_space<vmem>>, vector<16xf32>,
          tpu.vector_store %arg8[%swap3A_277, %swap3A_278], %broadcast_in_dim3A_276 {strides = array<i32>} : memref<64x512xf32, #tpu.memory_space<vmem>>, vector<16xf32>,
          %broadcast_in_dim3A_280 = arith.constant 0.000000e+00 : f32
          %broadcast_in_dim3A_281 = vector.broadcast %broadcast_in_dim3A_280 : f32 to vector<16xf32>
          %swap3A_282 = arith.index_cast %scan3A_207 : i32 to index
          %swap3A_283 = arith.constant 224 : index
          %swap3A_284 = tpu.vector_load %arg8[%swap3A_282, %swap3A_283] {strides = array<i32>} : memref<64x512xf32, #tpu.memory_space<vmem>>, vector<16xf32>,
          tpu.vector_store %arg8[%swap3A_282, %swap3A_283], %broadcast_in_dim3A_281 {strides = array<i32>} : memref<64x512xf32, #tpu.memory_space<vmem>>, vector<16xf32>,
          %broadcast_in_dim3A_285 = arith.constant 0.000000e+00 : f32
          %broadcast_in_dim3A_286 = vector.broadcast %broadcast_in_dim3A_285 : f32 to vector<16xf32>
          %swap3A_287 = arith.index_cast %scan3A_207 : i32 to index
          %swap3A_288 = arith.constant 240 : index
          %swap3A_289 = tpu.vector_load %arg8[%swap3A_287, %swap3A_288] {strides = array<i32>} : memref<64x512xf32, #tpu.memory_space<vmem>>, vector<16xf32>,
          tpu.vector_store %arg8[%swap3A_287, %swap3A_288], %broadcast_in_dim3A_286 {strides = array<i32>} : memref<64x512xf32, #tpu.memory_space<vmem>>, vector<16xf32>,
          %broadcast_in_dim3A_290 = arith.constant 0.000000e+00 : f32
          %broadcast_in_dim3A_291 = vector.broadcast %broadcast_in_dim3A_290 : f32 to vector<16xf32>
          %swap3A_292 = arith.index_cast %scan3A_207 : i32 to index
          %swap3A_293 = arith.constant 256 : index
          %swap3A_294 = tpu.vector_load %arg8[%swap3A_292, %swap3A_293] {strides = array<i32>} : memref<64x512xf32, #tpu.memory_space<vmem>>, vector<16xf32>,
          tpu.vector_store %arg8[%swap3A_292, %swap3A_293], %broadcast_in_dim3A_291 {strides = array<i32>} : memref<64x512xf32, #tpu.memory_space<vmem>>, vector<16xf32>,
          %broadcast_in_dim3A_295 = arith.constant 0.000000e+00 : f32
          %broadcast_in_dim3A_296 = vector.broadcast %broadcast_in_dim3A_295 : f32 to vector<16xf32>
          %swap3A_297 = arith.index_cast %scan3A_207 : i32 to index
          %swap3A_298 = arith.constant 272 : index
          %swap3A_299 = tpu.vector_load %arg8[%swap3A_297, %swap3A_298] {strides = array<i32>} : memref<64x512xf32, #tpu.memory_space<vmem>>, vector<16xf32>,
          tpu.vector_store %arg8[%swap3A_297, %swap3A_298], %broadcast_in_dim3A_296 {strides = array<i32>} : memref<64x512xf32, #tpu.memory_space<vmem>>, vector<16xf32>,
          %broadcast_in_dim3A_300 = arith.constant 0.000000e+00 : f32
          %broadcast_in_dim3A_301 = vector.broadcast %broadcast_in_dim3A_300 : f32 to vector<16xf32>
          %swap3A_302 = arith.index_cast %scan3A_207 : i32 to index
          %swap3A_303 = arith.constant 288 : index
          %swap3A_304 = tpu.vector_load %arg8[%swap3A_302, %swap3A_303] {strides = array<i32>} : memref<64x512xf32, #tpu.memory_space<vmem>>, vector<16xf32>,
          tpu.vector_store %arg8[%swap3A_302, %swap3A_303], %broadcast_in_dim3A_301 {strides = array<i32>} : memref<64x512xf32, #tpu.memory_space<vmem>>, vector<16xf32>,
          %broadcast_in_dim3A_305 = arith.constant 0.000000e+00 : f32
          %broadcast_in_dim3A_306 = vector.broadcast %broadcast_in_dim3A_305 : f32 to vector<16xf32>
          %swap3A_307 = arith.index_cast %scan3A_207 : i32 to index
          %swap3A_308 = arith.constant 304 : index
          %swap3A_309 = tpu.vector_load %arg8[%swap3A_307, %swap3A_308] {strides = array<i32>} : memref<64x512xf32, #tpu.memory_space<vmem>>, vector<16xf32>,
          tpu.vector_store %arg8[%swap3A_307, %swap3A_308], %broadcast_in_dim3A_306 {strides = array<i32>} : memref<64x512xf32, #tpu.memory_space<vmem>>, vector<16xf32>,
          %broadcast_in_dim3A_310 = arith.constant 0.000000e+00 : f32
          %broadcast_in_dim3A_311 = vector.broadcast %broadcast_in_dim3A_310 : f32 to vector<16xf32>
          %swap3A_312 = arith.index_cast %scan3A_207 : i32 to index
          %swap3A_313 = arith.constant 320 : index
          %swap3A_314 = tpu.vector_load %arg8[%swap3A_312, %swap3A_313] {strides = array<i32>} : memref<64x512xf32, #tpu.memory_space<vmem>>, vector<16xf32>,
          tpu.vector_store %arg8[%swap3A_312, %swap3A_313], %broadcast_in_dim3A_311 {strides = array<i32>} : memref<64x512xf32, #tpu.memory_space<vmem>>, vector<16xf32>,
          %broadcast_in_dim3A_315 = arith.constant 0.000000e+00 : f32
          %broadcast_in_dim3A_316 = vector.broadcast %broadcast_in_dim3A_315 : f32 to vector<16xf32>
          %swap3A_317 = arith.index_cast %scan3A_207 : i32 to index
          %swap3A_318 = arith.constant 336 : index
          %swap3A_319 = tpu.vector_load %arg8[%swap3A_317, %swap3A_318] {strides = array<i32>} : memref<64x512xf32, #tpu.memory_space<vmem>>, vector<16xf32>,
          tpu.vector_store %arg8[%swap3A_317, %swap3A_318], %broadcast_in_dim3A_316 {strides = array<i32>} : memref<64x512xf32, #tpu.memory_space<vmem>>, vector<16xf32>,
          %broadcast_in_dim3A_320 = arith.constant 0.000000e+00 : f32
          %broadcast_in_dim3A_321 = vector.broadcast %broadcast_in_dim3A_320 : f32 to vector<16xf32>
          %swap3A_322 = arith.index_cast %scan3A_207 : i32 to index
          %swap3A_323 = arith.constant 352 : index
          %swap3A_324 = tpu.vector_load %arg8[%swap3A_322, %swap3A_323] {strides = array<i32>} : memref<64x512xf32, #tpu.memory_space<vmem>>, vector<16xf32>,
          tpu.vector_store %arg8[%swap3A_322, %swap3A_323], %broadcast_in_dim3A_321 {strides = array<i32>} : memref<64x512xf32, #tpu.memory_space<vmem>>, vector<16xf32>,
          %broadcast_in_dim3A_325 = arith.constant 0.000000e+00 : f32
          %broadcast_in_dim3A_326 = vector.broadcast %broadcast_in_dim3A_325 : f32 to vector<16xf32>
          %swap3A_327 = arith.index_cast %scan3A_207 : i32 to index
          %swap3A_328 = arith.constant 368 : index
          %swap3A_329 = tpu.vector_load %arg8[%swap3A_327, %swap3A_328] {strides = array<i32>} : memref<64x512xf32, #tpu.memory_space<vmem>>, vector<16xf32>,
          tpu.vector_store %arg8[%swap3A_327, %swap3A_328], %broadcast_in_dim3A_326 {strides = array<i32>} : memref<64x512xf32, #tpu.memory_space<vmem>>, vector<16xf32>,
          %broadcast_in_dim3A_330 = arith.constant 0.000000e+00 : f32
          %broadcast_in_dim3A_331 = vector.broadcast %broadcast_in_dim3A_330 : f32 to vector<16xf32>
          %swap3A_332 = arith.index_cast %scan3A_207 : i32 to index
          %swap3A_333 = arith.constant 384 : index
          %swap3A_334 = tpu.vector_load %arg8[%swap3A_332, %swap3A_333] {strides = array<i32>} : memref<64x512xf32, #tpu.memory_space<vmem>>, vector<16xf32>,
          tpu.vector_store %arg8[%swap3A_332, %swap3A_333], %broadcast_in_dim3A_331 {strides = array<i32>} : memref<64x512xf32, #tpu.memory_space<vmem>>, vector<16xf32>,
          %broadcast_in_dim3A_335 = arith.constant 0.000000e+00 : f32
          %broadcast_in_dim3A_336 = vector.broadcast %broadcast_in_dim3A_335 : f32 to vector<16xf32>
          %swap3A_337 = arith.index_cast %scan3A_207 : i32 to index
          %swap3A_338 = arith.constant 400 : index
          %swap3A_339 = tpu.vector_load %arg8[%swap3A_337, %swap3A_338] {strides = array<i32>} : memref<64x512xf32, #tpu.memory_space<vmem>>, vector<16xf32>,
          tpu.vector_store %arg8[%swap3A_337, %swap3A_338], %broadcast_in_dim3A_336 {strides = array<i32>} : memref<64x512xf32, #tpu.memory_space<vmem>>, vector<16xf32>,
          %broadcast_in_dim3A_340 = arith.constant 0.000000e+00 : f32
          %broadcast_in_dim3A_341 = vector.broadcast %broadcast_in_dim3A_340 : f32 to vector<16xf32>
          %swap3A_342 = arith.index_cast %scan3A_207 : i32 to index
          %swap3A_343 = arith.constant 416 : index
          %swap3A_344 = tpu.vector_load %arg8[%swap3A_342, %swap3A_343] {strides = array<i32>} : memref<64x512xf32, #tpu.memory_space<vmem>>, vector<16xf32>,
          tpu.vector_store %arg8[%swap3A_342, %swap3A_343], %broadcast_in_dim3A_341 {strides = array<i32>} : memref<64x512xf32, #tpu.memory_space<vmem>>, vector<16xf32>,
          %broadcast_in_dim3A_345 = arith.constant 0.000000e+00 : f32
          %broadcast_in_dim3A_346 = vector.broadcast %broadcast_in_dim3A_345 : f32 to vector<16xf32>
          %swap3A_347 = arith.index_cast %scan3A_207 : i32 to index
          %swap3A_348 = arith.constant 432 : index
          %swap3A_349 = tpu.vector_load %arg8[%swap3A_347, %swap3A_348] {strides = array<i32>} : memref<64x512xf32, #tpu.memory_space<vmem>>, vector<16xf32>,
          tpu.vector_store %arg8[%swap3A_347, %swap3A_348], %broadcast_in_dim3A_346 {strides = array<i32>} : memref<64x512xf32, #tpu.memory_space<vmem>>, vector<16xf32>,
          %broadcast_in_dim3A_350 = arith.constant 0.000000e+00 : f32
          %broadcast_in_dim3A_351 = vector.broadcast %broadcast_in_dim3A_350 : f32 to vector<16xf32>
          %swap3A_352 = arith.index_cast %scan3A_207 : i32 to index
          %swap3A_353 = arith.constant 448 : index
          %swap3A_354 = tpu.vector_load %arg8[%swap3A_352, %swap3A_353] {strides = array<i32>} : memref<64x512xf32, #tpu.memory_space<vmem>>, vector<16xf32>,
          tpu.vector_store %arg8[%swap3A_352, %swap3A_353], %broadcast_in_dim3A_351 {strides = array<i32>} : memref<64x512xf32, #tpu.memory_space<vmem>>, vector<16xf32>,
          %broadcast_in_dim3A_355 = arith.constant 0.000000e+00 : f32
          %broadcast_in_dim3A_356 = vector.broadcast %broadcast_in_dim3A_355 : f32 to vector<16xf32>
          %swap3A_357 = arith.index_cast %scan3A_207 : i32 to index
          %swap3A_358 = arith.constant 464 : index
          %swap3A_359 = tpu.vector_load %arg8[%swap3A_357, %swap3A_358] {strides = array<i32>} : memref<64x512xf32, #tpu.memory_space<vmem>>, vector<16xf32>,
          tpu.vector_store %arg8[%swap3A_357, %swap3A_358], %broadcast_in_dim3A_356 {strides = array<i32>} : memref<64x512xf32, #tpu.memory_space<vmem>>, vector<16xf32>,
          %broadcast_in_dim3A_360 = arith.constant 0.000000e+00 : f32
          %broadcast_in_dim3A_361 = vector.broadcast %broadcast_in_dim3A_360 : f32 to vector<16xf32>
          %swap3A_362 = arith.index_cast %scan3A_207 : i32 to index
          %swap3A_363 = arith.constant 480 : index
          %swap3A_364 = tpu.vector_load %arg8[%swap3A_362, %swap3A_363] {strides = array<i32>} : memref<64x512xf32, #tpu.memory_space<vmem>>, vector<16xf32>,
          tpu.vector_store %arg8[%swap3A_362, %swap3A_363], %broadcast_in_dim3A_361 {strides = array<i32>} : memref<64x512xf32, #tpu.memory_space<vmem>>, vector<16xf32>,
          %broadcast_in_dim3A_365 = arith.constant 0.000000e+00 : f32
          %broadcast_in_dim3A_366 = vector.broadcast %broadcast_in_dim3A_365 : f32 to vector<16xf32>
          %swap3A_367 = arith.index_cast %scan3A_207 : i32 to index
          %swap3A_368 = arith.constant 496 : index
          %swap3A_369 = tpu.vector_load %arg8[%swap3A_367, %swap3A_368] {strides = array<i32>} : memref<64x512xf32, #tpu.memory_space<vmem>>, vector<16xf32>,
          tpu.vector_store %arg8[%swap3A_367, %swap3A_368], %broadcast_in_dim3A_366 {strides = array<i32>} : memref<64x512xf32, #tpu.memory_space<vmem>>, vector<16xf32>,
        } else {
        }
      }
      %scan3A_206 = arith.constant 64 : i32
    } else {
    }
    %add3A_72 = arith.constant 64 : i32
    %add3A_73 = arith.addi %mul3A_21, %add3A_72 : i32
    "tpu.region"() ({
      %run_scoped3A = tpu.sem_alloc : memref<!tpu.dma_semaphore, #tpu.memory_space<semaphore_mem>>
      %dma_start3A_201 = arith.constant 0 : i32
      %dma_start3A_202 = tpu.memref_slice %arg4[%add3A_73, %dma_start3A_201] : memref<16384x512xf32, #tpu.memory_space<hbm>> -> memref<64x512xf32, #tpu.memory_space<hbm>>
      %dma_start3A_203 = arith.constant 0 : i32
      %dma_start3A_204 = tpu.memref_slice %arg4[%add3A_73, %dma_start3A_203] : memref<16384x512xf32, #tpu.memory_space<hbm>> -> memref<64x512xf32, #tpu.memory_space<hbm>>
      tpu.enqueue_dma source(%arg8 : memref<64x512xf32, #tpu.memory_space<vmem>>) target(%dma_start3A_204 : memref<64x512xf32, #tpu.memory_space<hbm>>) target_semaphore(%run_scoped3A : memref<!tpu.dma_semaphore, #tpu.memory_space<semaphore_mem>>)
      %dma_wait3A_205 = arith.constant 0 : i32
      %dma_wait3A_206 = tpu.memref_slice %arg4[%add3A_73, %dma_wait3A_205] : memref<16384x512xf32, #tpu.memory_space<hbm>> -> memref<64x512xf32, #tpu.memory_space<hbm>>
      %dma_wait3A_207 = arith.constant 0 : i32
      %dma_wait3A_208 = tpu.memref_slice %arg4[%add3A_73, %dma_wait3A_207] : memref<16384x512xf32, #tpu.memory_space<hbm>> -> memref<64x512xf32, #tpu.memory_space<hbm>>
      tpu.wait_dma2 semaphore(%run_scoped3A : memref<!tpu.dma_semaphore, #tpu.memory_space<semaphore_mem>>) src(%arg8 : memref<64x512xf32, #tpu.memory_space<vmem>>) dst(%dma_wait3A_208 : memref<64x512xf32, #tpu.memory_space<hbm>>)
      tpu.yield
    }) : () -> ()
    %dma_start3A_74 = arith.constant 192 : i32
    %dma_start3A_75 = tpu.memref_slice %arg6[%dma_start3A_74] : memref<512xi32, #tpu.memory_space<vmem>> -> memref<64xi32, #tpu.memory_space<vmem>>
    %dma_start3A_76 = arith.constant 0 : i32
    %dma_start3A_77 = arith.constant 0 : i32
    %dma_start3A_78 = tpu.memref_slice %arg2[%dma_start3A_76, %dma_start3A_77] : memref<65536x512xf32, #tpu.memory_space<hbm>> -> memref<65536x512xf32, #tpu.memory_space<hbm>>
    tpu.enqueue_indirect_dma source(%dma_start3A_78 : memref<65536x512xf32, #tpu.memory_space<hbm>>) target(%arg8 : memref<64x512xf32, #tpu.memory_space<vmem>>) offsets(%dma_start3A_75 : memref<64xi32, #tpu.memory_space<vmem>>) semaphore(%arg10 : memref<!tpu.dma_semaphore, #tpu.memory_space<semaphore_mem>>)
    %dma_wait3A_79 = arith.constant 128 : i32
    %dma_wait3A_80 = tpu.memref_slice %arg6[%dma_wait3A_79] : memref<512xi32, #tpu.memory_space<vmem>> -> memref<64xi32, #tpu.memory_space<vmem>>
    %dma_wait3A_81 = arith.constant 0 : i32
    %dma_wait3A_82 = arith.constant 0 : i32
    %dma_wait3A_83 = tpu.memref_slice %arg2[%dma_wait3A_81, %dma_wait3A_82] : memref<65536x512xf32, #tpu.memory_space<hbm>> -> memref<65536x512xf32, #tpu.memory_space<hbm>>
    tpu.wait_indirect_dma semaphore(%arg9 : memref<!tpu.dma_semaphore, #tpu.memory_space<semaphore_mem>>) src(%dma_wait3A_83 : memref<65536x512xf32, #tpu.memory_space<hbm>>) dst(%arg7 : memref<64x512xf32, #tpu.memory_space<vmem>>)
    %mul3A_84 = arith.constant 512 : i32
    %mul3A_85 = arith.muli %sub3A_19, %mul3A_84 : i32
    %add3A_86 = arith.constant 128 : i32
    %add3A_87 = arith.addi %mul3A_85, %add3A_86 : i32
    %add3A_88 = arith.constant 64 : i32
    %add3A_89 = arith.addi %add3A_87, %add3A_88 : i32
    %gt3A_90 = arith.cmpi sgt, %add3A_89, %squeeze3A : i32
    %convert_element_type3A_91 = arith.extui %gt3A_90 : i1 to i32
    %cond3A_92 = arith.constant 0 : i32
    %cond3A_93 = arith.cmpi ne, %convert_element_type3A_91, %cond3A_92 : i32
    scf.if %cond3A_93 {
      %scan3A_201 = arith.constant 0 : i32
      %scan3A_202 = arith.constant 0 : i32
      %scan3A_203 = arith.constant 64 : i32
      %scan3A_204 = arith.addi %scan3A_202, %scan3A_203 : i32
      %scan3A_205 = arith.constant 1 : i32
      scf.for %scan3A_207 = %scan3A_202 to %scan3A_204 step %scan3A_205  : i32 {
        %add3A_208 = arith.addi %add3A_87, %scan3A_207 : i32
        %ge3A = arith.cmpi sge, %add3A_208, %squeeze3A : i32
        %convert_element_type3A_209 = arith.extui %ge3A : i1 to i32
        %cond3A_210 = arith.constant 0 : i32
        %cond3A_211 = arith.cmpi ne, %convert_element_type3A_209, %cond3A_210 : i32
        scf.if %cond3A_211 {
          %broadcast_in_dim3A = arith.constant 0.000000e+00 : f32
          %broadcast_in_dim3A_212 = vector.broadcast %broadcast_in_dim3A : f32 to vector<16xf32>
          %swap3A = arith.index_cast %scan3A_207 : i32 to index
          %swap3A_213 = arith.constant 0 : index
          %swap3A_214 = tpu.vector_load %arg7[%swap3A, %swap3A_213] {strides = array<i32>} : memref<64x512xf32, #tpu.memory_space<vmem>>, vector<16xf32>,
          tpu.vector_store %arg7[%swap3A, %swap3A_213], %broadcast_in_dim3A_212 {strides = array<i32>} : memref<64x512xf32, #tpu.memory_space<vmem>>, vector<16xf32>,
          %broadcast_in_dim3A_215 = arith.constant 0.000000e+00 : f32
          %broadcast_in_dim3A_216 = vector.broadcast %broadcast_in_dim3A_215 : f32 to vector<16xf32>
          %swap3A_217 = arith.index_cast %scan3A_207 : i32 to index
          %swap3A_218 = arith.constant 16 : index
          %swap3A_219 = tpu.vector_load %arg7[%swap3A_217, %swap3A_218] {strides = array<i32>} : memref<64x512xf32, #tpu.memory_space<vmem>>, vector<16xf32>,
          tpu.vector_store %arg7[%swap3A_217, %swap3A_218], %broadcast_in_dim3A_216 {strides = array<i32>} : memref<64x512xf32, #tpu.memory_space<vmem>>, vector<16xf32>,
          %broadcast_in_dim3A_220 = arith.constant 0.000000e+00 : f32
          %broadcast_in_dim3A_221 = vector.broadcast %broadcast_in_dim3A_220 : f32 to vector<16xf32>
          %swap3A_222 = arith.index_cast %scan3A_207 : i32 to index
          %swap3A_223 = arith.constant 32 : index
          %swap3A_224 = tpu.vector_load %arg7[%swap3A_222, %swap3A_223] {strides = array<i32>} : memref<64x512xf32, #tpu.memory_space<vmem>>, vector<16xf32>,
          tpu.vector_store %arg7[%swap3A_222, %swap3A_223], %broadcast_in_dim3A_221 {strides = array<i32>} : memref<64x512xf32, #tpu.memory_space<vmem>>, vector<16xf32>,
          %broadcast_in_dim3A_225 = arith.constant 0.000000e+00 : f32
          %broadcast_in_dim3A_226 = vector.broadcast %broadcast_in_dim3A_225 : f32 to vector<16xf32>
          %swap3A_227 = arith.index_cast %scan3A_207 : i32 to index
          %swap3A_228 = arith.constant 48 : index
          %swap3A_229 = tpu.vector_load %arg7[%swap3A_227, %swap3A_228] {strides = array<i32>} : memref<64x512xf32, #tpu.memory_space<vmem>>, vector<16xf32>,
          tpu.vector_store %arg7[%swap3A_227, %swap3A_228], %broadcast_in_dim3A_226 {strides = array<i32>} : memref<64x512xf32, #tpu.memory_space<vmem>>, vector<16xf32>,
          %broadcast_in_dim3A_230 = arith.constant 0.000000e+00 : f32
          %broadcast_in_dim3A_231 = vector.broadcast %broadcast_in_dim3A_230 : f32 to vector<16xf32>
          %swap3A_232 = arith.index_cast %scan3A_207 : i32 to index
          %swap3A_233 = arith.constant 64 : index
          %swap3A_234 = tpu.vector_load %arg7[%swap3A_232, %swap3A_233] {strides = array<i32>} : memref<64x512xf32, #tpu.memory_space<vmem>>, vector<16xf32>,
          tpu.vector_store %arg7[%swap3A_232, %swap3A_233], %broadcast_in_dim3A_231 {strides = array<i32>} : memref<64x512xf32, #tpu.memory_space<vmem>>, vector<16xf32>,
          %broadcast_in_dim3A_235 = arith.constant 0.000000e+00 : f32
          %broadcast_in_dim3A_236 = vector.broadcast %broadcast_in_dim3A_235 : f32 to vector<16xf32>
          %swap3A_237 = arith.index_cast %scan3A_207 : i32 to index
          %swap3A_238 = arith.constant 80 : index
          %swap3A_239 = tpu.vector_load %arg7[%swap3A_237, %swap3A_238] {strides = array<i32>} : memref<64x512xf32, #tpu.memory_space<vmem>>, vector<16xf32>,
          tpu.vector_store %arg7[%swap3A_237, %swap3A_238], %broadcast_in_dim3A_236 {strides = array<i32>} : memref<64x512xf32, #tpu.memory_space<vmem>>, vector<16xf32>,
          %broadcast_in_dim3A_240 = arith.constant 0.000000e+00 : f32
          %broadcast_in_dim3A_241 = vector.broadcast %broadcast_in_dim3A_240 : f32 to vector<16xf32>
          %swap3A_242 = arith.index_cast %scan3A_207 : i32 to index
          %swap3A_243 = arith.constant 96 : index
          %swap3A_244 = tpu.vector_load %arg7[%swap3A_242, %swap3A_243] {strides = array<i32>} : memref<64x512xf32, #tpu.memory_space<vmem>>, vector<16xf32>,
          tpu.vector_store %arg7[%swap3A_242, %swap3A_243], %broadcast_in_dim3A_241 {strides = array<i32>} : memref<64x512xf32, #tpu.memory_space<vmem>>, vector<16xf32>,
          %broadcast_in_dim3A_245 = arith.constant 0.000000e+00 : f32
          %broadcast_in_dim3A_246 = vector.broadcast %broadcast_in_dim3A_245 : f32 to vector<16xf32>
          %swap3A_247 = arith.index_cast %scan3A_207 : i32 to index
          %swap3A_248 = arith.constant 112 : index
          %swap3A_249 = tpu.vector_load %arg7[%swap3A_247, %swap3A_248] {strides = array<i32>} : memref<64x512xf32, #tpu.memory_space<vmem>>, vector<16xf32>,
          tpu.vector_store %arg7[%swap3A_247, %swap3A_248], %broadcast_in_dim3A_246 {strides = array<i32>} : memref<64x512xf32, #tpu.memory_space<vmem>>, vector<16xf32>,
          %broadcast_in_dim3A_250 = arith.constant 0.000000e+00 : f32
          %broadcast_in_dim3A_251 = vector.broadcast %broadcast_in_dim3A_250 : f32 to vector<16xf32>
          %swap3A_252 = arith.index_cast %scan3A_207 : i32 to index
          %swap3A_253 = arith.constant 128 : index
          %swap3A_254 = tpu.vector_load %arg7[%swap3A_252, %swap3A_253] {strides = array<i32>} : memref<64x512xf32, #tpu.memory_space<vmem>>, vector<16xf32>,
          tpu.vector_store %arg7[%swap3A_252, %swap3A_253], %broadcast_in_dim3A_251 {strides = array<i32>} : memref<64x512xf32, #tpu.memory_space<vmem>>, vector<16xf32>,
          %broadcast_in_dim3A_255 = arith.constant 0.000000e+00 : f32
          %broadcast_in_dim3A_256 = vector.broadcast %broadcast_in_dim3A_255 : f32 to vector<16xf32>
          %swap3A_257 = arith.index_cast %scan3A_207 : i32 to index
          %swap3A_258 = arith.constant 144 : index
          %swap3A_259 = tpu.vector_load %arg7[%swap3A_257, %swap3A_258] {strides = array<i32>} : memref<64x512xf32, #tpu.memory_space<vmem>>, vector<16xf32>,
          tpu.vector_store %arg7[%swap3A_257, %swap3A_258], %broadcast_in_dim3A_256 {strides = array<i32>} : memref<64x512xf32, #tpu.memory_space<vmem>>, vector<16xf32>,
          %broadcast_in_dim3A_260 = arith.constant 0.000000e+00 : f32
          %broadcast_in_dim3A_261 = vector.broadcast %broadcast_in_dim3A_260 : f32 to vector<16xf32>
          %swap3A_262 = arith.index_cast %scan3A_207 : i32 to index
          %swap3A_263 = arith.constant 160 : index
          %swap3A_264 = tpu.vector_load %arg7[%swap3A_262, %swap3A_263] {strides = array<i32>} : memref<64x512xf32, #tpu.memory_space<vmem>>, vector<16xf32>,
          tpu.vector_store %arg7[%swap3A_262, %swap3A_263], %broadcast_in_dim3A_261 {strides = array<i32>} : memref<64x512xf32, #tpu.memory_space<vmem>>, vector<16xf32>,
          %broadcast_in_dim3A_265 = arith.constant 0.000000e+00 : f32
          %broadcast_in_dim3A_266 = vector.broadcast %broadcast_in_dim3A_265 : f32 to vector<16xf32>
          %swap3A_267 = arith.index_cast %scan3A_207 : i32 to index
          %swap3A_268 = arith.constant 176 : index
          %swap3A_269 = tpu.vector_load %arg7[%swap3A_267, %swap3A_268] {strides = array<i32>} : memref<64x512xf32, #tpu.memory_space<vmem>>, vector<16xf32>,
          tpu.vector_store %arg7[%swap3A_267, %swap3A_268], %broadcast_in_dim3A_266 {strides = array<i32>} : memref<64x512xf32, #tpu.memory_space<vmem>>, vector<16xf32>,
          %broadcast_in_dim3A_270 = arith.constant 0.000000e+00 : f32
          %broadcast_in_dim3A_271 = vector.broadcast %broadcast_in_dim3A_270 : f32 to vector<16xf32>
          %swap3A_272 = arith.index_cast %scan3A_207 : i32 to index
          %swap3A_273 = arith.constant 192 : index
          %swap3A_274 = tpu.vector_load %arg7[%swap3A_272, %swap3A_273] {strides = array<i32>} : memref<64x512xf32, #tpu.memory_space<vmem>>, vector<16xf32>,
          tpu.vector_store %arg7[%swap3A_272, %swap3A_273], %broadcast_in_dim3A_271 {strides = array<i32>} : memref<64x512xf32, #tpu.memory_space<vmem>>, vector<16xf32>,
          %broadcast_in_dim3A_275 = arith.constant 0.000000e+00 : f32
          %broadcast_in_dim3A_276 = vector.broadcast %broadcast_in_dim3A_275 : f32 to vector<16xf32>
          %swap3A_277 = arith.index_cast %scan3A_207 : i32 to index
          %swap3A_278 = arith.constant 208 : index
          %swap3A_279 = tpu.vector_load %arg7[%swap3A_277, %swap3A_278] {strides = array<i32>} : memref<64x512xf32, #tpu.memory_space<vmem>>, vector<16xf32>,
          tpu.vector_store %arg7[%swap3A_277, %swap3A_278], %broadcast_in_dim3A_276 {strides = array<i32>} : memref<64x512xf32, #tpu.memory_space<vmem>>, vector<16xf32>,
          %broadcast_in_dim3A_280 = arith.constant 0.000000e+00 : f32
          %broadcast_in_dim3A_281 = vector.broadcast %broadcast_in_dim3A_280 : f32 to vector<16xf32>
          %swap3A_282 = arith.index_cast %scan3A_207 : i32 to index
          %swap3A_283 = arith.constant 224 : index
          %swap3A_284 = tpu.vector_load %arg7[%swap3A_282, %swap3A_283] {strides = array<i32>} : memref<64x512xf32, #tpu.memory_space<vmem>>, vector<16xf32>,
          tpu.vector_store %arg7[%swap3A_282, %swap3A_283], %broadcast_in_dim3A_281 {strides = array<i32>} : memref<64x512xf32, #tpu.memory_space<vmem>>, vector<16xf32>,
          %broadcast_in_dim3A_285 = arith.constant 0.000000e+00 : f32
          %broadcast_in_dim3A_286 = vector.broadcast %broadcast_in_dim3A_285 : f32 to vector<16xf32>
          %swap3A_287 = arith.index_cast %scan3A_207 : i32 to index
          %swap3A_288 = arith.constant 240 : index
          %swap3A_289 = tpu.vector_load %arg7[%swap3A_287, %swap3A_288] {strides = array<i32>} : memref<64x512xf32, #tpu.memory_space<vmem>>, vector<16xf32>,
          tpu.vector_store %arg7[%swap3A_287, %swap3A_288], %broadcast_in_dim3A_286 {strides = array<i32>} : memref<64x512xf32, #tpu.memory_space<vmem>>, vector<16xf32>,
          %broadcast_in_dim3A_290 = arith.constant 0.000000e+00 : f32
          %broadcast_in_dim3A_291 = vector.broadcast %broadcast_in_dim3A_290 : f32 to vector<16xf32>
          %swap3A_292 = arith.index_cast %scan3A_207 : i32 to index
          %swap3A_293 = arith.constant 256 : index
          %swap3A_294 = tpu.vector_load %arg7[%swap3A_292, %swap3A_293] {strides = array<i32>} : memref<64x512xf32, #tpu.memory_space<vmem>>, vector<16xf32>,
          tpu.vector_store %arg7[%swap3A_292, %swap3A_293], %broadcast_in_dim3A_291 {strides = array<i32>} : memref<64x512xf32, #tpu.memory_space<vmem>>, vector<16xf32>,
          %broadcast_in_dim3A_295 = arith.constant 0.000000e+00 : f32
          %broadcast_in_dim3A_296 = vector.broadcast %broadcast_in_dim3A_295 : f32 to vector<16xf32>
          %swap3A_297 = arith.index_cast %scan3A_207 : i32 to index
          %swap3A_298 = arith.constant 272 : index
          %swap3A_299 = tpu.vector_load %arg7[%swap3A_297, %swap3A_298] {strides = array<i32>} : memref<64x512xf32, #tpu.memory_space<vmem>>, vector<16xf32>,
          tpu.vector_store %arg7[%swap3A_297, %swap3A_298], %broadcast_in_dim3A_296 {strides = array<i32>} : memref<64x512xf32, #tpu.memory_space<vmem>>, vector<16xf32>,
          %broadcast_in_dim3A_300 = arith.constant 0.000000e+00 : f32
          %broadcast_in_dim3A_301 = vector.broadcast %broadcast_in_dim3A_300 : f32 to vector<16xf32>
          %swap3A_302 = arith.index_cast %scan3A_207 : i32 to index
          %swap3A_303 = arith.constant 288 : index
          %swap3A_304 = tpu.vector_load %arg7[%swap3A_302, %swap3A_303] {strides = array<i32>} : memref<64x512xf32, #tpu.memory_space<vmem>>, vector<16xf32>,
          tpu.vector_store %arg7[%swap3A_302, %swap3A_303], %broadcast_in_dim3A_301 {strides = array<i32>} : memref<64x512xf32, #tpu.memory_space<vmem>>, vector<16xf32>,
          %broadcast_in_dim3A_305 = arith.constant 0.000000e+00 : f32
          %broadcast_in_dim3A_306 = vector.broadcast %broadcast_in_dim3A_305 : f32 to vector<16xf32>
          %swap3A_307 = arith.index_cast %scan3A_207 : i32 to index
          %swap3A_308 = arith.constant 304 : index
          %swap3A_309 = tpu.vector_load %arg7[%swap3A_307, %swap3A_308] {strides = array<i32>} : memref<64x512xf32, #tpu.memory_space<vmem>>, vector<16xf32>,
          tpu.vector_store %arg7[%swap3A_307, %swap3A_308], %broadcast_in_dim3A_306 {strides = array<i32>} : memref<64x512xf32, #tpu.memory_space<vmem>>, vector<16xf32>,
          %broadcast_in_dim3A_310 = arith.constant 0.000000e+00 : f32
          %broadcast_in_dim3A_311 = vector.broadcast %broadcast_in_dim3A_310 : f32 to vector<16xf32>
          %swap3A_312 = arith.index_cast %scan3A_207 : i32 to index
          %swap3A_313 = arith.constant 320 : index
          %swap3A_314 = tpu.vector_load %arg7[%swap3A_312, %swap3A_313] {strides = array<i32>} : memref<64x512xf32, #tpu.memory_space<vmem>>, vector<16xf32>,
          tpu.vector_store %arg7[%swap3A_312, %swap3A_313], %broadcast_in_dim3A_311 {strides = array<i32>} : memref<64x512xf32, #tpu.memory_space<vmem>>, vector<16xf32>,
          %broadcast_in_dim3A_315 = arith.constant 0.000000e+00 : f32
          %broadcast_in_dim3A_316 = vector.broadcast %broadcast_in_dim3A_315 : f32 to vector<16xf32>
          %swap3A_317 = arith.index_cast %scan3A_207 : i32 to index
          %swap3A_318 = arith.constant 336 : index
          %swap3A_319 = tpu.vector_load %arg7[%swap3A_317, %swap3A_318] {strides = array<i32>} : memref<64x512xf32, #tpu.memory_space<vmem>>, vector<16xf32>,
          tpu.vector_store %arg7[%swap3A_317, %swap3A_318], %broadcast_in_dim3A_316 {strides = array<i32>} : memref<64x512xf32, #tpu.memory_space<vmem>>, vector<16xf32>,
          %broadcast_in_dim3A_320 = arith.constant 0.000000e+00 : f32
          %broadcast_in_dim3A_321 = vector.broadcast %broadcast_in_dim3A_320 : f32 to vector<16xf32>
          %swap3A_322 = arith.index_cast %scan3A_207 : i32 to index
          %swap3A_323 = arith.constant 352 : index
          %swap3A_324 = tpu.vector_load %arg7[%swap3A_322, %swap3A_323] {strides = array<i32>} : memref<64x512xf32, #tpu.memory_space<vmem>>, vector<16xf32>,
          tpu.vector_store %arg7[%swap3A_322, %swap3A_323], %broadcast_in_dim3A_321 {strides = array<i32>} : memref<64x512xf32, #tpu.memory_space<vmem>>, vector<16xf32>,
          %broadcast_in_dim3A_325 = arith.constant 0.000000e+00 : f32
          %broadcast_in_dim3A_326 = vector.broadcast %broadcast_in_dim3A_325 : f32 to vector<16xf32>
          %swap3A_327 = arith.index_cast %scan3A_207 : i32 to index
          %swap3A_328 = arith.constant 368 : index
          %swap3A_329 = tpu.vector_load %arg7[%swap3A_327, %swap3A_328] {strides = array<i32>} : memref<64x512xf32, #tpu.memory_space<vmem>>, vector<16xf32>,
          tpu.vector_store %arg7[%swap3A_327, %swap3A_328], %broadcast_in_dim3A_326 {strides = array<i32>} : memref<64x512xf32, #tpu.memory_space<vmem>>, vector<16xf32>,
          %broadcast_in_dim3A_330 = arith.constant 0.000000e+00 : f32
          %broadcast_in_dim3A_331 = vector.broadcast %broadcast_in_dim3A_330 : f32 to vector<16xf32>
          %swap3A_332 = arith.index_cast %scan3A_207 : i32 to index
          %swap3A_333 = arith.constant 384 : index
          %swap3A_334 = tpu.vector_load %arg7[%swap3A_332, %swap3A_333] {strides = array<i32>} : memref<64x512xf32, #tpu.memory_space<vmem>>, vector<16xf32>,
          tpu.vector_store %arg7[%swap3A_332, %swap3A_333], %broadcast_in_dim3A_331 {strides = array<i32>} : memref<64x512xf32, #tpu.memory_space<vmem>>, vector<16xf32>,
          %broadcast_in_dim3A_335 = arith.constant 0.000000e+00 : f32
          %broadcast_in_dim3A_336 = vector.broadcast %broadcast_in_dim3A_335 : f32 to vector<16xf32>
          %swap3A_337 = arith.index_cast %scan3A_207 : i32 to index
          %swap3A_338 = arith.constant 400 : index
          %swap3A_339 = tpu.vector_load %arg7[%swap3A_337, %swap3A_338] {strides = array<i32>} : memref<64x512xf32, #tpu.memory_space<vmem>>, vector<16xf32>,
          tpu.vector_store %arg7[%swap3A_337, %swap3A_338], %broadcast_in_dim3A_336 {strides = array<i32>} : memref<64x512xf32, #tpu.memory_space<vmem>>, vector<16xf32>,
          %broadcast_in_dim3A_340 = arith.constant 0.000000e+00 : f32
          %broadcast_in_dim3A_341 = vector.broadcast %broadcast_in_dim3A_340 : f32 to vector<16xf32>
          %swap3A_342 = arith.index_cast %scan3A_207 : i32 to index
          %swap3A_343 = arith.constant 416 : index
          %swap3A_344 = tpu.vector_load %arg7[%swap3A_342, %swap3A_343] {strides = array<i32>} : memref<64x512xf32, #tpu.memory_space<vmem>>, vector<16xf32>,
          tpu.vector_store %arg7[%swap3A_342, %swap3A_343], %broadcast_in_dim3A_341 {strides = array<i32>} : memref<64x512xf32, #tpu.memory_space<vmem>>, vector<16xf32>,
          %broadcast_in_dim3A_345 = arith.constant 0.000000e+00 : f32
          %broadcast_in_dim3A_346 = vector.broadcast %broadcast_in_dim3A_345 : f32 to vector<16xf32>
          %swap3A_347 = arith.index_cast %scan3A_207 : i32 to index
          %swap3A_348 = arith.constant 432 : index
          %swap3A_349 = tpu.vector_load %arg7[%swap3A_347, %swap3A_348] {strides = array<i32>} : memref<64x512xf32, #tpu.memory_space<vmem>>, vector<16xf32>,
          tpu.vector_store %arg7[%swap3A_347, %swap3A_348], %broadcast_in_dim3A_346 {strides = array<i32>} : memref<64x512xf32, #tpu.memory_space<vmem>>, vector<16xf32>,
          %broadcast_in_dim3A_350 = arith.constant 0.000000e+00 : f32
          %broadcast_in_dim3A_351 = vector.broadcast %broadcast_in_dim3A_350 : f32 to vector<16xf32>
          %swap3A_352 = arith.index_cast %scan3A_207 : i32 to index
          %swap3A_353 = arith.constant 448 : index
          %swap3A_354 = tpu.vector_load %arg7[%swap3A_352, %swap3A_353] {strides = array<i32>} : memref<64x512xf32, #tpu.memory_space<vmem>>, vector<16xf32>,
          tpu.vector_store %arg7[%swap3A_352, %swap3A_353], %broadcast_in_dim3A_351 {strides = array<i32>} : memref<64x512xf32, #tpu.memory_space<vmem>>, vector<16xf32>,
          %broadcast_in_dim3A_355 = arith.constant 0.000000e+00 : f32
          %broadcast_in_dim3A_356 = vector.broadcast %broadcast_in_dim3A_355 : f32 to vector<16xf32>
          %swap3A_357 = arith.index_cast %scan3A_207 : i32 to index
          %swap3A_358 = arith.constant 464 : index
          %swap3A_359 = tpu.vector_load %arg7[%swap3A_357, %swap3A_358] {strides = array<i32>} : memref<64x512xf32, #tpu.memory_space<vmem>>, vector<16xf32>,
          tpu.vector_store %arg7[%swap3A_357, %swap3A_358], %broadcast_in_dim3A_356 {strides = array<i32>} : memref<64x512xf32, #tpu.memory_space<vmem>>, vector<16xf32>,
          %broadcast_in_dim3A_360 = arith.constant 0.000000e+00 : f32
          %broadcast_in_dim3A_361 = vector.broadcast %broadcast_in_dim3A_360 : f32 to vector<16xf32>
          %swap3A_362 = arith.index_cast %scan3A_207 : i32 to index
          %swap3A_363 = arith.constant 480 : index
          %swap3A_364 = tpu.vector_load %arg7[%swap3A_362, %swap3A_363] {strides = array<i32>} : memref<64x512xf32, #tpu.memory_space<vmem>>, vector<16xf32>,
          tpu.vector_store %arg7[%swap3A_362, %swap3A_363], %broadcast_in_dim3A_361 {strides = array<i32>} : memref<64x512xf32, #tpu.memory_space<vmem>>, vector<16xf32>,
          %broadcast_in_dim3A_365 = arith.constant 0.000000e+00 : f32
          %broadcast_in_dim3A_366 = vector.broadcast %broadcast_in_dim3A_365 : f32 to vector<16xf32>
          %swap3A_367 = arith.index_cast %scan3A_207 : i32 to index
          %swap3A_368 = arith.constant 496 : index
          %swap3A_369 = tpu.vector_load %arg7[%swap3A_367, %swap3A_368] {strides = array<i32>} : memref<64x512xf32, #tpu.memory_space<vmem>>, vector<16xf32>,
          tpu.vector_store %arg7[%swap3A_367, %swap3A_368], %broadcast_in_dim3A_366 {strides = array<i32>} : memref<64x512xf32, #tpu.memory_space<vmem>>, vector<16xf32>,
        } else {
        }
      }
      %scan3A_206 = arith.constant 64 : i32
    } else {
    }
    %add3A_94 = arith.constant 128 : i32
    %add3A_95 = arith.addi %mul3A_21, %add3A_94 : i32
    "tpu.region"() ({
      %run_scoped3A = tpu.sem_alloc : memref<!tpu.dma_semaphore, #tpu.memory_space<semaphore_mem>>
      %dma_start3A_201 = arith.constant 0 : i32
      %dma_start3A_202 = tpu.memref_slice %arg4[%add3A_95, %dma_start3A_201] : memref<16384x512xf32, #tpu.memory_space<hbm>> -> memref<64x512xf32, #tpu.memory_space<hbm>>
      %dma_start3A_203 = arith.constant 0 : i32
      %dma_start3A_204 = tpu.memref_slice %arg4[%add3A_95, %dma_start3A_203] : memref<16384x512xf32, #tpu.memory_space<hbm>> -> memref<64x512xf32, #tpu.memory_space<hbm>>
      tpu.enqueue_dma source(%arg7 : memref<64x512xf32, #tpu.memory_space<vmem>>) target(%dma_start3A_204 : memref<64x512xf32, #tpu.memory_space<hbm>>) target_semaphore(%run_scoped3A : memref<!tpu.dma_semaphore, #tpu.memory_space<semaphore_mem>>)
      %dma_wait3A_205 = arith.constant 0 : i32
      %dma_wait3A_206 = tpu.memref_slice %arg4[%add3A_95, %dma_wait3A_205] : memref<16384x512xf32, #tpu.memory_space<hbm>> -> memref<64x512xf32, #tpu.memory_space<hbm>>
      %dma_wait3A_207 = arith.constant 0 : i32
      %dma_wait3A_208 = tpu.memref_slice %arg4[%add3A_95, %dma_wait3A_207] : memref<16384x512xf32, #tpu.memory_space<hbm>> -> memref<64x512xf32, #tpu.memory_space<hbm>>
      tpu.wait_dma2 semaphore(%run_scoped3A : memref<!tpu.dma_semaphore, #tpu.memory_space<semaphore_mem>>) src(%arg7 : memref<64x512xf32, #tpu.memory_space<vmem>>) dst(%dma_wait3A_208 : memref<64x512xf32, #tpu.memory_space<hbm>>)
      tpu.yield
    }) : () -> ()
    %dma_start3A_96 = arith.constant 256 : i32
    %dma_start3A_97 = tpu.memref_slice %arg6[%dma_start3A_96] : memref<512xi32, #tpu.memory_space<vmem>> -> memref<64xi32, #tpu.memory_space<vmem>>
    %dma_start3A_98 = arith.constant 0 : i32
    %dma_start3A_99 = arith.constant 0 : i32
    %dma_start3A_100 = tpu.memref_slice %arg2[%dma_start3A_98, %dma_start3A_99] : memref<65536x512xf32, #tpu.memory_space<hbm>> -> memref<65536x512xf32, #tpu.memory_space<hbm>>
    tpu.enqueue_indirect_dma source(%dma_start3A_100 : memref<65536x512xf32, #tpu.memory_space<hbm>>) target(%arg7 : memref<64x512xf32, #tpu.memory_space<vmem>>) offsets(%dma_start3A_97 : memref<64xi32, #tpu.memory_space<vmem>>) semaphore(%arg9 : memref<!tpu.dma_semaphore, #tpu.memory_space<semaphore_mem>>)
    %dma_wait3A_101 = arith.constant 192 : i32
    %dma_wait3A_102 = tpu.memref_slice %arg6[%dma_wait3A_101] : memref<512xi32, #tpu.memory_space<vmem>> -> memref<64xi32, #tpu.memory_space<vmem>>
    %dma_wait3A_103 = arith.constant 0 : i32
    %dma_wait3A_104 = arith.constant 0 : i32
    %dma_wait3A_105 = tpu.memref_slice %arg2[%dma_wait3A_103, %dma_wait3A_104] : memref<65536x512xf32, #tpu.memory_space<hbm>> -> memref<65536x512xf32, #tpu.memory_space<hbm>>
    tpu.wait_indirect_dma semaphore(%arg10 : memref<!tpu.dma_semaphore, #tpu.memory_space<semaphore_mem>>) src(%dma_wait3A_105 : memref<65536x512xf32, #tpu.memory_space<hbm>>) dst(%arg8 : memref<64x512xf32, #tpu.memory_space<vmem>>)
    %mul3A_106 = arith.constant 512 : i32
    %mul3A_107 = arith.muli %sub3A_19, %mul3A_106 : i32
    %add3A_108 = arith.constant 192 : i32
    %add3A_109 = arith.addi %mul3A_107, %add3A_108 : i32
    %add3A_110 = arith.constant 64 : i32
    %add3A_111 = arith.addi %add3A_109, %add3A_110 : i32
    %gt3A_112 = arith.cmpi sgt, %add3A_111, %squeeze3A : i32
    %convert_element_type3A_113 = arith.extui %gt3A_112 : i1 to i32
    %cond3A_114 = arith.constant 0 : i32
    %cond3A_115 = arith.cmpi ne, %convert_element_type3A_113, %cond3A_114 : i32
    scf.if %cond3A_115 {
      %scan3A_201 = arith.constant 0 : i32
      %scan3A_202 = arith.constant 0 : i32
      %scan3A_203 = arith.constant 64 : i32
      %scan3A_204 = arith.addi %scan3A_202, %scan3A_203 : i32
      %scan3A_205 = arith.constant 1 : i32
      scf.for %scan3A_207 = %scan3A_202 to %scan3A_204 step %scan3A_205  : i32 {
        %add3A_208 = arith.addi %add3A_109, %scan3A_207 : i32
        %ge3A = arith.cmpi sge, %add3A_208, %squeeze3A : i32
        %convert_element_type3A_209 = arith.extui %ge3A : i1 to i32
        %cond3A_210 = arith.constant 0 : i32
        %cond3A_211 = arith.cmpi ne, %convert_element_type3A_209, %cond3A_210 : i32
        scf.if %cond3A_211 {
          %broadcast_in_dim3A = arith.constant 0.000000e+00 : f32
          %broadcast_in_dim3A_212 = vector.broadcast %broadcast_in_dim3A : f32 to vector<16xf32>
          %swap3A = arith.index_cast %scan3A_207 : i32 to index
          %swap3A_213 = arith.constant 0 : index
          %swap3A_214 = tpu.vector_load %arg8[%swap3A, %swap3A_213] {strides = array<i32>} : memref<64x512xf32, #tpu.memory_space<vmem>>, vector<16xf32>,
          tpu.vector_store %arg8[%swap3A, %swap3A_213], %broadcast_in_dim3A_212 {strides = array<i32>} : memref<64x512xf32, #tpu.memory_space<vmem>>, vector<16xf32>,
          %broadcast_in_dim3A_215 = arith.constant 0.000000e+00 : f32
          %broadcast_in_dim3A_216 = vector.broadcast %broadcast_in_dim3A_215 : f32 to vector<16xf32>
          %swap3A_217 = arith.index_cast %scan3A_207 : i32 to index
          %swap3A_218 = arith.constant 16 : index
          %swap3A_219 = tpu.vector_load %arg8[%swap3A_217, %swap3A_218] {strides = array<i32>} : memref<64x512xf32, #tpu.memory_space<vmem>>, vector<16xf32>,
          tpu.vector_store %arg8[%swap3A_217, %swap3A_218], %broadcast_in_dim3A_216 {strides = array<i32>} : memref<64x512xf32, #tpu.memory_space<vmem>>, vector<16xf32>,
          %broadcast_in_dim3A_220 = arith.constant 0.000000e+00 : f32
          %broadcast_in_dim3A_221 = vector.broadcast %broadcast_in_dim3A_220 : f32 to vector<16xf32>
          %swap3A_222 = arith.index_cast %scan3A_207 : i32 to index
          %swap3A_223 = arith.constant 32 : index
          %swap3A_224 = tpu.vector_load %arg8[%swap3A_222, %swap3A_223] {strides = array<i32>} : memref<64x512xf32, #tpu.memory_space<vmem>>, vector<16xf32>,
          tpu.vector_store %arg8[%swap3A_222, %swap3A_223], %broadcast_in_dim3A_221 {strides = array<i32>} : memref<64x512xf32, #tpu.memory_space<vmem>>, vector<16xf32>,
          %broadcast_in_dim3A_225 = arith.constant 0.000000e+00 : f32
          %broadcast_in_dim3A_226 = vector.broadcast %broadcast_in_dim3A_225 : f32 to vector<16xf32>
          %swap3A_227 = arith.index_cast %scan3A_207 : i32 to index
          %swap3A_228 = arith.constant 48 : index
          %swap3A_229 = tpu.vector_load %arg8[%swap3A_227, %swap3A_228] {strides = array<i32>} : memref<64x512xf32, #tpu.memory_space<vmem>>, vector<16xf32>,
          tpu.vector_store %arg8[%swap3A_227, %swap3A_228], %broadcast_in_dim3A_226 {strides = array<i32>} : memref<64x512xf32, #tpu.memory_space<vmem>>, vector<16xf32>,
          %broadcast_in_dim3A_230 = arith.constant 0.000000e+00 : f32
          %broadcast_in_dim3A_231 = vector.broadcast %broadcast_in_dim3A_230 : f32 to vector<16xf32>
          %swap3A_232 = arith.index_cast %scan3A_207 : i32 to index
          %swap3A_233 = arith.constant 64 : index
          %swap3A_234 = tpu.vector_load %arg8[%swap3A_232, %swap3A_233] {strides = array<i32>} : memref<64x512xf32, #tpu.memory_space<vmem>>, vector<16xf32>,
          tpu.vector_store %arg8[%swap3A_232, %swap3A_233], %broadcast_in_dim3A_231 {strides = array<i32>} : memref<64x512xf32, #tpu.memory_space<vmem>>, vector<16xf32>,
          %broadcast_in_dim3A_235 = arith.constant 0.000000e+00 : f32
          %broadcast_in_dim3A_236 = vector.broadcast %broadcast_in_dim3A_235 : f32 to vector<16xf32>
          %swap3A_237 = arith.index_cast %scan3A_207 : i32 to index
          %swap3A_238 = arith.constant 80 : index
          %swap3A_239 = tpu.vector_load %arg8[%swap3A_237, %swap3A_238] {strides = array<i32>} : memref<64x512xf32, #tpu.memory_space<vmem>>, vector<16xf32>,
          tpu.vector_store %arg8[%swap3A_237, %swap3A_238], %broadcast_in_dim3A_236 {strides = array<i32>} : memref<64x512xf32, #tpu.memory_space<vmem>>, vector<16xf32>,
          %broadcast_in_dim3A_240 = arith.constant 0.000000e+00 : f32
          %broadcast_in_dim3A_241 = vector.broadcast %broadcast_in_dim3A_240 : f32 to vector<16xf32>
          %swap3A_242 = arith.index_cast %scan3A_207 : i32 to index
          %swap3A_243 = arith.constant 96 : index
          %swap3A_244 = tpu.vector_load %arg8[%swap3A_242, %swap3A_243] {strides = array<i32>} : memref<64x512xf32, #tpu.memory_space<vmem>>, vector<16xf32>,
          tpu.vector_store %arg8[%swap3A_242, %swap3A_243], %broadcast_in_dim3A_241 {strides = array<i32>} : memref<64x512xf32, #tpu.memory_space<vmem>>, vector<16xf32>,
          %broadcast_in_dim3A_245 = arith.constant 0.000000e+00 : f32
          %broadcast_in_dim3A_246 = vector.broadcast %broadcast_in_dim3A_245 : f32 to vector<16xf32>
          %swap3A_247 = arith.index_cast %scan3A_207 : i32 to index
          %swap3A_248 = arith.constant 112 : index
          %swap3A_249 = tpu.vector_load %arg8[%swap3A_247, %swap3A_248] {strides = array<i32>} : memref<64x512xf32, #tpu.memory_space<vmem>>, vector<16xf32>,
          tpu.vector_store %arg8[%swap3A_247, %swap3A_248], %broadcast_in_dim3A_246 {strides = array<i32>} : memref<64x512xf32, #tpu.memory_space<vmem>>, vector<16xf32>,
          %broadcast_in_dim3A_250 = arith.constant 0.000000e+00 : f32
          %broadcast_in_dim3A_251 = vector.broadcast %broadcast_in_dim3A_250 : f32 to vector<16xf32>
          %swap3A_252 = arith.index_cast %scan3A_207 : i32 to index
          %swap3A_253 = arith.constant 128 : index
          %swap3A_254 = tpu.vector_load %arg8[%swap3A_252, %swap3A_253] {strides = array<i32>} : memref<64x512xf32, #tpu.memory_space<vmem>>, vector<16xf32>,
          tpu.vector_store %arg8[%swap3A_252, %swap3A_253], %broadcast_in_dim3A_251 {strides = array<i32>} : memref<64x512xf32, #tpu.memory_space<vmem>>, vector<16xf32>,
          %broadcast_in_dim3A_255 = arith.constant 0.000000e+00 : f32
          %broadcast_in_dim3A_256 = vector.broadcast %broadcast_in_dim3A_255 : f32 to vector<16xf32>
          %swap3A_257 = arith.index_cast %scan3A_207 : i32 to index
          %swap3A_258 = arith.constant 144 : index
          %swap3A_259 = tpu.vector_load %arg8[%swap3A_257, %swap3A_258] {strides = array<i32>} : memref<64x512xf32, #tpu.memory_space<vmem>>, vector<16xf32>,
          tpu.vector_store %arg8[%swap3A_257, %swap3A_258], %broadcast_in_dim3A_256 {strides = array<i32>} : memref<64x512xf32, #tpu.memory_space<vmem>>, vector<16xf32>,
          %broadcast_in_dim3A_260 = arith.constant 0.000000e+00 : f32
          %broadcast_in_dim3A_261 = vector.broadcast %broadcast_in_dim3A_260 : f32 to vector<16xf32>
          %swap3A_262 = arith.index_cast %scan3A_207 : i32 to index
          %swap3A_263 = arith.constant 160 : index
          %swap3A_264 = tpu.vector_load %arg8[%swap3A_262, %swap3A_263] {strides = array<i32>} : memref<64x512xf32, #tpu.memory_space<vmem>>, vector<16xf32>,
          tpu.vector_store %arg8[%swap3A_262, %swap3A_263], %broadcast_in_dim3A_261 {strides = array<i32>} : memref<64x512xf32, #tpu.memory_space<vmem>>, vector<16xf32>,
          %broadcast_in_dim3A_265 = arith.constant 0.000000e+00 : f32
          %broadcast_in_dim3A_266 = vector.broadcast %broadcast_in_dim3A_265 : f32 to vector<16xf32>
          %swap3A_267 = arith.index_cast %scan3A_207 : i32 to index
          %swap3A_268 = arith.constant 176 : index
          %swap3A_269 = tpu.vector_load %arg8[%swap3A_267, %swap3A_268] {strides = array<i32>} : memref<64x512xf32, #tpu.memory_space<vmem>>, vector<16xf32>,
          tpu.vector_store %arg8[%swap3A_267, %swap3A_268], %broadcast_in_dim3A_266 {strides = array<i32>} : memref<64x512xf32, #tpu.memory_space<vmem>>, vector<16xf32>,
          %broadcast_in_dim3A_270 = arith.constant 0.000000e+00 : f32
          %broadcast_in_dim3A_271 = vector.broadcast %broadcast_in_dim3A_270 : f32 to vector<16xf32>
          %swap3A_272 = arith.index_cast %scan3A_207 : i32 to index
          %swap3A_273 = arith.constant 192 : index
          %swap3A_274 = tpu.vector_load %arg8[%swap3A_272, %swap3A_273] {strides = array<i32>} : memref<64x512xf32, #tpu.memory_space<vmem>>, vector<16xf32>,
          tpu.vector_store %arg8[%swap3A_272, %swap3A_273], %broadcast_in_dim3A_271 {strides = array<i32>} : memref<64x512xf32, #tpu.memory_space<vmem>>, vector<16xf32>,
          %broadcast_in_dim3A_275 = arith.constant 0.000000e+00 : f32
          %broadcast_in_dim3A_276 = vector.broadcast %broadcast_in_dim3A_275 : f32 to vector<16xf32>
          %swap3A_277 = arith.index_cast %scan3A_207 : i32 to index
          %swap3A_278 = arith.constant 208 : index
          %swap3A_279 = tpu.vector_load %arg8[%swap3A_277, %swap3A_278] {strides = array<i32>} : memref<64x512xf32, #tpu.memory_space<vmem>>, vector<16xf32>,
          tpu.vector_store %arg8[%swap3A_277, %swap3A_278], %broadcast_in_dim3A_276 {strides = array<i32>} : memref<64x512xf32, #tpu.memory_space<vmem>>, vector<16xf32>,
          %broadcast_in_dim3A_280 = arith.constant 0.000000e+00 : f32
          %broadcast_in_dim3A_281 = vector.broadcast %broadcast_in_dim3A_280 : f32 to vector<16xf32>
          %swap3A_282 = arith.index_cast %scan3A_207 : i32 to index
          %swap3A_283 = arith.constant 224 : index
          %swap3A_284 = tpu.vector_load %arg8[%swap3A_282, %swap3A_283] {strides = array<i32>} : memref<64x512xf32, #tpu.memory_space<vmem>>, vector<16xf32>,
          tpu.vector_store %arg8[%swap3A_282, %swap3A_283], %broadcast_in_dim3A_281 {strides = array<i32>} : memref<64x512xf32, #tpu.memory_space<vmem>>, vector<16xf32>,
          %broadcast_in_dim3A_285 = arith.constant 0.000000e+00 : f32
          %broadcast_in_dim3A_286 = vector.broadcast %broadcast_in_dim3A_285 : f32 to vector<16xf32>
          %swap3A_287 = arith.index_cast %scan3A_207 : i32 to index
          %swap3A_288 = arith.constant 240 : index
          %swap3A_289 = tpu.vector_load %arg8[%swap3A_287, %swap3A_288] {strides = array<i32>} : memref<64x512xf32, #tpu.memory_space<vmem>>, vector<16xf32>,
          tpu.vector_store %arg8[%swap3A_287, %swap3A_288], %broadcast_in_dim3A_286 {strides = array<i32>} : memref<64x512xf32, #tpu.memory_space<vmem>>, vector<16xf32>,
          %broadcast_in_dim3A_290 = arith.constant 0.000000e+00 : f32
          %broadcast_in_dim3A_291 = vector.broadcast %broadcast_in_dim3A_290 : f32 to vector<16xf32>
          %swap3A_292 = arith.index_cast %scan3A_207 : i32 to index
          %swap3A_293 = arith.constant 256 : index
          %swap3A_294 = tpu.vector_load %arg8[%swap3A_292, %swap3A_293] {strides = array<i32>} : memref<64x512xf32, #tpu.memory_space<vmem>>, vector<16xf32>,
          tpu.vector_store %arg8[%swap3A_292, %swap3A_293], %broadcast_in_dim3A_291 {strides = array<i32>} : memref<64x512xf32, #tpu.memory_space<vmem>>, vector<16xf32>,
          %broadcast_in_dim3A_295 = arith.constant 0.000000e+00 : f32
          %broadcast_in_dim3A_296 = vector.broadcast %broadcast_in_dim3A_295 : f32 to vector<16xf32>
          %swap3A_297 = arith.index_cast %scan3A_207 : i32 to index
          %swap3A_298 = arith.constant 272 : index
          %swap3A_299 = tpu.vector_load %arg8[%swap3A_297, %swap3A_298] {strides = array<i32>} : memref<64x512xf32, #tpu.memory_space<vmem>>, vector<16xf32>,
          tpu.vector_store %arg8[%swap3A_297, %swap3A_298], %broadcast_in_dim3A_296 {strides = array<i32>} : memref<64x512xf32, #tpu.memory_space<vmem>>, vector<16xf32>,
          %broadcast_in_dim3A_300 = arith.constant 0.000000e+00 : f32
          %broadcast_in_dim3A_301 = vector.broadcast %broadcast_in_dim3A_300 : f32 to vector<16xf32>
          %swap3A_302 = arith.index_cast %scan3A_207 : i32 to index
          %swap3A_303 = arith.constant 288 : index
          %swap3A_304 = tpu.vector_load %arg8[%swap3A_302, %swap3A_303] {strides = array<i32>} : memref<64x512xf32, #tpu.memory_space<vmem>>, vector<16xf32>,
          tpu.vector_store %arg8[%swap3A_302, %swap3A_303], %broadcast_in_dim3A_301 {strides = array<i32>} : memref<64x512xf32, #tpu.memory_space<vmem>>, vector<16xf32>,
          %broadcast_in_dim3A_305 = arith.constant 0.000000e+00 : f32
          %broadcast_in_dim3A_306 = vector.broadcast %broadcast_in_dim3A_305 : f32 to vector<16xf32>
          %swap3A_307 = arith.index_cast %scan3A_207 : i32 to index
          %swap3A_308 = arith.constant 304 : index
          %swap3A_309 = tpu.vector_load %arg8[%swap3A_307, %swap3A_308] {strides = array<i32>} : memref<64x512xf32, #tpu.memory_space<vmem>>, vector<16xf32>,
          tpu.vector_store %arg8[%swap3A_307, %swap3A_308], %broadcast_in_dim3A_306 {strides = array<i32>} : memref<64x512xf32, #tpu.memory_space<vmem>>, vector<16xf32>,
          %broadcast_in_dim3A_310 = arith.constant 0.000000e+00 : f32
          %broadcast_in_dim3A_311 = vector.broadcast %broadcast_in_dim3A_310 : f32 to vector<16xf32>
          %swap3A_312 = arith.index_cast %scan3A_207 : i32 to index
          %swap3A_313 = arith.constant 320 : index
          %swap3A_314 = tpu.vector_load %arg8[%swap3A_312, %swap3A_313] {strides = array<i32>} : memref<64x512xf32, #tpu.memory_space<vmem>>, vector<16xf32>,
          tpu.vector_store %arg8[%swap3A_312, %swap3A_313], %broadcast_in_dim3A_311 {strides = array<i32>} : memref<64x512xf32, #tpu.memory_space<vmem>>, vector<16xf32>,
          %broadcast_in_dim3A_315 = arith.constant 0.000000e+00 : f32
          %broadcast_in_dim3A_316 = vector.broadcast %broadcast_in_dim3A_315 : f32 to vector<16xf32>
          %swap3A_317 = arith.index_cast %scan3A_207 : i32 to index
          %swap3A_318 = arith.constant 336 : index
          %swap3A_319 = tpu.vector_load %arg8[%swap3A_317, %swap3A_318] {strides = array<i32>} : memref<64x512xf32, #tpu.memory_space<vmem>>, vector<16xf32>,
          tpu.vector_store %arg8[%swap3A_317, %swap3A_318], %broadcast_in_dim3A_316 {strides = array<i32>} : memref<64x512xf32, #tpu.memory_space<vmem>>, vector<16xf32>,
          %broadcast_in_dim3A_320 = arith.constant 0.000000e+00 : f32
          %broadcast_in_dim3A_321 = vector.broadcast %broadcast_in_dim3A_320 : f32 to vector<16xf32>
          %swap3A_322 = arith.index_cast %scan3A_207 : i32 to index
          %swap3A_323 = arith.constant 352 : index
          %swap3A_324 = tpu.vector_load %arg8[%swap3A_322, %swap3A_323] {strides = array<i32>} : memref<64x512xf32, #tpu.memory_space<vmem>>, vector<16xf32>,
          tpu.vector_store %arg8[%swap3A_322, %swap3A_323], %broadcast_in_dim3A_321 {strides = array<i32>} : memref<64x512xf32, #tpu.memory_space<vmem>>, vector<16xf32>,
          %broadcast_in_dim3A_325 = arith.constant 0.000000e+00 : f32
          %broadcast_in_dim3A_326 = vector.broadcast %broadcast_in_dim3A_325 : f32 to vector<16xf32>
          %swap3A_327 = arith.index_cast %scan3A_207 : i32 to index
          %swap3A_328 = arith.constant 368 : index
          %swap3A_329 = tpu.vector_load %arg8[%swap3A_327, %swap3A_328] {strides = array<i32>} : memref<64x512xf32, #tpu.memory_space<vmem>>, vector<16xf32>,
          tpu.vector_store %arg8[%swap3A_327, %swap3A_328], %broadcast_in_dim3A_326 {strides = array<i32>} : memref<64x512xf32, #tpu.memory_space<vmem>>, vector<16xf32>,
          %broadcast_in_dim3A_330 = arith.constant 0.000000e+00 : f32
          %broadcast_in_dim3A_331 = vector.broadcast %broadcast_in_dim3A_330 : f32 to vector<16xf32>
          %swap3A_332 = arith.index_cast %scan3A_207 : i32 to index
          %swap3A_333 = arith.constant 384 : index
          %swap3A_334 = tpu.vector_load %arg8[%swap3A_332, %swap3A_333] {strides = array<i32>} : memref<64x512xf32, #tpu.memory_space<vmem>>, vector<16xf32>,
          tpu.vector_store %arg8[%swap3A_332, %swap3A_333], %broadcast_in_dim3A_331 {strides = array<i32>} : memref<64x512xf32, #tpu.memory_space<vmem>>, vector<16xf32>,
          %broadcast_in_dim3A_335 = arith.constant 0.000000e+00 : f32
          %broadcast_in_dim3A_336 = vector.broadcast %broadcast_in_dim3A_335 : f32 to vector<16xf32>
          %swap3A_337 = arith.index_cast %scan3A_207 : i32 to index
          %swap3A_338 = arith.constant 400 : index
          %swap3A_339 = tpu.vector_load %arg8[%swap3A_337, %swap3A_338] {strides = array<i32>} : memref<64x512xf32, #tpu.memory_space<vmem>>, vector<16xf32>,
          tpu.vector_store %arg8[%swap3A_337, %swap3A_338], %broadcast_in_dim3A_336 {strides = array<i32>} : memref<64x512xf32, #tpu.memory_space<vmem>>, vector<16xf32>,
          %broadcast_in_dim3A_340 = arith.constant 0.000000e+00 : f32
          %broadcast_in_dim3A_341 = vector.broadcast %broadcast_in_dim3A_340 : f32 to vector<16xf32>
          %swap3A_342 = arith.index_cast %scan3A_207 : i32 to index
          %swap3A_343 = arith.constant 416 : index
          %swap3A_344 = tpu.vector_load %arg8[%swap3A_342, %swap3A_343] {strides = array<i32>} : memref<64x512xf32, #tpu.memory_space<vmem>>, vector<16xf32>,
          tpu.vector_store %arg8[%swap3A_342, %swap3A_343], %broadcast_in_dim3A_341 {strides = array<i32>} : memref<64x512xf32, #tpu.memory_space<vmem>>, vector<16xf32>,
          %broadcast_in_dim3A_345 = arith.constant 0.000000e+00 : f32
          %broadcast_in_dim3A_346 = vector.broadcast %broadcast_in_dim3A_345 : f32 to vector<16xf32>
          %swap3A_347 = arith.index_cast %scan3A_207 : i32 to index
          %swap3A_348 = arith.constant 432 : index
          %swap3A_349 = tpu.vector_load %arg8[%swap3A_347, %swap3A_348] {strides = array<i32>} : memref<64x512xf32, #tpu.memory_space<vmem>>, vector<16xf32>,
          tpu.vector_store %arg8[%swap3A_347, %swap3A_348], %broadcast_in_dim3A_346 {strides = array<i32>} : memref<64x512xf32, #tpu.memory_space<vmem>>, vector<16xf32>,
          %broadcast_in_dim3A_350 = arith.constant 0.000000e+00 : f32
          %broadcast_in_dim3A_351 = vector.broadcast %broadcast_in_dim3A_350 : f32 to vector<16xf32>
          %swap3A_352 = arith.index_cast %scan3A_207 : i32 to index
          %swap3A_353 = arith.constant 448 : index
          %swap3A_354 = tpu.vector_load %arg8[%swap3A_352, %swap3A_353] {strides = array<i32>} : memref<64x512xf32, #tpu.memory_space<vmem>>, vector<16xf32>,
          tpu.vector_store %arg8[%swap3A_352, %swap3A_353], %broadcast_in_dim3A_351 {strides = array<i32>} : memref<64x512xf32, #tpu.memory_space<vmem>>, vector<16xf32>,
          %broadcast_in_dim3A_355 = arith.constant 0.000000e+00 : f32
          %broadcast_in_dim3A_356 = vector.broadcast %broadcast_in_dim3A_355 : f32 to vector<16xf32>
          %swap3A_357 = arith.index_cast %scan3A_207 : i32 to index
          %swap3A_358 = arith.constant 464 : index
          %swap3A_359 = tpu.vector_load %arg8[%swap3A_357, %swap3A_358] {strides = array<i32>} : memref<64x512xf32, #tpu.memory_space<vmem>>, vector<16xf32>,
          tpu.vector_store %arg8[%swap3A_357, %swap3A_358], %broadcast_in_dim3A_356 {strides = array<i32>} : memref<64x512xf32, #tpu.memory_space<vmem>>, vector<16xf32>,
          %broadcast_in_dim3A_360 = arith.constant 0.000000e+00 : f32
          %broadcast_in_dim3A_361 = vector.broadcast %broadcast_in_dim3A_360 : f32 to vector<16xf32>
          %swap3A_362 = arith.index_cast %scan3A_207 : i32 to index
          %swap3A_363 = arith.constant 480 : index
          %swap3A_364 = tpu.vector_load %arg8[%swap3A_362, %swap3A_363] {strides = array<i32>} : memref<64x512xf32, #tpu.memory_space<vmem>>, vector<16xf32>,
          tpu.vector_store %arg8[%swap3A_362, %swap3A_363], %broadcast_in_dim3A_361 {strides = array<i32>} : memref<64x512xf32, #tpu.memory_space<vmem>>, vector<16xf32>,
          %broadcast_in_dim3A_365 = arith.constant 0.000000e+00 : f32
          %broadcast_in_dim3A_366 = vector.broadcast %broadcast_in_dim3A_365 : f32 to vector<16xf32>
          %swap3A_367 = arith.index_cast %scan3A_207 : i32 to index
          %swap3A_368 = arith.constant 496 : index
          %swap3A_369 = tpu.vector_load %arg8[%swap3A_367, %swap3A_368] {strides = array<i32>} : memref<64x512xf32, #tpu.memory_space<vmem>>, vector<16xf32>,
          tpu.vector_store %arg8[%swap3A_367, %swap3A_368], %broadcast_in_dim3A_366 {strides = array<i32>} : memref<64x512xf32, #tpu.memory_space<vmem>>, vector<16xf32>,
        } else {
        }
      }
      %scan3A_206 = arith.constant 64 : i32
    } else {
    }
    %add3A_116 = arith.constant 192 : i32
    %add3A_117 = arith.addi %mul3A_21, %add3A_116 : i32
    "tpu.region"() ({
      %run_scoped3A = tpu.sem_alloc : memref<!tpu.dma_semaphore, #tpu.memory_space<semaphore_mem>>
      %dma_start3A_201 = arith.constant 0 : i32
      %dma_start3A_202 = tpu.memref_slice %arg4[%add3A_117, %dma_start3A_201] : memref<16384x512xf32, #tpu.memory_space<hbm>> -> memref<64x512xf32, #tpu.memory_space<hbm>>
      %dma_start3A_203 = arith.constant 0 : i32
      %dma_start3A_204 = tpu.memref_slice %arg4[%add3A_117, %dma_start3A_203] : memref<16384x512xf32, #tpu.memory_space<hbm>> -> memref<64x512xf32, #tpu.memory_space<hbm>>
      tpu.enqueue_dma source(%arg8 : memref<64x512xf32, #tpu.memory_space<vmem>>) target(%dma_start3A_204 : memref<64x512xf32, #tpu.memory_space<hbm>>) target_semaphore(%run_scoped3A : memref<!tpu.dma_semaphore, #tpu.memory_space<semaphore_mem>>)
      %dma_wait3A_205 = arith.constant 0 : i32
      %dma_wait3A_206 = tpu.memref_slice %arg4[%add3A_117, %dma_wait3A_205] : memref<16384x512xf32, #tpu.memory_space<hbm>> -> memref<64x512xf32, #tpu.memory_space<hbm>>
      %dma_wait3A_207 = arith.constant 0 : i32
      %dma_wait3A_208 = tpu.memref_slice %arg4[%add3A_117, %dma_wait3A_207] : memref<16384x512xf32, #tpu.memory_space<hbm>> -> memref<64x512xf32, #tpu.memory_space<hbm>>
      tpu.wait_dma2 semaphore(%run_scoped3A : memref<!tpu.dma_semaphore, #tpu.memory_space<semaphore_mem>>) src(%arg8 : memref<64x512xf32, #tpu.memory_space<vmem>>) dst(%dma_wait3A_208 : memref<64x512xf32, #tpu.memory_space<hbm>>)
      tpu.yield
    }) : () -> ()
    %dma_start3A_118 = arith.constant 320 : i32
    %dma_start3A_119 = tpu.memref_slice %arg6[%dma_start3A_118] : memref<512xi32, #tpu.memory_space<vmem>> -> memref<64xi32, #tpu.memory_space<vmem>>
    %dma_start3A_120 = arith.constant 0 : i32
    %dma_start3A_121 = arith.constant 0 : i32
    %dma_start3A_122 = tpu.memref_slice %arg2[%dma_start3A_120, %dma_start3A_121] : memref<65536x512xf32, #tpu.memory_space<hbm>> -> memref<65536x512xf32, #tpu.memory_space<hbm>>
    tpu.enqueue_indirect_dma source(%dma_start3A_122 : memref<65536x512xf32, #tpu.memory_space<hbm>>) target(%arg8 : memref<64x512xf32, #tpu.memory_space<vmem>>) offsets(%dma_start3A_119 : memref<64xi32, #tpu.memory_space<vmem>>) semaphore(%arg10 : memref<!tpu.dma_semaphore, #tpu.memory_space<semaphore_mem>>)
    %dma_wait3A_123 = arith.constant 256 : i32
    %dma_wait3A_124 = tpu.memref_slice %arg6[%dma_wait3A_123] : memref<512xi32, #tpu.memory_space<vmem>> -> memref<64xi32, #tpu.memory_space<vmem>>
    %dma_wait3A_125 = arith.constant 0 : i32
    %dma_wait3A_126 = arith.constant 0 : i32
    %dma_wait3A_127 = tpu.memref_slice %arg2[%dma_wait3A_125, %dma_wait3A_126] : memref<65536x512xf32, #tpu.memory_space<hbm>> -> memref<65536x512xf32, #tpu.memory_space<hbm>>
    tpu.wait_indirect_dma semaphore(%arg9 : memref<!tpu.dma_semaphore, #tpu.memory_space<semaphore_mem>>) src(%dma_wait3A_127 : memref<65536x512xf32, #tpu.memory_space<hbm>>) dst(%arg7 : memref<64x512xf32, #tpu.memory_space<vmem>>)
    %mul3A_128 = arith.constant 512 : i32
    %mul3A_129 = arith.muli %sub3A_19, %mul3A_128 : i32
    %add3A_130 = arith.constant 256 : i32
    %add3A_131 = arith.addi %mul3A_129, %add3A_130 : i32
    %add3A_132 = arith.constant 64 : i32
    %add3A_133 = arith.addi %add3A_131, %add3A_132 : i32
    %gt3A_134 = arith.cmpi sgt, %add3A_133, %squeeze3A : i32
    %convert_element_type3A_135 = arith.extui %gt3A_134 : i1 to i32
    %cond3A_136 = arith.constant 0 : i32
    %cond3A_137 = arith.cmpi ne, %convert_element_type3A_135, %cond3A_136 : i32
    scf.if %cond3A_137 {
      %scan3A_201 = arith.constant 0 : i32
      %scan3A_202 = arith.constant 0 : i32
      %scan3A_203 = arith.constant 64 : i32
      %scan3A_204 = arith.addi %scan3A_202, %scan3A_203 : i32
      %scan3A_205 = arith.constant 1 : i32
      scf.for %scan3A_207 = %scan3A_202 to %scan3A_204 step %scan3A_205  : i32 {
        %add3A_208 = arith.addi %add3A_131, %scan3A_207 : i32
        %ge3A = arith.cmpi sge, %add3A_208, %squeeze3A : i32
        %convert_element_type3A_209 = arith.extui %ge3A : i1 to i32
        %cond3A_210 = arith.constant 0 : i32
        %cond3A_211 = arith.cmpi ne, %convert_element_type3A_209, %cond3A_210 : i32
        scf.if %cond3A_211 {
          %broadcast_in_dim3A = arith.constant 0.000000e+00 : f32
          %broadcast_in_dim3A_212 = vector.broadcast %broadcast_in_dim3A : f32 to vector<16xf32>
          %swap3A = arith.index_cast %scan3A_207 : i32 to index
          %swap3A_213 = arith.constant 0 : index
          %swap3A_214 = tpu.vector_load %arg7[%swap3A, %swap3A_213] {strides = array<i32>} : memref<64x512xf32, #tpu.memory_space<vmem>>, vector<16xf32>,
          tpu.vector_store %arg7[%swap3A, %swap3A_213], %broadcast_in_dim3A_212 {strides = array<i32>} : memref<64x512xf32, #tpu.memory_space<vmem>>, vector<16xf32>,
          %broadcast_in_dim3A_215 = arith.constant 0.000000e+00 : f32
          %broadcast_in_dim3A_216 = vector.broadcast %broadcast_in_dim3A_215 : f32 to vector<16xf32>
          %swap3A_217 = arith.index_cast %scan3A_207 : i32 to index
          %swap3A_218 = arith.constant 16 : index
          %swap3A_219 = tpu.vector_load %arg7[%swap3A_217, %swap3A_218] {strides = array<i32>} : memref<64x512xf32, #tpu.memory_space<vmem>>, vector<16xf32>,
          tpu.vector_store %arg7[%swap3A_217, %swap3A_218], %broadcast_in_dim3A_216 {strides = array<i32>} : memref<64x512xf32, #tpu.memory_space<vmem>>, vector<16xf32>,
          %broadcast_in_dim3A_220 = arith.constant 0.000000e+00 : f32
          %broadcast_in_dim3A_221 = vector.broadcast %broadcast_in_dim3A_220 : f32 to vector<16xf32>
          %swap3A_222 = arith.index_cast %scan3A_207 : i32 to index
          %swap3A_223 = arith.constant 32 : index
          %swap3A_224 = tpu.vector_load %arg7[%swap3A_222, %swap3A_223] {strides = array<i32>} : memref<64x512xf32, #tpu.memory_space<vmem>>, vector<16xf32>,
          tpu.vector_store %arg7[%swap3A_222, %swap3A_223], %broadcast_in_dim3A_221 {strides = array<i32>} : memref<64x512xf32, #tpu.memory_space<vmem>>, vector<16xf32>,
          %broadcast_in_dim3A_225 = arith.constant 0.000000e+00 : f32
          %broadcast_in_dim3A_226 = vector.broadcast %broadcast_in_dim3A_225 : f32 to vector<16xf32>
          %swap3A_227 = arith.index_cast %scan3A_207 : i32 to index
          %swap3A_228 = arith.constant 48 : index
          %swap3A_229 = tpu.vector_load %arg7[%swap3A_227, %swap3A_228] {strides = array<i32>} : memref<64x512xf32, #tpu.memory_space<vmem>>, vector<16xf32>,
          tpu.vector_store %arg7[%swap3A_227, %swap3A_228], %broadcast_in_dim3A_226 {strides = array<i32>} : memref<64x512xf32, #tpu.memory_space<vmem>>, vector<16xf32>,
          %broadcast_in_dim3A_230 = arith.constant 0.000000e+00 : f32
          %broadcast_in_dim3A_231 = vector.broadcast %broadcast_in_dim3A_230 : f32 to vector<16xf32>
          %swap3A_232 = arith.index_cast %scan3A_207 : i32 to index
          %swap3A_233 = arith.constant 64 : index
          %swap3A_234 = tpu.vector_load %arg7[%swap3A_232, %swap3A_233] {strides = array<i32>} : memref<64x512xf32, #tpu.memory_space<vmem>>, vector<16xf32>,
          tpu.vector_store %arg7[%swap3A_232, %swap3A_233], %broadcast_in_dim3A_231 {strides = array<i32>} : memref<64x512xf32, #tpu.memory_space<vmem>>, vector<16xf32>,
          %broadcast_in_dim3A_235 = arith.constant 0.000000e+00 : f32
          %broadcast_in_dim3A_236 = vector.broadcast %broadcast_in_dim3A_235 : f32 to vector<16xf32>
          %swap3A_237 = arith.index_cast %scan3A_207 : i32 to index
          %swap3A_238 = arith.constant 80 : index
          %swap3A_239 = tpu.vector_load %arg7[%swap3A_237, %swap3A_238] {strides = array<i32>} : memref<64x512xf32, #tpu.memory_space<vmem>>, vector<16xf32>,
          tpu.vector_store %arg7[%swap3A_237, %swap3A_238], %broadcast_in_dim3A_236 {strides = array<i32>} : memref<64x512xf32, #tpu.memory_space<vmem>>, vector<16xf32>,
          %broadcast_in_dim3A_240 = arith.constant 0.000000e+00 : f32
          %broadcast_in_dim3A_241 = vector.broadcast %broadcast_in_dim3A_240 : f32 to vector<16xf32>
          %swap3A_242 = arith.index_cast %scan3A_207 : i32 to index
          %swap3A_243 = arith.constant 96 : index
          %swap3A_244 = tpu.vector_load %arg7[%swap3A_242, %swap3A_243] {strides = array<i32>} : memref<64x512xf32, #tpu.memory_space<vmem>>, vector<16xf32>,
          tpu.vector_store %arg7[%swap3A_242, %swap3A_243], %broadcast_in_dim3A_241 {strides = array<i32>} : memref<64x512xf32, #tpu.memory_space<vmem>>, vector<16xf32>,
          %broadcast_in_dim3A_245 = arith.constant 0.000000e+00 : f32
          %broadcast_in_dim3A_246 = vector.broadcast %broadcast_in_dim3A_245 : f32 to vector<16xf32>
          %swap3A_247 = arith.index_cast %scan3A_207 : i32 to index
          %swap3A_248 = arith.constant 112 : index
          %swap3A_249 = tpu.vector_load %arg7[%swap3A_247, %swap3A_248] {strides = array<i32>} : memref<64x512xf32, #tpu.memory_space<vmem>>, vector<16xf32>,
          tpu.vector_store %arg7[%swap3A_247, %swap3A_248], %broadcast_in_dim3A_246 {strides = array<i32>} : memref<64x512xf32, #tpu.memory_space<vmem>>, vector<16xf32>,
          %broadcast_in_dim3A_250 = arith.constant 0.000000e+00 : f32
          %broadcast_in_dim3A_251 = vector.broadcast %broadcast_in_dim3A_250 : f32 to vector<16xf32>
          %swap3A_252 = arith.index_cast %scan3A_207 : i32 to index
          %swap3A_253 = arith.constant 128 : index
          %swap3A_254 = tpu.vector_load %arg7[%swap3A_252, %swap3A_253] {strides = array<i32>} : memref<64x512xf32, #tpu.memory_space<vmem>>, vector<16xf32>,
          tpu.vector_store %arg7[%swap3A_252, %swap3A_253], %broadcast_in_dim3A_251 {strides = array<i32>} : memref<64x512xf32, #tpu.memory_space<vmem>>, vector<16xf32>,
          %broadcast_in_dim3A_255 = arith.constant 0.000000e+00 : f32
          %broadcast_in_dim3A_256 = vector.broadcast %broadcast_in_dim3A_255 : f32 to vector<16xf32>
          %swap3A_257 = arith.index_cast %scan3A_207 : i32 to index
          %swap3A_258 = arith.constant 144 : index
          %swap3A_259 = tpu.vector_load %arg7[%swap3A_257, %swap3A_258] {strides = array<i32>} : memref<64x512xf32, #tpu.memory_space<vmem>>, vector<16xf32>,
          tpu.vector_store %arg7[%swap3A_257, %swap3A_258], %broadcast_in_dim3A_256 {strides = array<i32>} : memref<64x512xf32, #tpu.memory_space<vmem>>, vector<16xf32>,
          %broadcast_in_dim3A_260 = arith.constant 0.000000e+00 : f32
          %broadcast_in_dim3A_261 = vector.broadcast %broadcast_in_dim3A_260 : f32 to vector<16xf32>
          %swap3A_262 = arith.index_cast %scan3A_207 : i32 to index
          %swap3A_263 = arith.constant 160 : index
          %swap3A_264 = tpu.vector_load %arg7[%swap3A_262, %swap3A_263] {strides = array<i32>} : memref<64x512xf32, #tpu.memory_space<vmem>>, vector<16xf32>,
          tpu.vector_store %arg7[%swap3A_262, %swap3A_263], %broadcast_in_dim3A_261 {strides = array<i32>} : memref<64x512xf32, #tpu.memory_space<vmem>>, vector<16xf32>,
          %broadcast_in_dim3A_265 = arith.constant 0.000000e+00 : f32
          %broadcast_in_dim3A_266 = vector.broadcast %broadcast_in_dim3A_265 : f32 to vector<16xf32>
          %swap3A_267 = arith.index_cast %scan3A_207 : i32 to index
          %swap3A_268 = arith.constant 176 : index
          %swap3A_269 = tpu.vector_load %arg7[%swap3A_267, %swap3A_268] {strides = array<i32>} : memref<64x512xf32, #tpu.memory_space<vmem>>, vector<16xf32>,
          tpu.vector_store %arg7[%swap3A_267, %swap3A_268], %broadcast_in_dim3A_266 {strides = array<i32>} : memref<64x512xf32, #tpu.memory_space<vmem>>, vector<16xf32>,
          %broadcast_in_dim3A_270 = arith.constant 0.000000e+00 : f32
          %broadcast_in_dim3A_271 = vector.broadcast %broadcast_in_dim3A_270 : f32 to vector<16xf32>
          %swap3A_272 = arith.index_cast %scan3A_207 : i32 to index
          %swap3A_273 = arith.constant 192 : index
          %swap3A_274 = tpu.vector_load %arg7[%swap3A_272, %swap3A_273] {strides = array<i32>} : memref<64x512xf32, #tpu.memory_space<vmem>>, vector<16xf32>,
          tpu.vector_store %arg7[%swap3A_272, %swap3A_273], %broadcast_in_dim3A_271 {strides = array<i32>} : memref<64x512xf32, #tpu.memory_space<vmem>>, vector<16xf32>,
          %broadcast_in_dim3A_275 = arith.constant 0.000000e+00 : f32
          %broadcast_in_dim3A_276 = vector.broadcast %broadcast_in_dim3A_275 : f32 to vector<16xf32>
          %swap3A_277 = arith.index_cast %scan3A_207 : i32 to index
          %swap3A_278 = arith.constant 208 : index
          %swap3A_279 = tpu.vector_load %arg7[%swap3A_277, %swap3A_278] {strides = array<i32>} : memref<64x512xf32, #tpu.memory_space<vmem>>, vector<16xf32>,
          tpu.vector_store %arg7[%swap3A_277, %swap3A_278], %broadcast_in_dim3A_276 {strides = array<i32>} : memref<64x512xf32, #tpu.memory_space<vmem>>, vector<16xf32>,
          %broadcast_in_dim3A_280 = arith.constant 0.000000e+00 : f32
          %broadcast_in_dim3A_281 = vector.broadcast %broadcast_in_dim3A_280 : f32 to vector<16xf32>
          %swap3A_282 = arith.index_cast %scan3A_207 : i32 to index
          %swap3A_283 = arith.constant 224 : index
          %swap3A_284 = tpu.vector_load %arg7[%swap3A_282, %swap3A_283] {strides = array<i32>} : memref<64x512xf32, #tpu.memory_space<vmem>>, vector<16xf32>,
          tpu.vector_store %arg7[%swap3A_282, %swap3A_283], %broadcast_in_dim3A_281 {strides = array<i32>} : memref<64x512xf32, #tpu.memory_space<vmem>>, vector<16xf32>,
          %broadcast_in_dim3A_285 = arith.constant 0.000000e+00 : f32
          %broadcast_in_dim3A_286 = vector.broadcast %broadcast_in_dim3A_285 : f32 to vector<16xf32>
          %swap3A_287 = arith.index_cast %scan3A_207 : i32 to index
          %swap3A_288 = arith.constant 240 : index
          %swap3A_289 = tpu.vector_load %arg7[%swap3A_287, %swap3A_288] {strides = array<i32>} : memref<64x512xf32, #tpu.memory_space<vmem>>, vector<16xf32>,
          tpu.vector_store %arg7[%swap3A_287, %swap3A_288], %broadcast_in_dim3A_286 {strides = array<i32>} : memref<64x512xf32, #tpu.memory_space<vmem>>, vector<16xf32>,
          %broadcast_in_dim3A_290 = arith.constant 0.000000e+00 : f32
          %broadcast_in_dim3A_291 = vector.broadcast %broadcast_in_dim3A_290 : f32 to vector<16xf32>
          %swap3A_292 = arith.index_cast %scan3A_207 : i32 to index
          %swap3A_293 = arith.constant 256 : index
          %swap3A_294 = tpu.vector_load %arg7[%swap3A_292, %swap3A_293] {strides = array<i32>} : memref<64x512xf32, #tpu.memory_space<vmem>>, vector<16xf32>,
          tpu.vector_store %arg7[%swap3A_292, %swap3A_293], %broadcast_in_dim3A_291 {strides = array<i32>} : memref<64x512xf32, #tpu.memory_space<vmem>>, vector<16xf32>,
          %broadcast_in_dim3A_295 = arith.constant 0.000000e+00 : f32
          %broadcast_in_dim3A_296 = vector.broadcast %broadcast_in_dim3A_295 : f32 to vector<16xf32>
          %swap3A_297 = arith.index_cast %scan3A_207 : i32 to index
          %swap3A_298 = arith.constant 272 : index
          %swap3A_299 = tpu.vector_load %arg7[%swap3A_297, %swap3A_298] {strides = array<i32>} : memref<64x512xf32, #tpu.memory_space<vmem>>, vector<16xf32>,
          tpu.vector_store %arg7[%swap3A_297, %swap3A_298], %broadcast_in_dim3A_296 {strides = array<i32>} : memref<64x512xf32, #tpu.memory_space<vmem>>, vector<16xf32>,
          %broadcast_in_dim3A_300 = arith.constant 0.000000e+00 : f32
          %broadcast_in_dim3A_301 = vector.broadcast %broadcast_in_dim3A_300 : f32 to vector<16xf32>
          %swap3A_302 = arith.index_cast %scan3A_207 : i32 to index
          %swap3A_303 = arith.constant 288 : index
          %swap3A_304 = tpu.vector_load %arg7[%swap3A_302, %swap3A_303] {strides = array<i32>} : memref<64x512xf32, #tpu.memory_space<vmem>>, vector<16xf32>,
          tpu.vector_store %arg7[%swap3A_302, %swap3A_303], %broadcast_in_dim3A_301 {strides = array<i32>} : memref<64x512xf32, #tpu.memory_space<vmem>>, vector<16xf32>,
          %broadcast_in_dim3A_305 = arith.constant 0.000000e+00 : f32
          %broadcast_in_dim3A_306 = vector.broadcast %broadcast_in_dim3A_305 : f32 to vector<16xf32>
          %swap3A_307 = arith.index_cast %scan3A_207 : i32 to index
          %swap3A_308 = arith.constant 304 : index
          %swap3A_309 = tpu.vector_load %arg7[%swap3A_307, %swap3A_308] {strides = array<i32>} : memref<64x512xf32, #tpu.memory_space<vmem>>, vector<16xf32>,
          tpu.vector_store %arg7[%swap3A_307, %swap3A_308], %broadcast_in_dim3A_306 {strides = array<i32>} : memref<64x512xf32, #tpu.memory_space<vmem>>, vector<16xf32>,
          %broadcast_in_dim3A_310 = arith.constant 0.000000e+00 : f32
          %broadcast_in_dim3A_311 = vector.broadcast %broadcast_in_dim3A_310 : f32 to vector<16xf32>
          %swap3A_312 = arith.index_cast %scan3A_207 : i32 to index
          %swap3A_313 = arith.constant 320 : index
          %swap3A_314 = tpu.vector_load %arg7[%swap3A_312, %swap3A_313] {strides = array<i32>} : memref<64x512xf32, #tpu.memory_space<vmem>>, vector<16xf32>,
          tpu.vector_store %arg7[%swap3A_312, %swap3A_313], %broadcast_in_dim3A_311 {strides = array<i32>} : memref<64x512xf32, #tpu.memory_space<vmem>>, vector<16xf32>,
          %broadcast_in_dim3A_315 = arith.constant 0.000000e+00 : f32
          %broadcast_in_dim3A_316 = vector.broadcast %broadcast_in_dim3A_315 : f32 to vector<16xf32>
          %swap3A_317 = arith.index_cast %scan3A_207 : i32 to index
          %swap3A_318 = arith.constant 336 : index
          %swap3A_319 = tpu.vector_load %arg7[%swap3A_317, %swap3A_318] {strides = array<i32>} : memref<64x512xf32, #tpu.memory_space<vmem>>, vector<16xf32>,
          tpu.vector_store %arg7[%swap3A_317, %swap3A_318], %broadcast_in_dim3A_316 {strides = array<i32>} : memref<64x512xf32, #tpu.memory_space<vmem>>, vector<16xf32>,
          %broadcast_in_dim3A_320 = arith.constant 0.000000e+00 : f32
          %broadcast_in_dim3A_321 = vector.broadcast %broadcast_in_dim3A_320 : f32 to vector<16xf32>
          %swap3A_322 = arith.index_cast %scan3A_207 : i32 to index
          %swap3A_323 = arith.constant 352 : index
          %swap3A_324 = tpu.vector_load %arg7[%swap3A_322, %swap3A_323] {strides = array<i32>} : memref<64x512xf32, #tpu.memory_space<vmem>>, vector<16xf32>,
          tpu.vector_store %arg7[%swap3A_322, %swap3A_323], %broadcast_in_dim3A_321 {strides = array<i32>} : memref<64x512xf32, #tpu.memory_space<vmem>>, vector<16xf32>,
          %broadcast_in_dim3A_325 = arith.constant 0.000000e+00 : f32
          %broadcast_in_dim3A_326 = vector.broadcast %broadcast_in_dim3A_325 : f32 to vector<16xf32>
          %swap3A_327 = arith.index_cast %scan3A_207 : i32 to index
          %swap3A_328 = arith.constant 368 : index
          %swap3A_329 = tpu.vector_load %arg7[%swap3A_327, %swap3A_328] {strides = array<i32>} : memref<64x512xf32, #tpu.memory_space<vmem>>, vector<16xf32>,
          tpu.vector_store %arg7[%swap3A_327, %swap3A_328], %broadcast_in_dim3A_326 {strides = array<i32>} : memref<64x512xf32, #tpu.memory_space<vmem>>, vector<16xf32>,
          %broadcast_in_dim3A_330 = arith.constant 0.000000e+00 : f32
          %broadcast_in_dim3A_331 = vector.broadcast %broadcast_in_dim3A_330 : f32 to vector<16xf32>
          %swap3A_332 = arith.index_cast %scan3A_207 : i32 to index
          %swap3A_333 = arith.constant 384 : index
          %swap3A_334 = tpu.vector_load %arg7[%swap3A_332, %swap3A_333] {strides = array<i32>} : memref<64x512xf32, #tpu.memory_space<vmem>>, vector<16xf32>,
          tpu.vector_store %arg7[%swap3A_332, %swap3A_333], %broadcast_in_dim3A_331 {strides = array<i32>} : memref<64x512xf32, #tpu.memory_space<vmem>>, vector<16xf32>,
          %broadcast_in_dim3A_335 = arith.constant 0.000000e+00 : f32
          %broadcast_in_dim3A_336 = vector.broadcast %broadcast_in_dim3A_335 : f32 to vector<16xf32>
          %swap3A_337 = arith.index_cast %scan3A_207 : i32 to index
          %swap3A_338 = arith.constant 400 : index
          %swap3A_339 = tpu.vector_load %arg7[%swap3A_337, %swap3A_338] {strides = array<i32>} : memref<64x512xf32, #tpu.memory_space<vmem>>, vector<16xf32>,
          tpu.vector_store %arg7[%swap3A_337, %swap3A_338], %broadcast_in_dim3A_336 {strides = array<i32>} : memref<64x512xf32, #tpu.memory_space<vmem>>, vector<16xf32>,
          %broadcast_in_dim3A_340 = arith.constant 0.000000e+00 : f32
          %broadcast_in_dim3A_341 = vector.broadcast %broadcast_in_dim3A_340 : f32 to vector<16xf32>
          %swap3A_342 = arith.index_cast %scan3A_207 : i32 to index
          %swap3A_343 = arith.constant 416 : index
          %swap3A_344 = tpu.vector_load %arg7[%swap3A_342, %swap3A_343] {strides = array<i32>} : memref<64x512xf32, #tpu.memory_space<vmem>>, vector<16xf32>,
          tpu.vector_store %arg7[%swap3A_342, %swap3A_343], %broadcast_in_dim3A_341 {strides = array<i32>} : memref<64x512xf32, #tpu.memory_space<vmem>>, vector<16xf32>,
          %broadcast_in_dim3A_345 = arith.constant 0.000000e+00 : f32
          %broadcast_in_dim3A_346 = vector.broadcast %broadcast_in_dim3A_345 : f32 to vector<16xf32>
          %swap3A_347 = arith.index_cast %scan3A_207 : i32 to index
          %swap3A_348 = arith.constant 432 : index
          %swap3A_349 = tpu.vector_load %arg7[%swap3A_347, %swap3A_348] {strides = array<i32>} : memref<64x512xf32, #tpu.memory_space<vmem>>, vector<16xf32>,
          tpu.vector_store %arg7[%swap3A_347, %swap3A_348], %broadcast_in_dim3A_346 {strides = array<i32>} : memref<64x512xf32, #tpu.memory_space<vmem>>, vector<16xf32>,
          %broadcast_in_dim3A_350 = arith.constant 0.000000e+00 : f32
          %broadcast_in_dim3A_351 = vector.broadcast %broadcast_in_dim3A_350 : f32 to vector<16xf32>
          %swap3A_352 = arith.index_cast %scan3A_207 : i32 to index
          %swap3A_353 = arith.constant 448 : index
          %swap3A_354 = tpu.vector_load %arg7[%swap3A_352, %swap3A_353] {strides = array<i32>} : memref<64x512xf32, #tpu.memory_space<vmem>>, vector<16xf32>,
          tpu.vector_store %arg7[%swap3A_352, %swap3A_353], %broadcast_in_dim3A_351 {strides = array<i32>} : memref<64x512xf32, #tpu.memory_space<vmem>>, vector<16xf32>,
          %broadcast_in_dim3A_355 = arith.constant 0.000000e+00 : f32
          %broadcast_in_dim3A_356 = vector.broadcast %broadcast_in_dim3A_355 : f32 to vector<16xf32>
          %swap3A_357 = arith.index_cast %scan3A_207 : i32 to index
          %swap3A_358 = arith.constant 464 : index
          %swap3A_359 = tpu.vector_load %arg7[%swap3A_357, %swap3A_358] {strides = array<i32>} : memref<64x512xf32, #tpu.memory_space<vmem>>, vector<16xf32>,
          tpu.vector_store %arg7[%swap3A_357, %swap3A_358], %broadcast_in_dim3A_356 {strides = array<i32>} : memref<64x512xf32, #tpu.memory_space<vmem>>, vector<16xf32>,
          %broadcast_in_dim3A_360 = arith.constant 0.000000e+00 : f32
          %broadcast_in_dim3A_361 = vector.broadcast %broadcast_in_dim3A_360 : f32 to vector<16xf32>
          %swap3A_362 = arith.index_cast %scan3A_207 : i32 to index
          %swap3A_363 = arith.constant 480 : index
          %swap3A_364 = tpu.vector_load %arg7[%swap3A_362, %swap3A_363] {strides = array<i32>} : memref<64x512xf32, #tpu.memory_space<vmem>>, vector<16xf32>,
          tpu.vector_store %arg7[%swap3A_362, %swap3A_363], %broadcast_in_dim3A_361 {strides = array<i32>} : memref<64x512xf32, #tpu.memory_space<vmem>>, vector<16xf32>,
          %broadcast_in_dim3A_365 = arith.constant 0.000000e+00 : f32
          %broadcast_in_dim3A_366 = vector.broadcast %broadcast_in_dim3A_365 : f32 to vector<16xf32>
          %swap3A_367 = arith.index_cast %scan3A_207 : i32 to index
          %swap3A_368 = arith.constant 496 : index
          %swap3A_369 = tpu.vector_load %arg7[%swap3A_367, %swap3A_368] {strides = array<i32>} : memref<64x512xf32, #tpu.memory_space<vmem>>, vector<16xf32>,
          tpu.vector_store %arg7[%swap3A_367, %swap3A_368], %broadcast_in_dim3A_366 {strides = array<i32>} : memref<64x512xf32, #tpu.memory_space<vmem>>, vector<16xf32>,
        } else {
        }
      }
      %scan3A_206 = arith.constant 64 : i32
    } else {
    }
    %add3A_138 = arith.constant 256 : i32
    %add3A_139 = arith.addi %mul3A_21, %add3A_138 : i32
    "tpu.region"() ({
      %run_scoped3A = tpu.sem_alloc : memref<!tpu.dma_semaphore, #tpu.memory_space<semaphore_mem>>
      %dma_start3A_201 = arith.constant 0 : i32
      %dma_start3A_202 = tpu.memref_slice %arg4[%add3A_139, %dma_start3A_201] : memref<16384x512xf32, #tpu.memory_space<hbm>> -> memref<64x512xf32, #tpu.memory_space<hbm>>
      %dma_start3A_203 = arith.constant 0 : i32
      %dma_start3A_204 = tpu.memref_slice %arg4[%add3A_139, %dma_start3A_203] : memref<16384x512xf32, #tpu.memory_space<hbm>> -> memref<64x512xf32, #tpu.memory_space<hbm>>
      tpu.enqueue_dma source(%arg7 : memref<64x512xf32, #tpu.memory_space<vmem>>) target(%dma_start3A_204 : memref<64x512xf32, #tpu.memory_space<hbm>>) target_semaphore(%run_scoped3A : memref<!tpu.dma_semaphore, #tpu.memory_space<semaphore_mem>>)
      %dma_wait3A_205 = arith.constant 0 : i32
      %dma_wait3A_206 = tpu.memref_slice %arg4[%add3A_139, %dma_wait3A_205] : memref<16384x512xf32, #tpu.memory_space<hbm>> -> memref<64x512xf32, #tpu.memory_space<hbm>>
      %dma_wait3A_207 = arith.constant 0 : i32
      %dma_wait3A_208 = tpu.memref_slice %arg4[%add3A_139, %dma_wait3A_207] : memref<16384x512xf32, #tpu.memory_space<hbm>> -> memref<64x512xf32, #tpu.memory_space<hbm>>
      tpu.wait_dma2 semaphore(%run_scoped3A : memref<!tpu.dma_semaphore, #tpu.memory_space<semaphore_mem>>) src(%arg7 : memref<64x512xf32, #tpu.memory_space<vmem>>) dst(%dma_wait3A_208 : memref<64x512xf32, #tpu.memory_space<hbm>>)
      tpu.yield
    }) : () -> ()
    %dma_start3A_140 = arith.constant 384 : i32
    %dma_start3A_141 = tpu.memref_slice %arg6[%dma_start3A_140] : memref<512xi32, #tpu.memory_space<vmem>> -> memref<64xi32, #tpu.memory_space<vmem>>
    %dma_start3A_142 = arith.constant 0 : i32
    %dma_start3A_143 = arith.constant 0 : i32
    %dma_start3A_144 = tpu.memref_slice %arg2[%dma_start3A_142, %dma_start3A_143] : memref<65536x512xf32, #tpu.memory_space<hbm>> -> memref<65536x512xf32, #tpu.memory_space<hbm>>
    tpu.enqueue_indirect_dma source(%dma_start3A_144 : memref<65536x512xf32, #tpu.memory_space<hbm>>) target(%arg7 : memref<64x512xf32, #tpu.memory_space<vmem>>) offsets(%dma_start3A_141 : memref<64xi32, #tpu.memory_space<vmem>>) semaphore(%arg9 : memref<!tpu.dma_semaphore, #tpu.memory_space<semaphore_mem>>)
    %dma_wait3A_145 = arith.constant 320 : i32
    %dma_wait3A_146 = tpu.memref_slice %arg6[%dma_wait3A_145] : memref<512xi32, #tpu.memory_space<vmem>> -> memref<64xi32, #tpu.memory_space<vmem>>
    %dma_wait3A_147 = arith.constant 0 : i32
    %dma_wait3A_148 = arith.constant 0 : i32
    %dma_wait3A_149 = tpu.memref_slice %arg2[%dma_wait3A_147, %dma_wait3A_148] : memref<65536x512xf32, #tpu.memory_space<hbm>> -> memref<65536x512xf32, #tpu.memory_space<hbm>>
    tpu.wait_indirect_dma semaphore(%arg10 : memref<!tpu.dma_semaphore, #tpu.memory_space<semaphore_mem>>) src(%dma_wait3A_149 : memref<65536x512xf32, #tpu.memory_space<hbm>>) dst(%arg8 : memref<64x512xf32, #tpu.memory_space<vmem>>)
    %mul3A_150 = arith.constant 512 : i32
    %mul3A_151 = arith.muli %sub3A_19, %mul3A_150 : i32
    %add3A_152 = arith.constant 320 : i32
    %add3A_153 = arith.addi %mul3A_151, %add3A_152 : i32
    %add3A_154 = arith.constant 64 : i32
    %add3A_155 = arith.addi %add3A_153, %add3A_154 : i32
    %gt3A_156 = arith.cmpi sgt, %add3A_155, %squeeze3A : i32
    %convert_element_type3A_157 = arith.extui %gt3A_156 : i1 to i32
    %cond3A_158 = arith.constant 0 : i32
    %cond3A_159 = arith.cmpi ne, %convert_element_type3A_157, %cond3A_158 : i32
    scf.if %cond3A_159 {
      %scan3A_201 = arith.constant 0 : i32
      %scan3A_202 = arith.constant 0 : i32
      %scan3A_203 = arith.constant 64 : i32
      %scan3A_204 = arith.addi %scan3A_202, %scan3A_203 : i32
      %scan3A_205 = arith.constant 1 : i32
      scf.for %scan3A_207 = %scan3A_202 to %scan3A_204 step %scan3A_205  : i32 {
        %add3A_208 = arith.addi %add3A_153, %scan3A_207 : i32
        %ge3A = arith.cmpi sge, %add3A_208, %squeeze3A : i32
        %convert_element_type3A_209 = arith.extui %ge3A : i1 to i32
        %cond3A_210 = arith.constant 0 : i32
        %cond3A_211 = arith.cmpi ne, %convert_element_type3A_209, %cond3A_210 : i32
        scf.if %cond3A_211 {
          %broadcast_in_dim3A = arith.constant 0.000000e+00 : f32
          %broadcast_in_dim3A_212 = vector.broadcast %broadcast_in_dim3A : f32 to vector<16xf32>
          %swap3A = arith.index_cast %scan3A_207 : i32 to index
          %swap3A_213 = arith.constant 0 : index
          %swap3A_214 = tpu.vector_load %arg8[%swap3A, %swap3A_213] {strides = array<i32>} : memref<64x512xf32, #tpu.memory_space<vmem>>, vector<16xf32>,
          tpu.vector_store %arg8[%swap3A, %swap3A_213], %broadcast_in_dim3A_212 {strides = array<i32>} : memref<64x512xf32, #tpu.memory_space<vmem>>, vector<16xf32>,
          %broadcast_in_dim3A_215 = arith.constant 0.000000e+00 : f32
          %broadcast_in_dim3A_216 = vector.broadcast %broadcast_in_dim3A_215 : f32 to vector<16xf32>
          %swap3A_217 = arith.index_cast %scan3A_207 : i32 to index
          %swap3A_218 = arith.constant 16 : index
          %swap3A_219 = tpu.vector_load %arg8[%swap3A_217, %swap3A_218] {strides = array<i32>} : memref<64x512xf32, #tpu.memory_space<vmem>>, vector<16xf32>,
          tpu.vector_store %arg8[%swap3A_217, %swap3A_218], %broadcast_in_dim3A_216 {strides = array<i32>} : memref<64x512xf32, #tpu.memory_space<vmem>>, vector<16xf32>,
          %broadcast_in_dim3A_220 = arith.constant 0.000000e+00 : f32
          %broadcast_in_dim3A_221 = vector.broadcast %broadcast_in_dim3A_220 : f32 to vector<16xf32>
          %swap3A_222 = arith.index_cast %scan3A_207 : i32 to index
          %swap3A_223 = arith.constant 32 : index
          %swap3A_224 = tpu.vector_load %arg8[%swap3A_222, %swap3A_223] {strides = array<i32>} : memref<64x512xf32, #tpu.memory_space<vmem>>, vector<16xf32>,
          tpu.vector_store %arg8[%swap3A_222, %swap3A_223], %broadcast_in_dim3A_221 {strides = array<i32>} : memref<64x512xf32, #tpu.memory_space<vmem>>, vector<16xf32>,
          %broadcast_in_dim3A_225 = arith.constant 0.000000e+00 : f32
          %broadcast_in_dim3A_226 = vector.broadcast %broadcast_in_dim3A_225 : f32 to vector<16xf32>
          %swap3A_227 = arith.index_cast %scan3A_207 : i32 to index
          %swap3A_228 = arith.constant 48 : index
          %swap3A_229 = tpu.vector_load %arg8[%swap3A_227, %swap3A_228] {strides = array<i32>} : memref<64x512xf32, #tpu.memory_space<vmem>>, vector<16xf32>,
          tpu.vector_store %arg8[%swap3A_227, %swap3A_228], %broadcast_in_dim3A_226 {strides = array<i32>} : memref<64x512xf32, #tpu.memory_space<vmem>>, vector<16xf32>,
          %broadcast_in_dim3A_230 = arith.constant 0.000000e+00 : f32
          %broadcast_in_dim3A_231 = vector.broadcast %broadcast_in_dim3A_230 : f32 to vector<16xf32>
          %swap3A_232 = arith.index_cast %scan3A_207 : i32 to index
          %swap3A_233 = arith.constant 64 : index
          %swap3A_234 = tpu.vector_load %arg8[%swap3A_232, %swap3A_233] {strides = array<i32>} : memref<64x512xf32, #tpu.memory_space<vmem>>, vector<16xf32>,
          tpu.vector_store %arg8[%swap3A_232, %swap3A_233], %broadcast_in_dim3A_231 {strides = array<i32>} : memref<64x512xf32, #tpu.memory_space<vmem>>, vector<16xf32>,
          %broadcast_in_dim3A_235 = arith.constant 0.000000e+00 : f32
          %broadcast_in_dim3A_236 = vector.broadcast %broadcast_in_dim3A_235 : f32 to vector<16xf32>
          %swap3A_237 = arith.index_cast %scan3A_207 : i32 to index
          %swap3A_238 = arith.constant 80 : index
          %swap3A_239 = tpu.vector_load %arg8[%swap3A_237, %swap3A_238] {strides = array<i32>} : memref<64x512xf32, #tpu.memory_space<vmem>>, vector<16xf32>,
          tpu.vector_store %arg8[%swap3A_237, %swap3A_238], %broadcast_in_dim3A_236 {strides = array<i32>} : memref<64x512xf32, #tpu.memory_space<vmem>>, vector<16xf32>,
          %broadcast_in_dim3A_240 = arith.constant 0.000000e+00 : f32
          %broadcast_in_dim3A_241 = vector.broadcast %broadcast_in_dim3A_240 : f32 to vector<16xf32>
          %swap3A_242 = arith.index_cast %scan3A_207 : i32 to index
          %swap3A_243 = arith.constant 96 : index
          %swap3A_244 = tpu.vector_load %arg8[%swap3A_242, %swap3A_243] {strides = array<i32>} : memref<64x512xf32, #tpu.memory_space<vmem>>, vector<16xf32>,
          tpu.vector_store %arg8[%swap3A_242, %swap3A_243], %broadcast_in_dim3A_241 {strides = array<i32>} : memref<64x512xf32, #tpu.memory_space<vmem>>, vector<16xf32>,
          %broadcast_in_dim3A_245 = arith.constant 0.000000e+00 : f32
          %broadcast_in_dim3A_246 = vector.broadcast %broadcast_in_dim3A_245 : f32 to vector<16xf32>
          %swap3A_247 = arith.index_cast %scan3A_207 : i32 to index
          %swap3A_248 = arith.constant 112 : index
          %swap3A_249 = tpu.vector_load %arg8[%swap3A_247, %swap3A_248] {strides = array<i32>} : memref<64x512xf32, #tpu.memory_space<vmem>>, vector<16xf32>,
          tpu.vector_store %arg8[%swap3A_247, %swap3A_248], %broadcast_in_dim3A_246 {strides = array<i32>} : memref<64x512xf32, #tpu.memory_space<vmem>>, vector<16xf32>,
          %broadcast_in_dim3A_250 = arith.constant 0.000000e+00 : f32
          %broadcast_in_dim3A_251 = vector.broadcast %broadcast_in_dim3A_250 : f32 to vector<16xf32>
          %swap3A_252 = arith.index_cast %scan3A_207 : i32 to index
          %swap3A_253 = arith.constant 128 : index
          %swap3A_254 = tpu.vector_load %arg8[%swap3A_252, %swap3A_253] {strides = array<i32>} : memref<64x512xf32, #tpu.memory_space<vmem>>, vector<16xf32>,
          tpu.vector_store %arg8[%swap3A_252, %swap3A_253], %broadcast_in_dim3A_251 {strides = array<i32>} : memref<64x512xf32, #tpu.memory_space<vmem>>, vector<16xf32>,
          %broadcast_in_dim3A_255 = arith.constant 0.000000e+00 : f32
          %broadcast_in_dim3A_256 = vector.broadcast %broadcast_in_dim3A_255 : f32 to vector<16xf32>
          %swap3A_257 = arith.index_cast %scan3A_207 : i32 to index
          %swap3A_258 = arith.constant 144 : index
          %swap3A_259 = tpu.vector_load %arg8[%swap3A_257, %swap3A_258] {strides = array<i32>} : memref<64x512xf32, #tpu.memory_space<vmem>>, vector<16xf32>,
          tpu.vector_store %arg8[%swap3A_257, %swap3A_258], %broadcast_in_dim3A_256 {strides = array<i32>} : memref<64x512xf32, #tpu.memory_space<vmem>>, vector<16xf32>,
          %broadcast_in_dim3A_260 = arith.constant 0.000000e+00 : f32
          %broadcast_in_dim3A_261 = vector.broadcast %broadcast_in_dim3A_260 : f32 to vector<16xf32>
          %swap3A_262 = arith.index_cast %scan3A_207 : i32 to index
          %swap3A_263 = arith.constant 160 : index
          %swap3A_264 = tpu.vector_load %arg8[%swap3A_262, %swap3A_263] {strides = array<i32>} : memref<64x512xf32, #tpu.memory_space<vmem>>, vector<16xf32>,
          tpu.vector_store %arg8[%swap3A_262, %swap3A_263], %broadcast_in_dim3A_261 {strides = array<i32>} : memref<64x512xf32, #tpu.memory_space<vmem>>, vector<16xf32>,
          %broadcast_in_dim3A_265 = arith.constant 0.000000e+00 : f32
          %broadcast_in_dim3A_266 = vector.broadcast %broadcast_in_dim3A_265 : f32 to vector<16xf32>
          %swap3A_267 = arith.index_cast %scan3A_207 : i32 to index
          %swap3A_268 = arith.constant 176 : index
          %swap3A_269 = tpu.vector_load %arg8[%swap3A_267, %swap3A_268] {strides = array<i32>} : memref<64x512xf32, #tpu.memory_space<vmem>>, vector<16xf32>,
          tpu.vector_store %arg8[%swap3A_267, %swap3A_268], %broadcast_in_dim3A_266 {strides = array<i32>} : memref<64x512xf32, #tpu.memory_space<vmem>>, vector<16xf32>,
          %broadcast_in_dim3A_270 = arith.constant 0.000000e+00 : f32
          %broadcast_in_dim3A_271 = vector.broadcast %broadcast_in_dim3A_270 : f32 to vector<16xf32>
          %swap3A_272 = arith.index_cast %scan3A_207 : i32 to index
          %swap3A_273 = arith.constant 192 : index
          %swap3A_274 = tpu.vector_load %arg8[%swap3A_272, %swap3A_273] {strides = array<i32>} : memref<64x512xf32, #tpu.memory_space<vmem>>, vector<16xf32>,
          tpu.vector_store %arg8[%swap3A_272, %swap3A_273], %broadcast_in_dim3A_271 {strides = array<i32>} : memref<64x512xf32, #tpu.memory_space<vmem>>, vector<16xf32>,
          %broadcast_in_dim3A_275 = arith.constant 0.000000e+00 : f32
          %broadcast_in_dim3A_276 = vector.broadcast %broadcast_in_dim3A_275 : f32 to vector<16xf32>
          %swap3A_277 = arith.index_cast %scan3A_207 : i32 to index
          %swap3A_278 = arith.constant 208 : index
          %swap3A_279 = tpu.vector_load %arg8[%swap3A_277, %swap3A_278] {strides = array<i32>} : memref<64x512xf32, #tpu.memory_space<vmem>>, vector<16xf32>,
          tpu.vector_store %arg8[%swap3A_277, %swap3A_278], %broadcast_in_dim3A_276 {strides = array<i32>} : memref<64x512xf32, #tpu.memory_space<vmem>>, vector<16xf32>,
          %broadcast_in_dim3A_280 = arith.constant 0.000000e+00 : f32
          %broadcast_in_dim3A_281 = vector.broadcast %broadcast_in_dim3A_280 : f32 to vector<16xf32>
          %swap3A_282 = arith.index_cast %scan3A_207 : i32 to index
          %swap3A_283 = arith.constant 224 : index
          %swap3A_284 = tpu.vector_load %arg8[%swap3A_282, %swap3A_283] {strides = array<i32>} : memref<64x512xf32, #tpu.memory_space<vmem>>, vector<16xf32>,
          tpu.vector_store %arg8[%swap3A_282, %swap3A_283], %broadcast_in_dim3A_281 {strides = array<i32>} : memref<64x512xf32, #tpu.memory_space<vmem>>, vector<16xf32>,
          %broadcast_in_dim3A_285 = arith.constant 0.000000e+00 : f32
          %broadcast_in_dim3A_286 = vector.broadcast %broadcast_in_dim3A_285 : f32 to vector<16xf32>
          %swap3A_287 = arith.index_cast %scan3A_207 : i32 to index
          %swap3A_288 = arith.constant 240 : index
          %swap3A_289 = tpu.vector_load %arg8[%swap3A_287, %swap3A_288] {strides = array<i32>} : memref<64x512xf32, #tpu.memory_space<vmem>>, vector<16xf32>,
          tpu.vector_store %arg8[%swap3A_287, %swap3A_288], %broadcast_in_dim3A_286 {strides = array<i32>} : memref<64x512xf32, #tpu.memory_space<vmem>>, vector<16xf32>,
          %broadcast_in_dim3A_290 = arith.constant 0.000000e+00 : f32
          %broadcast_in_dim3A_291 = vector.broadcast %broadcast_in_dim3A_290 : f32 to vector<16xf32>
          %swap3A_292 = arith.index_cast %scan3A_207 : i32 to index
          %swap3A_293 = arith.constant 256 : index
          %swap3A_294 = tpu.vector_load %arg8[%swap3A_292, %swap3A_293] {strides = array<i32>} : memref<64x512xf32, #tpu.memory_space<vmem>>, vector<16xf32>,
          tpu.vector_store %arg8[%swap3A_292, %swap3A_293], %broadcast_in_dim3A_291 {strides = array<i32>} : memref<64x512xf32, #tpu.memory_space<vmem>>, vector<16xf32>,
          %broadcast_in_dim3A_295 = arith.constant 0.000000e+00 : f32
          %broadcast_in_dim3A_296 = vector.broadcast %broadcast_in_dim3A_295 : f32 to vector<16xf32>
          %swap3A_297 = arith.index_cast %scan3A_207 : i32 to index
          %swap3A_298 = arith.constant 272 : index
          %swap3A_299 = tpu.vector_load %arg8[%swap3A_297, %swap3A_298] {strides = array<i32>} : memref<64x512xf32, #tpu.memory_space<vmem>>, vector<16xf32>,
          tpu.vector_store %arg8[%swap3A_297, %swap3A_298], %broadcast_in_dim3A_296 {strides = array<i32>} : memref<64x512xf32, #tpu.memory_space<vmem>>, vector<16xf32>,
          %broadcast_in_dim3A_300 = arith.constant 0.000000e+00 : f32
          %broadcast_in_dim3A_301 = vector.broadcast %broadcast_in_dim3A_300 : f32 to vector<16xf32>
          %swap3A_302 = arith.index_cast %scan3A_207 : i32 to index
          %swap3A_303 = arith.constant 288 : index
          %swap3A_304 = tpu.vector_load %arg8[%swap3A_302, %swap3A_303] {strides = array<i32>} : memref<64x512xf32, #tpu.memory_space<vmem>>, vector<16xf32>,
          tpu.vector_store %arg8[%swap3A_302, %swap3A_303], %broadcast_in_dim3A_301 {strides = array<i32>} : memref<64x512xf32, #tpu.memory_space<vmem>>, vector<16xf32>,
          %broadcast_in_dim3A_305 = arith.constant 0.000000e+00 : f32
          %broadcast_in_dim3A_306 = vector.broadcast %broadcast_in_dim3A_305 : f32 to vector<16xf32>
          %swap3A_307 = arith.index_cast %scan3A_207 : i32 to index
          %swap3A_308 = arith.constant 304 : index
          %swap3A_309 = tpu.vector_load %arg8[%swap3A_307, %swap3A_308] {strides = array<i32>} : memref<64x512xf32, #tpu.memory_space<vmem>>, vector<16xf32>,
          tpu.vector_store %arg8[%swap3A_307, %swap3A_308], %broadcast_in_dim3A_306 {strides = array<i32>} : memref<64x512xf32, #tpu.memory_space<vmem>>, vector<16xf32>,
          %broadcast_in_dim3A_310 = arith.constant 0.000000e+00 : f32
          %broadcast_in_dim3A_311 = vector.broadcast %broadcast_in_dim3A_310 : f32 to vector<16xf32>
          %swap3A_312 = arith.index_cast %scan3A_207 : i32 to index
          %swap3A_313 = arith.constant 320 : index
          %swap3A_314 = tpu.vector_load %arg8[%swap3A_312, %swap3A_313] {strides = array<i32>} : memref<64x512xf32, #tpu.memory_space<vmem>>, vector<16xf32>,
          tpu.vector_store %arg8[%swap3A_312, %swap3A_313], %broadcast_in_dim3A_311 {strides = array<i32>} : memref<64x512xf32, #tpu.memory_space<vmem>>, vector<16xf32>,
          %broadcast_in_dim3A_315 = arith.constant 0.000000e+00 : f32
          %broadcast_in_dim3A_316 = vector.broadcast %broadcast_in_dim3A_315 : f32 to vector<16xf32>
          %swap3A_317 = arith.index_cast %scan3A_207 : i32 to index
          %swap3A_318 = arith.constant 336 : index
          %swap3A_319 = tpu.vector_load %arg8[%swap3A_317, %swap3A_318] {strides = array<i32>} : memref<64x512xf32, #tpu.memory_space<vmem>>, vector<16xf32>,
          tpu.vector_store %arg8[%swap3A_317, %swap3A_318], %broadcast_in_dim3A_316 {strides = array<i32>} : memref<64x512xf32, #tpu.memory_space<vmem>>, vector<16xf32>,
          %broadcast_in_dim3A_320 = arith.constant 0.000000e+00 : f32
          %broadcast_in_dim3A_321 = vector.broadcast %broadcast_in_dim3A_320 : f32 to vector<16xf32>
          %swap3A_322 = arith.index_cast %scan3A_207 : i32 to index
          %swap3A_323 = arith.constant 352 : index
          %swap3A_324 = tpu.vector_load %arg8[%swap3A_322, %swap3A_323] {strides = array<i32>} : memref<64x512xf32, #tpu.memory_space<vmem>>, vector<16xf32>,
          tpu.vector_store %arg8[%swap3A_322, %swap3A_323], %broadcast_in_dim3A_321 {strides = array<i32>} : memref<64x512xf32, #tpu.memory_space<vmem>>, vector<16xf32>,
          %broadcast_in_dim3A_325 = arith.constant 0.000000e+00 : f32
          %broadcast_in_dim3A_326 = vector.broadcast %broadcast_in_dim3A_325 : f32 to vector<16xf32>
          %swap3A_327 = arith.index_cast %scan3A_207 : i32 to index
          %swap3A_328 = arith.constant 368 : index
          %swap3A_329 = tpu.vector_load %arg8[%swap3A_327, %swap3A_328] {strides = array<i32>} : memref<64x512xf32, #tpu.memory_space<vmem>>, vector<16xf32>,
          tpu.vector_store %arg8[%swap3A_327, %swap3A_328], %broadcast_in_dim3A_326 {strides = array<i32>} : memref<64x512xf32, #tpu.memory_space<vmem>>, vector<16xf32>,
          %broadcast_in_dim3A_330 = arith.constant 0.000000e+00 : f32
          %broadcast_in_dim3A_331 = vector.broadcast %broadcast_in_dim3A_330 : f32 to vector<16xf32>
          %swap3A_332 = arith.index_cast %scan3A_207 : i32 to index
          %swap3A_333 = arith.constant 384 : index
          %swap3A_334 = tpu.vector_load %arg8[%swap3A_332, %swap3A_333] {strides = array<i32>} : memref<64x512xf32, #tpu.memory_space<vmem>>, vector<16xf32>,
          tpu.vector_store %arg8[%swap3A_332, %swap3A_333], %broadcast_in_dim3A_331 {strides = array<i32>} : memref<64x512xf32, #tpu.memory_space<vmem>>, vector<16xf32>,
          %broadcast_in_dim3A_335 = arith.constant 0.000000e+00 : f32
          %broadcast_in_dim3A_336 = vector.broadcast %broadcast_in_dim3A_335 : f32 to vector<16xf32>
          %swap3A_337 = arith.index_cast %scan3A_207 : i32 to index
          %swap3A_338 = arith.constant 400 : index
          %swap3A_339 = tpu.vector_load %arg8[%swap3A_337, %swap3A_338] {strides = array<i32>} : memref<64x512xf32, #tpu.memory_space<vmem>>, vector<16xf32>,
          tpu.vector_store %arg8[%swap3A_337, %swap3A_338], %broadcast_in_dim3A_336 {strides = array<i32>} : memref<64x512xf32, #tpu.memory_space<vmem>>, vector<16xf32>,
          %broadcast_in_dim3A_340 = arith.constant 0.000000e+00 : f32
          %broadcast_in_dim3A_341 = vector.broadcast %broadcast_in_dim3A_340 : f32 to vector<16xf32>
          %swap3A_342 = arith.index_cast %scan3A_207 : i32 to index
          %swap3A_343 = arith.constant 416 : index
          %swap3A_344 = tpu.vector_load %arg8[%swap3A_342, %swap3A_343] {strides = array<i32>} : memref<64x512xf32, #tpu.memory_space<vmem>>, vector<16xf32>,
          tpu.vector_store %arg8[%swap3A_342, %swap3A_343], %broadcast_in_dim3A_341 {strides = array<i32>} : memref<64x512xf32, #tpu.memory_space<vmem>>, vector<16xf32>,
          %broadcast_in_dim3A_345 = arith.constant 0.000000e+00 : f32
          %broadcast_in_dim3A_346 = vector.broadcast %broadcast_in_dim3A_345 : f32 to vector<16xf32>
          %swap3A_347 = arith.index_cast %scan3A_207 : i32 to index
          %swap3A_348 = arith.constant 432 : index
          %swap3A_349 = tpu.vector_load %arg8[%swap3A_347, %swap3A_348] {strides = array<i32>} : memref<64x512xf32, #tpu.memory_space<vmem>>, vector<16xf32>,
          tpu.vector_store %arg8[%swap3A_347, %swap3A_348], %broadcast_in_dim3A_346 {strides = array<i32>} : memref<64x512xf32, #tpu.memory_space<vmem>>, vector<16xf32>,
          %broadcast_in_dim3A_350 = arith.constant 0.000000e+00 : f32
          %broadcast_in_dim3A_351 = vector.broadcast %broadcast_in_dim3A_350 : f32 to vector<16xf32>
          %swap3A_352 = arith.index_cast %scan3A_207 : i32 to index
          %swap3A_353 = arith.constant 448 : index
          %swap3A_354 = tpu.vector_load %arg8[%swap3A_352, %swap3A_353] {strides = array<i32>} : memref<64x512xf32, #tpu.memory_space<vmem>>, vector<16xf32>,
          tpu.vector_store %arg8[%swap3A_352, %swap3A_353], %broadcast_in_dim3A_351 {strides = array<i32>} : memref<64x512xf32, #tpu.memory_space<vmem>>, vector<16xf32>,
          %broadcast_in_dim3A_355 = arith.constant 0.000000e+00 : f32
          %broadcast_in_dim3A_356 = vector.broadcast %broadcast_in_dim3A_355 : f32 to vector<16xf32>
          %swap3A_357 = arith.index_cast %scan3A_207 : i32 to index
          %swap3A_358 = arith.constant 464 : index
          %swap3A_359 = tpu.vector_load %arg8[%swap3A_357, %swap3A_358] {strides = array<i32>} : memref<64x512xf32, #tpu.memory_space<vmem>>, vector<16xf32>,
          tpu.vector_store %arg8[%swap3A_357, %swap3A_358], %broadcast_in_dim3A_356 {strides = array<i32>} : memref<64x512xf32, #tpu.memory_space<vmem>>, vector<16xf32>,
          %broadcast_in_dim3A_360 = arith.constant 0.000000e+00 : f32
          %broadcast_in_dim3A_361 = vector.broadcast %broadcast_in_dim3A_360 : f32 to vector<16xf32>
          %swap3A_362 = arith.index_cast %scan3A_207 : i32 to index
          %swap3A_363 = arith.constant 480 : index
          %swap3A_364 = tpu.vector_load %arg8[%swap3A_362, %swap3A_363] {strides = array<i32>} : memref<64x512xf32, #tpu.memory_space<vmem>>, vector<16xf32>,
          tpu.vector_store %arg8[%swap3A_362, %swap3A_363], %broadcast_in_dim3A_361 {strides = array<i32>} : memref<64x512xf32, #tpu.memory_space<vmem>>, vector<16xf32>,
          %broadcast_in_dim3A_365 = arith.constant 0.000000e+00 : f32
          %broadcast_in_dim3A_366 = vector.broadcast %broadcast_in_dim3A_365 : f32 to vector<16xf32>
          %swap3A_367 = arith.index_cast %scan3A_207 : i32 to index
          %swap3A_368 = arith.constant 496 : index
          %swap3A_369 = tpu.vector_load %arg8[%swap3A_367, %swap3A_368] {strides = array<i32>} : memref<64x512xf32, #tpu.memory_space<vmem>>, vector<16xf32>,
          tpu.vector_store %arg8[%swap3A_367, %swap3A_368], %broadcast_in_dim3A_366 {strides = array<i32>} : memref<64x512xf32, #tpu.memory_space<vmem>>, vector<16xf32>,
        } else {
        }
      }
      %scan3A_206 = arith.constant 64 : i32
    } else {
    }
    %add3A_160 = arith.constant 320 : i32
    %add3A_161 = arith.addi %mul3A_21, %add3A_160 : i32
    "tpu.region"() ({
      %run_scoped3A = tpu.sem_alloc : memref<!tpu.dma_semaphore, #tpu.memory_space<semaphore_mem>>
      %dma_start3A_201 = arith.constant 0 : i32
      %dma_start3A_202 = tpu.memref_slice %arg4[%add3A_161, %dma_start3A_201] : memref<16384x512xf32, #tpu.memory_space<hbm>> -> memref<64x512xf32, #tpu.memory_space<hbm>>
      %dma_start3A_203 = arith.constant 0 : i32
      %dma_start3A_204 = tpu.memref_slice %arg4[%add3A_161, %dma_start3A_203] : memref<16384x512xf32, #tpu.memory_space<hbm>> -> memref<64x512xf32, #tpu.memory_space<hbm>>
      tpu.enqueue_dma source(%arg8 : memref<64x512xf32, #tpu.memory_space<vmem>>) target(%dma_start3A_204 : memref<64x512xf32, #tpu.memory_space<hbm>>) target_semaphore(%run_scoped3A : memref<!tpu.dma_semaphore, #tpu.memory_space<semaphore_mem>>)
      %dma_wait3A_205 = arith.constant 0 : i32
      %dma_wait3A_206 = tpu.memref_slice %arg4[%add3A_161, %dma_wait3A_205] : memref<16384x512xf32, #tpu.memory_space<hbm>> -> memref<64x512xf32, #tpu.memory_space<hbm>>
      %dma_wait3A_207 = arith.constant 0 : i32
      %dma_wait3A_208 = tpu.memref_slice %arg4[%add3A_161, %dma_wait3A_207] : memref<16384x512xf32, #tpu.memory_space<hbm>> -> memref<64x512xf32, #tpu.memory_space<hbm>>
      tpu.wait_dma2 semaphore(%run_scoped3A : memref<!tpu.dma_semaphore, #tpu.memory_space<semaphore_mem>>) src(%arg8 : memref<64x512xf32, #tpu.memory_space<vmem>>) dst(%dma_wait3A_208 : memref<64x512xf32, #tpu.memory_space<hbm>>)
      tpu.yield
    }) : () -> ()
    %dma_start3A_162 = arith.constant 448 : i32
    %dma_start3A_163 = tpu.memref_slice %arg6[%dma_start3A_162] : memref<512xi32, #tpu.memory_space<vmem>> -> memref<64xi32, #tpu.memory_space<vmem>>
    %dma_start3A_164 = arith.constant 0 : i32
    %dma_start3A_165 = arith.constant 0 : i32
    %dma_start3A_166 = tpu.memref_slice %arg2[%dma_start3A_164, %dma_start3A_165] : memref<65536x512xf32, #tpu.memory_space<hbm>> -> memref<65536x512xf32, #tpu.memory_space<hbm>>
    tpu.enqueue_indirect_dma source(%dma_start3A_166 : memref<65536x512xf32, #tpu.memory_space<hbm>>) target(%arg8 : memref<64x512xf32, #tpu.memory_space<vmem>>) offsets(%dma_start3A_163 : memref<64xi32, #tpu.memory_space<vmem>>) semaphore(%arg10 : memref<!tpu.dma_semaphore, #tpu.memory_space<semaphore_mem>>)
    %dma_wait3A_167 = arith.constant 384 : i32
    %dma_wait3A_168 = tpu.memref_slice %arg6[%dma_wait3A_167] : memref<512xi32, #tpu.memory_space<vmem>> -> memref<64xi32, #tpu.memory_space<vmem>>
    %dma_wait3A_169 = arith.constant 0 : i32
    %dma_wait3A_170 = arith.constant 0 : i32
    %dma_wait3A_171 = tpu.memref_slice %arg2[%dma_wait3A_169, %dma_wait3A_170] : memref<65536x512xf32, #tpu.memory_space<hbm>> -> memref<65536x512xf32, #tpu.memory_space<hbm>>
    tpu.wait_indirect_dma semaphore(%arg9 : memref<!tpu.dma_semaphore, #tpu.memory_space<semaphore_mem>>) src(%dma_wait3A_171 : memref<65536x512xf32, #tpu.memory_space<hbm>>) dst(%arg7 : memref<64x512xf32, #tpu.memory_space<vmem>>)
    %mul3A_172 = arith.constant 512 : i32
    %mul3A_173 = arith.muli %sub3A_19, %mul3A_172 : i32
    %add3A_174 = arith.constant 384 : i32
    %add3A_175 = arith.addi %mul3A_173, %add3A_174 : i32
    %add3A_176 = arith.constant 64 : i32
    %add3A_177 = arith.addi %add3A_175, %add3A_176 : i32
    %gt3A_178 = arith.cmpi sgt, %add3A_177, %squeeze3A : i32
    %convert_element_type3A_179 = arith.extui %gt3A_178 : i1 to i32
    %cond3A_180 = arith.constant 0 : i32
    %cond3A_181 = arith.cmpi ne, %convert_element_type3A_179, %cond3A_180 : i32
    scf.if %cond3A_181 {
      %scan3A_201 = arith.constant 0 : i32
      %scan3A_202 = arith.constant 0 : i32
      %scan3A_203 = arith.constant 64 : i32
      %scan3A_204 = arith.addi %scan3A_202, %scan3A_203 : i32
      %scan3A_205 = arith.constant 1 : i32
      scf.for %scan3A_207 = %scan3A_202 to %scan3A_204 step %scan3A_205  : i32 {
        %add3A_208 = arith.addi %add3A_175, %scan3A_207 : i32
        %ge3A = arith.cmpi sge, %add3A_208, %squeeze3A : i32
        %convert_element_type3A_209 = arith.extui %ge3A : i1 to i32
        %cond3A_210 = arith.constant 0 : i32
        %cond3A_211 = arith.cmpi ne, %convert_element_type3A_209, %cond3A_210 : i32
        scf.if %cond3A_211 {
          %broadcast_in_dim3A = arith.constant 0.000000e+00 : f32
          %broadcast_in_dim3A_212 = vector.broadcast %broadcast_in_dim3A : f32 to vector<16xf32>
          %swap3A = arith.index_cast %scan3A_207 : i32 to index
          %swap3A_213 = arith.constant 0 : index
          %swap3A_214 = tpu.vector_load %arg7[%swap3A, %swap3A_213] {strides = array<i32>} : memref<64x512xf32, #tpu.memory_space<vmem>>, vector<16xf32>,
          tpu.vector_store %arg7[%swap3A, %swap3A_213], %broadcast_in_dim3A_212 {strides = array<i32>} : memref<64x512xf32, #tpu.memory_space<vmem>>, vector<16xf32>,
          %broadcast_in_dim3A_215 = arith.constant 0.000000e+00 : f32
          %broadcast_in_dim3A_216 = vector.broadcast %broadcast_in_dim3A_215 : f32 to vector<16xf32>
          %swap3A_217 = arith.index_cast %scan3A_207 : i32 to index
          %swap3A_218 = arith.constant 16 : index
          %swap3A_219 = tpu.vector_load %arg7[%swap3A_217, %swap3A_218] {strides = array<i32>} : memref<64x512xf32, #tpu.memory_space<vmem>>, vector<16xf32>,
          tpu.vector_store %arg7[%swap3A_217, %swap3A_218], %broadcast_in_dim3A_216 {strides = array<i32>} : memref<64x512xf32, #tpu.memory_space<vmem>>, vector<16xf32>,
          %broadcast_in_dim3A_220 = arith.constant 0.000000e+00 : f32
          %broadcast_in_dim3A_221 = vector.broadcast %broadcast_in_dim3A_220 : f32 to vector<16xf32>
          %swap3A_222 = arith.index_cast %scan3A_207 : i32 to index
          %swap3A_223 = arith.constant 32 : index
          %swap3A_224 = tpu.vector_load %arg7[%swap3A_222, %swap3A_223] {strides = array<i32>} : memref<64x512xf32, #tpu.memory_space<vmem>>, vector<16xf32>,
          tpu.vector_store %arg7[%swap3A_222, %swap3A_223], %broadcast_in_dim3A_221 {strides = array<i32>} : memref<64x512xf32, #tpu.memory_space<vmem>>, vector<16xf32>,
          %broadcast_in_dim3A_225 = arith.constant 0.000000e+00 : f32
          %broadcast_in_dim3A_226 = vector.broadcast %broadcast_in_dim3A_225 : f32 to vector<16xf32>
          %swap3A_227 = arith.index_cast %scan3A_207 : i32 to index
          %swap3A_228 = arith.constant 48 : index
          %swap3A_229 = tpu.vector_load %arg7[%swap3A_227, %swap3A_228] {strides = array<i32>} : memref<64x512xf32, #tpu.memory_space<vmem>>, vector<16xf32>,
          tpu.vector_store %arg7[%swap3A_227, %swap3A_228], %broadcast_in_dim3A_226 {strides = array<i32>} : memref<64x512xf32, #tpu.memory_space<vmem>>, vector<16xf32>,
          %broadcast_in_dim3A_230 = arith.constant 0.000000e+00 : f32
          %broadcast_in_dim3A_231 = vector.broadcast %broadcast_in_dim3A_230 : f32 to vector<16xf32>
          %swap3A_232 = arith.index_cast %scan3A_207 : i32 to index
          %swap3A_233 = arith.constant 64 : index
          %swap3A_234 = tpu.vector_load %arg7[%swap3A_232, %swap3A_233] {strides = array<i32>} : memref<64x512xf32, #tpu.memory_space<vmem>>, vector<16xf32>,
          tpu.vector_store %arg7[%swap3A_232, %swap3A_233], %broadcast_in_dim3A_231 {strides = array<i32>} : memref<64x512xf32, #tpu.memory_space<vmem>>, vector<16xf32>,
          %broadcast_in_dim3A_235 = arith.constant 0.000000e+00 : f32
          %broadcast_in_dim3A_236 = vector.broadcast %broadcast_in_dim3A_235 : f32 to vector<16xf32>
          %swap3A_237 = arith.index_cast %scan3A_207 : i32 to index
          %swap3A_238 = arith.constant 80 : index
          %swap3A_239 = tpu.vector_load %arg7[%swap3A_237, %swap3A_238] {strides = array<i32>} : memref<64x512xf32, #tpu.memory_space<vmem>>, vector<16xf32>,
          tpu.vector_store %arg7[%swap3A_237, %swap3A_238], %broadcast_in_dim3A_236 {strides = array<i32>} : memref<64x512xf32, #tpu.memory_space<vmem>>, vector<16xf32>,
          %broadcast_in_dim3A_240 = arith.constant 0.000000e+00 : f32
          %broadcast_in_dim3A_241 = vector.broadcast %broadcast_in_dim3A_240 : f32 to vector<16xf32>
          %swap3A_242 = arith.index_cast %scan3A_207 : i32 to index
          %swap3A_243 = arith.constant 96 : index
          %swap3A_244 = tpu.vector_load %arg7[%swap3A_242, %swap3A_243] {strides = array<i32>} : memref<64x512xf32, #tpu.memory_space<vmem>>, vector<16xf32>,
          tpu.vector_store %arg7[%swap3A_242, %swap3A_243], %broadcast_in_dim3A_241 {strides = array<i32>} : memref<64x512xf32, #tpu.memory_space<vmem>>, vector<16xf32>,
          %broadcast_in_dim3A_245 = arith.constant 0.000000e+00 : f32
          %broadcast_in_dim3A_246 = vector.broadcast %broadcast_in_dim3A_245 : f32 to vector<16xf32>
          %swap3A_247 = arith.index_cast %scan3A_207 : i32 to index
          %swap3A_248 = arith.constant 112 : index
          %swap3A_249 = tpu.vector_load %arg7[%swap3A_247, %swap3A_248] {strides = array<i32>} : memref<64x512xf32, #tpu.memory_space<vmem>>, vector<16xf32>,
          tpu.vector_store %arg7[%swap3A_247, %swap3A_248], %broadcast_in_dim3A_246 {strides = array<i32>} : memref<64x512xf32, #tpu.memory_space<vmem>>, vector<16xf32>,
          %broadcast_in_dim3A_250 = arith.constant 0.000000e+00 : f32
          %broadcast_in_dim3A_251 = vector.broadcast %broadcast_in_dim3A_250 : f32 to vector<16xf32>
          %swap3A_252 = arith.index_cast %scan3A_207 : i32 to index
          %swap3A_253 = arith.constant 128 : index
          %swap3A_254 = tpu.vector_load %arg7[%swap3A_252, %swap3A_253] {strides = array<i32>} : memref<64x512xf32, #tpu.memory_space<vmem>>, vector<16xf32>,
          tpu.vector_store %arg7[%swap3A_252, %swap3A_253], %broadcast_in_dim3A_251 {strides = array<i32>} : memref<64x512xf32, #tpu.memory_space<vmem>>, vector<16xf32>,
          %broadcast_in_dim3A_255 = arith.constant 0.000000e+00 : f32
          %broadcast_in_dim3A_256 = vector.broadcast %broadcast_in_dim3A_255 : f32 to vector<16xf32>
          %swap3A_257 = arith.index_cast %scan3A_207 : i32 to index
          %swap3A_258 = arith.constant 144 : index
          %swap3A_259 = tpu.vector_load %arg7[%swap3A_257, %swap3A_258] {strides = array<i32>} : memref<64x512xf32, #tpu.memory_space<vmem>>, vector<16xf32>,
          tpu.vector_store %arg7[%swap3A_257, %swap3A_258], %broadcast_in_dim3A_256 {strides = array<i32>} : memref<64x512xf32, #tpu.memory_space<vmem>>, vector<16xf32>,
          %broadcast_in_dim3A_260 = arith.constant 0.000000e+00 : f32
          %broadcast_in_dim3A_261 = vector.broadcast %broadcast_in_dim3A_260 : f32 to vector<16xf32>
          %swap3A_262 = arith.index_cast %scan3A_207 : i32 to index
          %swap3A_263 = arith.constant 160 : index
          %swap3A_264 = tpu.vector_load %arg7[%swap3A_262, %swap3A_263] {strides = array<i32>} : memref<64x512xf32, #tpu.memory_space<vmem>>, vector<16xf32>,
          tpu.vector_store %arg7[%swap3A_262, %swap3A_263], %broadcast_in_dim3A_261 {strides = array<i32>} : memref<64x512xf32, #tpu.memory_space<vmem>>, vector<16xf32>,
          %broadcast_in_dim3A_265 = arith.constant 0.000000e+00 : f32
          %broadcast_in_dim3A_266 = vector.broadcast %broadcast_in_dim3A_265 : f32 to vector<16xf32>
          %swap3A_267 = arith.index_cast %scan3A_207 : i32 to index
          %swap3A_268 = arith.constant 176 : index
          %swap3A_269 = tpu.vector_load %arg7[%swap3A_267, %swap3A_268] {strides = array<i32>} : memref<64x512xf32, #tpu.memory_space<vmem>>, vector<16xf32>,
          tpu.vector_store %arg7[%swap3A_267, %swap3A_268], %broadcast_in_dim3A_266 {strides = array<i32>} : memref<64x512xf32, #tpu.memory_space<vmem>>, vector<16xf32>,
          %broadcast_in_dim3A_270 = arith.constant 0.000000e+00 : f32
          %broadcast_in_dim3A_271 = vector.broadcast %broadcast_in_dim3A_270 : f32 to vector<16xf32>
          %swap3A_272 = arith.index_cast %scan3A_207 : i32 to index
          %swap3A_273 = arith.constant 192 : index
          %swap3A_274 = tpu.vector_load %arg7[%swap3A_272, %swap3A_273] {strides = array<i32>} : memref<64x512xf32, #tpu.memory_space<vmem>>, vector<16xf32>,
          tpu.vector_store %arg7[%swap3A_272, %swap3A_273], %broadcast_in_dim3A_271 {strides = array<i32>} : memref<64x512xf32, #tpu.memory_space<vmem>>, vector<16xf32>,
          %broadcast_in_dim3A_275 = arith.constant 0.000000e+00 : f32
          %broadcast_in_dim3A_276 = vector.broadcast %broadcast_in_dim3A_275 : f32 to vector<16xf32>
          %swap3A_277 = arith.index_cast %scan3A_207 : i32 to index
          %swap3A_278 = arith.constant 208 : index
          %swap3A_279 = tpu.vector_load %arg7[%swap3A_277, %swap3A_278] {strides = array<i32>} : memref<64x512xf32, #tpu.memory_space<vmem>>, vector<16xf32>,
          tpu.vector_store %arg7[%swap3A_277, %swap3A_278], %broadcast_in_dim3A_276 {strides = array<i32>} : memref<64x512xf32, #tpu.memory_space<vmem>>, vector<16xf32>,
          %broadcast_in_dim3A_280 = arith.constant 0.000000e+00 : f32
          %broadcast_in_dim3A_281 = vector.broadcast %broadcast_in_dim3A_280 : f32 to vector<16xf32>
          %swap3A_282 = arith.index_cast %scan3A_207 : i32 to index
          %swap3A_283 = arith.constant 224 : index
          %swap3A_284 = tpu.vector_load %arg7[%swap3A_282, %swap3A_283] {strides = array<i32>} : memref<64x512xf32, #tpu.memory_space<vmem>>, vector<16xf32>,
          tpu.vector_store %arg7[%swap3A_282, %swap3A_283], %broadcast_in_dim3A_281 {strides = array<i32>} : memref<64x512xf32, #tpu.memory_space<vmem>>, vector<16xf32>,
          %broadcast_in_dim3A_285 = arith.constant 0.000000e+00 : f32
          %broadcast_in_dim3A_286 = vector.broadcast %broadcast_in_dim3A_285 : f32 to vector<16xf32>
          %swap3A_287 = arith.index_cast %scan3A_207 : i32 to index
          %swap3A_288 = arith.constant 240 : index
          %swap3A_289 = tpu.vector_load %arg7[%swap3A_287, %swap3A_288] {strides = array<i32>} : memref<64x512xf32, #tpu.memory_space<vmem>>, vector<16xf32>,
          tpu.vector_store %arg7[%swap3A_287, %swap3A_288], %broadcast_in_dim3A_286 {strides = array<i32>} : memref<64x512xf32, #tpu.memory_space<vmem>>, vector<16xf32>,
          %broadcast_in_dim3A_290 = arith.constant 0.000000e+00 : f32
          %broadcast_in_dim3A_291 = vector.broadcast %broadcast_in_dim3A_290 : f32 to vector<16xf32>
          %swap3A_292 = arith.index_cast %scan3A_207 : i32 to index
          %swap3A_293 = arith.constant 256 : index
          %swap3A_294 = tpu.vector_load %arg7[%swap3A_292, %swap3A_293] {strides = array<i32>} : memref<64x512xf32, #tpu.memory_space<vmem>>, vector<16xf32>,
          tpu.vector_store %arg7[%swap3A_292, %swap3A_293], %broadcast_in_dim3A_291 {strides = array<i32>} : memref<64x512xf32, #tpu.memory_space<vmem>>, vector<16xf32>,
          %broadcast_in_dim3A_295 = arith.constant 0.000000e+00 : f32
          %broadcast_in_dim3A_296 = vector.broadcast %broadcast_in_dim3A_295 : f32 to vector<16xf32>
          %swap3A_297 = arith.index_cast %scan3A_207 : i32 to index
          %swap3A_298 = arith.constant 272 : index
          %swap3A_299 = tpu.vector_load %arg7[%swap3A_297, %swap3A_298] {strides = array<i32>} : memref<64x512xf32, #tpu.memory_space<vmem>>, vector<16xf32>,
          tpu.vector_store %arg7[%swap3A_297, %swap3A_298], %broadcast_in_dim3A_296 {strides = array<i32>} : memref<64x512xf32, #tpu.memory_space<vmem>>, vector<16xf32>,
          %broadcast_in_dim3A_300 = arith.constant 0.000000e+00 : f32
          %broadcast_in_dim3A_301 = vector.broadcast %broadcast_in_dim3A_300 : f32 to vector<16xf32>
          %swap3A_302 = arith.index_cast %scan3A_207 : i32 to index
          %swap3A_303 = arith.constant 288 : index
          %swap3A_304 = tpu.vector_load %arg7[%swap3A_302, %swap3A_303] {strides = array<i32>} : memref<64x512xf32, #tpu.memory_space<vmem>>, vector<16xf32>,
          tpu.vector_store %arg7[%swap3A_302, %swap3A_303], %broadcast_in_dim3A_301 {strides = array<i32>} : memref<64x512xf32, #tpu.memory_space<vmem>>, vector<16xf32>,
          %broadcast_in_dim3A_305 = arith.constant 0.000000e+00 : f32
          %broadcast_in_dim3A_306 = vector.broadcast %broadcast_in_dim3A_305 : f32 to vector<16xf32>
          %swap3A_307 = arith.index_cast %scan3A_207 : i32 to index
          %swap3A_308 = arith.constant 304 : index
          %swap3A_309 = tpu.vector_load %arg7[%swap3A_307, %swap3A_308] {strides = array<i32>} : memref<64x512xf32, #tpu.memory_space<vmem>>, vector<16xf32>,
          tpu.vector_store %arg7[%swap3A_307, %swap3A_308], %broadcast_in_dim3A_306 {strides = array<i32>} : memref<64x512xf32, #tpu.memory_space<vmem>>, vector<16xf32>,
          %broadcast_in_dim3A_310 = arith.constant 0.000000e+00 : f32
          %broadcast_in_dim3A_311 = vector.broadcast %broadcast_in_dim3A_310 : f32 to vector<16xf32>
          %swap3A_312 = arith.index_cast %scan3A_207 : i32 to index
          %swap3A_313 = arith.constant 320 : index
          %swap3A_314 = tpu.vector_load %arg7[%swap3A_312, %swap3A_313] {strides = array<i32>} : memref<64x512xf32, #tpu.memory_space<vmem>>, vector<16xf32>,
          tpu.vector_store %arg7[%swap3A_312, %swap3A_313], %broadcast_in_dim3A_311 {strides = array<i32>} : memref<64x512xf32, #tpu.memory_space<vmem>>, vector<16xf32>,
          %broadcast_in_dim3A_315 = arith.constant 0.000000e+00 : f32
          %broadcast_in_dim3A_316 = vector.broadcast %broadcast_in_dim3A_315 : f32 to vector<16xf32>
          %swap3A_317 = arith.index_cast %scan3A_207 : i32 to index
          %swap3A_318 = arith.constant 336 : index
          %swap3A_319 = tpu.vector_load %arg7[%swap3A_317, %swap3A_318] {strides = array<i32>} : memref<64x512xf32, #tpu.memory_space<vmem>>, vector<16xf32>,
          tpu.vector_store %arg7[%swap3A_317, %swap3A_318], %broadcast_in_dim3A_316 {strides = array<i32>} : memref<64x512xf32, #tpu.memory_space<vmem>>, vector<16xf32>,
          %broadcast_in_dim3A_320 = arith.constant 0.000000e+00 : f32
          %broadcast_in_dim3A_321 = vector.broadcast %broadcast_in_dim3A_320 : f32 to vector<16xf32>
          %swap3A_322 = arith.index_cast %scan3A_207 : i32 to index
          %swap3A_323 = arith.constant 352 : index
          %swap3A_324 = tpu.vector_load %arg7[%swap3A_322, %swap3A_323] {strides = array<i32>} : memref<64x512xf32, #tpu.memory_space<vmem>>, vector<16xf32>,
          tpu.vector_store %arg7[%swap3A_322, %swap3A_323], %broadcast_in_dim3A_321 {strides = array<i32>} : memref<64x512xf32, #tpu.memory_space<vmem>>, vector<16xf32>,
          %broadcast_in_dim3A_325 = arith.constant 0.000000e+00 : f32
          %broadcast_in_dim3A_326 = vector.broadcast %broadcast_in_dim3A_325 : f32 to vector<16xf32>
          %swap3A_327 = arith.index_cast %scan3A_207 : i32 to index
          %swap3A_328 = arith.constant 368 : index
          %swap3A_329 = tpu.vector_load %arg7[%swap3A_327, %swap3A_328] {strides = array<i32>} : memref<64x512xf32, #tpu.memory_space<vmem>>, vector<16xf32>,
          tpu.vector_store %arg7[%swap3A_327, %swap3A_328], %broadcast_in_dim3A_326 {strides = array<i32>} : memref<64x512xf32, #tpu.memory_space<vmem>>, vector<16xf32>,
          %broadcast_in_dim3A_330 = arith.constant 0.000000e+00 : f32
          %broadcast_in_dim3A_331 = vector.broadcast %broadcast_in_dim3A_330 : f32 to vector<16xf32>
          %swap3A_332 = arith.index_cast %scan3A_207 : i32 to index
          %swap3A_333 = arith.constant 384 : index
          %swap3A_334 = tpu.vector_load %arg7[%swap3A_332, %swap3A_333] {strides = array<i32>} : memref<64x512xf32, #tpu.memory_space<vmem>>, vector<16xf32>,
          tpu.vector_store %arg7[%swap3A_332, %swap3A_333], %broadcast_in_dim3A_331 {strides = array<i32>} : memref<64x512xf32, #tpu.memory_space<vmem>>, vector<16xf32>,
          %broadcast_in_dim3A_335 = arith.constant 0.000000e+00 : f32
          %broadcast_in_dim3A_336 = vector.broadcast %broadcast_in_dim3A_335 : f32 to vector<16xf32>
          %swap3A_337 = arith.index_cast %scan3A_207 : i32 to index
          %swap3A_338 = arith.constant 400 : index
          %swap3A_339 = tpu.vector_load %arg7[%swap3A_337, %swap3A_338] {strides = array<i32>} : memref<64x512xf32, #tpu.memory_space<vmem>>, vector<16xf32>,
          tpu.vector_store %arg7[%swap3A_337, %swap3A_338], %broadcast_in_dim3A_336 {strides = array<i32>} : memref<64x512xf32, #tpu.memory_space<vmem>>, vector<16xf32>,
          %broadcast_in_dim3A_340 = arith.constant 0.000000e+00 : f32
          %broadcast_in_dim3A_341 = vector.broadcast %broadcast_in_dim3A_340 : f32 to vector<16xf32>
          %swap3A_342 = arith.index_cast %scan3A_207 : i32 to index
          %swap3A_343 = arith.constant 416 : index
          %swap3A_344 = tpu.vector_load %arg7[%swap3A_342, %swap3A_343] {strides = array<i32>} : memref<64x512xf32, #tpu.memory_space<vmem>>, vector<16xf32>,
          tpu.vector_store %arg7[%swap3A_342, %swap3A_343], %broadcast_in_dim3A_341 {strides = array<i32>} : memref<64x512xf32, #tpu.memory_space<vmem>>, vector<16xf32>,
          %broadcast_in_dim3A_345 = arith.constant 0.000000e+00 : f32
          %broadcast_in_dim3A_346 = vector.broadcast %broadcast_in_dim3A_345 : f32 to vector<16xf32>
          %swap3A_347 = arith.index_cast %scan3A_207 : i32 to index
          %swap3A_348 = arith.constant 432 : index
          %swap3A_349 = tpu.vector_load %arg7[%swap3A_347, %swap3A_348] {strides = array<i32>} : memref<64x512xf32, #tpu.memory_space<vmem>>, vector<16xf32>,
          tpu.vector_store %arg7[%swap3A_347, %swap3A_348], %broadcast_in_dim3A_346 {strides = array<i32>} : memref<64x512xf32, #tpu.memory_space<vmem>>, vector<16xf32>,
          %broadcast_in_dim3A_350 = arith.constant 0.000000e+00 : f32
          %broadcast_in_dim3A_351 = vector.broadcast %broadcast_in_dim3A_350 : f32 to vector<16xf32>
          %swap3A_352 = arith.index_cast %scan3A_207 : i32 to index
          %swap3A_353 = arith.constant 448 : index
          %swap3A_354 = tpu.vector_load %arg7[%swap3A_352, %swap3A_353] {strides = array<i32>} : memref<64x512xf32, #tpu.memory_space<vmem>>, vector<16xf32>,
          tpu.vector_store %arg7[%swap3A_352, %swap3A_353], %broadcast_in_dim3A_351 {strides = array<i32>} : memref<64x512xf32, #tpu.memory_space<vmem>>, vector<16xf32>,
          %broadcast_in_dim3A_355 = arith.constant 0.000000e+00 : f32
          %broadcast_in_dim3A_356 = vector.broadcast %broadcast_in_dim3A_355 : f32 to vector<16xf32>
          %swap3A_357 = arith.index_cast %scan3A_207 : i32 to index
          %swap3A_358 = arith.constant 464 : index
          %swap3A_359 = tpu.vector_load %arg7[%swap3A_357, %swap3A_358] {strides = array<i32>} : memref<64x512xf32, #tpu.memory_space<vmem>>, vector<16xf32>,
          tpu.vector_store %arg7[%swap3A_357, %swap3A_358], %broadcast_in_dim3A_356 {strides = array<i32>} : memref<64x512xf32, #tpu.memory_space<vmem>>, vector<16xf32>,
          %broadcast_in_dim3A_360 = arith.constant 0.000000e+00 : f32
          %broadcast_in_dim3A_361 = vector.broadcast %broadcast_in_dim3A_360 : f32 to vector<16xf32>
          %swap3A_362 = arith.index_cast %scan3A_207 : i32 to index
          %swap3A_363 = arith.constant 480 : index
          %swap3A_364 = tpu.vector_load %arg7[%swap3A_362, %swap3A_363] {strides = array<i32>} : memref<64x512xf32, #tpu.memory_space<vmem>>, vector<16xf32>,
          tpu.vector_store %arg7[%swap3A_362, %swap3A_363], %broadcast_in_dim3A_361 {strides = array<i32>} : memref<64x512xf32, #tpu.memory_space<vmem>>, vector<16xf32>,
          %broadcast_in_dim3A_365 = arith.constant 0.000000e+00 : f32
          %broadcast_in_dim3A_366 = vector.broadcast %broadcast_in_dim3A_365 : f32 to vector<16xf32>
          %swap3A_367 = arith.index_cast %scan3A_207 : i32 to index
          %swap3A_368 = arith.constant 496 : index
          %swap3A_369 = tpu.vector_load %arg7[%swap3A_367, %swap3A_368] {strides = array<i32>} : memref<64x512xf32, #tpu.memory_space<vmem>>, vector<16xf32>,
          tpu.vector_store %arg7[%swap3A_367, %swap3A_368], %broadcast_in_dim3A_366 {strides = array<i32>} : memref<64x512xf32, #tpu.memory_space<vmem>>, vector<16xf32>,
        } else {
        }
      }
      %scan3A_206 = arith.constant 64 : i32
    } else {
    }
    %add3A_182 = arith.constant 384 : i32
    %add3A_183 = arith.addi %mul3A_21, %add3A_182 : i32
    "tpu.region"() ({
      %run_scoped3A = tpu.sem_alloc : memref<!tpu.dma_semaphore, #tpu.memory_space<semaphore_mem>>
      %dma_start3A_201 = arith.constant 0 : i32
      %dma_start3A_202 = tpu.memref_slice %arg4[%add3A_183, %dma_start3A_201] : memref<16384x512xf32, #tpu.memory_space<hbm>> -> memref<64x512xf32, #tpu.memory_space<hbm>>
      %dma_start3A_203 = arith.constant 0 : i32
      %dma_start3A_204 = tpu.memref_slice %arg4[%add3A_183, %dma_start3A_203] : memref<16384x512xf32, #tpu.memory_space<hbm>> -> memref<64x512xf32, #tpu.memory_space<hbm>>
      tpu.enqueue_dma source(%arg7 : memref<64x512xf32, #tpu.memory_space<vmem>>) target(%dma_start3A_204 : memref<64x512xf32, #tpu.memory_space<hbm>>) target_semaphore(%run_scoped3A : memref<!tpu.dma_semaphore, #tpu.memory_space<semaphore_mem>>)
      %dma_wait3A_205 = arith.constant 0 : i32
      %dma_wait3A_206 = tpu.memref_slice %arg4[%add3A_183, %dma_wait3A_205] : memref<16384x512xf32, #tpu.memory_space<hbm>> -> memref<64x512xf32, #tpu.memory_space<hbm>>
      %dma_wait3A_207 = arith.constant 0 : i32
      %dma_wait3A_208 = tpu.memref_slice %arg4[%add3A_183, %dma_wait3A_207] : memref<16384x512xf32, #tpu.memory_space<hbm>> -> memref<64x512xf32, #tpu.memory_space<hbm>>
      tpu.wait_dma2 semaphore(%run_scoped3A : memref<!tpu.dma_semaphore, #tpu.memory_space<semaphore_mem>>) src(%arg7 : memref<64x512xf32, #tpu.memory_space<vmem>>) dst(%dma_wait3A_208 : memref<64x512xf32, #tpu.memory_space<hbm>>)
      tpu.yield
    }) : () -> ()
    %dma_wait3A_184 = arith.constant 448 : i32
    %dma_wait3A_185 = tpu.memref_slice %arg6[%dma_wait3A_184] : memref<512xi32, #tpu.memory_space<vmem>> -> memref<64xi32, #tpu.memory_space<vmem>>
    %dma_wait3A_186 = arith.constant 0 : i32
    %dma_wait3A_187 = arith.constant 0 : i32
    %dma_wait3A_188 = tpu.memref_slice %arg2[%dma_wait3A_186, %dma_wait3A_187] : memref<65536x512xf32, #tpu.memory_space<hbm>> -> memref<65536x512xf32, #tpu.memory_space<hbm>>
    tpu.wait_indirect_dma semaphore(%arg10 : memref<!tpu.dma_semaphore, #tpu.memory_space<semaphore_mem>>) src(%dma_wait3A_188 : memref<65536x512xf32, #tpu.memory_space<hbm>>) dst(%arg8 : memref<64x512xf32, #tpu.memory_space<vmem>>)
    %mul3A_189 = arith.constant 512 : i32
    %mul3A_190 = arith.muli %sub3A_19, %mul3A_189 : i32
    %add3A_191 = arith.constant 448 : i32
    %add3A_192 = arith.addi %mul3A_190, %add3A_191 : i32
    %add3A_193 = arith.constant 64 : i32
    %add3A_194 = arith.addi %add3A_192, %add3A_193 : i32
    %gt3A_195 = arith.cmpi sgt, %add3A_194, %squeeze3A : i32
    %convert_element_type3A_196 = arith.extui %gt3A_195 : i1 to i32
    %cond3A_197 = arith.constant 0 : i32
    %cond3A_198 = arith.cmpi ne, %convert_element_type3A_196, %cond3A_197 : i32
    scf.if %cond3A_198 {
      %scan3A_201 = arith.constant 0 : i32
      %scan3A_202 = arith.constant 0 : i32
      %scan3A_203 = arith.constant 64 : i32
      %scan3A_204 = arith.addi %scan3A_202, %scan3A_203 : i32
      %scan3A_205 = arith.constant 1 : i32
      scf.for %scan3A_207 = %scan3A_202 to %scan3A_204 step %scan3A_205  : i32 {
        %add3A_208 = arith.addi %add3A_192, %scan3A_207 : i32
        %ge3A = arith.cmpi sge, %add3A_208, %squeeze3A : i32
        %convert_element_type3A_209 = arith.extui %ge3A : i1 to i32
        %cond3A_210 = arith.constant 0 : i32
        %cond3A_211 = arith.cmpi ne, %convert_element_type3A_209, %cond3A_210 : i32
        scf.if %cond3A_211 {
          %broadcast_in_dim3A = arith.constant 0.000000e+00 : f32
          %broadcast_in_dim3A_212 = vector.broadcast %broadcast_in_dim3A : f32 to vector<16xf32>
          %swap3A = arith.index_cast %scan3A_207 : i32 to index
          %swap3A_213 = arith.constant 0 : index
          %swap3A_214 = tpu.vector_load %arg8[%swap3A, %swap3A_213] {strides = array<i32>} : memref<64x512xf32, #tpu.memory_space<vmem>>, vector<16xf32>,
          tpu.vector_store %arg8[%swap3A, %swap3A_213], %broadcast_in_dim3A_212 {strides = array<i32>} : memref<64x512xf32, #tpu.memory_space<vmem>>, vector<16xf32>,
          %broadcast_in_dim3A_215 = arith.constant 0.000000e+00 : f32
          %broadcast_in_dim3A_216 = vector.broadcast %broadcast_in_dim3A_215 : f32 to vector<16xf32>
          %swap3A_217 = arith.index_cast %scan3A_207 : i32 to index
          %swap3A_218 = arith.constant 16 : index
          %swap3A_219 = tpu.vector_load %arg8[%swap3A_217, %swap3A_218] {strides = array<i32>} : memref<64x512xf32, #tpu.memory_space<vmem>>, vector<16xf32>,
          tpu.vector_store %arg8[%swap3A_217, %swap3A_218], %broadcast_in_dim3A_216 {strides = array<i32>} : memref<64x512xf32, #tpu.memory_space<vmem>>, vector<16xf32>,
          %broadcast_in_dim3A_220 = arith.constant 0.000000e+00 : f32
          %broadcast_in_dim3A_221 = vector.broadcast %broadcast_in_dim3A_220 : f32 to vector<16xf32>
          %swap3A_222 = arith.index_cast %scan3A_207 : i32 to index
          %swap3A_223 = arith.constant 32 : index
          %swap3A_224 = tpu.vector_load %arg8[%swap3A_222, %swap3A_223] {strides = array<i32>} : memref<64x512xf32, #tpu.memory_space<vmem>>, vector<16xf32>,
          tpu.vector_store %arg8[%swap3A_222, %swap3A_223], %broadcast_in_dim3A_221 {strides = array<i32>} : memref<64x512xf32, #tpu.memory_space<vmem>>, vector<16xf32>,
          %broadcast_in_dim3A_225 = arith.constant 0.000000e+00 : f32
          %broadcast_in_dim3A_226 = vector.broadcast %broadcast_in_dim3A_225 : f32 to vector<16xf32>
          %swap3A_227 = arith.index_cast %scan3A_207 : i32 to index
          %swap3A_228 = arith.constant 48 : index
          %swap3A_229 = tpu.vector_load %arg8[%swap3A_227, %swap3A_228] {strides = array<i32>} : memref<64x512xf32, #tpu.memory_space<vmem>>, vector<16xf32>,
          tpu.vector_store %arg8[%swap3A_227, %swap3A_228], %broadcast_in_dim3A_226 {strides = array<i32>} : memref<64x512xf32, #tpu.memory_space<vmem>>, vector<16xf32>,
          %broadcast_in_dim3A_230 = arith.constant 0.000000e+00 : f32
          %broadcast_in_dim3A_231 = vector.broadcast %broadcast_in_dim3A_230 : f32 to vector<16xf32>
          %swap3A_232 = arith.index_cast %scan3A_207 : i32 to index
          %swap3A_233 = arith.constant 64 : index
          %swap3A_234 = tpu.vector_load %arg8[%swap3A_232, %swap3A_233] {strides = array<i32>} : memref<64x512xf32, #tpu.memory_space<vmem>>, vector<16xf32>,
          tpu.vector_store %arg8[%swap3A_232, %swap3A_233], %broadcast_in_dim3A_231 {strides = array<i32>} : memref<64x512xf32, #tpu.memory_space<vmem>>, vector<16xf32>,
          %broadcast_in_dim3A_235 = arith.constant 0.000000e+00 : f32
          %broadcast_in_dim3A_236 = vector.broadcast %broadcast_in_dim3A_235 : f32 to vector<16xf32>
          %swap3A_237 = arith.index_cast %scan3A_207 : i32 to index
          %swap3A_238 = arith.constant 80 : index
          %swap3A_239 = tpu.vector_load %arg8[%swap3A_237, %swap3A_238] {strides = array<i32>} : memref<64x512xf32, #tpu.memory_space<vmem>>, vector<16xf32>,
          tpu.vector_store %arg8[%swap3A_237, %swap3A_238], %broadcast_in_dim3A_236 {strides = array<i32>} : memref<64x512xf32, #tpu.memory_space<vmem>>, vector<16xf32>,
          %broadcast_in_dim3A_240 = arith.constant 0.000000e+00 : f32
          %broadcast_in_dim3A_241 = vector.broadcast %broadcast_in_dim3A_240 : f32 to vector<16xf32>
          %swap3A_242 = arith.index_cast %scan3A_207 : i32 to index
          %swap3A_243 = arith.constant 96 : index
          %swap3A_244 = tpu.vector_load %arg8[%swap3A_242, %swap3A_243] {strides = array<i32>} : memref<64x512xf32, #tpu.memory_space<vmem>>, vector<16xf32>,
          tpu.vector_store %arg8[%swap3A_242, %swap3A_243], %broadcast_in_dim3A_241 {strides = array<i32>} : memref<64x512xf32, #tpu.memory_space<vmem>>, vector<16xf32>,
          %broadcast_in_dim3A_245 = arith.constant 0.000000e+00 : f32
          %broadcast_in_dim3A_246 = vector.broadcast %broadcast_in_dim3A_245 : f32 to vector<16xf32>
          %swap3A_247 = arith.index_cast %scan3A_207 : i32 to index
          %swap3A_248 = arith.constant 112 : index
          %swap3A_249 = tpu.vector_load %arg8[%swap3A_247, %swap3A_248] {strides = array<i32>} : memref<64x512xf32, #tpu.memory_space<vmem>>, vector<16xf32>,
          tpu.vector_store %arg8[%swap3A_247, %swap3A_248], %broadcast_in_dim3A_246 {strides = array<i32>} : memref<64x512xf32, #tpu.memory_space<vmem>>, vector<16xf32>,
          %broadcast_in_dim3A_250 = arith.constant 0.000000e+00 : f32
          %broadcast_in_dim3A_251 = vector.broadcast %broadcast_in_dim3A_250 : f32 to vector<16xf32>
          %swap3A_252 = arith.index_cast %scan3A_207 : i32 to index
          %swap3A_253 = arith.constant 128 : index
          %swap3A_254 = tpu.vector_load %arg8[%swap3A_252, %swap3A_253] {strides = array<i32>} : memref<64x512xf32, #tpu.memory_space<vmem>>, vector<16xf32>,
          tpu.vector_store %arg8[%swap3A_252, %swap3A_253], %broadcast_in_dim3A_251 {strides = array<i32>} : memref<64x512xf32, #tpu.memory_space<vmem>>, vector<16xf32>,
          %broadcast_in_dim3A_255 = arith.constant 0.000000e+00 : f32
          %broadcast_in_dim3A_256 = vector.broadcast %broadcast_in_dim3A_255 : f32 to vector<16xf32>
          %swap3A_257 = arith.index_cast %scan3A_207 : i32 to index
          %swap3A_258 = arith.constant 144 : index
          %swap3A_259 = tpu.vector_load %arg8[%swap3A_257, %swap3A_258] {strides = array<i32>} : memref<64x512xf32, #tpu.memory_space<vmem>>, vector<16xf32>,
          tpu.vector_store %arg8[%swap3A_257, %swap3A_258], %broadcast_in_dim3A_256 {strides = array<i32>} : memref<64x512xf32, #tpu.memory_space<vmem>>, vector<16xf32>,
          %broadcast_in_dim3A_260 = arith.constant 0.000000e+00 : f32
          %broadcast_in_dim3A_261 = vector.broadcast %broadcast_in_dim3A_260 : f32 to vector<16xf32>
          %swap3A_262 = arith.index_cast %scan3A_207 : i32 to index
          %swap3A_263 = arith.constant 160 : index
          %swap3A_264 = tpu.vector_load %arg8[%swap3A_262, %swap3A_263] {strides = array<i32>} : memref<64x512xf32, #tpu.memory_space<vmem>>, vector<16xf32>,
          tpu.vector_store %arg8[%swap3A_262, %swap3A_263], %broadcast_in_dim3A_261 {strides = array<i32>} : memref<64x512xf32, #tpu.memory_space<vmem>>, vector<16xf32>,
          %broadcast_in_dim3A_265 = arith.constant 0.000000e+00 : f32
          %broadcast_in_dim3A_266 = vector.broadcast %broadcast_in_dim3A_265 : f32 to vector<16xf32>
          %swap3A_267 = arith.index_cast %scan3A_207 : i32 to index
          %swap3A_268 = arith.constant 176 : index
          %swap3A_269 = tpu.vector_load %arg8[%swap3A_267, %swap3A_268] {strides = array<i32>} : memref<64x512xf32, #tpu.memory_space<vmem>>, vector<16xf32>,
          tpu.vector_store %arg8[%swap3A_267, %swap3A_268], %broadcast_in_dim3A_266 {strides = array<i32>} : memref<64x512xf32, #tpu.memory_space<vmem>>, vector<16xf32>,
          %broadcast_in_dim3A_270 = arith.constant 0.000000e+00 : f32
          %broadcast_in_dim3A_271 = vector.broadcast %broadcast_in_dim3A_270 : f32 to vector<16xf32>
          %swap3A_272 = arith.index_cast %scan3A_207 : i32 to index
          %swap3A_273 = arith.constant 192 : index
          %swap3A_274 = tpu.vector_load %arg8[%swap3A_272, %swap3A_273] {strides = array<i32>} : memref<64x512xf32, #tpu.memory_space<vmem>>, vector<16xf32>,
          tpu.vector_store %arg8[%swap3A_272, %swap3A_273], %broadcast_in_dim3A_271 {strides = array<i32>} : memref<64x512xf32, #tpu.memory_space<vmem>>, vector<16xf32>,
          %broadcast_in_dim3A_275 = arith.constant 0.000000e+00 : f32
          %broadcast_in_dim3A_276 = vector.broadcast %broadcast_in_dim3A_275 : f32 to vector<16xf32>
          %swap3A_277 = arith.index_cast %scan3A_207 : i32 to index
          %swap3A_278 = arith.constant 208 : index
          %swap3A_279 = tpu.vector_load %arg8[%swap3A_277, %swap3A_278] {strides = array<i32>} : memref<64x512xf32, #tpu.memory_space<vmem>>, vector<16xf32>,
          tpu.vector_store %arg8[%swap3A_277, %swap3A_278], %broadcast_in_dim3A_276 {strides = array<i32>} : memref<64x512xf32, #tpu.memory_space<vmem>>, vector<16xf32>,
          %broadcast_in_dim3A_280 = arith.constant 0.000000e+00 : f32
          %broadcast_in_dim3A_281 = vector.broadcast %broadcast_in_dim3A_280 : f32 to vector<16xf32>
          %swap3A_282 = arith.index_cast %scan3A_207 : i32 to index
          %swap3A_283 = arith.constant 224 : index
          %swap3A_284 = tpu.vector_load %arg8[%swap3A_282, %swap3A_283] {strides = array<i32>} : memref<64x512xf32, #tpu.memory_space<vmem>>, vector<16xf32>,
          tpu.vector_store %arg8[%swap3A_282, %swap3A_283], %broadcast_in_dim3A_281 {strides = array<i32>} : memref<64x512xf32, #tpu.memory_space<vmem>>, vector<16xf32>,
          %broadcast_in_dim3A_285 = arith.constant 0.000000e+00 : f32
          %broadcast_in_dim3A_286 = vector.broadcast %broadcast_in_dim3A_285 : f32 to vector<16xf32>
          %swap3A_287 = arith.index_cast %scan3A_207 : i32 to index
          %swap3A_288 = arith.constant 240 : index
          %swap3A_289 = tpu.vector_load %arg8[%swap3A_287, %swap3A_288] {strides = array<i32>} : memref<64x512xf32, #tpu.memory_space<vmem>>, vector<16xf32>,
          tpu.vector_store %arg8[%swap3A_287, %swap3A_288], %broadcast_in_dim3A_286 {strides = array<i32>} : memref<64x512xf32, #tpu.memory_space<vmem>>, vector<16xf32>,
          %broadcast_in_dim3A_290 = arith.constant 0.000000e+00 : f32
          %broadcast_in_dim3A_291 = vector.broadcast %broadcast_in_dim3A_290 : f32 to vector<16xf32>
          %swap3A_292 = arith.index_cast %scan3A_207 : i32 to index
          %swap3A_293 = arith.constant 256 : index
          %swap3A_294 = tpu.vector_load %arg8[%swap3A_292, %swap3A_293] {strides = array<i32>} : memref<64x512xf32, #tpu.memory_space<vmem>>, vector<16xf32>,
          tpu.vector_store %arg8[%swap3A_292, %swap3A_293], %broadcast_in_dim3A_291 {strides = array<i32>} : memref<64x512xf32, #tpu.memory_space<vmem>>, vector<16xf32>,
          %broadcast_in_dim3A_295 = arith.constant 0.000000e+00 : f32
          %broadcast_in_dim3A_296 = vector.broadcast %broadcast_in_dim3A_295 : f32 to vector<16xf32>
          %swap3A_297 = arith.index_cast %scan3A_207 : i32 to index
          %swap3A_298 = arith.constant 272 : index
          %swap3A_299 = tpu.vector_load %arg8[%swap3A_297, %swap3A_298] {strides = array<i32>} : memref<64x512xf32, #tpu.memory_space<vmem>>, vector<16xf32>,
          tpu.vector_store %arg8[%swap3A_297, %swap3A_298], %broadcast_in_dim3A_296 {strides = array<i32>} : memref<64x512xf32, #tpu.memory_space<vmem>>, vector<16xf32>,
          %broadcast_in_dim3A_300 = arith.constant 0.000000e+00 : f32
          %broadcast_in_dim3A_301 = vector.broadcast %broadcast_in_dim3A_300 : f32 to vector<16xf32>
          %swap3A_302 = arith.index_cast %scan3A_207 : i32 to index
          %swap3A_303 = arith.constant 288 : index
          %swap3A_304 = tpu.vector_load %arg8[%swap3A_302, %swap3A_303] {strides = array<i32>} : memref<64x512xf32, #tpu.memory_space<vmem>>, vector<16xf32>,
          tpu.vector_store %arg8[%swap3A_302, %swap3A_303], %broadcast_in_dim3A_301 {strides = array<i32>} : memref<64x512xf32, #tpu.memory_space<vmem>>, vector<16xf32>,
          %broadcast_in_dim3A_305 = arith.constant 0.000000e+00 : f32
          %broadcast_in_dim3A_306 = vector.broadcast %broadcast_in_dim3A_305 : f32 to vector<16xf32>
          %swap3A_307 = arith.index_cast %scan3A_207 : i32 to index
          %swap3A_308 = arith.constant 304 : index
          %swap3A_309 = tpu.vector_load %arg8[%swap3A_307, %swap3A_308] {strides = array<i32>} : memref<64x512xf32, #tpu.memory_space<vmem>>, vector<16xf32>,
          tpu.vector_store %arg8[%swap3A_307, %swap3A_308], %broadcast_in_dim3A_306 {strides = array<i32>} : memref<64x512xf32, #tpu.memory_space<vmem>>, vector<16xf32>,
          %broadcast_in_dim3A_310 = arith.constant 0.000000e+00 : f32
          %broadcast_in_dim3A_311 = vector.broadcast %broadcast_in_dim3A_310 : f32 to vector<16xf32>
          %swap3A_312 = arith.index_cast %scan3A_207 : i32 to index
          %swap3A_313 = arith.constant 320 : index
          %swap3A_314 = tpu.vector_load %arg8[%swap3A_312, %swap3A_313] {strides = array<i32>} : memref<64x512xf32, #tpu.memory_space<vmem>>, vector<16xf32>,
          tpu.vector_store %arg8[%swap3A_312, %swap3A_313], %broadcast_in_dim3A_311 {strides = array<i32>} : memref<64x512xf32, #tpu.memory_space<vmem>>, vector<16xf32>,
          %broadcast_in_dim3A_315 = arith.constant 0.000000e+00 : f32
          %broadcast_in_dim3A_316 = vector.broadcast %broadcast_in_dim3A_315 : f32 to vector<16xf32>
          %swap3A_317 = arith.index_cast %scan3A_207 : i32 to index
          %swap3A_318 = arith.constant 336 : index
          %swap3A_319 = tpu.vector_load %arg8[%swap3A_317, %swap3A_318] {strides = array<i32>} : memref<64x512xf32, #tpu.memory_space<vmem>>, vector<16xf32>,
          tpu.vector_store %arg8[%swap3A_317, %swap3A_318], %broadcast_in_dim3A_316 {strides = array<i32>} : memref<64x512xf32, #tpu.memory_space<vmem>>, vector<16xf32>,
          %broadcast_in_dim3A_320 = arith.constant 0.000000e+00 : f32
          %broadcast_in_dim3A_321 = vector.broadcast %broadcast_in_dim3A_320 : f32 to vector<16xf32>
          %swap3A_322 = arith.index_cast %scan3A_207 : i32 to index
          %swap3A_323 = arith.constant 352 : index
          %swap3A_324 = tpu.vector_load %arg8[%swap3A_322, %swap3A_323] {strides = array<i32>} : memref<64x512xf32, #tpu.memory_space<vmem>>, vector<16xf32>,
          tpu.vector_store %arg8[%swap3A_322, %swap3A_323], %broadcast_in_dim3A_321 {strides = array<i32>} : memref<64x512xf32, #tpu.memory_space<vmem>>, vector<16xf32>,
          %broadcast_in_dim3A_325 = arith.constant 0.000000e+00 : f32
          %broadcast_in_dim3A_326 = vector.broadcast %broadcast_in_dim3A_325 : f32 to vector<16xf32>
          %swap3A_327 = arith.index_cast %scan3A_207 : i32 to index
          %swap3A_328 = arith.constant 368 : index
          %swap3A_329 = tpu.vector_load %arg8[%swap3A_327, %swap3A_328] {strides = array<i32>} : memref<64x512xf32, #tpu.memory_space<vmem>>, vector<16xf32>,
          tpu.vector_store %arg8[%swap3A_327, %swap3A_328], %broadcast_in_dim3A_326 {strides = array<i32>} : memref<64x512xf32, #tpu.memory_space<vmem>>, vector<16xf32>,
          %broadcast_in_dim3A_330 = arith.constant 0.000000e+00 : f32
          %broadcast_in_dim3A_331 = vector.broadcast %broadcast_in_dim3A_330 : f32 to vector<16xf32>
          %swap3A_332 = arith.index_cast %scan3A_207 : i32 to index
          %swap3A_333 = arith.constant 384 : index
          %swap3A_334 = tpu.vector_load %arg8[%swap3A_332, %swap3A_333] {strides = array<i32>} : memref<64x512xf32, #tpu.memory_space<vmem>>, vector<16xf32>,
          tpu.vector_store %arg8[%swap3A_332, %swap3A_333], %broadcast_in_dim3A_331 {strides = array<i32>} : memref<64x512xf32, #tpu.memory_space<vmem>>, vector<16xf32>,
          %broadcast_in_dim3A_335 = arith.constant 0.000000e+00 : f32
          %broadcast_in_dim3A_336 = vector.broadcast %broadcast_in_dim3A_335 : f32 to vector<16xf32>
          %swap3A_337 = arith.index_cast %scan3A_207 : i32 to index
          %swap3A_338 = arith.constant 400 : index
          %swap3A_339 = tpu.vector_load %arg8[%swap3A_337, %swap3A_338] {strides = array<i32>} : memref<64x512xf32, #tpu.memory_space<vmem>>, vector<16xf32>,
          tpu.vector_store %arg8[%swap3A_337, %swap3A_338], %broadcast_in_dim3A_336 {strides = array<i32>} : memref<64x512xf32, #tpu.memory_space<vmem>>, vector<16xf32>,
          %broadcast_in_dim3A_340 = arith.constant 0.000000e+00 : f32
          %broadcast_in_dim3A_341 = vector.broadcast %broadcast_in_dim3A_340 : f32 to vector<16xf32>
          %swap3A_342 = arith.index_cast %scan3A_207 : i32 to index
          %swap3A_343 = arith.constant 416 : index
          %swap3A_344 = tpu.vector_load %arg8[%swap3A_342, %swap3A_343] {strides = array<i32>} : memref<64x512xf32, #tpu.memory_space<vmem>>, vector<16xf32>,
          tpu.vector_store %arg8[%swap3A_342, %swap3A_343], %broadcast_in_dim3A_341 {strides = array<i32>} : memref<64x512xf32, #tpu.memory_space<vmem>>, vector<16xf32>,
          %broadcast_in_dim3A_345 = arith.constant 0.000000e+00 : f32
          %broadcast_in_dim3A_346 = vector.broadcast %broadcast_in_dim3A_345 : f32 to vector<16xf32>
          %swap3A_347 = arith.index_cast %scan3A_207 : i32 to index
          %swap3A_348 = arith.constant 432 : index
          %swap3A_349 = tpu.vector_load %arg8[%swap3A_347, %swap3A_348] {strides = array<i32>} : memref<64x512xf32, #tpu.memory_space<vmem>>, vector<16xf32>,
          tpu.vector_store %arg8[%swap3A_347, %swap3A_348], %broadcast_in_dim3A_346 {strides = array<i32>} : memref<64x512xf32, #tpu.memory_space<vmem>>, vector<16xf32>,
          %broadcast_in_dim3A_350 = arith.constant 0.000000e+00 : f32
          %broadcast_in_dim3A_351 = vector.broadcast %broadcast_in_dim3A_350 : f32 to vector<16xf32>
          %swap3A_352 = arith.index_cast %scan3A_207 : i32 to index
          %swap3A_353 = arith.constant 448 : index
          %swap3A_354 = tpu.vector_load %arg8[%swap3A_352, %swap3A_353] {strides = array<i32>} : memref<64x512xf32, #tpu.memory_space<vmem>>, vector<16xf32>,
          tpu.vector_store %arg8[%swap3A_352, %swap3A_353], %broadcast_in_dim3A_351 {strides = array<i32>} : memref<64x512xf32, #tpu.memory_space<vmem>>, vector<16xf32>,
          %broadcast_in_dim3A_355 = arith.constant 0.000000e+00 : f32
          %broadcast_in_dim3A_356 = vector.broadcast %broadcast_in_dim3A_355 : f32 to vector<16xf32>
          %swap3A_357 = arith.index_cast %scan3A_207 : i32 to index
          %swap3A_358 = arith.constant 464 : index
          %swap3A_359 = tpu.vector_load %arg8[%swap3A_357, %swap3A_358] {strides = array<i32>} : memref<64x512xf32, #tpu.memory_space<vmem>>, vector<16xf32>,
          tpu.vector_store %arg8[%swap3A_357, %swap3A_358], %broadcast_in_dim3A_356 {strides = array<i32>} : memref<64x512xf32, #tpu.memory_space<vmem>>, vector<16xf32>,
          %broadcast_in_dim3A_360 = arith.constant 0.000000e+00 : f32
          %broadcast_in_dim3A_361 = vector.broadcast %broadcast_in_dim3A_360 : f32 to vector<16xf32>
          %swap3A_362 = arith.index_cast %scan3A_207 : i32 to index
          %swap3A_363 = arith.constant 480 : index
          %swap3A_364 = tpu.vector_load %arg8[%swap3A_362, %swap3A_363] {strides = array<i32>} : memref<64x512xf32, #tpu.memory_space<vmem>>, vector<16xf32>,
          tpu.vector_store %arg8[%swap3A_362, %swap3A_363], %broadcast_in_dim3A_361 {strides = array<i32>} : memref<64x512xf32, #tpu.memory_space<vmem>>, vector<16xf32>,
          %broadcast_in_dim3A_365 = arith.constant 0.000000e+00 : f32
          %broadcast_in_dim3A_366 = vector.broadcast %broadcast_in_dim3A_365 : f32 to vector<16xf32>
          %swap3A_367 = arith.index_cast %scan3A_207 : i32 to index
          %swap3A_368 = arith.constant 496 : index
          %swap3A_369 = tpu.vector_load %arg8[%swap3A_367, %swap3A_368] {strides = array<i32>} : memref<64x512xf32, #tpu.memory_space<vmem>>, vector<16xf32>,
          tpu.vector_store %arg8[%swap3A_367, %swap3A_368], %broadcast_in_dim3A_366 {strides = array<i32>} : memref<64x512xf32, #tpu.memory_space<vmem>>, vector<16xf32>,
        } else {
        }
      }
      %scan3A_206 = arith.constant 64 : i32
    } else {
    }
    %add3A_199 = arith.constant 448 : i32
    %add3A_200 = arith.addi %mul3A_21, %add3A_199 : i32
    "tpu.region"() ({
      %run_scoped3A = tpu.sem_alloc : memref<!tpu.dma_semaphore, #tpu.memory_space<semaphore_mem>>
      %dma_start3A_201 = arith.constant 0 : i32
      %dma_start3A_202 = tpu.memref_slice %arg4[%add3A_200, %dma_start3A_201] : memref<16384x512xf32, #tpu.memory_space<hbm>> -> memref<64x512xf32, #tpu.memory_space<hbm>>
      %dma_start3A_203 = arith.constant 0 : i32
      %dma_start3A_204 = tpu.memref_slice %arg4[%add3A_200, %dma_start3A_203] : memref<16384x512xf32, #tpu.memory_space<hbm>> -> memref<64x512xf32, #tpu.memory_space<hbm>>
      tpu.enqueue_dma source(%arg8 : memref<64x512xf32, #tpu.memory_space<vmem>>) target(%dma_start3A_204 : memref<64x512xf32, #tpu.memory_space<hbm>>) target_semaphore(%run_scoped3A : memref<!tpu.dma_semaphore, #tpu.memory_space<semaphore_mem>>)
      %dma_wait3A_205 = arith.constant 0 : i32
      %dma_wait3A_206 = tpu.memref_slice %arg4[%add3A_200, %dma_wait3A_205] : memref<16384x512xf32, #tpu.memory_space<hbm>> -> memref<64x512xf32, #tpu.memory_space<hbm>>
      %dma_wait3A_207 = arith.constant 0 : i32
      %dma_wait3A_208 = tpu.memref_slice %arg4[%add3A_200, %dma_wait3A_207] : memref<16384x512xf32, #tpu.memory_space<hbm>> -> memref<64x512xf32, #tpu.memory_space<hbm>>
      tpu.wait_dma2 semaphore(%run_scoped3A : memref<!tpu.dma_semaphore, #tpu.memory_space<semaphore_mem>>) src(%arg8 : memref<64x512xf32, #tpu.memory_space<vmem>>) dst(%dma_wait3A_208 : memref<64x512xf32, #tpu.memory_space<hbm>>)
      tpu.yield
    }) : () -> ()
    return
  }
}

module attributes {stable_mosaic.version = 14 : i64} {
  func.func @_rank_body(%arg0: i32, %arg1: memref<1x4096x128xf32, #tpu.memory_space<vmem>>, %arg2: memref<1x4096x1xi32, #tpu.memory_space<vmem>>, %arg3: memref<1x1x4096xi32, #tpu.memory_space<vmem>>, %arg4: memref<1x1x4112xi32, #tpu.memory_space<vmem>>) attributes {dimension_semantics = [#tpu.dimension_semantics<arbitrary>], iteration_bounds = array<i64: 16>, scalar_prefetch = 0 : i64, scratch_operands = 0 : i64, tpu.core_type = #tpu.core_type<tc>, window_params = [{transform_indices = @transform_0, window_bounds = array<i64: 1, 4096, 128>}, {transform_indices = @transform_1, window_bounds = array<i64: 1, 4096, 1>}, {transform_indices = @transform_2, window_bounds = array<i64: 1, 1, 4096>}, {transform_indices = @transform_3, window_bounds = array<i64: 1, 1, 4112>}]} {
    %get3A = arith.constant 0 : index
    %get3A_0 = arith.constant 0 : index
    %get3A_1 = arith.constant 127 : index
    %get3A_2 = vector.load %arg1[%get3A, %get3A_0, %get3A_1] : memref<1x4096x128xf32, #tpu.memory_space<vmem>>, vector<1x4096x1xf32>
    %get3A_3 = vector.shape_cast %get3A_2 : vector<1x4096x1xf32> to vector<4096x1xf32>
    %transpose3A = tpu.transpose %get3A_3, [1, 0] : vector<4096x1xf32> -> vector<1x4096xf32>
    %get3A_4 = arith.constant 0 : index
    %get3A_5 = arith.constant 0 : index
    %get3A_6 = arith.constant 0 : index
    %get3A_7 = vector.load %arg3[%get3A_4, %get3A_5, %get3A_6] : memref<1x1x4096xi32, #tpu.memory_space<vmem>>, vector<1x1x4096xi32>
    %get3A_8 = vector.shape_cast %get3A_7 : vector<1x1x4096xi32> to vector<1x4096xi32>
    %gt3A = arith.constant 0 : i32
    %gt3A_9 = vector.broadcast %gt3A : i32 to vector<1x4096xi32>
    %gt3A_10 = arith.cmpi sgt, %get3A_8, %gt3A_9 : vector<1x4096xi32>
    %jit3A = arith.constant 0xFF800000 : f32
    %broadcast_in_dim3A = vector.broadcast %jit3A : f32 to vector<1x4096xf32>
    %select_n3A = arith.select %gt3A_10, %transpose3A, %broadcast_in_dim3A : vector<1x4096xi1>, vector<1x4096xf32>
    %get3A_11 = arith.constant 0 : index
    %get3A_12 = arith.constant 0 : index
    %get3A_13 = arith.constant 0 : index
    %get3A_14 = vector.load %arg2[%get3A_11, %get3A_12, %get3A_13] : memref<1x4096x1xi32, #tpu.memory_space<vmem>>, vector<1x4096x1xi32>
    %get3A_15 = vector.shape_cast %get3A_14 : vector<1x4096x1xi32> to vector<4096x1xi32>
    %gt3A_16 = arith.constant 0 : i32
    %gt3A_17 = vector.broadcast %gt3A_16 : i32 to vector<4096x1xi32>
    %gt3A_18 = arith.cmpi sgt, %get3A_15, %gt3A_17 : vector<4096x1xi32>
    %jit3A_19 = arith.constant 0xFF800000 : f32
    %broadcast_in_dim3A_20 = vector.broadcast %jit3A_19 : f32 to vector<4096x1xf32>
    %select_n3A_21 = arith.select %gt3A_18, %get3A_3, %broadcast_in_dim3A_20 : vector<4096x1xi1>, vector<4096x1xf32>
    %iota3A = tpu.iota {dimensions = array<i32: 1>} : vector<1x512xi32>
    %iota3A_22 = tpu.iota {dimensions = array<i32: 0>} : vector<512x1xi32>
    %lt3A = vector.broadcast %iota3A : vector<1x512xi32> to vector<512x512xi32>
    %lt3A_23 = vector.broadcast %iota3A_22 : vector<512x1xi32> to vector<512x512xi32>
    %lt3A_24 = arith.cmpi slt, %lt3A, %lt3A_23 : vector<512x512xi32>
    %broadcast_in_dim3A_25 = arith.constant 0.000000e+00 : f32
    %broadcast_in_dim3A_26 = vector.broadcast %broadcast_in_dim3A_25 : f32 to vector<1x512xf32>
    %broadcast_in_dim3A_27 = arith.constant 5.120000e+02 : f32
    %broadcast_in_dim3A_28 = vector.broadcast %broadcast_in_dim3A_27 : f32 to vector<1x512xf32>
    %broadcast_in_dim3A_29 = arith.constant 1.024000e+03 : f32
    %broadcast_in_dim3A_30 = vector.broadcast %broadcast_in_dim3A_29 : f32 to vector<1x512xf32>
    %broadcast_in_dim3A_31 = arith.constant 1.536000e+03 : f32
    %broadcast_in_dim3A_32 = vector.broadcast %broadcast_in_dim3A_31 : f32 to vector<1x512xf32>
    %broadcast_in_dim3A_33 = arith.constant 2.048000e+03 : f32
    %broadcast_in_dim3A_34 = vector.broadcast %broadcast_in_dim3A_33 : f32 to vector<1x512xf32>
    %broadcast_in_dim3A_35 = arith.constant 2.560000e+03 : f32
    %broadcast_in_dim3A_36 = vector.broadcast %broadcast_in_dim3A_35 : f32 to vector<1x512xf32>
    %broadcast_in_dim3A_37 = arith.constant 3.072000e+03 : f32
    %broadcast_in_dim3A_38 = vector.broadcast %broadcast_in_dim3A_37 : f32 to vector<1x512xf32>
    %broadcast_in_dim3A_39 = arith.constant 3.584000e+03 : f32
    %broadcast_in_dim3A_40 = vector.broadcast %broadcast_in_dim3A_39 : f32 to vector<1x512xf32>
    %slice3A = vector.extract_strided_slice %select_n3A_21 {offsets = [0, 0], sizes = [512, 1], strides = [1, 1]} : vector<4096x1xf32> to vector<512x1xf32>
    %slice3A_41 = vector.extract_strided_slice %select_n3A {offsets = [0, 0], sizes = [1, 512], strides = [1, 1]} : vector<1x4096xf32> to vector<1x512xf32>
    %gt3A_42 = vector.broadcast %slice3A_41 : vector<1x512xf32> to vector<512x512xf32>
    %gt3A_43 = vector.broadcast %slice3A : vector<512x1xf32> to vector<512x512xf32>
    %gt3A_44 = arith.cmpf ogt, %gt3A_42, %gt3A_43 : vector<512x512xf32>
    %eq3A = vector.broadcast %slice3A_41 : vector<1x512xf32> to vector<512x512xf32>
    %eq3A_45 = vector.broadcast %slice3A : vector<512x1xf32> to vector<512x512xf32>
    %eq3A_46 = arith.cmpf oeq, %eq3A, %eq3A_45 : vector<512x512xf32>
    %and3A = arith.andi %eq3A_46, %lt3A_24 : vector<512x512xi1>
    %or3A = arith.ori %gt3A_44, %and3A : vector<512x512xi1>
    %convert_element_type3A = arith.extui %or3A : vector<512x512xi1> to vector<512x512xi32>
    %convert_element_type3A_47 = arith.sitofp %convert_element_type3A : vector<512x512xi32> to vector<512x512xf32>
    %reduce_sum3A = arith.constant dense<0.000000e+00> : vector<512xf32>
    %reduce_sum3A_48 = vector.multi_reduction <add>, %convert_element_type3A_47, %reduce_sum3A [1] : vector<512x512xf32> to vector<512xf32>
    %broadcast_in_dim3A_49 = vector.shape_cast %reduce_sum3A_48 : vector<512xf32> to vector<512x1xf32>
    %slice3A_50 = vector.extract_strided_slice %select_n3A {offsets = [0, 512], sizes = [1, 3584], strides = [1, 1]} : vector<1x4096xf32> to vector<1x3584xf32>
    %gt3A_51 = vector.broadcast %slice3A_50 : vector<1x3584xf32> to vector<512x3584xf32>
    %gt3A_52 = vector.broadcast %slice3A : vector<512x1xf32> to vector<512x3584xf32>
    %gt3A_53 = arith.cmpf ogt, %gt3A_51, %gt3A_52 : vector<512x3584xf32>
    %convert_element_type3A_54 = arith.extui %gt3A_53 : vector<512x3584xi1> to vector<512x3584xi32>
    %convert_element_type3A_55 = arith.sitofp %convert_element_type3A_54 : vector<512x3584xi32> to vector<512x3584xf32>
    %reduce_sum3A_56 = arith.constant dense<0.000000e+00> : vector<512xf32>
    %reduce_sum3A_57 = vector.multi_reduction <add>, %convert_element_type3A_55, %reduce_sum3A_56 [1] : vector<512x3584xf32> to vector<512xf32>
    %broadcast_in_dim3A_58 = vector.shape_cast %reduce_sum3A_57 : vector<512xf32> to vector<512x1xf32>
    %add3A = arith.addf %broadcast_in_dim3A_49, %broadcast_in_dim3A_58 : vector<512x1xf32>
    %reduce_sum3A_59 = arith.constant dense<0.000000e+00> : vector<3584xf32>
    %reduce_sum3A_60 = vector.multi_reduction <add>, %convert_element_type3A_55, %reduce_sum3A_59 [0] : vector<512x3584xf32> to vector<3584xf32>
    %broadcast_in_dim3A_61 = vector.shape_cast %reduce_sum3A_60 : vector<3584xf32> to vector<1x3584xf32>
    %slice3A_62 = vector.extract_strided_slice %broadcast_in_dim3A_61 {offsets = [0, 0], sizes = [1, 512], strides = [1, 1]} : vector<1x3584xf32> to vector<1x512xf32>
    %sub3A = arith.subf %broadcast_in_dim3A_28, %slice3A_62 : vector<1x512xf32>
    %slice3A_63 = vector.extract_strided_slice %broadcast_in_dim3A_61 {offsets = [0, 512], sizes = [1, 512], strides = [1, 1]} : vector<1x3584xf32> to vector<1x512xf32>
    %sub3A_64 = arith.subf %broadcast_in_dim3A_30, %slice3A_63 : vector<1x512xf32>
    %slice3A_65 = vector.extract_strided_slice %broadcast_in_dim3A_61 {offsets = [0, 1024], sizes = [1, 512], strides = [1, 1]} : vector<1x3584xf32> to vector<1x512xf32>
    %sub3A_66 = arith.subf %broadcast_in_dim3A_32, %slice3A_65 : vector<1x512xf32>
    %slice3A_67 = vector.extract_strided_slice %broadcast_in_dim3A_61 {offsets = [0, 1536], sizes = [1, 512], strides = [1, 1]} : vector<1x3584xf32> to vector<1x512xf32>
    %sub3A_68 = arith.subf %broadcast_in_dim3A_34, %slice3A_67 : vector<1x512xf32>
    %slice3A_69 = vector.extract_strided_slice %broadcast_in_dim3A_61 {offsets = [0, 2048], sizes = [1, 512], strides = [1, 1]} : vector<1x3584xf32> to vector<1x512xf32>
    %sub3A_70 = arith.subf %broadcast_in_dim3A_36, %slice3A_69 : vector<1x512xf32>
    %slice3A_71 = vector.extract_strided_slice %broadcast_in_dim3A_61 {offsets = [0, 2560], sizes = [1, 512], strides = [1, 1]} : vector<1x3584xf32> to vector<1x512xf32>
    %sub3A_72 = arith.subf %broadcast_in_dim3A_38, %slice3A_71 : vector<1x512xf32>
    %slice3A_73 = vector.extract_strided_slice %broadcast_in_dim3A_61 {offsets = [0, 3072], sizes = [1, 512], strides = [1, 1]} : vector<1x3584xf32> to vector<1x512xf32>
    %sub3A_74 = arith.subf %broadcast_in_dim3A_40, %slice3A_73 : vector<1x512xf32>
    %reshape3A = vector.shape_cast %add3A : vector<512x1xf32> to vector<1x512xf32>
    %add3A_75 = arith.addf %broadcast_in_dim3A_26, %reshape3A : vector<1x512xf32>
    %slice3A_76 = vector.extract_strided_slice %select_n3A_21 {offsets = [512, 0], sizes = [512, 1], strides = [1, 1]} : vector<4096x1xf32> to vector<512x1xf32>
    %slice3A_77 = vector.extract_strided_slice %select_n3A {offsets = [0, 512], sizes = [1, 512], strides = [1, 1]} : vector<1x4096xf32> to vector<1x512xf32>
    %gt3A_78 = vector.broadcast %slice3A_77 : vector<1x512xf32> to vector<512x512xf32>
    %gt3A_79 = vector.broadcast %slice3A_76 : vector<512x1xf32> to vector<512x512xf32>
    %gt3A_80 = arith.cmpf ogt, %gt3A_78, %gt3A_79 : vector<512x512xf32>
    %eq3A_81 = vector.broadcast %slice3A_77 : vector<1x512xf32> to vector<512x512xf32>
    %eq3A_82 = vector.broadcast %slice3A_76 : vector<512x1xf32> to vector<512x512xf32>
    %eq3A_83 = arith.cmpf oeq, %eq3A_81, %eq3A_82 : vector<512x512xf32>
    %and3A_84 = arith.andi %eq3A_83, %lt3A_24 : vector<512x512xi1>
    %or3A_85 = arith.ori %gt3A_80, %and3A_84 : vector<512x512xi1>
    %convert_element_type3A_86 = arith.extui %or3A_85 : vector<512x512xi1> to vector<512x512xi32>
    %convert_element_type3A_87 = arith.sitofp %convert_element_type3A_86 : vector<512x512xi32> to vector<512x512xf32>
    %reduce_sum3A_88 = arith.constant dense<0.000000e+00> : vector<512xf32>
    %reduce_sum3A_89 = vector.multi_reduction <add>, %convert_element_type3A_87, %reduce_sum3A_88 [1] : vector<512x512xf32> to vector<512xf32>
    %broadcast_in_dim3A_90 = vector.shape_cast %reduce_sum3A_89 : vector<512xf32> to vector<512x1xf32>
    %slice3A_91 = vector.extract_strided_slice %select_n3A {offsets = [0, 1024], sizes = [1, 3072], strides = [1, 1]} : vector<1x4096xf32> to vector<1x3072xf32>
    %gt3A_92 = vector.broadcast %slice3A_91 : vector<1x3072xf32> to vector<512x3072xf32>
    %gt3A_93 = vector.broadcast %slice3A_76 : vector<512x1xf32> to vector<512x3072xf32>
    %gt3A_94 = arith.cmpf ogt, %gt3A_92, %gt3A_93 : vector<512x3072xf32>
    %convert_element_type3A_95 = arith.extui %gt3A_94 : vector<512x3072xi1> to vector<512x3072xi32>
    %convert_element_type3A_96 = arith.sitofp %convert_element_type3A_95 : vector<512x3072xi32> to vector<512x3072xf32>
    %reduce_sum3A_97 = arith.constant dense<0.000000e+00> : vector<512xf32>
    %reduce_sum3A_98 = vector.multi_reduction <add>, %convert_element_type3A_96, %reduce_sum3A_97 [1] : vector<512x3072xf32> to vector<512xf32>
    %broadcast_in_dim3A_99 = vector.shape_cast %reduce_sum3A_98 : vector<512xf32> to vector<512x1xf32>
    %add3A_100 = arith.addf %broadcast_in_dim3A_90, %broadcast_in_dim3A_99 : vector<512x1xf32>
    %reduce_sum3A_101 = arith.constant dense<0.000000e+00> : vector<3072xf32>
    %reduce_sum3A_102 = vector.multi_reduction <add>, %convert_element_type3A_96, %reduce_sum3A_101 [0] : vector<512x3072xf32> to vector<3072xf32>
    %broadcast_in_dim3A_103 = vector.shape_cast %reduce_sum3A_102 : vector<3072xf32> to vector<1x3072xf32>
    %slice3A_104 = vector.extract_strided_slice %broadcast_in_dim3A_103 {offsets = [0, 0], sizes = [1, 512], strides = [1, 1]} : vector<1x3072xf32> to vector<1x512xf32>
    %sub3A_105 = arith.subf %sub3A_64, %slice3A_104 : vector<1x512xf32>
    %slice3A_106 = vector.extract_strided_slice %broadcast_in_dim3A_103 {offsets = [0, 512], sizes = [1, 512], strides = [1, 1]} : vector<1x3072xf32> to vector<1x512xf32>
    %sub3A_107 = arith.subf %sub3A_66, %slice3A_106 : vector<1x512xf32>
    %slice3A_108 = vector.extract_strided_slice %broadcast_in_dim3A_103 {offsets = [0, 1024], sizes = [1, 512], strides = [1, 1]} : vector<1x3072xf32> to vector<1x512xf32>
    %sub3A_109 = arith.subf %sub3A_68, %slice3A_108 : vector<1x512xf32>
    %slice3A_110 = vector.extract_strided_slice %broadcast_in_dim3A_103 {offsets = [0, 1536], sizes = [1, 512], strides = [1, 1]} : vector<1x3072xf32> to vector<1x512xf32>
    %sub3A_111 = arith.subf %sub3A_70, %slice3A_110 : vector<1x512xf32>
    %slice3A_112 = vector.extract_strided_slice %broadcast_in_dim3A_103 {offsets = [0, 2048], sizes = [1, 512], strides = [1, 1]} : vector<1x3072xf32> to vector<1x512xf32>
    %sub3A_113 = arith.subf %sub3A_72, %slice3A_112 : vector<1x512xf32>
    %slice3A_114 = vector.extract_strided_slice %broadcast_in_dim3A_103 {offsets = [0, 2560], sizes = [1, 512], strides = [1, 1]} : vector<1x3072xf32> to vector<1x512xf32>
    %sub3A_115 = arith.subf %sub3A_74, %slice3A_114 : vector<1x512xf32>
    %reshape3A_116 = vector.shape_cast %add3A_100 : vector<512x1xf32> to vector<1x512xf32>
    %add3A_117 = arith.addf %sub3A, %reshape3A_116 : vector<1x512xf32>
    %slice3A_118 = vector.extract_strided_slice %select_n3A_21 {offsets = [1024, 0], sizes = [512, 1], strides = [1, 1]} : vector<4096x1xf32> to vector<512x1xf32>
    %slice3A_119 = vector.extract_strided_slice %select_n3A {offsets = [0, 1024], sizes = [1, 512], strides = [1, 1]} : vector<1x4096xf32> to vector<1x512xf32>
    %gt3A_120 = vector.broadcast %slice3A_119 : vector<1x512xf32> to vector<512x512xf32>
    %gt3A_121 = vector.broadcast %slice3A_118 : vector<512x1xf32> to vector<512x512xf32>
    %gt3A_122 = arith.cmpf ogt, %gt3A_120, %gt3A_121 : vector<512x512xf32>
    %eq3A_123 = vector.broadcast %slice3A_119 : vector<1x512xf32> to vector<512x512xf32>
    %eq3A_124 = vector.broadcast %slice3A_118 : vector<512x1xf32> to vector<512x512xf32>
    %eq3A_125 = arith.cmpf oeq, %eq3A_123, %eq3A_124 : vector<512x512xf32>
    %and3A_126 = arith.andi %eq3A_125, %lt3A_24 : vector<512x512xi1>
    %or3A_127 = arith.ori %gt3A_122, %and3A_126 : vector<512x512xi1>
    %convert_element_type3A_128 = arith.extui %or3A_127 : vector<512x512xi1> to vector<512x512xi32>
    %convert_element_type3A_129 = arith.sitofp %convert_element_type3A_128 : vector<512x512xi32> to vector<512x512xf32>
    %reduce_sum3A_130 = arith.constant dense<0.000000e+00> : vector<512xf32>
    %reduce_sum3A_131 = vector.multi_reduction <add>, %convert_element_type3A_129, %reduce_sum3A_130 [1] : vector<512x512xf32> to vector<512xf32>
    %broadcast_in_dim3A_132 = vector.shape_cast %reduce_sum3A_131 : vector<512xf32> to vector<512x1xf32>
    %slice3A_133 = vector.extract_strided_slice %select_n3A {offsets = [0, 1536], sizes = [1, 2560], strides = [1, 1]} : vector<1x4096xf32> to vector<1x2560xf32>
    %gt3A_134 = vector.broadcast %slice3A_133 : vector<1x2560xf32> to vector<512x2560xf32>
    %gt3A_135 = vector.broadcast %slice3A_118 : vector<512x1xf32> to vector<512x2560xf32>
    %gt3A_136 = arith.cmpf ogt, %gt3A_134, %gt3A_135 : vector<512x2560xf32>
    %convert_element_type3A_137 = arith.extui %gt3A_136 : vector<512x2560xi1> to vector<512x2560xi32>
    %convert_element_type3A_138 = arith.sitofp %convert_element_type3A_137 : vector<512x2560xi32> to vector<512x2560xf32>
    %reduce_sum3A_139 = arith.constant dense<0.000000e+00> : vector<512xf32>
    %reduce_sum3A_140 = vector.multi_reduction <add>, %convert_element_type3A_138, %reduce_sum3A_139 [1] : vector<512x2560xf32> to vector<512xf32>
    %broadcast_in_dim3A_141 = vector.shape_cast %reduce_sum3A_140 : vector<512xf32> to vector<512x1xf32>
    %add3A_142 = arith.addf %broadcast_in_dim3A_132, %broadcast_in_dim3A_141 : vector<512x1xf32>
    %reduce_sum3A_143 = arith.constant dense<0.000000e+00> : vector<2560xf32>
    %reduce_sum3A_144 = vector.multi_reduction <add>, %convert_element_type3A_138, %reduce_sum3A_143 [0] : vector<512x2560xf32> to vector<2560xf32>
    %broadcast_in_dim3A_145 = vector.shape_cast %reduce_sum3A_144 : vector<2560xf32> to vector<1x2560xf32>
    %slice3A_146 = vector.extract_strided_slice %broadcast_in_dim3A_145 {offsets = [0, 0], sizes = [1, 512], strides = [1, 1]} : vector<1x2560xf32> to vector<1x512xf32>
    %sub3A_147 = arith.subf %sub3A_107, %slice3A_146 : vector<1x512xf32>
    %slice3A_148 = vector.extract_strided_slice %broadcast_in_dim3A_145 {offsets = [0, 512], sizes = [1, 512], strides = [1, 1]} : vector<1x2560xf32> to vector<1x512xf32>
    %sub3A_149 = arith.subf %sub3A_109, %slice3A_148 : vector<1x512xf32>
    %slice3A_150 = vector.extract_strided_slice %broadcast_in_dim3A_145 {offsets = [0, 1024], sizes = [1, 512], strides = [1, 1]} : vector<1x2560xf32> to vector<1x512xf32>
    %sub3A_151 = arith.subf %sub3A_111, %slice3A_150 : vector<1x512xf32>
    %slice3A_152 = vector.extract_strided_slice %broadcast_in_dim3A_145 {offsets = [0, 1536], sizes = [1, 512], strides = [1, 1]} : vector<1x2560xf32> to vector<1x512xf32>
    %sub3A_153 = arith.subf %sub3A_113, %slice3A_152 : vector<1x512xf32>
    %slice3A_154 = vector.extract_strided_slice %broadcast_in_dim3A_145 {offsets = [0, 2048], sizes = [1, 512], strides = [1, 1]} : vector<1x2560xf32> to vector<1x512xf32>
    %sub3A_155 = arith.subf %sub3A_115, %slice3A_154 : vector<1x512xf32>
    %reshape3A_156 = vector.shape_cast %add3A_142 : vector<512x1xf32> to vector<1x512xf32>
    %add3A_157 = arith.addf %sub3A_105, %reshape3A_156 : vector<1x512xf32>
    %slice3A_158 = vector.extract_strided_slice %select_n3A_21 {offsets = [1536, 0], sizes = [512, 1], strides = [1, 1]} : vector<4096x1xf32> to vector<512x1xf32>
    %slice3A_159 = vector.extract_strided_slice %select_n3A {offsets = [0, 1536], sizes = [1, 512], strides = [1, 1]} : vector<1x4096xf32> to vector<1x512xf32>
    %gt3A_160 = vector.broadcast %slice3A_159 : vector<1x512xf32> to vector<512x512xf32>
    %gt3A_161 = vector.broadcast %slice3A_158 : vector<512x1xf32> to vector<512x512xf32>
    %gt3A_162 = arith.cmpf ogt, %gt3A_160, %gt3A_161 : vector<512x512xf32>
    %eq3A_163 = vector.broadcast %slice3A_159 : vector<1x512xf32> to vector<512x512xf32>
    %eq3A_164 = vector.broadcast %slice3A_158 : vector<512x1xf32> to vector<512x512xf32>
    %eq3A_165 = arith.cmpf oeq, %eq3A_163, %eq3A_164 : vector<512x512xf32>
    %and3A_166 = arith.andi %eq3A_165, %lt3A_24 : vector<512x512xi1>
    %or3A_167 = arith.ori %gt3A_162, %and3A_166 : vector<512x512xi1>
    %convert_element_type3A_168 = arith.extui %or3A_167 : vector<512x512xi1> to vector<512x512xi32>
    %convert_element_type3A_169 = arith.sitofp %convert_element_type3A_168 : vector<512x512xi32> to vector<512x512xf32>
    %reduce_sum3A_170 = arith.constant dense<0.000000e+00> : vector<512xf32>
    %reduce_sum3A_171 = vector.multi_reduction <add>, %convert_element_type3A_169, %reduce_sum3A_170 [1] : vector<512x512xf32> to vector<512xf32>
    %broadcast_in_dim3A_172 = vector.shape_cast %reduce_sum3A_171 : vector<512xf32> to vector<512x1xf32>
    %slice3A_173 = vector.extract_strided_slice %select_n3A {offsets = [0, 2048], sizes = [1, 2048], strides = [1, 1]} : vector<1x4096xf32> to vector<1x2048xf32>
    %gt3A_174 = vector.broadcast %slice3A_173 : vector<1x2048xf32> to vector<512x2048xf32>
    %gt3A_175 = vector.broadcast %slice3A_158 : vector<512x1xf32> to vector<512x2048xf32>
    %gt3A_176 = arith.cmpf ogt, %gt3A_174, %gt3A_175 : vector<512x2048xf32>
    %convert_element_type3A_177 = arith.extui %gt3A_176 : vector<512x2048xi1> to vector<512x2048xi32>
    %convert_element_type3A_178 = arith.sitofp %convert_element_type3A_177 : vector<512x2048xi32> to vector<512x2048xf32>
    %reduce_sum3A_179 = arith.constant dense<0.000000e+00> : vector<512xf32>
    %reduce_sum3A_180 = vector.multi_reduction <add>, %convert_element_type3A_178, %reduce_sum3A_179 [1] : vector<512x2048xf32> to vector<512xf32>
    %broadcast_in_dim3A_181 = vector.shape_cast %reduce_sum3A_180 : vector<512xf32> to vector<512x1xf32>
    %add3A_182 = arith.addf %broadcast_in_dim3A_172, %broadcast_in_dim3A_181 : vector<512x1xf32>
    %reduce_sum3A_183 = arith.constant dense<0.000000e+00> : vector<2048xf32>
    %reduce_sum3A_184 = vector.multi_reduction <add>, %convert_element_type3A_178, %reduce_sum3A_183 [0] : vector<512x2048xf32> to vector<2048xf32>
    %broadcast_in_dim3A_185 = vector.shape_cast %reduce_sum3A_184 : vector<2048xf32> to vector<1x2048xf32>
    %slice3A_186 = vector.extract_strided_slice %broadcast_in_dim3A_185 {offsets = [0, 0], sizes = [1, 512], strides = [1, 1]} : vector<1x2048xf32> to vector<1x512xf32>
    %sub3A_187 = arith.subf %sub3A_149, %slice3A_186 : vector<1x512xf32>
    %slice3A_188 = vector.extract_strided_slice %broadcast_in_dim3A_185 {offsets = [0, 512], sizes = [1, 512], strides = [1, 1]} : vector<1x2048xf32> to vector<1x512xf32>
    %sub3A_189 = arith.subf %sub3A_151, %slice3A_188 : vector<1x512xf32>
    %slice3A_190 = vector.extract_strided_slice %broadcast_in_dim3A_185 {offsets = [0, 1024], sizes = [1, 512], strides = [1, 1]} : vector<1x2048xf32> to vector<1x512xf32>
    %sub3A_191 = arith.subf %sub3A_153, %slice3A_190 : vector<1x512xf32>
    %slice3A_192 = vector.extract_strided_slice %broadcast_in_dim3A_185 {offsets = [0, 1536], sizes = [1, 512], strides = [1, 1]} : vector<1x2048xf32> to vector<1x512xf32>
    %sub3A_193 = arith.subf %sub3A_155, %slice3A_192 : vector<1x512xf32>
    %reshape3A_194 = vector.shape_cast %add3A_182 : vector<512x1xf32> to vector<1x512xf32>
    %add3A_195 = arith.addf %sub3A_147, %reshape3A_194 : vector<1x512xf32>
    %slice3A_196 = vector.extract_strided_slice %select_n3A_21 {offsets = [2048, 0], sizes = [512, 1], strides = [1, 1]} : vector<4096x1xf32> to vector<512x1xf32>
    %slice3A_197 = vector.extract_strided_slice %select_n3A {offsets = [0, 2048], sizes = [1, 512], strides = [1, 1]} : vector<1x4096xf32> to vector<1x512xf32>
    %gt3A_198 = vector.broadcast %slice3A_197 : vector<1x512xf32> to vector<512x512xf32>
    %gt3A_199 = vector.broadcast %slice3A_196 : vector<512x1xf32> to vector<512x512xf32>
    %gt3A_200 = arith.cmpf ogt, %gt3A_198, %gt3A_199 : vector<512x512xf32>
    %eq3A_201 = vector.broadcast %slice3A_197 : vector<1x512xf32> to vector<512x512xf32>
    %eq3A_202 = vector.broadcast %slice3A_196 : vector<512x1xf32> to vector<512x512xf32>
    %eq3A_203 = arith.cmpf oeq, %eq3A_201, %eq3A_202 : vector<512x512xf32>
    %and3A_204 = arith.andi %eq3A_203, %lt3A_24 : vector<512x512xi1>
    %or3A_205 = arith.ori %gt3A_200, %and3A_204 : vector<512x512xi1>
    %convert_element_type3A_206 = arith.extui %or3A_205 : vector<512x512xi1> to vector<512x512xi32>
    %convert_element_type3A_207 = arith.sitofp %convert_element_type3A_206 : vector<512x512xi32> to vector<512x512xf32>
    %reduce_sum3A_208 = arith.constant dense<0.000000e+00> : vector<512xf32>
    %reduce_sum3A_209 = vector.multi_reduction <add>, %convert_element_type3A_207, %reduce_sum3A_208 [1] : vector<512x512xf32> to vector<512xf32>
    %broadcast_in_dim3A_210 = vector.shape_cast %reduce_sum3A_209 : vector<512xf32> to vector<512x1xf32>
    %slice3A_211 = vector.extract_strided_slice %select_n3A {offsets = [0, 2560], sizes = [1, 1536], strides = [1, 1]} : vector<1x4096xf32> to vector<1x1536xf32>
    %gt3A_212 = vector.broadcast %slice3A_211 : vector<1x1536xf32> to vector<512x1536xf32>
    %gt3A_213 = vector.broadcast %slice3A_196 : vector<512x1xf32> to vector<512x1536xf32>
    %gt3A_214 = arith.cmpf ogt, %gt3A_212, %gt3A_213 : vector<512x1536xf32>
    %convert_element_type3A_215 = arith.extui %gt3A_214 : vector<512x1536xi1> to vector<512x1536xi32>
    %convert_element_type3A_216 = arith.sitofp %convert_element_type3A_215 : vector<512x1536xi32> to vector<512x1536xf32>
    %reduce_sum3A_217 = arith.constant dense<0.000000e+00> : vector<512xf32>
    %reduce_sum3A_218 = vector.multi_reduction <add>, %convert_element_type3A_216, %reduce_sum3A_217 [1] : vector<512x1536xf32> to vector<512xf32>
    %broadcast_in_dim3A_219 = vector.shape_cast %reduce_sum3A_218 : vector<512xf32> to vector<512x1xf32>
    %add3A_220 = arith.addf %broadcast_in_dim3A_210, %broadcast_in_dim3A_219 : vector<512x1xf32>
    %reduce_sum3A_221 = arith.constant dense<0.000000e+00> : vector<1536xf32>
    %reduce_sum3A_222 = vector.multi_reduction <add>, %convert_element_type3A_216, %reduce_sum3A_221 [0] : vector<512x1536xf32> to vector<1536xf32>
    %broadcast_in_dim3A_223 = vector.shape_cast %reduce_sum3A_222 : vector<1536xf32> to vector<1x1536xf32>
    %slice3A_224 = vector.extract_strided_slice %broadcast_in_dim3A_223 {offsets = [0, 0], sizes = [1, 512], strides = [1, 1]} : vector<1x1536xf32> to vector<1x512xf32>
    %sub3A_225 = arith.subf %sub3A_189, %slice3A_224 : vector<1x512xf32>
    %slice3A_226 = vector.extract_strided_slice %broadcast_in_dim3A_223 {offsets = [0, 512], sizes = [1, 512], strides = [1, 1]} : vector<1x1536xf32> to vector<1x512xf32>
    %sub3A_227 = arith.subf %sub3A_191, %slice3A_226 : vector<1x512xf32>
    %slice3A_228 = vector.extract_strided_slice %broadcast_in_dim3A_223 {offsets = [0, 1024], sizes = [1, 512], strides = [1, 1]} : vector<1x1536xf32> to vector<1x512xf32>
    %sub3A_229 = arith.subf %sub3A_193, %slice3A_228 : vector<1x512xf32>
    %reshape3A_230 = vector.shape_cast %add3A_220 : vector<512x1xf32> to vector<1x512xf32>
    %add3A_231 = arith.addf %sub3A_187, %reshape3A_230 : vector<1x512xf32>
    %slice3A_232 = vector.extract_strided_slice %select_n3A_21 {offsets = [2560, 0], sizes = [512, 1], strides = [1, 1]} : vector<4096x1xf32> to vector<512x1xf32>
    %slice3A_233 = vector.extract_strided_slice %select_n3A {offsets = [0, 2560], sizes = [1, 512], strides = [1, 1]} : vector<1x4096xf32> to vector<1x512xf32>
    %gt3A_234 = vector.broadcast %slice3A_233 : vector<1x512xf32> to vector<512x512xf32>
    %gt3A_235 = vector.broadcast %slice3A_232 : vector<512x1xf32> to vector<512x512xf32>
    %gt3A_236 = arith.cmpf ogt, %gt3A_234, %gt3A_235 : vector<512x512xf32>
    %eq3A_237 = vector.broadcast %slice3A_233 : vector<1x512xf32> to vector<512x512xf32>
    %eq3A_238 = vector.broadcast %slice3A_232 : vector<512x1xf32> to vector<512x512xf32>
    %eq3A_239 = arith.cmpf oeq, %eq3A_237, %eq3A_238 : vector<512x512xf32>
    %and3A_240 = arith.andi %eq3A_239, %lt3A_24 : vector<512x512xi1>
    %or3A_241 = arith.ori %gt3A_236, %and3A_240 : vector<512x512xi1>
    %convert_element_type3A_242 = arith.extui %or3A_241 : vector<512x512xi1> to vector<512x512xi32>
    %convert_element_type3A_243 = arith.sitofp %convert_element_type3A_242 : vector<512x512xi32> to vector<512x512xf32>
    %reduce_sum3A_244 = arith.constant dense<0.000000e+00> : vector<512xf32>
    %reduce_sum3A_245 = vector.multi_reduction <add>, %convert_element_type3A_243, %reduce_sum3A_244 [1] : vector<512x512xf32> to vector<512xf32>
    %broadcast_in_dim3A_246 = vector.shape_cast %reduce_sum3A_245 : vector<512xf32> to vector<512x1xf32>
    %slice3A_247 = vector.extract_strided_slice %select_n3A {offsets = [0, 3072], sizes = [1, 1024], strides = [1, 1]} : vector<1x4096xf32> to vector<1x1024xf32>
    %gt3A_248 = vector.broadcast %slice3A_247 : vector<1x1024xf32> to vector<512x1024xf32>
    %gt3A_249 = vector.broadcast %slice3A_232 : vector<512x1xf32> to vector<512x1024xf32>
    %gt3A_250 = arith.cmpf ogt, %gt3A_248, %gt3A_249 : vector<512x1024xf32>
    %convert_element_type3A_251 = arith.extui %gt3A_250 : vector<512x1024xi1> to vector<512x1024xi32>
    %convert_element_type3A_252 = arith.sitofp %convert_element_type3A_251 : vector<512x1024xi32> to vector<512x1024xf32>
    %reduce_sum3A_253 = arith.constant dense<0.000000e+00> : vector<512xf32>
    %reduce_sum3A_254 = vector.multi_reduction <add>, %convert_element_type3A_252, %reduce_sum3A_253 [1] : vector<512x1024xf32> to vector<512xf32>
    %broadcast_in_dim3A_255 = vector.shape_cast %reduce_sum3A_254 : vector<512xf32> to vector<512x1xf32>
    %add3A_256 = arith.addf %broadcast_in_dim3A_246, %broadcast_in_dim3A_255 : vector<512x1xf32>
    %reduce_sum3A_257 = arith.constant dense<0.000000e+00> : vector<1024xf32>
    %reduce_sum3A_258 = vector.multi_reduction <add>, %convert_element_type3A_252, %reduce_sum3A_257 [0] : vector<512x1024xf32> to vector<1024xf32>
    %broadcast_in_dim3A_259 = vector.shape_cast %reduce_sum3A_258 : vector<1024xf32> to vector<1x1024xf32>
    %slice3A_260 = vector.extract_strided_slice %broadcast_in_dim3A_259 {offsets = [0, 0], sizes = [1, 512], strides = [1, 1]} : vector<1x1024xf32> to vector<1x512xf32>
    %sub3A_261 = arith.subf %sub3A_227, %slice3A_260 : vector<1x512xf32>
    %slice3A_262 = vector.extract_strided_slice %broadcast_in_dim3A_259 {offsets = [0, 512], sizes = [1, 512], strides = [1, 1]} : vector<1x1024xf32> to vector<1x512xf32>
    %sub3A_263 = arith.subf %sub3A_229, %slice3A_262 : vector<1x512xf32>
    %reshape3A_264 = vector.shape_cast %add3A_256 : vector<512x1xf32> to vector<1x512xf32>
    %add3A_265 = arith.addf %sub3A_225, %reshape3A_264 : vector<1x512xf32>
    %slice3A_266 = vector.extract_strided_slice %select_n3A_21 {offsets = [3072, 0], sizes = [512, 1], strides = [1, 1]} : vector<4096x1xf32> to vector<512x1xf32>
    %slice3A_267 = vector.extract_strided_slice %select_n3A {offsets = [0, 3072], sizes = [1, 512], strides = [1, 1]} : vector<1x4096xf32> to vector<1x512xf32>
    %gt3A_268 = vector.broadcast %slice3A_267 : vector<1x512xf32> to vector<512x512xf32>
    %gt3A_269 = vector.broadcast %slice3A_266 : vector<512x1xf32> to vector<512x512xf32>
    %gt3A_270 = arith.cmpf ogt, %gt3A_268, %gt3A_269 : vector<512x512xf32>
    %eq3A_271 = vector.broadcast %slice3A_267 : vector<1x512xf32> to vector<512x512xf32>
    %eq3A_272 = vector.broadcast %slice3A_266 : vector<512x1xf32> to vector<512x512xf32>
    %eq3A_273 = arith.cmpf oeq, %eq3A_271, %eq3A_272 : vector<512x512xf32>
    %and3A_274 = arith.andi %eq3A_273, %lt3A_24 : vector<512x512xi1>
    %or3A_275 = arith.ori %gt3A_270, %and3A_274 : vector<512x512xi1>
    %convert_element_type3A_276 = arith.extui %or3A_275 : vector<512x512xi1> to vector<512x512xi32>
    %convert_element_type3A_277 = arith.sitofp %convert_element_type3A_276 : vector<512x512xi32> to vector<512x512xf32>
    %reduce_sum3A_278 = arith.constant dense<0.000000e+00> : vector<512xf32>
    %reduce_sum3A_279 = vector.multi_reduction <add>, %convert_element_type3A_277, %reduce_sum3A_278 [1] : vector<512x512xf32> to vector<512xf32>
    %broadcast_in_dim3A_280 = vector.shape_cast %reduce_sum3A_279 : vector<512xf32> to vector<512x1xf32>
    %slice3A_281 = vector.extract_strided_slice %select_n3A {offsets = [0, 3584], sizes = [1, 512], strides = [1, 1]} : vector<1x4096xf32> to vector<1x512xf32>
    %gt3A_282 = vector.broadcast %slice3A_281 : vector<1x512xf32> to vector<512x512xf32>
    %gt3A_283 = vector.broadcast %slice3A_266 : vector<512x1xf32> to vector<512x512xf32>
    %gt3A_284 = arith.cmpf ogt, %gt3A_282, %gt3A_283 : vector<512x512xf32>
    %convert_element_type3A_285 = arith.extui %gt3A_284 : vector<512x512xi1> to vector<512x512xi32>
    %convert_element_type3A_286 = arith.sitofp %convert_element_type3A_285 : vector<512x512xi32> to vector<512x512xf32>
    %reduce_sum3A_287 = arith.constant dense<0.000000e+00> : vector<512xf32>
    %reduce_sum3A_288 = vector.multi_reduction <add>, %convert_element_type3A_286, %reduce_sum3A_287 [1] : vector<512x512xf32> to vector<512xf32>
    %broadcast_in_dim3A_289 = vector.shape_cast %reduce_sum3A_288 : vector<512xf32> to vector<512x1xf32>
    %add3A_290 = arith.addf %broadcast_in_dim3A_280, %broadcast_in_dim3A_289 : vector<512x1xf32>
    %reduce_sum3A_291 = arith.constant dense<0.000000e+00> : vector<512xf32>
    %reduce_sum3A_292 = vector.multi_reduction <add>, %convert_element_type3A_286, %reduce_sum3A_291 [0] : vector<512x512xf32> to vector<512xf32>
    %broadcast_in_dim3A_293 = vector.shape_cast %reduce_sum3A_292 : vector<512xf32> to vector<1x512xf32>
    %sub3A_294 = arith.subf %sub3A_263, %broadcast_in_dim3A_293 : vector<1x512xf32>
    %reshape3A_295 = vector.shape_cast %add3A_290 : vector<512x1xf32> to vector<1x512xf32>
    %add3A_296 = arith.addf %sub3A_261, %reshape3A_295 : vector<1x512xf32>
    %slice3A_297 = vector.extract_strided_slice %select_n3A_21 {offsets = [3584, 0], sizes = [512, 1], strides = [1, 1]} : vector<4096x1xf32> to vector<512x1xf32>
    %slice3A_298 = vector.extract_strided_slice %select_n3A {offsets = [0, 3584], sizes = [1, 512], strides = [1, 1]} : vector<1x4096xf32> to vector<1x512xf32>
    %gt3A_299 = vector.broadcast %slice3A_298 : vector<1x512xf32> to vector<512x512xf32>
    %gt3A_300 = vector.broadcast %slice3A_297 : vector<512x1xf32> to vector<512x512xf32>
    %gt3A_301 = arith.cmpf ogt, %gt3A_299, %gt3A_300 : vector<512x512xf32>
    %eq3A_302 = vector.broadcast %slice3A_298 : vector<1x512xf32> to vector<512x512xf32>
    %eq3A_303 = vector.broadcast %slice3A_297 : vector<512x1xf32> to vector<512x512xf32>
    %eq3A_304 = arith.cmpf oeq, %eq3A_302, %eq3A_303 : vector<512x512xf32>
    %and3A_305 = arith.andi %eq3A_304, %lt3A_24 : vector<512x512xi1>
    %or3A_306 = arith.ori %gt3A_301, %and3A_305 : vector<512x512xi1>
    %convert_element_type3A_307 = arith.extui %or3A_306 : vector<512x512xi1> to vector<512x512xi32>
    %convert_element_type3A_308 = arith.sitofp %convert_element_type3A_307 : vector<512x512xi32> to vector<512x512xf32>
    %reduce_sum3A_309 = arith.constant dense<0.000000e+00> : vector<512xf32>
    %reduce_sum3A_310 = vector.multi_reduction <add>, %convert_element_type3A_308, %reduce_sum3A_309 [1] : vector<512x512xf32> to vector<512xf32>
    %broadcast_in_dim3A_311 = vector.shape_cast %reduce_sum3A_310 : vector<512xf32> to vector<512x1xf32>
    %reshape3A_312 = vector.shape_cast %broadcast_in_dim3A_311 : vector<512x1xf32> to vector<1x512xf32>
    %add3A_313 = arith.addf %sub3A_294, %reshape3A_312 : vector<1x512xf32>
    %get3A_314 = arith.constant 0 : index
    %get3A_315 = arith.constant 0 : index
    %get3A_316 = arith.constant 0 : index
    %get3A_317 = vector.load %arg3[%get3A_314, %get3A_315, %get3A_316] : memref<1x1x4096xi32, #tpu.memory_space<vmem>>, vector<1x1x4096xi32>
    %get3A_318 = vector.shape_cast %get3A_317 : vector<1x1x4096xi32> to vector<1x4096xi32>
    %reduce_sum3A_319 = vector.shape_cast %get3A_318 : vector<1x4096xi32> to vector<1x1x4096xi32>
    %reduce_sum3A_320 = arith.constant dense<0> : vector<1xi32>
    %reduce_sum3A_321 = vector.multi_reduction <add>, %reduce_sum3A_319, %reduce_sum3A_320 [1, 2] : vector<1x1x4096xi32> to vector<1xi32>
    %reduce_sum3A_322 = vector.shape_cast %reduce_sum3A_321 : vector<1xi32> to vector<1x1x1xi32>
    %reduce_sum3A_323 = vector.extract %reduce_sum3A_322[0, 0, 0] : i32 from vector<1x1x1xi32>
    %convert_element_type3A_324 = arith.sitofp %reduce_sum3A_323 : i32 to f32
    %broadcast_in_dim3A_325 = vector.broadcast %convert_element_type3A_324 : f32 to vector<1x16xf32>
    %concatenate3A = tpu.concatenate %add3A_75, %add3A_117, %add3A_157, %add3A_195, %add3A_231, %add3A_265, %add3A_296, %add3A_313, %broadcast_in_dim3A_325 in 1 : vector<1x512xf32>, vector<1x512xf32>, vector<1x512xf32>, vector<1x512xf32>, vector<1x512xf32>, vector<1x512xf32>, vector<1x512xf32>, vector<1x512xf32>, vector<1x16xf32> -> vector<1x4112xf32>
    %convert_element_type3A_326 = arith.fptosi %concatenate3A : vector<1x4112xf32> to vector<1x4112xi32>
    %reshape3A_327 = vector.shape_cast %convert_element_type3A_326 : vector<1x4112xi32> to vector<1x1x4112xi32>
    %swap3A = arith.constant 0 : index
    %swap3A_328 = arith.constant 0 : index
    %swap3A_329 = arith.constant 0 : index
    %swap3A_330 = vector.load %arg4[%swap3A, %swap3A_328, %swap3A_329] : memref<1x1x4112xi32, #tpu.memory_space<vmem>>, vector<1x1x4112xi32>
    tpu.vector_store %arg4[%swap3A, %swap3A_328, %swap3A_329], %reshape3A_327 {strides = array<i32>} : memref<1x1x4112xi32, #tpu.memory_space<vmem>>, vector<1x1x4112xi32>,
    return
  }
  func.func @transform_0(%arg0: i32) -> (i32, i32, i32) {
    %c0_i32 = arith.constant 0 : i32
    %c3_i32 = arith.constant 3 : i32
    %c0_i32_0 = arith.constant 0 : i32
    return %arg0, %c0_i32, %c3_i32 : i32, i32, i32
  }
  func.func @transform_1(%arg0: i32) -> (i32, i32, i32) {
    %c0_i32 = arith.constant 0 : i32
    %c0_i32_0 = arith.constant 0 : i32
    %c0_i32_1 = arith.constant 0 : i32
    return %arg0, %c0_i32, %c0_i32_0 : i32, i32, i32
  }
  func.func @transform_2(%arg0: i32) -> (i32, i32, i32) {
    %c0_i32 = arith.constant 0 : i32
    %c0_i32_0 = arith.constant 0 : i32
    %c0_i32_1 = arith.constant 0 : i32
    return %arg0, %c0_i32, %c0_i32_0 : i32, i32, i32
  }
  func.func @transform_3(%arg0: i32) -> (i32, i32, i32) {
    %c0_i32 = arith.constant 0 : i32
    %c0_i32_0 = arith.constant 0 : i32
    %c0_i32_1 = arith.constant 0 : i32
    return %arg0, %c0_i32, %c0_i32_0 : i32, i32, i32
  }
}

</mosaic_0001>

<sc_bundles>
// kernel: kernel.4.cloned.1.call-start
scs
__scs_entry_jumppad:
0x0: {  	(pc) =	sbr.rel $0x88, $3  }
0x1: {  	(tag) =	ssettag $0x0;
	lr =	simm.s32 $0x1  }
0x2: {  	[smem:$0x3F9F] =	sst lr;
	_ =	strace $0xD0000000  }
0x3: {  	_ = 	snop  }
0x4: {  	_ = 	snop  }
0x5: {  	_ = 	snop  }
0x6: {  	_ = 	snop  }
0x7: {  	_ = 	snop  }
__scs_overlays_trampoline_lowered:
0x8: {  	[smem:$0x3FAE] =	sst s0  }
0x9: {  	[smem:$0x3FAF] =	sst s1  }
0xa: {  	[smem:$0x3FB0] =	sst s2  }
0xb: {  	[smem:$0x3FB1] =	sst s3  }
0xc: {  	[smem:$0x3FB2] =	sst s4  }
0xd: {  	[smem:$0x3FB3] =	sst s5  }
0xe: {  	[smem:$0x3FB4] =	sst s6  }
0xf: {  	[smem:$0x3FB5] =	sst s7  }
0x10: {  	[smem:$0x3FB6] =	sst s8  }
0x11: {  	[smem:$0x3FB7] =	sst s9;
	s0 =	simm.s32 @!p0 $0x0  }
0x12: {  	s1 =	sld [smem:$0x3F9D];
	s0 =	simm.s32 @p0 $0x1  }
0x13: {  	[smem:$0x3FB8] =	sst s0;
	s0 =	simm.s32 @!p1 $0x0  }
0x14: {  	s2 =	sld [smem:$0x3F9C];
	s0 =	simm.s32 @p1 $0x1  }
0x15: {  	[smem:$0x3FB9] =	sst s0;
	s0 =	simm.s32 @!p2 $0x0  }
0x16: {  	s3 =	sld [smem:$0x3FDB];
	s0 =	simm.s32 @p2 $0x1  }
0x17: {  	s4 =	simm.s32 $0x1BF5;
	[smem:$0x3FBB] =	sst s0  }
0x18: {  	s0 =	sld [smem:$0x3F9E];
	_ =	swait.ge [sflag:s4], $0x0  }
0x19: {  	s7 =	sld [smem:$0x3F9F]  }
0x1a: {  	s8 =	sadd.s32 $0xFFFFE003, lr  }
0x1b: {  	s9 =	sadd.s32 $0xFFFFFEF7, lr;
	s5 =	simm.s32 $0xFFFFFFFF;
	p2 =	slt.u32 s8, $0xFFFFF086  }
0x1c: {  	p1 =	slt.u32 s9, $0xF7A;
	s5 =	simm.s32 @!p2 $0x0  }
0x1d: {  	s5 =	simm.s32 @p1 $0x1;
	p0 =	seq.s32 s7, s2  }
0x1e: {  	s7 =	smul.u32 @!p0 $0xF7A, s2;
	p2 =	seq.s32 @!p0 s5, $0x0  }
0x1f: {  	s9 =	smul.u32 $0xF7A, s1;
	s8 =	simm.s32 @!p0 $0x1BF5;
	p2 =	por !p2, p0  }
0x20: {  	[sflag:s8] =	ssyncset.s32 @!p0 $0xFFFFF086;
	s6 =	sadd.s32 @!p0 s3, s7;
	s7 =	simm.s32 @!p0 $0x108  }
0x21: {  	s3 =	sadd.s32 s3, s9;
	s6 =	sadd.s32 @!p0 $0x88, s6;
	s7 =	simm.s32 @p2 $0x1082  }
0x22: {  	[simem:s7], [sflag:s8] =	dma.local @!p0 [hbm:s6], $0xF7A  }
0x23: {  	s9 =	sor.u32 $0xD0000000, s2;
	s6 =	simm.s32 $0x108;
	_ =	swait.ge @!p0 [sflag:s8], $0x0  }
0x24: {  	s3 =	sadd.s32 $0x88, s3;
	s6 =	simm.s32 @!p1 $0x1082;
	[sflag:s4] =	ssyncset.s32 $0xFFFFF086  }
0x25: {  	[simem:s6], [sflag:s4] =	dma.local [hbm:s3], $0xF7A  }
0x26: {  	[smem:$0x3F9F] =	sst s1;
	(tag) =	ssettag s2;
	_ =	strace s9  }
0x27: {  	s1 =	sld [smem:$0x3FAF]  }
0x28: {  	s2 =	sld [smem:$0x3FB0]  }
0x29: {  	s4 =	sld [smem:$0x3FB2]  }
0x2a: {  	p0 =	seq.s32 s5, $0x0;
	s5 =	sld [smem:$0x3FB3]  }
0x2b: {  	s6 =	sld [smem:$0x3FB4]  }
0x2c: {  	s7 =	sld [smem:$0x3FB5]  }
0x2d: {  	s3 =	simm.s32 $0x108;
	s8 =	sld [smem:$0x3FB6]  }
0x2e: {  	s3 =	simm.s32 @!p0 $0x1082;
	s9 =	sld [smem:$0x3FB7]  }
0x2f: {  	lr =	sadd.s32 s0, s3;
	s0 =	sld [smem:$0x3FAE]  }
0x30: {  	s3 =	sld [smem:$0x3FB1]  }
0x31: {  	[smem:$0x3FBA] =	sst s10  }
0x32: {  	s10 =	sld [smem:$0x3FB8];
	_ =	sdelay $0x3  }
0x33: {  	p0 =	seq.s32 s10, $0x1;
	s10 =	sld [smem:$0x3FBA];
	_ =	sdelay $0x3  }
0x34: {  	[smem:$0x3FBA] =	sst s10  }
0x35: {  	s10 =	sld [smem:$0x3FB9];
	_ =	sdelay $0x3  }
0x36: {  	p1 =	seq.s32 s10, $0x1;
	s10 =	sld [smem:$0x3FBA];
	_ =	sdelay $0x3  }
0x37: {  	[smem:$0x3FBA] =	sst s10  }
0x38: {  	s10 =	sld [smem:$0x3FBB]  }
0x39: {  	_ = 	snop;
	(pc) =	sbr.ind lr, $3  }
0x3a: {  	_ = 	snop  }
0x3b: {  	_ = 	snop  }
0x3c: {  	p2 =	seq.s32 s10, $0x1;
	s10 =	sld [smem:$0x3FBA]  }
0x3d: {  	_ =	shalt  }
0x3e: {  	_ =	shalt  }
0x3f: {  	_ =	shalt  }
0x40: {  	_ =	shalt  }
0x41: {  	_ =	shalt  }
0x42: {  	_ =	shalt  }
0x43: {  	_ =	shalt  }
0x44: {  	_ =	shalt  }
0x45: {  	_ =	shalt  }
0x46: {  	_ =	shalt  }
0x47: {  	_ =	shalt  }
0x48: {  	_ =	shalt  }
0x49: {  	_ =	shalt  }
0x4a: {  	_ =	shalt  }
0x4b: {  	_ =	shalt  }
0x4c: {  	_ =	shalt  }
0x4d: {  	_ =	shalt  }
0x4e: {  	_ =	shalt  }
0x4f: {  	_ =	shalt  }
0x50: {  	_ =	shalt  }
0x51: {  	_ =	shalt  }
0x52: {  	_ =	shalt  }
0x53: {  	_ =	shalt  }
0x54: {  	_ =	shalt  }
0x55: {  	_ =	shalt  }
0x56: {  	_ =	shalt  }
0x57: {  	_ =	shalt  }
0x58: {  	_ =	shalt  }
0x59: {  	_ =	shalt  }
0x5a: {  	_ =	shalt  }
0x5b: {  	_ =	shalt  }
0x5c: {  	_ =	shalt  }
0x5d: {  	_ =	shalt  }
0x5e: {  	_ =	shalt  }
0x5f: {  	_ =	shalt  }
0x60: {  	_ =	shalt  }
0x61: {  	_ =	shalt  }
0x62: {  	_ =	shalt  }
0x63: {  	_ =	shalt  }
0x64: {  	_ =	shalt  }
0x65: {  	_ =	shalt  }
0x66: {  	_ =	shalt  }
0x67: {  	_ =	shalt  }
0x68: {  	_ =	shalt  }
0x69: {  	_ =	shalt  }
0x6a: {  	_ =	shalt  }
0x6b: {  	_ =	shalt  }
0x6c: {  	_ =	shalt  }
0x6d: {  	_ =	shalt  }
0x6e: {  	_ =	shalt  }
0x6f: {  	_ =	shalt  }
0x70: {  	_ =	shalt  }
0x71: {  	_ =	shalt  }
0x72: {  	_ =	shalt  }
0x73: {  	_ =	shalt  }
0x74: {  	_ =	shalt  }
0x75: {  	_ =	shalt  }
0x76: {  	_ =	shalt  }
0x77: {  	_ =	shalt  }
0x78: {  	_ =	shalt  }
0x79: {  	_ =	shalt  }
0x7a: {  	_ =	shalt  }
0x7b: {  	_ =	shalt  }
0x7c: {  	_ =	shalt  }
0x7d: {  	_ =	shalt  }
0x7e: {  	_ =	shalt  }
0x7f: {  	_ =	shalt  }
0x80: {  	_ =	shalt  }
0x81: {  	_ =	shalt  }
0x82: {  	_ =	shalt  }
0x83: {  	_ =	shalt  }
0x84: {  	_ =	shalt  }
0x85: {  	_ =	shalt  }
0x86: {  	_ =	shalt  }
0x87: {  	_ =	shalt  }
.Lfunc_end0:
.L_simem_size_0:
called_computation_lowered:
.L_overlay_start_0:
0x88: {  	s2 =	sld [smem:$0x3FD9]  }
0x89: {  	s3 =	sld [smem:$0x3FFE];
	_ =	sdelay $0x1  }
0x8a: {  	s1 =	srdreg.scid  }
0x8b: {  	s0 =	sand.u32 $0x1, s1  }
0x8c: {  	s17 =	sshll.u32 s0, $0xA;
	s2 =	sadd.s32 s3, s2  }
0x8d: {  	s2 =	sadd.s32 s2, s17  }
0x8e: {  	[smem:$0x3FC6] =	sst s2  }
0x8f: {  	_ = 	snop  }
0x90: {  	s2 =	sld [smem:$0x3FC9]  }
0x91: {  	s18 =	sld [smem:$0x3FD0];
	(tm) =	ssettm $0x1  }
0x92: {  	s4 =	sld [smem:$0x3FFB];
	_ =	sdelay $0x3  }
0x93: {  	_ =	strace s4  }
0x94: {  	s4 =	sld [smem:$0x3FFC];
	_ =	sdelay $0x3  }
0x95: {  	_ =	strace s4  }
0x96: {  	s4 =	sld [smem:$0x3FFD];
	_ =	sdelay $0x3  }
0x97: {  	_ =	strace s4  }
0x98: {  	_ =	strace $0x8FFFFFFF  }
0x99: {  	s19 =	sld [smem:$0x3FDB];
	_ =	sdelay $0x1  }
0x9a: {  	s5 =	simm.s32 $_scs_section_size  }
0x9b: {  	s6 =	simm.s32 $_size__tile_overlayer_lowered;
	s7 =	simm.s32 $_tile_overlayer_lowered  }
0x9c: {  	s22 =	simm.s32 $0x1BFF;
	s21 =	sshll.u32 s7, $0x1;
	s4 =	sadd.s32 s5, s19  }
0x9d: {  	s8 =	simm.s32 $0x0;
	s20 =	sshll.u32 s6, $0x1;
	s6 =	sadd.s32 s21, s4  }
0x9e: {  	[timem:s8], [sflag:s22] =	dma.local [hbm:s6], s20  }
0x9f: {  	_ =	swait.ge [sflag:s22], s20  }
0xa0: {  	s5 =	ssub.s32 $0x0, s20;
	[sflag:s22] =	ssyncset.done $0x0  }
0xa1: {  	[sflag:s22] =	ssyncadd.s32 s5;
	_ =	sdelay $0x1  }
0xa2: {  	s23 =	simm.s32 $0x1B8B  }
0xa3: {  	_ =	swait.ge [sflag:s23], $0x1  }
0xa4: {  	[sflag:s23] =	ssyncset.done $0x0  }
0xa5: {  	s25 =	simm.s32 $0x1B8E;
	s24 =	sld [smem:$0x3FFE];
	[sflag:s23] =	ssyncadd.s32 $0xFFFFFFFF  }
0xa6: {  	s26 =	simm.s32 $execute0_lowered;
	[smem:$0x3FD2] =	sst s25  }
0xa7: {  	s6 =	sshll.u32 s26, $0x1;
	_ =	strace $0x80000046;
	[dreg:$0x1] =	wrdreg $0xFFFFFFFF  }
0xa8: {  	s28 =	simm.s32 $_size_execute0_lowered;
	s4 =	sadd.s32 s4, s6;
	[dreg:$0x0] =	wrdreg $0x0  }
0xa9: {  	s6 =	sshll.u32 s28, $0x1;
	[dreg:$0x2] =	wrdreg s4  }
0xaa: {  	[dreg:$0x3] =	wrdreg s6  }
0xab: {  	[dreg:$0x4] =	wrdreg $0xC0  }
0xac: {  	_ =	task [dreg:s8], $0x5FFFF  }
0xad: {  	[dreg:$0x1] =	wrdreg $0xFFFFFFFF  }
0xae: {  	[dreg:$0x0] =	wrdreg $0x60  }
0xaf: {  	[dreg:$0x2] =	wrdreg s2  }
0xb0: {  	[dreg:$0x3] =	wrdreg s24  }
0xb1: {  	[dreg:$0x4] =	wrdreg s18  }
0xb2: {  	[dreg:$0x5] =	wrdreg $0x9  }
0xb3: {  	_ =	task.clear_ibuf [dreg:s8], $0x6FFFF;
	_ =	strace $0x90000046  }
0xb4: {  	s29 =	simm.s32 $0x9;
	_ =	strace $0x80000048  }
0xb5: {  	_ =	swait.ge [sflag:s29], $0x1  }
0xb6: {  	[sflag:s29] =	ssyncadd.s32 $0xFFFFFFFF  }
0xb7: {  	_ =	strace $0x90000048  }
0xb8: {  	_ =	sfence  }
0xb9: {  	s30 =	sld [smem:$0x0];
	_ =	sdelay $0x2  }
0xba: {  	s31 =	sshll.u32 s1, $0xD;
	s1 =	sshrl.u32 s1, $0x2  }
0xbb: {  	s3 =	sand.u32 $0x4000, s31;
	s1 =	sadd.s32 s1, s30  }
0xbc: {  	s0 =	sor.u32 s3, s0;
	s1 =	sshll.u32 s1, $0x11  }
0xbd: {  	s0 =	sor.u32 s1, s0  }
0xbe: {  	s0 =	sadd.s32 $0x8F2B, s0  }
0xbf: {  	[sflag:s0] =	ssyncadd.remote.s32 $0x1  }
0xc0: {  	_ =	sfence.sel $0xFFFF  }
0xc1: {  	[dreg:$0x0] =	wrdreg $0xFFFFFFFF;
	(pc) =	sbr.abs _section_cstart, $3  }
0xc2: {  	[dreg:$0x1] =	wrdreg $0xFFFFFFFF  }
0xc3: {  	_ =	task.clear_ibuf [dreg:s8], $0x2FFFF;
	_ =	strace $0x9FFFFFFF  }
0xc4: {  	(tm) =	ssettm $0x7FFFFFFF  }
0xc5: {  	_ =	shalt  }
tec
execute0_lowered:
.L_overlay_start_1:
0x0: {  	(tag) =	ssettag $0x1  }
0x1: {  	s0 =	srdreg.scid  }
0x2: {  	s4 =	stileid.u32;
	s5 =	rddreg [dreg:$0x1]  }
0x3: {  	s3 =	simm.s32 $0x1;
	s6 =	rddreg [dreg:$0x2];
	s18 =	simm.s32 $0x0  }
0x4: {  	s10 =	simm.s32 $0xFFFFFFFF;
	s28 =	simm.s32 $0x9A80;
	s29 =	simm.s32 $0xA280  }
0x5: {  	s30 =	simm.s32 $0xAA80;
	s0 =	sand.u32 $0x1, s0;
	s1 =	sshll.u32 s4, $0x1  }
0x6: {  	s31 =	simm.s32 $0xB280;
	[smem:$0x7FF] =	sst s18;
	s2 =	sor.u32 s0, s1  }
0x7: {  	p1 =	seq.s32 s0, $0x1;
	s1 =	rddreg [dreg:$0x0];
	_ =	strace $0x80000047  }
0x8: {  	p0 =	seq.s32 s2, $0x0;
	s20 =	sshll.u32 s2, $0x9;
	s2 =	sshll.u32 s2, $0xF  }
0x9: {  	s17 =	ssub.s32 $0x2, s0;
	s0 =	sshll.u32 s0, $0x9;
	s22 =	sadd.s32 s6, s2  }
0xa: {  	s9 =	sshrl.u32 s17, $0x1;
	s24 =	sadd.s32 $0x1000, s22;
	[dreg:$0x7] =	wrdreg s22  }
0xb: {  	p0 =	por !p0, !p1;
	s26 =	sadd.s32 $0x2000, s22;
	[dreg:$0x9] =	wrdreg s24  }
0xc: {  	s2 =	simm.s32 $0xBA80;
	s6 =	sadd.s32 $0x3000, s22;
	[dreg:$0xb] =	wrdreg s26  }
0xd: {  	p0 =	por !p0, !p0;
	s11 =	sadd.s32 $0x4000, s22;
	[dreg:$0xd] =	wrdreg s6  }
0xe: {  	s14 =	sadd.s32 $0x5000, s22;
	s3 =	simm.s32 @!p0 $0x0;
	[dreg:$0xf] =	wrdreg s11  }
0xf: {  	s10 =	simm.s32 @!p0 $0x0;
	[dreg:$0x11] =	wrdreg s14;
	s3 =	ssub.s32 s4, s3  }
0x10: {  	s6 =	simm.s32 $0xDA80;
	s15 =	sshll.u32 s10, $0xA;
	s4 =	sshrl.u32 s3, $0x3  }
0x11: {  	s16 =	sshll.u32 s3, $0x7;
	s19 =	sshll.u32 s3, $0xA;
	s3 =	sshll.u32 s3, $0xC  }
0x12: {  	s11 =	simm.s32 $0xEA80;
	s0 =	ssub.s32 s0, s15;
	[dreg:$0x5] =	wrdreg s3  }
0x13: {  	s8 =	sand.u32 $0x380, s16;
	s16 =	sadd.s32 $0x6000, s22;
	[dreg:$0x14] =	wrdreg s0  }
0x14: {  	s12 =	ssub.s32 s20, s19;
	s20 =	sadd.s32 $0x7000, s22;
	[dreg:$0x13] =	wrdreg s16  }
0x15: {  	s14 =	simm.s32 $0x10280;
	s22 =	sor.u32 $0x80, s0;
	[dreg:$0x17] =	wrdreg s20  }
0x16: {  	s10 =	simm.s32 $0xE280;
	s24 =	sor.u32 $0x100, s0;
	[dreg:$0x19] =	wrdreg s22  }
0x17: {  	s15 =	simm.s32 $0x10A80;
	s26 =	sor.u32 $0x180, s0;
	[dreg:$0x1b] =	wrdreg s24  }
0x18: {  	s7 =	smul.u32 $0x8400, s4;
	s21 =	sor.u32 $0x40, s12;
	[dreg:$0x1d] =	wrdreg s26  }
0x19: {  	s4 =	simm.s32 $0x1;
	s23 =	sor.u32 $0x80, s12;
	[dreg:$0x6] =	wrdreg s21  }
0x1a: {  	s3 =	simm.s32 $0x3;
	s25 =	sor.u32 $0xC0, s12;
	[dreg:$0x8] =	wrdreg s23  }
0x1b: {  	s13 =	sor.u32 $0x180, s12;
	s7 =	sor.u32 s8, s7;
	[dreg:$0xa] =	wrdreg s25  }
0x1c: {  	s8 =	ssub.s32 s17, s9;
	s9 =	sor.u32 $0x140, s12;
	[dreg:$0x10] =	wrdreg s13  }
0x1d: {  	s26 =	simm.s32 $0x9280;
	s17 =	sadd.s32 $0x200, s12;
	[dreg:$0xe] =	wrdreg s9  }
0x1e: {  	s22 =	simm.s32 $0xD280;
	s21 =	sor.u32 $0x40, s0;
	[dreg:$0x15] =	wrdreg s17  }
0x1f: {  	s16 =	simm.s32 $0x2;
	s23 =	sor.u32 $0xC0, s0;
	[dreg:$0x18] =	wrdreg s21  }
0x20: {  	s25 =	sor.u32 $0x140, s0;
	s0 =	sor.u32 $0x1C0, s0;
	[dreg:$0x1a] =	wrdreg s23  }
0x21: {  	s13 =	simm.s32 $0xFA80;
	s7 =	sshrl.u32 s7, $0x3;
	[dreg:$0x1c] =	wrdreg s25  }
0x22: {  	s19 =	smax.u32 s8, $0x1;
	[dreg:$0x1e] =	wrdreg s0;
	s8 =	simm.s32 $0x1280  }
.Ltmp0:
0x23: {  	s0 =	simm.s32 $0xC280;
	s5 =	sadd.s32 s7, s5;
	(pc) =	sbr.rel .LBB2_1-.Ltmp0, $4  }
0x24: {  	s9 =	simm.s32 $0xCA80;
	[dreg:$0x16] =	wrdreg s19;
	s5 =	sadd.s32 $0x600, s5  }
0x25: {  	v0 =	vlaneseq.u32;
	s17 =	simm.s32 $0x0;
	[dreg:$0x4] =	wrdreg s5;
	s5 =	sor.u32 $0x100, s12  }
0x26: {  	vm0 =	vmmov $0xffff;
	v2 =	vand.u32 $0x7, v0;
	v3 =	vshrl.u32 v0, $0x3;
	s7 =	sadd.s32 $0x100, s1;
	[dreg:$0xc] =	wrdreg s5;
	s5 =	sor.u32 $0x1C0, s12  }
0x27: {  	v4 =	vor.u32 $0x8, v0;
	v3 =	vmul.u32 $0x8, v3;
	v1 =	vmov s12;
	s12 =	simm.s32 $0xF280;
	[dreg:$0x12] =	wrdreg s5;
	s5 =	simm.s32 $0x1080  }
.LBB2_34:
0x28: {  	[tilespmem:s20+$0x9EC0] =	vst @!p0 v5  }
0x29: {  	[tilespmem:s20+$0x9ED0] =	vst @!p0 v5  }
0x2a: {  	[tilespmem:s20+$0x9EE0] =	vst @!p0 v5  }
.LBB2_35:
0x2b: {  	s18 =	simm.s32 $0x0;
	s19 =	rddreg [dreg:$0x17]  }
0x2c: {  	[hbm4b:s19+s18] =	stream.linear.scatter [tilespmem:s26], [sflag:$0x3], $0x8000, $0x38;
	[tilespmem:$0x11280] =	vst v63  }
0x2d: {  	_ =	swait.ge [sflag:s3], $0x8000  }
0x2e: {  	s17 =	sadd.s32 $0x1, s17;
	s25 =	rddreg [dreg:$0x16]  }
0x2f: {  	p0 =	sne.s32 s17, s25  }
.Ltmp1:
0x30: {  	_ = 	snop;
	(pc) =	sbr.rel @!p0 .LBB2_36-.Ltmp1, $3  }
0x31: {  	_ =	sdelay $0x1  }
0x32: {  	[sflag:s3] =	ssyncset.done $0x0  }
0x33: {  	[sflag:s3] =	ssyncadd.s32 $0xFFFF8000  }
.LBB2_1:
0x34: {  	s19 =	rddreg [dreg:$0x4];
	s20 =	simm.s32 $0x80;
	s21 =	simm.s32 $0x400  }
0x35: {  	[tilespmem:s18], [sflag:$0x3] =	stream.strided.gather [hbm4b:s19+s20], $0x1080, s21, s20, $0x38;
	[tilespmem:$0x11280] =	vst v63  }
0x36: {  	_ =	swait.ge [sflag:s3], $0x1080  }
0x37: {  	[sflag:s3] =	ssyncset.done $0x0  }
0x38: {  	s25 =	simm.s32 $0x0;
	[sflag:s3] =	ssyncadd.s32 $0xFFFFEF80  }
0x39: {  	v5 =	vld [tilespmem:s25+$0x0];
	_ =	sdelay $0x4  }
0x3a: {  	v6 =	vsub.s32 v5, v1  }
0x3b: {  	v5 =	vand.u32 $0x7F, v5;
	vm1 =	vlt.u32 v6, $0x200;
	v6 =	vand.u32 $0xFFFFFF80, v6  }
0x3c: {  	v6 =	vor.u32 v5, v6;
	_ =	sdelay $0x2  }
0x3d: {  	s18 =	rddreg [dreg:$0x5]  }
0x3e: {  	v7 =	vor.u32 s18, v0  }
0x3f: {  	s20 =	simm.s32 $0x10;
	s19 =	simm.s32 $0x80;
	v5 =	vld [tilespmem:$0x1000];
	[tilespmem:v6+s5+$0x0] =	vst.idx.msk vm1, v7  }
.LBB2_2:
0x40: {  	p0 =	sne.s32 s19, $0x3FC0;
	v6 =	vld [tilespmem:s20+$0x0];
	_ =	sdelay $0x4  }
0x41: {  	v7 =	vsub.s32 v6, v1  }
0x42: {  	v6 =	vand.u32 $0x7F, v6;
	vm1 =	vlt.u32 v7, $0x200;
	v7 =	vand.u32 $0xFFFFFF80, v7  }
0x43: {  	v6 =	vor.u32 v6, v7  }
.Ltmp2:
0x44: {  	(pc) =	sbr.rel @p0 .LBB2_2-.Ltmp2, $4  }
0x45: {  	_ = 	snop  }
0x46: {  	s18 =	sadd.s32 $0x10, s18  }
0x47: {  	v7 =	vor.u32 s18, v0  }
0x48: {  	s20 =	sshra.s32 s19, $0x2;
	s19 =	sadd.s32 $0x40, s19;
	[tilespmem:v6+s5+$0x0] =	vst.idx.msk vm1, v7  }
0x49: {  	v6 =	vld [tilespmem:s20+$0x0];
	_ =	sdelay $0x4  }
0x4a: {  	v7 =	vsub.s32 v6, v1  }
0x4b: {  	v6 =	vand.u32 $0x7F, v6;
	vm1 =	vlt.u32 v7, $0x200;
	v7 =	vand.u32 $0xFFFFFF80, v7  }
0x4c: {  	v6 =	vor.u32 v6, v7;
	_ =	sdelay $0x2  }
0x4d: {  	s18 =	sadd.s32 $0x10, s18  }
0x4e: {  	v7 =	vor.u32 s18, v0  }
0x4f: {  	[tilespmem:v6+s5+$0x0] =	vst.idx.msk vm1, v7  }
0x50: {  	v6 =	vld [tilespmem:$0x1080];
	_ =	sdelay $0x4  }
0x51: {  	v7 =	vshll.u32 v6, $0x2  }
0x52: {  	v6 =	vand.u32 $0x7, v6;
	v7 =	vand.u32 $0xFFFFFFE0, v7  }
0x53: {  	v6 =	vor.u32 v6, v7  }
0x54: {  	v7 =	vperm.xlane v6, v2;
	_ =	sdelay $0x1  }
0x55: {  	v7 =	vadd.s32 v3, v7;
	_ =	sdelay $0x1  }
0x56: {  	v6 =	vperm.xlane v6, v4;
	_ =	sdelay $0x1  }
0x57: {  	s19 =	simm.s32 $0x0;
	v6 =	vadd.s32 v3, v6  }
0x58: {  	[tilespmem:s8], [sflag:$0x1] =	stream.indirect_vreg.gather [hbm4b:s1+s19], $0x80, v7, vm0, $0xb8;
	[tilespmem:$0x11280] =	vst v63  }
0x59: {  	s25 =	simm.s32 $0x1A80  }
0x5a: {  	[tilespmem:s25], [sflag:$0x1] =	stream.indirect_vreg.gather [hbm4b:s7+s19], $0x80, v7, vm0, $0xb8;
	[tilespmem:$0x11280] =	vst v63  }
0x5b: {  	s20 =	simm.s32 $0x2280  }
0x5c: {  	[tilespmem:s20], [sflag:$0x1] =	stream.indirect_vreg.gather [hbm4b:s1+s19], $0x80, v6, vm0, $0xb8;
	[tilespmem:$0x11280] =	vst v63  }
0x5d: {  	s21 =	simm.s32 $0x2A80  }
0x5e: {  	[tilespmem:s21], [sflag:$0x1] =	stream.indirect_vreg.gather [hbm4b:s7+s19], $0x80, v6, vm0, $0xb8;
	[tilespmem:$0x11280] =	vst v63  }
0x5f: {  	v6 =	vld [tilespmem:$0x1090];
	_ =	sdelay $0x4  }
0x60: {  	v7 =	vshll.u32 v6, $0x2  }
0x61: {  	v6 =	vand.u32 $0x7, v6;
	v7 =	vand.u32 $0xFFFFFFE0, v7  }
0x62: {  	v6 =	vor.u32 v6, v7  }
0x63: {  	v7 =	vperm.xlane v6, v2;
	_ =	sdelay $0x1  }
0x64: {  	v7 =	vadd.s32 v3, v7;
	_ =	sdelay $0x1  }
0x65: {  	v6 =	vperm.xlane v6, v4;
	_ =	sdelay $0x1  }
0x66: {  	s23 =	simm.s32 $0x3280;
	v6 =	vadd.s32 v3, v6  }
0x67: {  	[tilespmem:s23], [sflag:$0x1] =	stream.indirect_vreg.gather [hbm4b:s1+s19], $0x80, v7, vm0, $0xb8;
	[tilespmem:$0x11280] =	vst v63  }
0x68: {  	s24 =	simm.s32 $0x3A80  }
0x69: {  	[tilespmem:s24], [sflag:$0x1] =	stream.indirect_vreg.gather [hbm4b:s7+s19], $0x80, v7, vm0, $0xb8;
	[tilespmem:$0x11280] =	vst v63  }
0x6a: {  	s25 =	simm.s32 $0x4280  }
0x6b: {  	[tilespmem:s25], [sflag:$0x1] =	stream.indirect_vreg.gather [hbm4b:s1+s19], $0x80, v6, vm0, $0xb8;
	[tilespmem:$0x11280] =	vst v63  }
0x6c: {  	s20 =	simm.s32 $0x4A80  }
0x6d: {  	[tilespmem:s20], [sflag:$0x1] =	stream.indirect_vreg.gather [hbm4b:s7+s19], $0x80, v6, vm0, $0xb8;
	[tilespmem:$0x11280] =	vst v63  }
0x6e: {  	v6 =	vld [tilespmem:$0x10A0];
	_ =	sdelay $0x4  }
0x6f: {  	v7 =	vshll.u32 v6, $0x2  }
0x70: {  	v6 =	vand.u32 $0x7, v6;
	v7 =	vand.u32 $0xFFFFFFE0, v7  }
0x71: {  	v6 =	vor.u32 v6, v7  }
0x72: {  	v7 =	vperm.xlane v6, v2;
	_ =	sdelay $0x1  }
0x73: {  	v7 =	vadd.s32 v3, v7;
	_ =	sdelay $0x1  }
0x74: {  	v6 =	vperm.xlane v6, v4;
	_ =	sdelay $0x1  }
0x75: {  	s21 =	simm.s32 $0x5280;
	v6 =	vadd.s32 v3, v6  }
0x76: {  	[tilespmem:s21], [sflag:$0x1] =	stream.indirect_vreg.gather [hbm4b:s1+s19], $0x80, v7, vm0, $0xb8;
	[tilespmem:$0x11280] =	vst v63  }
0x77: {  	s23 =	simm.s32 $0x5A80  }
0x78: {  	[tilespmem:s23], [sflag:$0x1] =	stream.indirect_vreg.gather [hbm4b:s7+s19], $0x80, v7, vm0, $0xb8;
	[tilespmem:$0x11280] =	vst v63  }
0x79: {  	s24 =	simm.s32 $0x6280  }
0x7a: {  	[tilespmem:s24], [sflag:$0x1] =	stream.indirect_vreg.gather [hbm4b:s1+s19], $0x80, v6, vm0, $0xb8;
	[tilespmem:$0x11280] =	vst v63  }
0x7b: {  	s25 =	simm.s32 $0x6A80  }
0x7c: {  	[tilespmem:s25], [sflag:$0x1] =	stream.indirect_vreg.gather [hbm4b:s7+s19], $0x80, v6, vm0, $0xb8;
	[tilespmem:$0x11280] =	vst v63  }
0x7d: {  	v6 =	vld [tilespmem:$0x10B0];
	_ =	sdelay $0x4  }
0x7e: {  	v7 =	vshll.u32 v6, $0x2  }
0x7f: {  	v6 =	vand.u32 $0x7, v6;
	v7 =	vand.u32 $0xFFFFFFE0, v7  }
0x80: {  	v6 =	vor.u32 v6, v7  }
0x81: {  	v7 =	vperm.xlane v6, v2;
	_ =	sdelay $0x1  }
0x82: {  	v7 =	vadd.s32 v3, v7;
	_ =	sdelay $0x1  }
0x83: {  	v6 =	vperm.xlane v6, v4;
	_ =	sdelay $0x1  }
0x84: {  	s20 =	simm.s32 $0x7280;
	v6 =	vadd.s32 v3, v6  }
0x85: {  	[tilespmem:s20], [sflag:$0x1] =	stream.indirect_vreg.gather [hbm4b:s1+s19], $0x80, v7, vm0, $0xb8;
	[tilespmem:$0x11280] =	vst v63  }
0x86: {  	s21 =	simm.s32 $0x7A80  }
0x87: {  	[tilespmem:s21], [sflag:$0x1] =	stream.indirect_vreg.gather [hbm4b:s7+s19], $0x80, v7, vm0, $0xb8;
	[tilespmem:$0x11280] =	vst v63  }
0x88: {  	s23 =	simm.s32 $0x8280  }
0x89: {  	[tilespmem:s23], [sflag:$0x1] =	stream.indirect_vreg.gather [hbm4b:s1+s19], $0x80, v6, vm0, $0xb8;
	[tilespmem:$0x11280] =	vst v63  }
0x8a: {  	s24 =	simm.s32 $0x8A80  }
0x8b: {  	[tilespmem:s24], [sflag:$0x1] =	stream.indirect_vreg.gather [hbm4b:s7+s19], $0x80, v6, vm0, $0xb8;
	[tilespmem:$0x11280] =	vst v63  }
0x8c: {  	v6 =	vld [tilespmem:$0x10C0];
	_ =	sdelay $0x4  }
0x8d: {  	v7 =	vshll.u32 v6, $0x2  }
0x8e: {  	v6 =	vand.u32 $0x7, v6;
	v7 =	vand.u32 $0xFFFFFFE0, v7  }
0x8f: {  	v6 =	vor.u32 v6, v7  }
0x90: {  	v7 =	vperm.xlane v6, v2;
	_ =	sdelay $0x1  }
0x91: {  	v7 =	vadd.s32 v3, v7;
	_ =	sdelay $0x1  }
0x92: {  	v6 =	vperm.xlane v6, v4;
	_ =	sdelay $0x1  }
0x93: {  	v6 =	vadd.s32 v3, v6  }
0x94: {  	[tilespmem:s26], [sflag:$0x2] =	stream.indirect_vreg.gather [hbm4b:s1+s19], $0x80, v7, vm0, $0xb8;
	[tilespmem:$0x11280] =	vst v63  }
0x95: {  	_ = 	snop  }
0x96: {  	[tilespmem:s28], [sflag:$0x2] =	stream.indirect_vreg.gather [hbm4b:s7+s19], $0x80, v7, vm0, $0xb8;
	[tilespmem:$0x11280] =	vst v63  }
0x97: {  	_ = 	snop  }
0x98: {  	[tilespmem:s29], [sflag:$0x2] =	stream.indirect_vreg.gather [hbm4b:s1+s19], $0x80, v6, vm0, $0xb8;
	[tilespmem:$0x11280] =	vst v63  }
0x99: {  	_ = 	snop  }
0x9a: {  	[tilespmem:s30], [sflag:$0x2] =	stream.indirect_vreg.gather [hbm4b:s7+s19], $0x80, v6, vm0, $0xb8;
	[tilespmem:$0x11280] =	vst v63  }
0x9b: {  	v6 =	vld [tilespmem:$0x10D0];
	_ =	sdelay $0x4  }
0x9c: {  	v7 =	vshll.u32 v6, $0x2  }
0x9d: {  	v6 =	vand.u32 $0x7, v6;
	v7 =	vand.u32 $0xFFFFFFE0, v7  }
0x9e: {  	v6 =	vor.u32 v6, v7  }
0x9f: {  	v7 =	vperm.xlane v6, v2;
	_ =	sdelay $0x1  }
0xa0: {  	v7 =	vadd.s32 v3, v7;
	_ =	sdelay $0x1  }
0xa1: {  	v6 =	vperm.xlane v6, v4;
	_ =	sdelay $0x1  }
0xa2: {  	v6 =	vadd.s32 v3, v6  }
0xa3: {  	[tilespmem:s31], [sflag:$0x2] =	stream.indirect_vreg.gather [hbm4b:s1+s19], $0x80, v7, vm0, $0xb8;
	[tilespmem:$0x11280] =	vst v63  }
0xa4: {  	_ = 	snop  }
0xa5: {  	[tilespmem:s2], [sflag:$0x2] =	stream.indirect_vreg.gather [hbm4b:s7+s19], $0x80, v7, vm0, $0xb8;
	[tilespmem:$0x11280] =	vst v63  }
0xa6: {  	_ = 	snop  }
0xa7: {  	[tilespmem:s0], [sflag:$0x2] =	stream.indirect_vreg.gather [hbm4b:s1+s19], $0x80, v6, vm0, $0xb8;
	[tilespmem:$0x11280] =	vst v63  }
0xa8: {  	_ = 	snop  }
0xa9: {  	[tilespmem:s9], [sflag:$0x2] =	stream.indirect_vreg.gather [hbm4b:s7+s19], $0x80, v6, vm0, $0xb8;
	[tilespmem:$0x11280] =	vst v63  }
0xaa: {  	v6 =	vld [tilespmem:$0x10E0];
	_ =	sdelay $0x4  }
0xab: {  	v7 =	vshll.u32 v6, $0x2  }
0xac: {  	v6 =	vand.u32 $0x7, v6;
	v7 =	vand.u32 $0xFFFFFFE0, v7  }
0xad: {  	v6 =	vor.u32 v6, v7  }
0xae: {  	v7 =	vperm.xlane v6, v2;
	_ =	sdelay $0x1  }
0xaf: {  	v7 =	vadd.s32 v3, v7;
	_ =	sdelay $0x1  }
0xb0: {  	v6 =	vperm.xlane v6, v4;
	_ =	sdelay $0x1  }
0xb1: {  	v6 =	vadd.s32 v3, v6  }
0xb2: {  	[tilespmem:s22], [sflag:$0x2] =	stream.indirect_vreg.gather [hbm4b:s1+s19], $0x80, v7, vm0, $0xb8;
	[tilespmem:$0x11280] =	vst v63  }
0xb3: {  	_ = 	snop  }
0xb4: {  	[tilespmem:s6], [sflag:$0x2] =	stream.indirect_vreg.gather [hbm4b:s7+s19], $0x80, v7, vm0, $0xb8;
	[tilespmem:$0x11280] =	vst v63  }
0xb5: {  	_ = 	snop  }
0xb6: {  	[tilespmem:s10], [sflag:$0x2] =	stream.indirect_vreg.gather [hbm4b:s1+s19], $0x80, v6, vm0, $0xb8;
	[tilespmem:$0x11280] =	vst v63  }
0xb7: {  	_ = 	snop  }
0xb8: {  	[tilespmem:s11], [sflag:$0x2] =	stream.indirect_vreg.gather [hbm4b:s7+s19], $0x80, v6, vm0, $0xb8;
	[tilespmem:$0x11280] =	vst v63  }
0xb9: {  	v6 =	vld [tilespmem:$0x10F0];
	_ =	sdelay $0x4  }
0xba: {  	(v2sf) =	vpush v5, $0x0;
	v5 =	vshll.u32 v6, $0x2  }
0xbb: {  	v6 =	vand.u32 $0x7, v6;
	v5 =	vand.u32 $0xFFFFFFE0, v5  }
0xbc: {  	v5 =	vor.u32 v6, v5  }
0xbd: {  	v6 =	vperm.xlane v5, v2;
	_ =	sdelay $0x1  }
0xbe: {  	v6 =	vadd.s32 v3, v6;
	_ =	sdelay $0x1  }
0xbf: {  	v5 =	vperm.xlane v5, v4;
	_ =	sdelay $0x1  }
0xc0: {  	v5 =	vadd.s32 v3, v5  }
0xc1: {  	[tilespmem:s12], [sflag:$0x2] =	stream.indirect_vreg.gather [hbm4b:s1+s19], $0x80, v6, vm0, $0xb8;
	[tilespmem:$0x11280] =	vst v63  }
0xc2: {  	_ = 	snop  }
0xc3: {  	[tilespmem:s13], [sflag:$0x2] =	stream.indirect_vreg.gather [hbm4b:s7+s19], $0x80, v6, vm0, $0xb8;
	[tilespmem:$0x11280] =	vst v63  }
0xc4: {  	_ = 	snop  }
0xc5: {  	[tilespmem:s14], [sflag:$0x2] =	stream.indirect_vreg.gather [hbm4b:s1+s19], $0x80, v5, vm0, $0xb8;
	[tilespmem:$0x11280] =	vst v63  }
0xc6: {  	s18 =	spop (v2sf)  }
0xc7: {  	[tilespmem:s15], [sflag:$0x2] =	stream.indirect_vreg.gather [hbm4b:s7+s19], $0x80, v5, vm0, $0xb8;
	[tilespmem:$0x11280] =	vst v63  }
0xc8: {  	_ =	swait.ge [sflag:s4], $0x8000  }
0xc9: {  	s25 =	rddreg [dreg:$0x6]  }
0xca: {  	p0 =	sle.s32 s25, s18  }
.Ltmp3:
0xcb: {  	_ = 	snop;
	(pc) =	sbr.rel @p0 .LBB2_7-.Ltmp3, $3  }
0xcc: {  	_ =	sdelay $0x1  }
0xcd: {  	[sflag:s4] =	ssyncset.done $0x0  }
0xce: {  	[sflag:s4] =	ssyncadd.s32 $0xFFFF8000  }
0xcf: {  	s23 =	rddreg [dreg:$0x14]  }
0xd0: {  	p0 =	slt.s32 s23, s18  }
0xd1: {  	s20 =	sand.u32 @!p0 $0x7000, s19;
	s21 =	sand.u32 @!p0 $0x380, s19  }
0xd2: {  	v5 =	vimm.f32 @!p0 $0.0e+00;
	s20 =	sor.u32 @!p0 s21, s20;
	p0 =	por p0, p0  }
0xd3: {  	[tilespmem:s20+$0x1EF0] =	vst @!p0 v5  }
0xd4: {  	[tilespmem:s20+$0x1280] =	vst @!p0 v5  }
0xd5: {  	[tilespmem:s20+$0x1290] =	vst @!p0 v5  }
0xd6: {  	[tilespmem:s20+$0x12A0] =	vst @!p0 v5  }
0xd7: {  	[tilespmem:s20+$0x12B0] =	vst @!p0 v5  }
0xd8: {  	[tilespmem:s20+$0x12C0] =	vst @!p0 v5  }
0xd9: {  	[tilespmem:s20+$0x12D0] =	vst @!p0 v5  }
0xda: {  	[tilespmem:s20+$0x12E0] =	vst @!p0 v5  }
0xdb: {  	[tilespmem:s20+$0x12F0] =	vst @!p0 v5  }
0xdc: {  	[tilespmem:s20+$0x1680] =	vst @!p0 v5  }
0xdd: {  	[tilespmem:s20+$0x1690] =	vst @!p0 v5  }
0xde: {  	[tilespmem:s20+$0x16A0] =	vst @!p0 v5  }
0xdf: {  	[tilespmem:s20+$0x16B0] =	vst @!p0 v5  }
0xe0: {  	[tilespmem:s20+$0x16C0] =	vst @!p0 v5  }
0xe1: {  	[tilespmem:s20+$0x16D0] =	vst @!p0 v5  }
0xe2: {  	[tilespmem:s20+$0x16E0] =	vst @!p0 v5  }
0xe3: {  	[tilespmem:s20+$0x16F0] =	vst @!p0 v5  }
0xe4: {  	[tilespmem:s20+$0x1A80] =	vst @!p0 v5  }
0xe5: {  	[tilespmem:s20+$0x1A90] =	vst @!p0 v5  }
0xe6: {  	[tilespmem:s20+$0x1AA0] =	vst @!p0 v5  }
0xe7: {  	[tilespmem:s20+$0x1AB0] =	vst @!p0 v5  }
0xe8: {  	[tilespmem:s20+$0x1AC0] =	vst @!p0 v5  }
0xe9: {  	[tilespmem:s20+$0x1AD0] =	vst @!p0 v5  }
0xea: {  	[tilespmem:s20+$0x1AE0] =	vst @!p0 v5  }
0xeb: {  	[tilespmem:s20+$0x1AF0] =	vst @!p0 v5  }
0xec: {  	[tilespmem:s20+$0x1E80] =	vst @!p0 v5  }
0xed: {  	[tilespmem:s20+$0x1E90] =	vst @!p0 v5  }
0xee: {  	[tilespmem:s20+$0x1EA0] =	vst @!p0 v5  }
0xef: {  	s23 =	sadd.s32 $0x1, s23;
	s21 =	simm.s32 $0x80;
	[tilespmem:s20+$0x1EB0] =	vst @!p0 v5  }
.LBB2_5:
0xf0: {  	p2 =	slt.s32 s23, s18  }
0xf1: {  	[tilespmem:s20+$0x1EC0] =	vst @!p0 v5;
	s19 =	sadd.s32 $0x200, s19;
	s24 =	smov.u32 s21;
	s21 =	sadd.s32 $0x80, s21  }
0xf2: {  	s25 =	sand.u32 @!p2 $0x7000, s19;
	s24 =	sand.u32 @!p2 $0x380, s24;
	p1 =	sne.s32 s21, $0x2000;
	[tilespmem:s20+$0x1ED0] =	vst @!p0 v5  }
0xf3: {  	[tilespmem:s20+$0x1EE0] =	vst @!p0 v5;
	v5 =	vimm.f32 @!p2 $0.0e+00;
	s20 =	sor.u32 @!p2 s24, s25;
	p0 =	por p2, p2  }
0xf4: {  	[tilespmem:s20+$0x1EF0] =	vst @!p0 v5  }
0xf5: {  	[tilespmem:s20+$0x1280] =	vst @!p0 v5  }
0xf6: {  	[tilespmem:s20+$0x1290] =	vst @!p0 v5  }
0xf7: {  	[tilespmem:s20+$0x12A0] =	vst @!p0 v5  }
0xf8: {  	[tilespmem:s20+$0x12B0] =	vst @!p0 v5  }
0xf9: {  	[tilespmem:s20+$0x12C0] =	vst @!p0 v5  }
0xfa: {  	[tilespmem:s20+$0x12D0] =	vst @!p0 v5  }
0xfb: {  	[tilespmem:s20+$0x12E0] =	vst @!p0 v5  }
0xfc: {  	[tilespmem:s20+$0x12F0] =	vst @!p0 v5  }
0xfd: {  	[tilespmem:s20+$0x1680] =	vst @!p0 v5  }
0xfe: {  	[tilespmem:s20+$0x1690] =	vst @!p0 v5  }
0xff: {  	[tilespmem:s20+$0x16A0] =	vst @!p0 v5  }
0x100: {  	[tilespmem:s20+$0x16B0] =	vst @!p0 v5  }
0x101: {  	[tilespmem:s20+$0x16C0] =	vst @!p0 v5  }
0x102: {  	[tilespmem:s20+$0x16D0] =	vst @!p0 v5  }
0x103: {  	[tilespmem:s20+$0x16E0] =	vst @!p0 v5  }
0x104: {  	[tilespmem:s20+$0x16F0] =	vst @!p0 v5  }
0x105: {  	[tilespmem:s20+$0x1A80] =	vst @!p0 v5  }
0x106: {  	[tilespmem:s20+$0x1A90] =	vst @!p0 v5  }
0x107: {  	[tilespmem:s20+$0x1AA0] =	vst @!p0 v5  }
0x108: {  	[tilespmem:s20+$0x1AB0] =	vst @!p0 v5  }
0x109: {  	[tilespmem:s20+$0x1AC0] =	vst @!p0 v5  }
0x10a: {  	[tilespmem:s20+$0x1AD0] =	vst @!p0 v5  }
0x10b: {  	[tilespmem:s20+$0x1AE0] =	vst @!p0 v5  }
.Ltmp4:
0x10c: {  	[tilespmem:s20+$0x1AF0] =	vst @!p0 v5;
	(pc) =	sbr.rel @p1 .LBB2_5-.Ltmp4, $4  }
0x10d: {  	[tilespmem:s20+$0x1E80] =	vst @!p0 v5  }
0x10e: {  	[tilespmem:s20+$0x1E90] =	vst @!p0 v5  }
0x10f: {  	[tilespmem:s20+$0x1EA0] =	vst @!p0 v5  }
0x110: {  	s23 =	sadd.s32 $0x1, s23;
	[tilespmem:s20+$0x1EB0] =	vst @!p0 v5  }
0x111: {  	[tilespmem:s20+$0x1EC0] =	vst @!p0 v5  }
0x112: {  	[tilespmem:s20+$0x1ED0] =	vst @!p0 v5  }
0x113: {  	[tilespmem:s20+$0x1EE0] =	vst @!p0 v5  }
.LBB2_7:
0x114: {  	s19 =	simm.s32 $0x0;
	s20 =	rddreg [dreg:$0x7]  }
0x115: {  	[hbm4b:s20+s19] =	stream.linear.scatter [tilespmem:s8], [sflag:$0x3], $0x8000, $0x38;
	[tilespmem:$0x11280] =	vst v63  }
0x116: {  	_ =	swait.ge [sflag:s3], $0x8000  }
0x117: {  	[sflag:s3] =	ssyncset.done $0x0  }
0x118: {  	[sflag:s3] =	ssyncadd.s32 $0xFFFF8000  }
0x119: {  	v5 =	vld [tilespmem:$0x1100];
	_ =	sdelay $0x4  }
0x11a: {  	v6 =	vshll.u32 v5, $0x2  }
0x11b: {  	v5 =	vand.u32 $0x7, v5;
	v6 =	vand.u32 $0xFFFFFFE0, v6  }
0x11c: {  	v5 =	vor.u32 v5, v6  }
0x11d: {  	v6 =	vperm.xlane v5, v2;
	_ =	sdelay $0x1  }
0x11e: {  	v6 =	vadd.s32 v3, v6;
	_ =	sdelay $0x1  }
0x11f: {  	v5 =	vperm.xlane v5, v4;
	_ =	sdelay $0x1  }
0x120: {  	v5 =	vadd.s32 v3, v5  }
0x121: {  	[tilespmem:s8], [sflag:$0x1] =	stream.indirect_vreg.gather [hbm4b:s1+s19], $0x80, v6, vm0, $0xb8;
	[tilespmem:$0x11280] =	vst v63  }
0x122: {  	s21 =	simm.s32 $0x1A80  }
0x123: {  	[tilespmem:s21], [sflag:$0x1] =	stream.indirect_vreg.gather [hbm4b:s7+s19], $0x80, v6, vm0, $0xb8;
	[tilespmem:$0x11280] =	vst v63  }
0x124: {  	s23 =	simm.s32 $0x2280  }
0x125: {  	[tilespmem:s23], [sflag:$0x1] =	stream.indirect_vreg.gather [hbm4b:s1+s19], $0x80, v5, vm0, $0xb8;
	[tilespmem:$0x11280] =	vst v63  }
0x126: {  	s24 =	simm.s32 $0x2A80  }
0x127: {  	[tilespmem:s24], [sflag:$0x1] =	stream.indirect_vreg.gather [hbm4b:s7+s19], $0x80, v5, vm0, $0xb8;
	[tilespmem:$0x11280] =	vst v63  }
0x128: {  	v5 =	vld [tilespmem:$0x1110];
	_ =	sdelay $0x4  }
0x129: {  	v6 =	vshll.u32 v5, $0x2  }
0x12a: {  	v5 =	vand.u32 $0x7, v5;
	v6 =	vand.u32 $0xFFFFFFE0, v6  }
0x12b: {  	v5 =	vor.u32 v5, v6  }
0x12c: {  	v6 =	vperm.xlane v5, v2;
	_ =	sdelay $0x1  }
0x12d: {  	v6 =	vadd.s32 v3, v6;
	_ =	sdelay $0x1  }
0x12e: {  	v5 =	vperm.xlane v5, v4;
	_ =	sdelay $0x1  }
0x12f: {  	s25 =	simm.s32 $0x3280;
	v5 =	vadd.s32 v3, v5  }
0x130: {  	[tilespmem:s25], [sflag:$0x1] =	stream.indirect_vreg.gather [hbm4b:s1+s19], $0x80, v6, vm0, $0xb8;
	[tilespmem:$0x11280] =	vst v63  }
0x131: {  	s21 =	simm.s32 $0x3A80  }
0x132: {  	[tilespmem:s21], [sflag:$0x1] =	stream.indirect_vreg.gather [hbm4b:s7+s19], $0x80, v6, vm0, $0xb8;
	[tilespmem:$0x11280] =	vst v63  }
0x133: {  	s23 =	simm.s32 $0x4280  }
0x134: {  	[tilespmem:s23], [sflag:$0x1] =	stream.indirect_vreg.gather [hbm4b:s1+s19], $0x80, v5, vm0, $0xb8;
	[tilespmem:$0x11280] =	vst v63  }
0x135: {  	s24 =	simm.s32 $0x4A80  }
0x136: {  	[tilespmem:s24], [sflag:$0x1] =	stream.indirect_vreg.gather [hbm4b:s7+s19], $0x80, v5, vm0, $0xb8;
	[tilespmem:$0x11280] =	vst v63  }
0x137: {  	v5 =	vld [tilespmem:$0x1120];
	_ =	sdelay $0x4  }
0x138: {  	v6 =	vshll.u32 v5, $0x2  }
0x139: {  	v5 =	vand.u32 $0x7, v5;
	v6 =	vand.u32 $0xFFFFFFE0, v6  }
0x13a: {  	v5 =	vor.u32 v5, v6  }
0x13b: {  	v6 =	vperm.xlane v5, v2;
	_ =	sdelay $0x1  }
0x13c: {  	v6 =	vadd.s32 v3, v6;
	_ =	sdelay $0x1  }
0x13d: {  	v5 =	vperm.xlane v5, v4;
	_ =	sdelay $0x1  }
0x13e: {  	s25 =	simm.s32 $0x5280;
	v5 =	vadd.s32 v3, v5  }
0x13f: {  	[tilespmem:s25], [sflag:$0x1] =	stream.indirect_vreg.gather [hbm4b:s1+s19], $0x80, v6, vm0, $0xb8;
	[tilespmem:$0x11280] =	vst v63  }
0x140: {  	s21 =	simm.s32 $0x5A80  }
0x141: {  	[tilespmem:s21], [sflag:$0x1] =	stream.indirect_vreg.gather [hbm4b:s7+s19], $0x80, v6, vm0, $0xb8;
	[tilespmem:$0x11280] =	vst v63  }
0x142: {  	s23 =	simm.s32 $0x6280  }
0x143: {  	[tilespmem:s23], [sflag:$0x1] =	stream.indirect_vreg.gather [hbm4b:s1+s19], $0x80, v5, vm0, $0xb8;
	[tilespmem:$0x11280] =	vst v63  }
0x144: {  	s24 =	simm.s32 $0x6A80  }
0x145: {  	[tilespmem:s24], [sflag:$0x1] =	stream.indirect_vreg.gather [hbm4b:s7+s19], $0x80, v5, vm0, $0xb8;
	[tilespmem:$0x11280] =	vst v63  }
0x146: {  	v5 =	vld [tilespmem:$0x1130];
	_ =	sdelay $0x4  }
0x147: {  	v6 =	vshll.u32 v5, $0x2  }
0x148: {  	v5 =	vand.u32 $0x7, v5;
	v6 =	vand.u32 $0xFFFFFFE0, v6  }
0x149: {  	v5 =	vor.u32 v5, v6  }
0x14a: {  	v6 =	vperm.xlane v5, v2;
	_ =	sdelay $0x1  }
0x14b: {  	v6 =	vadd.s32 v3, v6;
	_ =	sdelay $0x1  }
0x14c: {  	v5 =	vperm.xlane v5, v4;
	_ =	sdelay $0x1  }
0x14d: {  	s25 =	simm.s32 $0x7280;
	v5 =	vadd.s32 v3, v5  }
0x14e: {  	[tilespmem:s25], [sflag:$0x1] =	stream.indirect_vreg.gather [hbm4b:s1+s19], $0x80, v6, vm0, $0xb8;
	[tilespmem:$0x11280] =	vst v63  }
0x14f: {  	s21 =	simm.s32 $0x7A80  }
0x150: {  	[tilespmem:s21], [sflag:$0x1] =	stream.indirect_vreg.gather [hbm4b:s7+s19], $0x80, v6, vm0, $0xb8;
	[tilespmem:$0x11280] =	vst v63  }
0x151: {  	s23 =	simm.s32 $0x8280  }
0x152: {  	[tilespmem:s23], [sflag:$0x1] =	stream.indirect_vreg.gather [hbm4b:s1+s19], $0x80, v5, vm0, $0xb8;
	[tilespmem:$0x11280] =	vst v63  }
0x153: {  	s24 =	simm.s32 $0x8A80  }
0x154: {  	[tilespmem:s24], [sflag:$0x1] =	stream.indirect_vreg.gather [hbm4b:s7+s19], $0x80, v5, vm0, $0xb8;
	[tilespmem:$0x11280] =	vst v63  }
0x155: {  	_ =	swait.ge [sflag:s16], $0x8000  }
0x156: {  	s25 =	rddreg [dreg:$0x8]  }
0x157: {  	p0 =	sle.s32 s25, s18  }
.Ltmp5:
0x158: {  	_ = 	snop;
	(pc) =	sbr.rel @p0 .LBB2_11-.Ltmp5, $3  }
0x159: {  	_ =	sdelay $0x1  }
0x15a: {  	[sflag:s16] =	ssyncset.done $0x0  }
0x15b: {  	[sflag:s16] =	ssyncadd.s32 $0xFFFF8000  }
0x15c: {  	s23 =	rddreg [dreg:$0x18]  }
0x15d: {  	p0 =	slt.s32 s23, s18  }
0x15e: {  	s20 =	sand.u32 @!p0 $0x7000, s19;
	s21 =	sand.u32 @!p0 $0x380, s19  }
0x15f: {  	v5 =	vimm.f32 @!p0 $0.0e+00;
	s20 =	sor.u32 @!p0 s21, s20;
	p0 =	por p0, p0  }
0x160: {  	[tilespmem:s20+$0x9EF0] =	vst @!p0 v5  }
0x161: {  	[tilespmem:s20+$0x9280] =	vst @!p0 v5  }
0x162: {  	[tilespmem:s20+$0x9290] =	vst @!p0 v5  }
0x163: {  	[tilespmem:s20+$0x92A0] =	vst @!p0 v5  }
0x164: {  	[tilespmem:s20+$0x92B0] =	vst @!p0 v5  }
0x165: {  	[tilespmem:s20+$0x92C0] =	vst @!p0 v5  }
0x166: {  	[tilespmem:s20+$0x92D0] =	vst @!p0 v5  }
0x167: {  	[tilespmem:s20+$0x92E0] =	vst @!p0 v5  }
0x168: {  	[tilespmem:s20+$0x92F0] =	vst @!p0 v5  }
0x169: {  	[tilespmem:s20+$0x9680] =	vst @!p0 v5  }
0x16a: {  	[tilespmem:s20+$0x9690] =	vst @!p0 v5  }
0x16b: {  	[tilespmem:s20+$0x96A0] =	vst @!p0 v5  }
0x16c: {  	[tilespmem:s20+$0x96B0] =	vst @!p0 v5  }
0x16d: {  	[tilespmem:s20+$0x96C0] =	vst @!p0 v5  }
0x16e: {  	[tilespmem:s20+$0x96D0] =	vst @!p0 v5  }
0x16f: {  	[tilespmem:s20+$0x96E0] =	vst @!p0 v5  }
0x170: {  	[tilespmem:s20+$0x96F0] =	vst @!p0 v5  }
0x171: {  	[tilespmem:s20+$0x9A80] =	vst @!p0 v5  }
0x172: {  	[tilespmem:s20+$0x9A90] =	vst @!p0 v5  }
0x173: {  	[tilespmem:s20+$0x9AA0] =	vst @!p0 v5  }
0x174: {  	[tilespmem:s20+$0x9AB0] =	vst @!p0 v5  }
0x175: {  	[tilespmem:s20+$0x9AC0] =	vst @!p0 v5  }
0x176: {  	[tilespmem:s20+$0x9AD0] =	vst @!p0 v5  }
0x177: {  	[tilespmem:s20+$0x9AE0] =	vst @!p0 v5  }
0x178: {  	[tilespmem:s20+$0x9AF0] =	vst @!p0 v5  }
0x179: {  	[tilespmem:s20+$0x9E80] =	vst @!p0 v5  }
0x17a: {  	[tilespmem:s20+$0x9E90] =	vst @!p0 v5  }
0x17b: {  	[tilespmem:s20+$0x9EA0] =	vst @!p0 v5  }
0x17c: {  	s23 =	sadd.s32 $0x1, s23;
	s21 =	simm.s32 $0x80;
	[tilespmem:s20+$0x9EB0] =	vst @!p0 v5  }
.LBB2_9:
0x17d: {  	p2 =	slt.s32 s23, s18  }
0x17e: {  	[tilespmem:s20+$0x9EC0] =	vst @!p0 v5;
	s19 =	sadd.s32 $0x200, s19;
	s24 =	smov.u32 s21;
	s21 =	sadd.s32 $0x80, s21  }
0x17f: {  	s25 =	sand.u32 @!p2 $0x7000, s19;
	s24 =	sand.u32 @!p2 $0x380, s24;
	p1 =	sne.s32 s21, $0x2000;
	[tilespmem:s20+$0x9ED0] =	vst @!p0 v5  }
0x180: {  	[tilespmem:s20+$0x9EE0] =	vst @!p0 v5;
	v5 =	vimm.f32 @!p2 $0.0e+00;
	s20 =	sor.u32 @!p2 s24, s25;
	p0 =	por p2, p2  }
0x181: {  	[tilespmem:s20+$0x9EF0] =	vst @!p0 v5  }
0x182: {  	[tilespmem:s20+$0x9280] =	vst @!p0 v5  }
0x183: {  	[tilespmem:s20+$0x9290] =	vst @!p0 v5  }
0x184: {  	[tilespmem:s20+$0x92A0] =	vst @!p0 v5  }
0x185: {  	[tilespmem:s20+$0x92B0] =	vst @!p0 v5  }
0x186: {  	[tilespmem:s20+$0x92C0] =	vst @!p0 v5  }
0x187: {  	[tilespmem:s20+$0x92D0] =	vst @!p0 v5  }
0x188: {  	[tilespmem:s20+$0x92E0] =	vst @!p0 v5  }
0x189: {  	[tilespmem:s20+$0x92F0] =	vst @!p0 v5  }
0x18a: {  	[tilespmem:s20+$0x9680] =	vst @!p0 v5  }
0x18b: {  	[tilespmem:s20+$0x9690] =	vst @!p0 v5  }
0x18c: {  	[tilespmem:s20+$0x96A0] =	vst @!p0 v5  }
0x18d: {  	[tilespmem:s20+$0x96B0] =	vst @!p0 v5  }
0x18e: {  	[tilespmem:s20+$0x96C0] =	vst @!p0 v5  }
0x18f: {  	[tilespmem:s20+$0x96D0] =	vst @!p0 v5  }
0x190: {  	[tilespmem:s20+$0x96E0] =	vst @!p0 v5  }
0x191: {  	[tilespmem:s20+$0x96F0] =	vst @!p0 v5  }
0x192: {  	[tilespmem:s20+$0x9A80] =	vst @!p0 v5  }
0x193: {  	[tilespmem:s20+$0x9A90] =	vst @!p0 v5  }
0x194: {  	[tilespmem:s20+$0x9AA0] =	vst @!p0 v5  }
0x195: {  	[tilespmem:s20+$0x9AB0] =	vst @!p0 v5  }
0x196: {  	[tilespmem:s20+$0x9AC0] =	vst @!p0 v5  }
0x197: {  	[tilespmem:s20+$0x9AD0] =	vst @!p0 v5  }
0x198: {  	[tilespmem:s20+$0x9AE0] =	vst @!p0 v5  }
.Ltmp6:
0x199: {  	[tilespmem:s20+$0x9AF0] =	vst @!p0 v5;
	(pc) =	sbr.rel @p1 .LBB2_9-.Ltmp6, $4  }
0x19a: {  	[tilespmem:s20+$0x9E80] =	vst @!p0 v5  }
0x19b: {  	[tilespmem:s20+$0x9E90] =	vst @!p0 v5  }
0x19c: {  	[tilespmem:s20+$0x9EA0] =	vst @!p0 v5  }
0x19d: {  	s23 =	sadd.s32 $0x1, s23;
	[tilespmem:s20+$0x9EB0] =	vst @!p0 v5  }
0x19e: {  	[tilespmem:s20+$0x9EC0] =	vst @!p0 v5  }
0x19f: {  	[tilespmem:s20+$0x9ED0] =	vst @!p0 v5  }
0x1a0: {  	[tilespmem:s20+$0x9EE0] =	vst @!p0 v5  }
.LBB2_11:
0x1a1: {  	s19 =	simm.s32 $0x0;
	s20 =	rddreg [dreg:$0x9]  }
0x1a2: {  	[hbm4b:s20+s19] =	stream.linear.scatter [tilespmem:s26], [sflag:$0x3], $0x8000, $0x38;
	[tilespmem:$0x11280] =	vst v63  }
0x1a3: {  	_ =	swait.ge [sflag:s3], $0x8000  }
0x1a4: {  	[sflag:s3] =	ssyncset.done $0x0  }
0x1a5: {  	[sflag:s3] =	ssyncadd.s32 $0xFFFF8000  }
0x1a6: {  	v5 =	vld [tilespmem:$0x1140];
	_ =	sdelay $0x4  }
0x1a7: {  	v6 =	vshll.u32 v5, $0x2  }
0x1a8: {  	v5 =	vand.u32 $0x7, v5;
	v6 =	vand.u32 $0xFFFFFFE0, v6  }
0x1a9: {  	v5 =	vor.u32 v5, v6  }
0x1aa: {  	v6 =	vperm.xlane v5, v2;
	_ =	sdelay $0x1  }
0x1ab: {  	v6 =	vadd.s32 v3, v6;
	_ =	sdelay $0x1  }
0x1ac: {  	v5 =	vperm.xlane v5, v4;
	_ =	sdelay $0x1  }
0x1ad: {  	v5 =	vadd.s32 v3, v5  }
0x1ae: {  	[tilespmem:s26], [sflag:$0x2] =	stream.indirect_vreg.gather [hbm4b:s1+s19], $0x80, v6, vm0, $0xb8;
	[tilespmem:$0x11280] =	vst v63  }
0x1af: {  	_ = 	snop  }
0x1b0: {  	[tilespmem:s28], [sflag:$0x2] =	stream.indirect_vreg.gather [hbm4b:s7+s19], $0x80, v6, vm0, $0xb8;
	[tilespmem:$0x11280] =	vst v63  }
0x1b1: {  	_ = 	snop  }
0x1b2: {  	[tilespmem:s29], [sflag:$0x2] =	stream.indirect_vreg.gather [hbm4b:s1+s19], $0x80, v5, vm0, $0xb8;
	[tilespmem:$0x11280] =	vst v63  }
0x1b3: {  	_ = 	snop  }
0x1b4: {  	[tilespmem:s30], [sflag:$0x2] =	stream.indirect_vreg.gather [hbm4b:s7+s19], $0x80, v5, vm0, $0xb8;
	[tilespmem:$0x11280] =	vst v63  }
0x1b5: {  	v5 =	vld [tilespmem:$0x1150];
	_ =	sdelay $0x4  }
0x1b6: {  	v6 =	vshll.u32 v5, $0x2  }
0x1b7: {  	v5 =	vand.u32 $0x7, v5;
	v6 =	vand.u32 $0xFFFFFFE0, v6  }
0x1b8: {  	v5 =	vor.u32 v5, v6  }
0x1b9: {  	v6 =	vperm.xlane v5, v2;
	_ =	sdelay $0x1  }
0x1ba: {  	v6 =	vadd.s32 v3, v6;
	_ =	sdelay $0x1  }
0x1bb: {  	v5 =	vperm.xlane v5, v4;
	_ =	sdelay $0x1  }
0x1bc: {  	v5 =	vadd.s32 v3, v5  }
0x1bd: {  	[tilespmem:s31], [sflag:$0x2] =	stream.indirect_vreg.gather [hbm4b:s1+s19], $0x80, v6, vm0, $0xb8;
	[tilespmem:$0x11280] =	vst v63  }
0x1be: {  	_ = 	snop  }
0x1bf: {  	[tilespmem:s2], [sflag:$0x2] =	stream.indirect_vreg.gather [hbm4b:s7+s19], $0x80, v6, vm0, $0xb8;
	[tilespmem:$0x11280] =	vst v63  }
0x1c0: {  	_ = 	snop  }
0x1c1: {  	[tilespmem:s0], [sflag:$0x2] =	stream.indirect_vreg.gather [hbm4b:s1+s19], $0x80, v5, vm0, $0xb8;
	[tilespmem:$0x11280] =	vst v63  }
0x1c2: {  	_ = 	snop  }
0x1c3: {  	[tilespmem:s9], [sflag:$0x2] =	stream.indirect_vreg.gather [hbm4b:s7+s19], $0x80, v5, vm0, $0xb8;
	[tilespmem:$0x11280] =	vst v63  }
0x1c4: {  	v5 =	vld [tilespmem:$0x1160];
	_ =	sdelay $0x4  }
0x1c5: {  	v6 =	vshll.u32 v5, $0x2  }
0x1c6: {  	v5 =	vand.u32 $0x7, v5;
	v6 =	vand.u32 $0xFFFFFFE0, v6  }
0x1c7: {  	v5 =	vor.u32 v5, v6  }
0x1c8: {  	v6 =	vperm.xlane v5, v2;
	_ =	sdelay $0x1  }
0x1c9: {  	v6 =	vadd.s32 v3, v6;
	_ =	sdelay $0x1  }
0x1ca: {  	v5 =	vperm.xlane v5, v4;
	_ =	sdelay $0x1  }
0x1cb: {  	v5 =	vadd.s32 v3, v5  }
0x1cc: {  	[tilespmem:s22], [sflag:$0x2] =	stream.indirect_vreg.gather [hbm4b:s1+s19], $0x80, v6, vm0, $0xb8;
	[tilespmem:$0x11280] =	vst v63  }
0x1cd: {  	_ = 	snop  }
0x1ce: {  	[tilespmem:s6], [sflag:$0x2] =	stream.indirect_vreg.gather [hbm4b:s7+s19], $0x80, v6, vm0, $0xb8;
	[tilespmem:$0x11280] =	vst v63  }
0x1cf: {  	_ = 	snop  }
0x1d0: {  	[tilespmem:s10], [sflag:$0x2] =	stream.indirect_vreg.gather [hbm4b:s1+s19], $0x80, v5, vm0, $0xb8;
	[tilespmem:$0x11280] =	vst v63  }
0x1d1: {  	_ = 	snop  }
0x1d2: {  	[tilespmem:s11], [sflag:$0x2] =	stream.indirect_vreg.gather [hbm4b:s7+s19], $0x80, v5, vm0, $0xb8;
	[tilespmem:$0x11280] =	vst v63  }
0x1d3: {  	v5 =	vld [tilespmem:$0x1170];
	_ =	sdelay $0x4  }
0x1d4: {  	v6 =	vshll.u32 v5, $0x2  }
0x1d5: {  	v5 =	vand.u32 $0x7, v5;
	v6 =	vand.u32 $0xFFFFFFE0, v6  }
0x1d6: {  	v5 =	vor.u32 v5, v6  }
0x1d7: {  	v6 =	vperm.xlane v5, v2;
	_ =	sdelay $0x1  }
0x1d8: {  	v6 =	vadd.s32 v3, v6;
	_ =	sdelay $0x1  }
0x1d9: {  	v5 =	vperm.xlane v5, v4;
	_ =	sdelay $0x1  }
0x1da: {  	v5 =	vadd.s32 v3, v5  }
0x1db: {  	[tilespmem:s12], [sflag:$0x2] =	stream.indirect_vreg.gather [hbm4b:s1+s19], $0x80, v6, vm0, $0xb8;
	[tilespmem:$0x11280] =	vst v63  }
0x1dc: {  	_ = 	snop  }
0x1dd: {  	[tilespmem:s13], [sflag:$0x2] =	stream.indirect_vreg.gather [hbm4b:s7+s19], $0x80, v6, vm0, $0xb8;
	[tilespmem:$0x11280] =	vst v63  }
0x1de: {  	_ = 	snop  }
0x1df: {  	[tilespmem:s14], [sflag:$0x2] =	stream.indirect_vreg.gather [hbm4b:s1+s19], $0x80, v5, vm0, $0xb8;
	[tilespmem:$0x11280] =	vst v63  }
0x1e0: {  	_ = 	snop  }
0x1e1: {  	[tilespmem:s15], [sflag:$0x2] =	stream.indirect_vreg.gather [hbm4b:s7+s19], $0x80, v5, vm0, $0xb8;
	[tilespmem:$0x11280] =	vst v63  }
0x1e2: {  	_ =	swait.ge [sflag:s4], $0x8000  }
0x1e3: {  	s25 =	rddreg [dreg:$0xa]  }
0x1e4: {  	p0 =	sle.s32 s25, s18  }
.Ltmp7:
0x1e5: {  	_ = 	snop;
	(pc) =	sbr.rel @p0 .LBB2_15-.Ltmp7, $3  }
0x1e6: {  	_ =	sdelay $0x1  }
0x1e7: {  	[sflag:s4] =	ssyncset.done $0x0  }
0x1e8: {  	[sflag:s4] =	ssyncadd.s32 $0xFFFF8000  }
0x1e9: {  	s23 =	rddreg [dreg:$0x19]  }
0x1ea: {  	p0 =	slt.s32 s23, s18  }
0x1eb: {  	s20 =	sand.u32 @!p0 $0x7000, s19;
	s21 =	sand.u32 @!p0 $0x380, s19  }
0x1ec: {  	v5 =	vimm.f32 @!p0 $0.0e+00;
	s20 =	sor.u32 @!p0 s21, s20;
	p0 =	por p0, p0  }
0x1ed: {  	[tilespmem:s20+$0x1EF0] =	vst @!p0 v5  }
0x1ee: {  	[tilespmem:s20+$0x1280] =	vst @!p0 v5  }
0x1ef: {  	[tilespmem:s20+$0x1290] =	vst @!p0 v5  }
0x1f0: {  	[tilespmem:s20+$0x12A0] =	vst @!p0 v5  }
0x1f1: {  	[tilespmem:s20+$0x12B0] =	vst @!p0 v5  }
0x1f2: {  	[tilespmem:s20+$0x12C0] =	vst @!p0 v5  }
0x1f3: {  	[tilespmem:s20+$0x12D0] =	vst @!p0 v5  }
0x1f4: {  	[tilespmem:s20+$0x12E0] =	vst @!p0 v5  }
0x1f5: {  	[tilespmem:s20+$0x12F0] =	vst @!p0 v5  }
0x1f6: {  	[tilespmem:s20+$0x1680] =	vst @!p0 v5  }
0x1f7: {  	[tilespmem:s20+$0x1690] =	vst @!p0 v5  }
0x1f8: {  	[tilespmem:s20+$0x16A0] =	vst @!p0 v5  }
0x1f9: {  	[tilespmem:s20+$0x16B0] =	vst @!p0 v5  }
0x1fa: {  	[tilespmem:s20+$0x16C0] =	vst @!p0 v5  }
0x1fb: {  	[tilespmem:s20+$0x16D0] =	vst @!p0 v5  }
0x1fc: {  	[tilespmem:s20+$0x16E0] =	vst @!p0 v5  }
0x1fd: {  	[tilespmem:s20+$0x16F0] =	vst @!p0 v5  }
0x1fe: {  	[tilespmem:s20+$0x1A80] =	vst @!p0 v5  }
0x1ff: {  	[tilespmem:s20+$0x1A90] =	vst @!p0 v5  }
0x200: {  	[tilespmem:s20+$0x1AA0] =	vst @!p0 v5  }
0x201: {  	[tilespmem:s20+$0x1AB0] =	vst @!p0 v5  }
0x202: {  	[tilespmem:s20+$0x1AC0] =	vst @!p0 v5  }
0x203: {  	[tilespmem:s20+$0x1AD0] =	vst @!p0 v5  }
0x204: {  	[tilespmem:s20+$0x1AE0] =	vst @!p0 v5  }
0x205: {  	[tilespmem:s20+$0x1AF0] =	vst @!p0 v5  }
0x206: {  	[tilespmem:s20+$0x1E80] =	vst @!p0 v5  }
0x207: {  	[tilespmem:s20+$0x1E90] =	vst @!p0 v5  }
0x208: {  	[tilespmem:s20+$0x1EA0] =	vst @!p0 v5  }
0x209: {  	s23 =	sadd.s32 $0x1, s23;
	s21 =	simm.s32 $0x80;
	[tilespmem:s20+$0x1EB0] =	vst @!p0 v5  }
.LBB2_13:
0x20a: {  	p2 =	slt.s32 s23, s18  }
0x20b: {  	[tilespmem:s20+$0x1EC0] =	vst @!p0 v5;
	s19 =	sadd.s32 $0x200, s19;
	s24 =	smov.u32 s21;
	s21 =	sadd.s32 $0x80, s21  }
0x20c: {  	s25 =	sand.u32 @!p2 $0x7000, s19;
	s24 =	sand.u32 @!p2 $0x380, s24;
	p1 =	sne.s32 s21, $0x2000;
	[tilespmem:s20+$0x1ED0] =	vst @!p0 v5  }
0x20d: {  	[tilespmem:s20+$0x1EE0] =	vst @!p0 v5;
	v5 =	vimm.f32 @!p2 $0.0e+00;
	s20 =	sor.u32 @!p2 s24, s25;
	p0 =	por p2, p2  }
0x20e: {  	[tilespmem:s20+$0x1EF0] =	vst @!p0 v5  }
0x20f: {  	[tilespmem:s20+$0x1280] =	vst @!p0 v5  }
0x210: {  	[tilespmem:s20+$0x1290] =	vst @!p0 v5  }
0x211: {  	[tilespmem:s20+$0x12A0] =	vst @!p0 v5  }
0x212: {  	[tilespmem:s20+$0x12B0] =	vst @!p0 v5  }
0x213: {  	[tilespmem:s20+$0x12C0] =	vst @!p0 v5  }
0x214: {  	[tilespmem:s20+$0x12D0] =	vst @!p0 v5  }
0x215: {  	[tilespmem:s20+$0x12E0] =	vst @!p0 v5  }
0x216: {  	[tilespmem:s20+$0x12F0] =	vst @!p0 v5  }
0x217: {  	[tilespmem:s20+$0x1680] =	vst @!p0 v5  }
0x218: {  	[tilespmem:s20+$0x1690] =	vst @!p0 v5  }
0x219: {  	[tilespmem:s20+$0x16A0] =	vst @!p0 v5  }
0x21a: {  	[tilespmem:s20+$0x16B0] =	vst @!p0 v5  }
0x21b: {  	[tilespmem:s20+$0x16C0] =	vst @!p0 v5  }
0x21c: {  	[tilespmem:s20+$0x16D0] =	vst @!p0 v5  }
0x21d: {  	[tilespmem:s20+$0x16E0] =	vst @!p0 v5  }
0x21e: {  	[tilespmem:s20+$0x16F0] =	vst @!p0 v5  }
0x21f: {  	[tilespmem:s20+$0x1A80] =	vst @!p0 v5  }
0x220: {  	[tilespmem:s20+$0x1A90] =	vst @!p0 v5  }
0x221: {  	[tilespmem:s20+$0x1AA0] =	vst @!p0 v5  }
0x222: {  	[tilespmem:s20+$0x1AB0] =	vst @!p0 v5  }
0x223: {  	[tilespmem:s20+$0x1AC0] =	vst @!p0 v5  }
0x224: {  	[tilespmem:s20+$0x1AD0] =	vst @!p0 v5  }
0x225: {  	[tilespmem:s20+$0x1AE0] =	vst @!p0 v5  }
.Ltmp8:
0x226: {  	[tilespmem:s20+$0x1AF0] =	vst @!p0 v5;
	(pc) =	sbr.rel @p1 .LBB2_13-.Ltmp8, $4  }
0x227: {  	[tilespmem:s20+$0x1E80] =	vst @!p0 v5  }
0x228: {  	[tilespmem:s20+$0x1E90] =	vst @!p0 v5  }
0x229: {  	[tilespmem:s20+$0x1EA0] =	vst @!p0 v5  }
0x22a: {  	s23 =	sadd.s32 $0x1, s23;
	[tilespmem:s20+$0x1EB0] =	vst @!p0 v5  }
0x22b: {  	[tilespmem:s20+$0x1EC0] =	vst @!p0 v5  }
0x22c: {  	[tilespmem:s20+$0x1ED0] =	vst @!p0 v5  }
0x22d: {  	[tilespmem:s20+$0x1EE0] =	vst @!p0 v5  }
.LBB2_15:
0x22e: {  	s19 =	simm.s32 $0x0;
	s20 =	rddreg [dreg:$0xb]  }
0x22f: {  	[hbm4b:s20+s19] =	stream.linear.scatter [tilespmem:s8], [sflag:$0x3], $0x8000, $0x38;
	[tilespmem:$0x11280] =	vst v63  }
0x230: {  	_ =	swait.ge [sflag:s3], $0x8000  }
0x231: {  	[sflag:s3] =	ssyncset.done $0x0  }
0x232: {  	[sflag:s3] =	ssyncadd.s32 $0xFFFF8000  }
0x233: {  	v5 =	vld [tilespmem:$0x1180];
	_ =	sdelay $0x4  }
0x234: {  	v6 =	vshll.u32 v5, $0x2  }
0x235: {  	v5 =	vand.u32 $0x7, v5;
	v6 =	vand.u32 $0xFFFFFFE0, v6  }
0x236: {  	v5 =	vor.u32 v5, v6  }
0x237: {  	v6 =	vperm.xlane v5, v2;
	_ =	sdelay $0x1  }
0x238: {  	v6 =	vadd.s32 v3, v6;
	_ =	sdelay $0x1  }
0x239: {  	v5 =	vperm.xlane v5, v4;
	_ =	sdelay $0x1  }
0x23a: {  	v5 =	vadd.s32 v3, v5  }
0x23b: {  	[tilespmem:s8], [sflag:$0x1] =	stream.indirect_vreg.gather [hbm4b:s1+s19], $0x80, v6, vm0, $0xb8;
	[tilespmem:$0x11280] =	vst v63  }
0x23c: {  	s21 =	simm.s32 $0x1A80  }
0x23d: {  	[tilespmem:s21], [sflag:$0x1] =	stream.indirect_vreg.gather [hbm4b:s7+s19], $0x80, v6, vm0, $0xb8;
	[tilespmem:$0x11280] =	vst v63  }
0x23e: {  	s23 =	simm.s32 $0x2280  }
0x23f: {  	[tilespmem:s23], [sflag:$0x1] =	stream.indirect_vreg.gather [hbm4b:s1+s19], $0x80, v5, vm0, $0xb8;
	[tilespmem:$0x11280] =	vst v63  }
0x240: {  	s24 =	simm.s32 $0x2A80  }
0x241: {  	[tilespmem:s24], [sflag:$0x1] =	stream.indirect_vreg.gather [hbm4b:s7+s19], $0x80, v5, vm0, $0xb8;
	[tilespmem:$0x11280] =	vst v63  }
0x242: {  	v5 =	vld [tilespmem:$0x1190];
	_ =	sdelay $0x4  }
0x243: {  	v6 =	vshll.u32 v5, $0x2  }
0x244: {  	v5 =	vand.u32 $0x7, v5;
	v6 =	vand.u32 $0xFFFFFFE0, v6  }
0x245: {  	v5 =	vor.u32 v5, v6  }
0x246: {  	v6 =	vperm.xlane v5, v2;
	_ =	sdelay $0x1  }
0x247: {  	v6 =	vadd.s32 v3, v6;
	_ =	sdelay $0x1  }
0x248: {  	v5 =	vperm.xlane v5, v4;
	_ =	sdelay $0x1  }
0x249: {  	s25 =	simm.s32 $0x3280;
	v5 =	vadd.s32 v3, v5  }
0x24a: {  	[tilespmem:s25], [sflag:$0x1] =	stream.indirect_vreg.gather [hbm4b:s1+s19], $0x80, v6, vm0, $0xb8;
	[tilespmem:$0x11280] =	vst v63  }
0x24b: {  	s21 =	simm.s32 $0x3A80  }
0x24c: {  	[tilespmem:s21], [sflag:$0x1] =	stream.indirect_vreg.gather [hbm4b:s7+s19], $0x80, v6, vm0, $0xb8;
	[tilespmem:$0x11280] =	vst v63  }
0x24d: {  	s23 =	simm.s32 $0x4280  }
0x24e: {  	[tilespmem:s23], [sflag:$0x1] =	stream.indirect_vreg.gather [hbm4b:s1+s19], $0x80, v5, vm0, $0xb8;
	[tilespmem:$0x11280] =	vst v63  }
0x24f: {  	s24 =	simm.s32 $0x4A80  }
0x250: {  	[tilespmem:s24], [sflag:$0x1] =	stream.indirect_vreg.gather [hbm4b:s7+s19], $0x80, v5, vm0, $0xb8;
	[tilespmem:$0x11280] =	vst v63  }
0x251: {  	v5 =	vld [tilespmem:$0x11A0];
	_ =	sdelay $0x4  }
0x252: {  	v6 =	vshll.u32 v5, $0x2  }
0x253: {  	v5 =	vand.u32 $0x7, v5;
	v6 =	vand.u32 $0xFFFFFFE0, v6  }
0x254: {  	v5 =	vor.u32 v5, v6  }
0x255: {  	v6 =	vperm.xlane v5, v2;
	_ =	sdelay $0x1  }
0x256: {  	v6 =	vadd.s32 v3, v6;
	_ =	sdelay $0x1  }
0x257: {  	v5 =	vperm.xlane v5, v4;
	_ =	sdelay $0x1  }
0x258: {  	s25 =	simm.s32 $0x5280;
	v5 =	vadd.s32 v3, v5  }
0x259: {  	[tilespmem:s25], [sflag:$0x1] =	stream.indirect_vreg.gather [hbm4b:s1+s19], $0x80, v6, vm0, $0xb8;
	[tilespmem:$0x11280] =	vst v63  }
0x25a: {  	s21 =	simm.s32 $0x5A80  }
0x25b: {  	[tilespmem:s21], [sflag:$0x1] =	stream.indirect_vreg.gather [hbm4b:s7+s19], $0x80, v6, vm0, $0xb8;
	[tilespmem:$0x11280] =	vst v63  }
0x25c: {  	s23 =	simm.s32 $0x6280  }
0x25d: {  	[tilespmem:s23], [sflag:$0x1] =	stream.indirect_vreg.gather [hbm4b:s1+s19], $0x80, v5, vm0, $0xb8;
	[tilespmem:$0x11280] =	vst v63  }
0x25e: {  	s24 =	simm.s32 $0x6A80  }
0x25f: {  	[tilespmem:s24], [sflag:$0x1] =	stream.indirect_vreg.gather [hbm4b:s7+s19], $0x80, v5, vm0, $0xb8;
	[tilespmem:$0x11280] =	vst v63  }
0x260: {  	v5 =	vld [tilespmem:$0x11B0];
	_ =	sdelay $0x4  }
0x261: {  	v6 =	vshll.u32 v5, $0x2  }
0x262: {  	v5 =	vand.u32 $0x7, v5;
	v6 =	vand.u32 $0xFFFFFFE0, v6  }
0x263: {  	v5 =	vor.u32 v5, v6  }
0x264: {  	v6 =	vperm.xlane v5, v2;
	_ =	sdelay $0x1  }
0x265: {  	v6 =	vadd.s32 v3, v6;
	_ =	sdelay $0x1  }
0x266: {  	v5 =	vperm.xlane v5, v4;
	_ =	sdelay $0x1  }
0x267: {  	s25 =	simm.s32 $0x7280;
	v5 =	vadd.s32 v3, v5  }
0x268: {  	[tilespmem:s25], [sflag:$0x1] =	stream.indirect_vreg.gather [hbm4b:s1+s19], $0x80, v6, vm0, $0xb8;
	[tilespmem:$0x11280] =	vst v63  }
0x269: {  	s21 =	simm.s32 $0x7A80  }
0x26a: {  	[tilespmem:s21], [sflag:$0x1] =	stream.indirect_vreg.gather [hbm4b:s7+s19], $0x80, v6, vm0, $0xb8;
	[tilespmem:$0x11280] =	vst v63  }
0x26b: {  	s23 =	simm.s32 $0x8280  }
0x26c: {  	[tilespmem:s23], [sflag:$0x1] =	stream.indirect_vreg.gather [hbm4b:s1+s19], $0x80, v5, vm0, $0xb8;
	[tilespmem:$0x11280] =	vst v63  }
0x26d: {  	s24 =	simm.s32 $0x8A80  }
0x26e: {  	[tilespmem:s24], [sflag:$0x1] =	stream.indirect_vreg.gather [hbm4b:s7+s19], $0x80, v5, vm0, $0xb8;
	[tilespmem:$0x11280] =	vst v63  }
0x26f: {  	_ =	swait.ge [sflag:s16], $0x8000  }
0x270: {  	s25 =	rddreg [dreg:$0xc]  }
0x271: {  	p0 =	sle.s32 s25, s18  }
.Ltmp9:
0x272: {  	_ = 	snop;
	(pc) =	sbr.rel @p0 .LBB2_19-.Ltmp9, $3  }
0x273: {  	_ =	sdelay $0x1  }
0x274: {  	[sflag:s16] =	ssyncset.done $0x0  }
0x275: {  	[sflag:s16] =	ssyncadd.s32 $0xFFFF8000  }
0x276: {  	s23 =	rddreg [dreg:$0x1a]  }
0x277: {  	p0 =	slt.s32 s23, s18  }
0x278: {  	s20 =	sand.u32 @!p0 $0x7000, s19;
	s21 =	sand.u32 @!p0 $0x380, s19  }
0x279: {  	v5 =	vimm.f32 @!p0 $0.0e+00;
	s20 =	sor.u32 @!p0 s21, s20;
	p0 =	por p0, p0  }
0x27a: {  	[tilespmem:s20+$0x9EF0] =	vst @!p0 v5  }
0x27b: {  	[tilespmem:s20+$0x9280] =	vst @!p0 v5  }
0x27c: {  	[tilespmem:s20+$0x9290] =	vst @!p0 v5  }
0x27d: {  	[tilespmem:s20+$0x92A0] =	vst @!p0 v5  }
0x27e: {  	[tilespmem:s20+$0x92B0] =	vst @!p0 v5  }
0x27f: {  	[tilespmem:s20+$0x92C0] =	vst @!p0 v5  }
0x280: {  	[tilespmem:s20+$0x92D0] =	vst @!p0 v5  }
0x281: {  	[tilespmem:s20+$0x92E0] =	vst @!p0 v5  }
0x282: {  	[tilespmem:s20+$0x92F0] =	vst @!p0 v5  }
0x283: {  	[tilespmem:s20+$0x9680] =	vst @!p0 v5  }
0x284: {  	[tilespmem:s20+$0x9690] =	vst @!p0 v5  }
0x285: {  	[tilespmem:s20+$0x96A0] =	vst @!p0 v5  }
0x286: {  	[tilespmem:s20+$0x96B0] =	vst @!p0 v5  }
0x287: {  	[tilespmem:s20+$0x96C0] =	vst @!p0 v5  }
0x288: {  	[tilespmem:s20+$0x96D0] =	vst @!p0 v5  }
0x289: {  	[tilespmem:s20+$0x96E0] =	vst @!p0 v5  }
0x28a: {  	[tilespmem:s20+$0x96F0] =	vst @!p0 v5  }
0x28b: {  	[tilespmem:s20+$0x9A80] =	vst @!p0 v5  }
0x28c: {  	[tilespmem:s20+$0x9A90] =	vst @!p0 v5  }
0x28d: {  	[tilespmem:s20+$0x9AA0] =	vst @!p0 v5  }
0x28e: {  	[tilespmem:s20+$0x9AB0] =	vst @!p0 v5  }
0x28f: {  	[tilespmem:s20+$0x9AC0] =	vst @!p0 v5  }
0x290: {  	[tilespmem:s20+$0x9AD0] =	vst @!p0 v5  }
0x291: {  	[tilespmem:s20+$0x9AE0] =	vst @!p0 v5  }
0x292: {  	[tilespmem:s20+$0x9AF0] =	vst @!p0 v5  }
0x293: {  	[tilespmem:s20+$0x9E80] =	vst @!p0 v5  }
0x294: {  	[tilespmem:s20+$0x9E90] =	vst @!p0 v5  }
0x295: {  	[tilespmem:s20+$0x9EA0] =	vst @!p0 v5  }
0x296: {  	s23 =	sadd.s32 $0x1, s23;
	s21 =	simm.s32 $0x80;
	[tilespmem:s20+$0x9EB0] =	vst @!p0 v5  }
.LBB2_17:
0x297: {  	p2 =	slt.s32 s23, s18  }
0x298: {  	[tilespmem:s20+$0x9EC0] =	vst @!p0 v5;
	s19 =	sadd.s32 $0x200, s19;
	s24 =	smov.u32 s21;
	s21 =	sadd.s32 $0x80, s21  }
0x299: {  	s25 =	sand.u32 @!p2 $0x7000, s19;
	s24 =	sand.u32 @!p2 $0x380, s24;
	p1 =	sne.s32 s21, $0x2000;
	[tilespmem:s20+$0x9ED0] =	vst @!p0 v5  }
0x29a: {  	[tilespmem:s20+$0x9EE0] =	vst @!p0 v5;
	v5 =	vimm.f32 @!p2 $0.0e+00;
	s20 =	sor.u32 @!p2 s24, s25;
	p0 =	por p2, p2  }
0x29b: {  	[tilespmem:s20+$0x9EF0] =	vst @!p0 v5  }
0x29c: {  	[tilespmem:s20+$0x9280] =	vst @!p0 v5  }
0x29d: {  	[tilespmem:s20+$0x9290] =	vst @!p0 v5  }
0x29e: {  	[tilespmem:s20+$0x92A0] =	vst @!p0 v5  }
0x29f: {  	[tilespmem:s20+$0x92B0] =	vst @!p0 v5  }
0x2a0: {  	[tilespmem:s20+$0x92C0] =	vst @!p0 v5  }
0x2a1: {  	[tilespmem:s20+$0x92D0] =	vst @!p0 v5  }
0x2a2: {  	[tilespmem:s20+$0x92E0] =	vst @!p0 v5  }
0x2a3: {  	[tilespmem:s20+$0x92F0] =	vst @!p0 v5  }
0x2a4: {  	[tilespmem:s20+$0x9680] =	vst @!p0 v5  }
0x2a5: {  	[tilespmem:s20+$0x9690] =	vst @!p0 v5  }
0x2a6: {  	[tilespmem:s20+$0x96A0] =	vst @!p0 v5  }
0x2a7: {  	[tilespmem:s20+$0x96B0] =	vst @!p0 v5  }
0x2a8: {  	[tilespmem:s20+$0x96C0] =	vst @!p0 v5  }
0x2a9: {  	[tilespmem:s20+$0x96D0] =	vst @!p0 v5  }
0x2aa: {  	[tilespmem:s20+$0x96E0] =	vst @!p0 v5  }
0x2ab: {  	[tilespmem:s20+$0x96F0] =	vst @!p0 v5  }
0x2ac: {  	[tilespmem:s20+$0x9A80] =	vst @!p0 v5  }
0x2ad: {  	[tilespmem:s20+$0x9A90] =	vst @!p0 v5  }
0x2ae: {  	[tilespmem:s20+$0x9AA0] =	vst @!p0 v5  }
0x2af: {  	[tilespmem:s20+$0x9AB0] =	vst @!p0 v5  }
0x2b0: {  	[tilespmem:s20+$0x9AC0] =	vst @!p0 v5  }
0x2b1: {  	[tilespmem:s20+$0x9AD0] =	vst @!p0 v5  }
0x2b2: {  	[tilespmem:s20+$0x9AE0] =	vst @!p0 v5  }
.Ltmp10:
0x2b3: {  	[tilespmem:s20+$0x9AF0] =	vst @!p0 v5;
	(pc) =	sbr.rel @p1 .LBB2_17-.Ltmp10, $4  }
0x2b4: {  	[tilespmem:s20+$0x9E80] =	vst @!p0 v5  }
0x2b5: {  	[tilespmem:s20+$0x9E90] =	vst @!p0 v5  }
0x2b6: {  	[tilespmem:s20+$0x9EA0] =	vst @!p0 v5  }
0x2b7: {  	s23 =	sadd.s32 $0x1, s23;
	[tilespmem:s20+$0x9EB0] =	vst @!p0 v5  }
0x2b8: {  	[tilespmem:s20+$0x9EC0] =	vst @!p0 v5  }
0x2b9: {  	[tilespmem:s20+$0x9ED0] =	vst @!p0 v5  }
0x2ba: {  	[tilespmem:s20+$0x9EE0] =	vst @!p0 v5  }
.LBB2_19:
0x2bb: {  	s19 =	simm.s32 $0x0;
	s20 =	rddreg [dreg:$0xd]  }
0x2bc: {  	[hbm4b:s20+s19] =	stream.linear.scatter [tilespmem:s26], [sflag:$0x3], $0x8000, $0x38;
	[tilespmem:$0x11280] =	vst v63  }
0x2bd: {  	_ =	swait.ge [sflag:s3], $0x8000  }
0x2be: {  	[sflag:s3] =	ssyncset.done $0x0  }
0x2bf: {  	[sflag:s3] =	ssyncadd.s32 $0xFFFF8000  }
0x2c0: {  	v5 =	vld [tilespmem:$0x11C0];
	_ =	sdelay $0x4  }
0x2c1: {  	v6 =	vshll.u32 v5, $0x2  }
0x2c2: {  	v5 =	vand.u32 $0x7, v5;
	v6 =	vand.u32 $0xFFFFFFE0, v6  }
0x2c3: {  	v5 =	vor.u32 v5, v6  }
0x2c4: {  	v6 =	vperm.xlane v5, v2;
	_ =	sdelay $0x1  }
0x2c5: {  	v6 =	vadd.s32 v3, v6;
	_ =	sdelay $0x1  }
0x2c6: {  	v5 =	vperm.xlane v5, v4;
	_ =	sdelay $0x1  }
0x2c7: {  	v5 =	vadd.s32 v3, v5  }
0x2c8: {  	[tilespmem:s26], [sflag:$0x2] =	stream.indirect_vreg.gather [hbm4b:s1+s19], $0x80, v6, vm0, $0xb8;
	[tilespmem:$0x11280] =	vst v63  }
0x2c9: {  	_ = 	snop  }
0x2ca: {  	[tilespmem:s28], [sflag:$0x2] =	stream.indirect_vreg.gather [hbm4b:s7+s19], $0x80, v6, vm0, $0xb8;
	[tilespmem:$0x11280] =	vst v63  }
0x2cb: {  	_ = 	snop  }
0x2cc: {  	[tilespmem:s29], [sflag:$0x2] =	stream.indirect_vreg.gather [hbm4b:s1+s19], $0x80, v5, vm0, $0xb8;
	[tilespmem:$0x11280] =	vst v63  }
0x2cd: {  	_ = 	snop  }
0x2ce: {  	[tilespmem:s30], [sflag:$0x2] =	stream.indirect_vreg.gather [hbm4b:s7+s19], $0x80, v5, vm0, $0xb8;
	[tilespmem:$0x11280] =	vst v63  }
0x2cf: {  	v5 =	vld [tilespmem:$0x11D0];
	_ =	sdelay $0x4  }
0x2d0: {  	v6 =	vshll.u32 v5, $0x2  }
0x2d1: {  	v5 =	vand.u32 $0x7, v5;
	v6 =	vand.u32 $0xFFFFFFE0, v6  }
0x2d2: {  	v5 =	vor.u32 v5, v6  }
0x2d3: {  	v6 =	vperm.xlane v5, v2;
	_ =	sdelay $0x1  }
0x2d4: {  	v6 =	vadd.s32 v3, v6;
	_ =	sdelay $0x1  }
0x2d5: {  	v5 =	vperm.xlane v5, v4;
	_ =	sdelay $0x1  }
0x2d6: {  	v5 =	vadd.s32 v3, v5  }
0x2d7: {  	[tilespmem:s31], [sflag:$0x2] =	stream.indirect_vreg.gather [hbm4b:s1+s19], $0x80, v6, vm0, $0xb8;
	[tilespmem:$0x11280] =	vst v63  }
0x2d8: {  	_ = 	snop  }
0x2d9: {  	[tilespmem:s2], [sflag:$0x2] =	stream.indirect_vreg.gather [hbm4b:s7+s19], $0x80, v6, vm0, $0xb8;
	[tilespmem:$0x11280] =	vst v63  }
0x2da: {  	_ = 	snop  }
0x2db: {  	[tilespmem:s0], [sflag:$0x2] =	stream.indirect_vreg.gather [hbm4b:s1+s19], $0x80, v5, vm0, $0xb8;
	[tilespmem:$0x11280] =	vst v63  }
0x2dc: {  	_ = 	snop  }
0x2dd: {  	[tilespmem:s9], [sflag:$0x2] =	stream.indirect_vreg.gather [hbm4b:s7+s19], $0x80, v5, vm0, $0xb8;
	[tilespmem:$0x11280] =	vst v63  }
0x2de: {  	v5 =	vld [tilespmem:$0x11E0];
	_ =	sdelay $0x4  }
0x2df: {  	v6 =	vshll.u32 v5, $0x2  }
0x2e0: {  	v5 =	vand.u32 $0x7, v5;
	v6 =	vand.u32 $0xFFFFFFE0, v6  }
0x2e1: {  	v5 =	vor.u32 v5, v6  }
0x2e2: {  	v6 =	vperm.xlane v5, v2;
	_ =	sdelay $0x1  }
0x2e3: {  	v6 =	vadd.s32 v3, v6;
	_ =	sdelay $0x1  }
0x2e4: {  	v5 =	vperm.xlane v5, v4;
	_ =	sdelay $0x1  }
0x2e5: {  	v5 =	vadd.s32 v3, v5  }
0x2e6: {  	[tilespmem:s22], [sflag:$0x2] =	stream.indirect_vreg.gather [hbm4b:s1+s19], $0x80, v6, vm0, $0xb8;
	[tilespmem:$0x11280] =	vst v63  }
0x2e7: {  	_ = 	snop  }
0x2e8: {  	[tilespmem:s6], [sflag:$0x2] =	stream.indirect_vreg.gather [hbm4b:s7+s19], $0x80, v6, vm0, $0xb8;
	[tilespmem:$0x11280] =	vst v63  }
0x2e9: {  	_ = 	snop  }
0x2ea: {  	[tilespmem:s10], [sflag:$0x2] =	stream.indirect_vreg.gather [hbm4b:s1+s19], $0x80, v5, vm0, $0xb8;
	[tilespmem:$0x11280] =	vst v63  }
0x2eb: {  	_ = 	snop  }
0x2ec: {  	[tilespmem:s11], [sflag:$0x2] =	stream.indirect_vreg.gather [hbm4b:s7+s19], $0x80, v5, vm0, $0xb8;
	[tilespmem:$0x11280] =	vst v63  }
0x2ed: {  	v5 =	vld [tilespmem:$0x11F0];
	_ =	sdelay $0x4  }
0x2ee: {  	v6 =	vshll.u32 v5, $0x2  }
0x2ef: {  	v5 =	vand.u32 $0x7, v5;
	v6 =	vand.u32 $0xFFFFFFE0, v6  }
0x2f0: {  	v5 =	vor.u32 v5, v6  }
0x2f1: {  	v6 =	vperm.xlane v5, v2;
	_ =	sdelay $0x1  }
0x2f2: {  	v6 =	vadd.s32 v3, v6;
	_ =	sdelay $0x1  }
0x2f3: {  	v5 =	vperm.xlane v5, v4;
	_ =	sdelay $0x1  }
0x2f4: {  	v5 =	vadd.s32 v3, v5  }
0x2f5: {  	[tilespmem:s12], [sflag:$0x2] =	stream.indirect_vreg.gather [hbm4b:s1+s19], $0x80, v6, vm0, $0xb8;
	[tilespmem:$0x11280] =	vst v63  }
0x2f6: {  	_ = 	snop  }
0x2f7: {  	[tilespmem:s13], [sflag:$0x2] =	stream.indirect_vreg.gather [hbm4b:s7+s19], $0x80, v6, vm0, $0xb8;
	[tilespmem:$0x11280] =	vst v63  }
0x2f8: {  	_ = 	snop  }
0x2f9: {  	[tilespmem:s14], [sflag:$0x2] =	stream.indirect_vreg.gather [hbm4b:s1+s19], $0x80, v5, vm0, $0xb8;
	[tilespmem:$0x11280] =	vst v63  }
0x2fa: {  	_ = 	snop  }
0x2fb: {  	[tilespmem:s15], [sflag:$0x2] =	stream.indirect_vreg.gather [hbm4b:s7+s19], $0x80, v5, vm0, $0xb8;
	[tilespmem:$0x11280] =	vst v63  }
0x2fc: {  	_ =	swait.ge [sflag:s4], $0x8000  }
0x2fd: {  	s25 =	rddreg [dreg:$0xe]  }
0x2fe: {  	p0 =	sle.s32 s25, s18  }
.Ltmp11:
0x2ff: {  	_ = 	snop;
	(pc) =	sbr.rel @p0 .LBB2_23-.Ltmp11, $3  }
0x300: {  	_ =	sdelay $0x1  }
0x301: {  	[sflag:s4] =	ssyncset.done $0x0  }
0x302: {  	[sflag:s4] =	ssyncadd.s32 $0xFFFF8000  }
0x303: {  	s23 =	rddreg [dreg:$0x1b]  }
0x304: {  	p0 =	slt.s32 s23, s18  }
0x305: {  	s20 =	sand.u32 @!p0 $0x7000, s19;
	s21 =	sand.u32 @!p0 $0x380, s19  }
0x306: {  	v5 =	vimm.f32 @!p0 $0.0e+00;
	s20 =	sor.u32 @!p0 s21, s20;
	p0 =	por p0, p0  }
0x307: {  	[tilespmem:s20+$0x1EF0] =	vst @!p0 v5  }
0x308: {  	[tilespmem:s20+$0x1280] =	vst @!p0 v5  }
0x309: {  	[tilespmem:s20+$0x1290] =	vst @!p0 v5  }
0x30a: {  	[tilespmem:s20+$0x12A0] =	vst @!p0 v5  }
0x30b: {  	[tilespmem:s20+$0x12B0] =	vst @!p0 v5  }
0x30c: {  	[tilespmem:s20+$0x12C0] =	vst @!p0 v5  }
0x30d: {  	[tilespmem:s20+$0x12D0] =	vst @!p0 v5  }
0x30e: {  	[tilespmem:s20+$0x12E0] =	vst @!p0 v5  }
0x30f: {  	[tilespmem:s20+$0x12F0] =	vst @!p0 v5  }
0x310: {  	[tilespmem:s20+$0x1680] =	vst @!p0 v5  }
0x311: {  	[tilespmem:s20+$0x1690] =	vst @!p0 v5  }
0x312: {  	[tilespmem:s20+$0x16A0] =	vst @!p0 v5  }
0x313: {  	[tilespmem:s20+$0x16B0] =	vst @!p0 v5  }
0x314: {  	[tilespmem:s20+$0x16C0] =	vst @!p0 v5  }
0x315: {  	[tilespmem:s20+$0x16D0] =	vst @!p0 v5  }
0x316: {  	[tilespmem:s20+$0x16E0] =	vst @!p0 v5  }
0x317: {  	[tilespmem:s20+$0x16F0] =	vst @!p0 v5  }
0x318: {  	[tilespmem:s20+$0x1A80] =	vst @!p0 v5  }
0x319: {  	[tilespmem:s20+$0x1A90] =	vst @!p0 v5  }
0x31a: {  	[tilespmem:s20+$0x1AA0] =	vst @!p0 v5  }
0x31b: {  	[tilespmem:s20+$0x1AB0] =	vst @!p0 v5  }
0x31c: {  	[tilespmem:s20+$0x1AC0] =	vst @!p0 v5  }
0x31d: {  	[tilespmem:s20+$0x1AD0] =	vst @!p0 v5  }
0x31e: {  	[tilespmem:s20+$0x1AE0] =	vst @!p0 v5  }
0x31f: {  	[tilespmem:s20+$0x1AF0] =	vst @!p0 v5  }
0x320: {  	[tilespmem:s20+$0x1E80] =	vst @!p0 v5  }
0x321: {  	[tilespmem:s20+$0x1E90] =	vst @!p0 v5  }
0x322: {  	[tilespmem:s20+$0x1EA0] =	vst @!p0 v5  }
0x323: {  	s23 =	sadd.s32 $0x1, s23;
	s21 =	simm.s32 $0x80;
	[tilespmem:s20+$0x1EB0] =	vst @!p0 v5  }
.LBB2_21:
0x324: {  	p2 =	slt.s32 s23, s18  }
0x325: {  	[tilespmem:s20+$0x1EC0] =	vst @!p0 v5;
	s19 =	sadd.s32 $0x200, s19;
	s24 =	smov.u32 s21;
	s21 =	sadd.s32 $0x80, s21  }
0x326: {  	s25 =	sand.u32 @!p2 $0x7000, s19;
	s24 =	sand.u32 @!p2 $0x380, s24;
	p1 =	sne.s32 s21, $0x2000;
	[tilespmem:s20+$0x1ED0] =	vst @!p0 v5  }
0x327: {  	[tilespmem:s20+$0x1EE0] =	vst @!p0 v5;
	v5 =	vimm.f32 @!p2 $0.0e+00;
	s20 =	sor.u32 @!p2 s24, s25;
	p0 =	por p2, p2  }
0x328: {  	[tilespmem:s20+$0x1EF0] =	vst @!p0 v5  }
0x329: {  	[tilespmem:s20+$0x1280] =	vst @!p0 v5  }
0x32a: {  	[tilespmem:s20+$0x1290] =	vst @!p0 v5  }
0x32b: {  	[tilespmem:s20+$0x12A0] =	vst @!p0 v5  }
0x32c: {  	[tilespmem:s20+$0x12B0] =	vst @!p0 v5  }
0x32d: {  	[tilespmem:s20+$0x12C0] =	vst @!p0 v5  }
0x32e: {  	[tilespmem:s20+$0x12D0] =	vst @!p0 v5  }
0x32f: {  	[tilespmem:s20+$0x12E0] =	vst @!p0 v5  }
0x330: {  	[tilespmem:s20+$0x12F0] =	vst @!p0 v5  }
0x331: {  	[tilespmem:s20+$0x1680] =	vst @!p0 v5  }
0x332: {  	[tilespmem:s20+$0x1690] =	vst @!p0 v5  }
0x333: {  	[tilespmem:s20+$0x16A0] =	vst @!p0 v5  }
0x334: {  	[tilespmem:s20+$0x16B0] =	vst @!p0 v5  }
0x335: {  	[tilespmem:s20+$0x16C0] =	vst @!p0 v5  }
0x336: {  	[tilespmem:s20+$0x16D0] =	vst @!p0 v5  }
0x337: {  	[tilespmem:s20+$0x16E0] =	vst @!p0 v5  }
0x338: {  	[tilespmem:s20+$0x16F0] =	vst @!p0 v5  }
0x339: {  	[tilespmem:s20+$0x1A80] =	vst @!p0 v5  }
0x33a: {  	[tilespmem:s20+$0x1A90] =	vst @!p0 v5  }
0x33b: {  	[tilespmem:s20+$0x1AA0] =	vst @!p0 v5  }
0x33c: {  	[tilespmem:s20+$0x1AB0] =	vst @!p0 v5  }
0x33d: {  	[tilespmem:s20+$0x1AC0] =	vst @!p0 v5  }
0x33e: {  	[tilespmem:s20+$0x1AD0] =	vst @!p0 v5  }
0x33f: {  	[tilespmem:s20+$0x1AE0] =	vst @!p0 v5  }
.Ltmp12:
0x340: {  	[tilespmem:s20+$0x1AF0] =	vst @!p0 v5;
	(pc) =	sbr.rel @p1 .LBB2_21-.Ltmp12, $4  }
0x341: {  	[tilespmem:s20+$0x1E80] =	vst @!p0 v5  }
0x342: {  	[tilespmem:s20+$0x1E90] =	vst @!p0 v5  }
0x343: {  	[tilespmem:s20+$0x1EA0] =	vst @!p0 v5  }
0x344: {  	s23 =	sadd.s32 $0x1, s23;
	[tilespmem:s20+$0x1EB0] =	vst @!p0 v5  }
0x345: {  	[tilespmem:s20+$0x1EC0] =	vst @!p0 v5  }
0x346: {  	[tilespmem:s20+$0x1ED0] =	vst @!p0 v5  }
0x347: {  	[tilespmem:s20+$0x1EE0] =	vst @!p0 v5  }
.LBB2_23:
0x348: {  	s19 =	simm.s32 $0x0;
	s20 =	rddreg [dreg:$0xf]  }
0x349: {  	[hbm4b:s20+s19] =	stream.linear.scatter [tilespmem:s8], [sflag:$0x3], $0x8000, $0x38;
	[tilespmem:$0x11280] =	vst v63  }
0x34a: {  	_ =	swait.ge [sflag:s3], $0x8000  }
0x34b: {  	[sflag:s3] =	ssyncset.done $0x0  }
0x34c: {  	[sflag:s3] =	ssyncadd.s32 $0xFFFF8000  }
0x34d: {  	v5 =	vld [tilespmem:$0x1200];
	_ =	sdelay $0x4  }
0x34e: {  	v6 =	vshll.u32 v5, $0x2  }
0x34f: {  	v5 =	vand.u32 $0x7, v5;
	v6 =	vand.u32 $0xFFFFFFE0, v6  }
0x350: {  	v5 =	vor.u32 v5, v6  }
0x351: {  	v6 =	vperm.xlane v5, v2;
	_ =	sdelay $0x1  }
0x352: {  	v6 =	vadd.s32 v3, v6;
	_ =	sdelay $0x1  }
0x353: {  	v5 =	vperm.xlane v5, v4;
	_ =	sdelay $0x1  }
0x354: {  	v5 =	vadd.s32 v3, v5  }
0x355: {  	[tilespmem:s8], [sflag:$0x1] =	stream.indirect_vreg.gather [hbm4b:s1+s19], $0x80, v6, vm0, $0xb8;
	[tilespmem:$0x11280] =	vst v63  }
0x356: {  	s21 =	simm.s32 $0x1A80  }
0x357: {  	[tilespmem:s21], [sflag:$0x1] =	stream.indirect_vreg.gather [hbm4b:s7+s19], $0x80, v6, vm0, $0xb8;
	[tilespmem:$0x11280] =	vst v63  }
0x358: {  	s23 =	simm.s32 $0x2280  }
0x359: {  	[tilespmem:s23], [sflag:$0x1] =	stream.indirect_vreg.gather [hbm4b:s1+s19], $0x80, v5, vm0, $0xb8;
	[tilespmem:$0x11280] =	vst v63  }
0x35a: {  	s24 =	simm.s32 $0x2A80  }
0x35b: {  	[tilespmem:s24], [sflag:$0x1] =	stream.indirect_vreg.gather [hbm4b:s7+s19], $0x80, v5, vm0, $0xb8;
	[tilespmem:$0x11280] =	vst v63  }
0x35c: {  	v5 =	vld [tilespmem:$0x1210];
	_ =	sdelay $0x4  }
0x35d: {  	v6 =	vshll.u32 v5, $0x2  }
0x35e: {  	v5 =	vand.u32 $0x7, v5;
	v6 =	vand.u32 $0xFFFFFFE0, v6  }
0x35f: {  	v5 =	vor.u32 v5, v6  }
0x360: {  	v6 =	vperm.xlane v5, v2;
	_ =	sdelay $0x1  }
0x361: {  	v6 =	vadd.s32 v3, v6;
	_ =	sdelay $0x1  }
0x362: {  	v5 =	vperm.xlane v5, v4;
	_ =	sdelay $0x1  }
0x363: {  	s25 =	simm.s32 $0x3280;
	v5 =	vadd.s32 v3, v5  }
0x364: {  	[tilespmem:s25], [sflag:$0x1] =	stream.indirect_vreg.gather [hbm4b:s1+s19], $0x80, v6, vm0, $0xb8;
	[tilespmem:$0x11280] =	vst v63  }
0x365: {  	s21 =	simm.s32 $0x3A80  }
0x366: {  	[tilespmem:s21], [sflag:$0x1] =	stream.indirect_vreg.gather [hbm4b:s7+s19], $0x80, v6, vm0, $0xb8;
	[tilespmem:$0x11280] =	vst v63  }
0x367: {  	s23 =	simm.s32 $0x4280  }
0x368: {  	[tilespmem:s23], [sflag:$0x1] =	stream.indirect_vreg.gather [hbm4b:s1+s19], $0x80, v5, vm0, $0xb8;
	[tilespmem:$0x11280] =	vst v63  }
0x369: {  	s24 =	simm.s32 $0x4A80  }
0x36a: {  	[tilespmem:s24], [sflag:$0x1] =	stream.indirect_vreg.gather [hbm4b:s7+s19], $0x80, v5, vm0, $0xb8;
	[tilespmem:$0x11280] =	vst v63  }
0x36b: {  	v5 =	vld [tilespmem:$0x1220];
	_ =	sdelay $0x4  }
0x36c: {  	v6 =	vshll.u32 v5, $0x2  }
0x36d: {  	v5 =	vand.u32 $0x7, v5;
	v6 =	vand.u32 $0xFFFFFFE0, v6  }
0x36e: {  	v5 =	vor.u32 v5, v6  }
0x36f: {  	v6 =	vperm.xlane v5, v2;
	_ =	sdelay $0x1  }
0x370: {  	v6 =	vadd.s32 v3, v6;
	_ =	sdelay $0x1  }
0x371: {  	v5 =	vperm.xlane v5, v4;
	_ =	sdelay $0x1  }
0x372: {  	s25 =	simm.s32 $0x5280;
	v5 =	vadd.s32 v3, v5  }
0x373: {  	[tilespmem:s25], [sflag:$0x1] =	stream.indirect_vreg.gather [hbm4b:s1+s19], $0x80, v6, vm0, $0xb8;
	[tilespmem:$0x11280] =	vst v63  }
0x374: {  	s21 =	simm.s32 $0x5A80  }
0x375: {  	[tilespmem:s21], [sflag:$0x1] =	stream.indirect_vreg.gather [hbm4b:s7+s19], $0x80, v6, vm0, $0xb8;
	[tilespmem:$0x11280] =	vst v63  }
0x376: {  	s23 =	simm.s32 $0x6280  }
0x377: {  	[tilespmem:s23], [sflag:$0x1] =	stream.indirect_vreg.gather [hbm4b:s1+s19], $0x80, v5, vm0, $0xb8;
	[tilespmem:$0x11280] =	vst v63  }
0x378: {  	s24 =	simm.s32 $0x6A80  }
0x379: {  	[tilespmem:s24], [sflag:$0x1] =	stream.indirect_vreg.gather [hbm4b:s7+s19], $0x80, v5, vm0, $0xb8;
	[tilespmem:$0x11280] =	vst v63  }
0x37a: {  	v5 =	vld [tilespmem:$0x1230];
	_ =	sdelay $0x4  }
0x37b: {  	v6 =	vshll.u32 v5, $0x2  }
0x37c: {  	v5 =	vand.u32 $0x7, v5;
	v6 =	vand.u32 $0xFFFFFFE0, v6  }
0x37d: {  	v5 =	vor.u32 v5, v6  }
0x37e: {  	v6 =	vperm.xlane v5, v2;
	_ =	sdelay $0x1  }
0x37f: {  	v6 =	vadd.s32 v3, v6;
	_ =	sdelay $0x1  }
0x380: {  	v5 =	vperm.xlane v5, v4;
	_ =	sdelay $0x1  }
0x381: {  	s25 =	simm.s32 $0x7280;
	v5 =	vadd.s32 v3, v5  }
0x382: {  	[tilespmem:s25], [sflag:$0x1] =	stream.indirect_vreg.gather [hbm4b:s1+s19], $0x80, v6, vm0, $0xb8;
	[tilespmem:$0x11280] =	vst v63  }
0x383: {  	s21 =	simm.s32 $0x7A80  }
0x384: {  	[tilespmem:s21], [sflag:$0x1] =	stream.indirect_vreg.gather [hbm4b:s7+s19], $0x80, v6, vm0, $0xb8;
	[tilespmem:$0x11280] =	vst v63  }
0x385: {  	s23 =	simm.s32 $0x8280  }
0x386: {  	[tilespmem:s23], [sflag:$0x1] =	stream.indirect_vreg.gather [hbm4b:s1+s19], $0x80, v5, vm0, $0xb8;
	[tilespmem:$0x11280] =	vst v63  }
0x387: {  	s24 =	simm.s32 $0x8A80  }
0x388: {  	[tilespmem:s24], [sflag:$0x1] =	stream.indirect_vreg.gather [hbm4b:s7+s19], $0x80, v5, vm0, $0xb8;
	[tilespmem:$0x11280] =	vst v63  }
0x389: {  	_ =	swait.ge [sflag:s16], $0x8000  }
0x38a: {  	s25 =	rddreg [dreg:$0x10]  }
0x38b: {  	p0 =	sle.s32 s25, s18  }
.Ltmp13:
0x38c: {  	_ = 	snop;
	(pc) =	sbr.rel @p0 .LBB2_27-.Ltmp13, $3  }
0x38d: {  	_ =	sdelay $0x1  }
0x38e: {  	[sflag:s16] =	ssyncset.done $0x0  }
0x38f: {  	[sflag:s16] =	ssyncadd.s32 $0xFFFF8000  }
0x390: {  	s23 =	rddreg [dreg:$0x1c]  }
0x391: {  	p0 =	slt.s32 s23, s18  }
0x392: {  	s20 =	sand.u32 @!p0 $0x7000, s19;
	s21 =	sand.u32 @!p0 $0x380, s19  }
0x393: {  	v5 =	vimm.f32 @!p0 $0.0e+00;
	s20 =	sor.u32 @!p0 s21, s20;
	p0 =	por p0, p0  }
0x394: {  	[tilespmem:s20+$0x9EF0] =	vst @!p0 v5  }
0x395: {  	[tilespmem:s20+$0x9280] =	vst @!p0 v5  }
0x396: {  	[tilespmem:s20+$0x9290] =	vst @!p0 v5  }
0x397: {  	[tilespmem:s20+$0x92A0] =	vst @!p0 v5  }
0x398: {  	[tilespmem:s20+$0x92B0] =	vst @!p0 v5  }
0x399: {  	[tilespmem:s20+$0x92C0] =	vst @!p0 v5  }
0x39a: {  	[tilespmem:s20+$0x92D0] =	vst @!p0 v5  }
0x39b: {  	[tilespmem:s20+$0x92E0] =	vst @!p0 v5  }
0x39c: {  	[tilespmem:s20+$0x92F0] =	vst @!p0 v5  }
0x39d: {  	[tilespmem:s20+$0x9680] =	vst @!p0 v5  }
0x39e: {  	[tilespmem:s20+$0x9690] =	vst @!p0 v5  }
0x39f: {  	[tilespmem:s20+$0x96A0] =	vst @!p0 v5  }
0x3a0: {  	[tilespmem:s20+$0x96B0] =	vst @!p0 v5  }
0x3a1: {  	[tilespmem:s20+$0x96C0] =	vst @!p0 v5  }
0x3a2: {  	[tilespmem:s20+$0x96D0] =	vst @!p0 v5  }
0x3a3: {  	[tilespmem:s20+$0x96E0] =	vst @!p0 v5  }
0x3a4: {  	[tilespmem:s20+$0x96F0] =	vst @!p0 v5  }
0x3a5: {  	[tilespmem:s20+$0x9A80] =	vst @!p0 v5  }
0x3a6: {  	[tilespmem:s20+$0x9A90] =	vst @!p0 v5  }
0x3a7: {  	[tilespmem:s20+$0x9AA0] =	vst @!p0 v5  }
0x3a8: {  	[tilespmem:s20+$0x9AB0] =	vst @!p0 v5  }
0x3a9: {  	[tilespmem:s20+$0x9AC0] =	vst @!p0 v5  }
0x3aa: {  	[tilespmem:s20+$0x9AD0] =	vst @!p0 v5  }
0x3ab: {  	[tilespmem:s20+$0x9AE0] =	vst @!p0 v5  }
0x3ac: {  	[tilespmem:s20+$0x9AF0] =	vst @!p0 v5  }
0x3ad: {  	[tilespmem:s20+$0x9E80] =	vst @!p0 v5  }
0x3ae: {  	[tilespmem:s20+$0x9E90] =	vst @!p0 v5  }
0x3af: {  	[tilespmem:s20+$0x9EA0] =	vst @!p0 v5  }
0x3b0: {  	s23 =	sadd.s32 $0x1, s23;
	s21 =	simm.s32 $0x80;
	[tilespmem:s20+$0x9EB0] =	vst @!p0 v5  }
.LBB2_25:
0x3b1: {  	p2 =	slt.s32 s23, s18  }
0x3b2: {  	[tilespmem:s20+$0x9EC0] =	vst @!p0 v5;
	s19 =	sadd.s32 $0x200, s19;
	s24 =	smov.u32 s21;
	s21 =	sadd.s32 $0x80, s21  }
0x3b3: {  	s25 =	sand.u32 @!p2 $0x7000, s19;
	s24 =	sand.u32 @!p2 $0x380, s24;
	p1 =	sne.s32 s21, $0x2000;
	[tilespmem:s20+$0x9ED0] =	vst @!p0 v5  }
0x3b4: {  	[tilespmem:s20+$0x9EE0] =	vst @!p0 v5;
	v5 =	vimm.f32 @!p2 $0.0e+00;
	s20 =	sor.u32 @!p2 s24, s25;
	p0 =	por p2, p2  }
0x3b5: {  	[tilespmem:s20+$0x9EF0] =	vst @!p0 v5  }
0x3b6: {  	[tilespmem:s20+$0x9280] =	vst @!p0 v5  }
0x3b7: {  	[tilespmem:s20+$0x9290] =	vst @!p0 v5  }
0x3b8: {  	[tilespmem:s20+$0x92A0] =	vst @!p0 v5  }
0x3b9: {  	[tilespmem:s20+$0x92B0] =	vst @!p0 v5  }
0x3ba: {  	[tilespmem:s20+$0x92C0] =	vst @!p0 v5  }
0x3bb: {  	[tilespmem:s20+$0x92D0] =	vst @!p0 v5  }
0x3bc: {  	[tilespmem:s20+$0x92E0] =	vst @!p0 v5  }
0x3bd: {  	[tilespmem:s20+$0x92F0] =	vst @!p0 v5  }
0x3be: {  	[tilespmem:s20+$0x9680] =	vst @!p0 v5  }
0x3bf: {  	[tilespmem:s20+$0x9690] =	vst @!p0 v5  }
0x3c0: {  	[tilespmem:s20+$0x96A0] =	vst @!p0 v5  }
0x3c1: {  	[tilespmem:s20+$0x96B0] =	vst @!p0 v5  }
0x3c2: {  	[tilespmem:s20+$0x96C0] =	vst @!p0 v5  }
0x3c3: {  	[tilespmem:s20+$0x96D0] =	vst @!p0 v5  }
0x3c4: {  	[tilespmem:s20+$0x96E0] =	vst @!p0 v5  }
0x3c5: {  	[tilespmem:s20+$0x96F0] =	vst @!p0 v5  }
0x3c6: {  	[tilespmem:s20+$0x9A80] =	vst @!p0 v5  }
0x3c7: {  	[tilespmem:s20+$0x9A90] =	vst @!p0 v5  }
0x3c8: {  	[tilespmem:s20+$0x9AA0] =	vst @!p0 v5  }
0x3c9: {  	[tilespmem:s20+$0x9AB0] =	vst @!p0 v5  }
0x3ca: {  	[tilespmem:s20+$0x9AC0] =	vst @!p0 v5  }
0x3cb: {  	[tilespmem:s20+$0x9AD0] =	vst @!p0 v5  }
0x3cc: {  	[tilespmem:s20+$0x9AE0] =	vst @!p0 v5  }
.Ltmp14:
0x3cd: {  	[tilespmem:s20+$0x9AF0] =	vst @!p0 v5;
	(pc) =	sbr.rel @p1 .LBB2_25-.Ltmp14, $4  }
0x3ce: {  	[tilespmem:s20+$0x9E80] =	vst @!p0 v5  }
0x3cf: {  	[tilespmem:s20+$0x9E90] =	vst @!p0 v5  }
0x3d0: {  	[tilespmem:s20+$0x9EA0] =	vst @!p0 v5  }
0x3d1: {  	s23 =	sadd.s32 $0x1, s23;
	[tilespmem:s20+$0x9EB0] =	vst @!p0 v5  }
0x3d2: {  	[tilespmem:s20+$0x9EC0] =	vst @!p0 v5  }
0x3d3: {  	[tilespmem:s20+$0x9ED0] =	vst @!p0 v5  }
0x3d4: {  	[tilespmem:s20+$0x9EE0] =	vst @!p0 v5  }
.LBB2_27:
0x3d5: {  	s19 =	simm.s32 $0x0;
	s20 =	rddreg [dreg:$0x11]  }
0x3d6: {  	[hbm4b:s20+s19] =	stream.linear.scatter [tilespmem:s26], [sflag:$0x3], $0x8000, $0x38;
	[tilespmem:$0x11280] =	vst v63  }
0x3d7: {  	_ =	swait.ge [sflag:s3], $0x8000  }
0x3d8: {  	[sflag:s3] =	ssyncset.done $0x0  }
0x3d9: {  	[sflag:s3] =	ssyncadd.s32 $0xFFFF8000  }
0x3da: {  	v5 =	vld [tilespmem:$0x1240];
	_ =	sdelay $0x4  }
0x3db: {  	v6 =	vshll.u32 v5, $0x2  }
0x3dc: {  	v5 =	vand.u32 $0x7, v5;
	v6 =	vand.u32 $0xFFFFFFE0, v6  }
0x3dd: {  	v5 =	vor.u32 v5, v6  }
0x3de: {  	v6 =	vperm.xlane v5, v2;
	_ =	sdelay $0x1  }
0x3df: {  	v6 =	vadd.s32 v3, v6;
	_ =	sdelay $0x1  }
0x3e0: {  	v5 =	vperm.xlane v5, v4;
	_ =	sdelay $0x1  }
0x3e1: {  	v5 =	vadd.s32 v3, v5  }
0x3e2: {  	[tilespmem:s26], [sflag:$0x2] =	stream.indirect_vreg.gather [hbm4b:s1+s19], $0x80, v6, vm0, $0xb8;
	[tilespmem:$0x11280] =	vst v63  }
0x3e3: {  	_ = 	snop  }
0x3e4: {  	[tilespmem:s28], [sflag:$0x2] =	stream.indirect_vreg.gather [hbm4b:s7+s19], $0x80, v6, vm0, $0xb8;
	[tilespmem:$0x11280] =	vst v63  }
0x3e5: {  	_ = 	snop  }
0x3e6: {  	[tilespmem:s29], [sflag:$0x2] =	stream.indirect_vreg.gather [hbm4b:s1+s19], $0x80, v5, vm0, $0xb8;
	[tilespmem:$0x11280] =	vst v63  }
0x3e7: {  	_ = 	snop  }
0x3e8: {  	[tilespmem:s30], [sflag:$0x2] =	stream.indirect_vreg.gather [hbm4b:s7+s19], $0x80, v5, vm0, $0xb8;
	[tilespmem:$0x11280] =	vst v63  }
0x3e9: {  	v5 =	vld [tilespmem:$0x1250];
	_ =	sdelay $0x4  }
0x3ea: {  	v6 =	vshll.u32 v5, $0x2  }
0x3eb: {  	v5 =	vand.u32 $0x7, v5;
	v6 =	vand.u32 $0xFFFFFFE0, v6  }
0x3ec: {  	v5 =	vor.u32 v5, v6  }
0x3ed: {  	v6 =	vperm.xlane v5, v2;
	_ =	sdelay $0x1  }
0x3ee: {  	v6 =	vadd.s32 v3, v6;
	_ =	sdelay $0x1  }
0x3ef: {  	v5 =	vperm.xlane v5, v4;
	_ =	sdelay $0x1  }
0x3f0: {  	v5 =	vadd.s32 v3, v5  }
0x3f1: {  	[tilespmem:s31], [sflag:$0x2] =	stream.indirect_vreg.gather [hbm4b:s1+s19], $0x80, v6, vm0, $0xb8;
	[tilespmem:$0x11280] =	vst v63  }
0x3f2: {  	_ = 	snop  }
0x3f3: {  	[tilespmem:s2], [sflag:$0x2] =	stream.indirect_vreg.gather [hbm4b:s7+s19], $0x80, v6, vm0, $0xb8;
	[tilespmem:$0x11280] =	vst v63  }
0x3f4: {  	_ = 	snop  }
0x3f5: {  	[tilespmem:s0], [sflag:$0x2] =	stream.indirect_vreg.gather [hbm4b:s1+s19], $0x80, v5, vm0, $0xb8;
	[tilespmem:$0x11280] =	vst v63  }
0x3f6: {  	_ = 	snop  }
0x3f7: {  	[tilespmem:s9], [sflag:$0x2] =	stream.indirect_vreg.gather [hbm4b:s7+s19], $0x80, v5, vm0, $0xb8;
	[tilespmem:$0x11280] =	vst v63  }
0x3f8: {  	v5 =	vld [tilespmem:$0x1260];
	_ =	sdelay $0x4  }
0x3f9: {  	v6 =	vshll.u32 v5, $0x2  }
0x3fa: {  	v5 =	vand.u32 $0x7, v5;
	v6 =	vand.u32 $0xFFFFFFE0, v6  }
0x3fb: {  	v5 =	vor.u32 v5, v6  }
0x3fc: {  	v6 =	vperm.xlane v5, v2;
	_ =	sdelay $0x1  }
0x3fd: {  	v6 =	vadd.s32 v3, v6;
	_ =	sdelay $0x1  }
0x3fe: {  	v5 =	vperm.xlane v5, v4;
	_ =	sdelay $0x1  }
0x3ff: {  	v5 =	vadd.s32 v3, v5  }
0x400: {  	[tilespmem:s22], [sflag:$0x2] =	stream.indirect_vreg.gather [hbm4b:s1+s19], $0x80, v6, vm0, $0xb8;
	[tilespmem:$0x11280] =	vst v63  }
0x401: {  	_ = 	snop  }
0x402: {  	[tilespmem:s6], [sflag:$0x2] =	stream.indirect_vreg.gather [hbm4b:s7+s19], $0x80, v6, vm0, $0xb8;
	[tilespmem:$0x11280] =	vst v63  }
0x403: {  	_ = 	snop  }
0x404: {  	[tilespmem:s10], [sflag:$0x2] =	stream.indirect_vreg.gather [hbm4b:s1+s19], $0x80, v5, vm0, $0xb8;
	[tilespmem:$0x11280] =	vst v63  }
0x405: {  	_ = 	snop  }
0x406: {  	[tilespmem:s11], [sflag:$0x2] =	stream.indirect_vreg.gather [hbm4b:s7+s19], $0x80, v5, vm0, $0xb8;
	[tilespmem:$0x11280] =	vst v63  }
0x407: {  	v5 =	vld [tilespmem:$0x1270];
	_ =	sdelay $0x4  }
0x408: {  	v6 =	vshll.u32 v5, $0x2  }
0x409: {  	v5 =	vand.u32 $0x7, v5;
	v6 =	vand.u32 $0xFFFFFFE0, v6  }
0x40a: {  	v5 =	vor.u32 v5, v6  }
0x40b: {  	v6 =	vperm.xlane v5, v2;
	_ =	sdelay $0x1  }
0x40c: {  	v6 =	vadd.s32 v3, v6;
	_ =	sdelay $0x1  }
0x40d: {  	v5 =	vperm.xlane v5, v4;
	_ =	sdelay $0x1  }
0x40e: {  	v5 =	vadd.s32 v3, v5  }
0x40f: {  	[tilespmem:s12], [sflag:$0x2] =	stream.indirect_vreg.gather [hbm4b:s1+s19], $0x80, v6, vm0, $0xb8;
	[tilespmem:$0x11280] =	vst v63  }
0x410: {  	_ = 	snop  }
0x411: {  	[tilespmem:s13], [sflag:$0x2] =	stream.indirect_vreg.gather [hbm4b:s7+s19], $0x80, v6, vm0, $0xb8;
	[tilespmem:$0x11280] =	vst v63  }
0x412: {  	_ = 	snop  }
0x413: {  	[tilespmem:s14], [sflag:$0x2] =	stream.indirect_vreg.gather [hbm4b:s1+s19], $0x80, v5, vm0, $0xb8;
	[tilespmem:$0x11280] =	vst v63  }
0x414: {  	_ = 	snop  }
0x415: {  	[tilespmem:s15], [sflag:$0x2] =	stream.indirect_vreg.gather [hbm4b:s7+s19], $0x80, v5, vm0, $0xb8;
	[tilespmem:$0x11280] =	vst v63  }
0x416: {  	_ =	swait.ge [sflag:s4], $0x8000  }
0x417: {  	s25 =	rddreg [dreg:$0x12]  }
0x418: {  	p0 =	sle.s32 s25, s18  }
.Ltmp15:
0x419: {  	_ = 	snop;
	(pc) =	sbr.rel @p0 .LBB2_31-.Ltmp15, $3  }
0x41a: {  	_ =	sdelay $0x1  }
0x41b: {  	[sflag:s4] =	ssyncset.done $0x0  }
0x41c: {  	[sflag:s4] =	ssyncadd.s32 $0xFFFF8000  }
0x41d: {  	s23 =	rddreg [dreg:$0x1d]  }
0x41e: {  	p0 =	slt.s32 s23, s18  }
0x41f: {  	s20 =	sand.u32 @!p0 $0x7000, s19;
	s21 =	sand.u32 @!p0 $0x380, s19  }
0x420: {  	v5 =	vimm.f32 @!p0 $0.0e+00;
	s20 =	sor.u32 @!p0 s21, s20;
	p0 =	por p0, p0  }
0x421: {  	[tilespmem:s20+$0x1EF0] =	vst @!p0 v5  }
0x422: {  	[tilespmem:s20+$0x1280] =	vst @!p0 v5  }
0x423: {  	[tilespmem:s20+$0x1290] =	vst @!p0 v5  }
0x424: {  	[tilespmem:s20+$0x12A0] =	vst @!p0 v5  }
0x425: {  	[tilespmem:s20+$0x12B0] =	vst @!p0 v5  }
0x426: {  	[tilespmem:s20+$0x12C0] =	vst @!p0 v5  }
0x427: {  	[tilespmem:s20+$0x12D0] =	vst @!p0 v5  }
0x428: {  	[tilespmem:s20+$0x12E0] =	vst @!p0 v5  }
0x429: {  	[tilespmem:s20+$0x12F0] =	vst @!p0 v5  }
0x42a: {  	[tilespmem:s20+$0x1680] =	vst @!p0 v5  }
0x42b: {  	[tilespmem:s20+$0x1690] =	vst @!p0 v5  }
0x42c: {  	[tilespmem:s20+$0x16A0] =	vst @!p0 v5  }
0x42d: {  	[tilespmem:s20+$0x16B0] =	vst @!p0 v5  }
0x42e: {  	[tilespmem:s20+$0x16C0] =	vst @!p0 v5  }
0x42f: {  	[tilespmem:s20+$0x16D0] =	vst @!p0 v5  }
0x430: {  	[tilespmem:s20+$0x16E0] =	vst @!p0 v5  }
0x431: {  	[tilespmem:s20+$0x16F0] =	vst @!p0 v5  }
0x432: {  	[tilespmem:s20+$0x1A80] =	vst @!p0 v5  }
0x433: {  	[tilespmem:s20+$0x1A90] =	vst @!p0 v5  }
0x434: {  	[tilespmem:s20+$0x1AA0] =	vst @!p0 v5  }
0x435: {  	[tilespmem:s20+$0x1AB0] =	vst @!p0 v5  }
0x436: {  	[tilespmem:s20+$0x1AC0] =	vst @!p0 v5  }
0x437: {  	[tilespmem:s20+$0x1AD0] =	vst @!p0 v5  }
0x438: {  	[tilespmem:s20+$0x1AE0] =	vst @!p0 v5  }
0x439: {  	[tilespmem:s20+$0x1AF0] =	vst @!p0 v5  }
0x43a: {  	[tilespmem:s20+$0x1E80] =	vst @!p0 v5  }
0x43b: {  	[tilespmem:s20+$0x1E90] =	vst @!p0 v5  }
0x43c: {  	[tilespmem:s20+$0x1EA0] =	vst @!p0 v5  }
0x43d: {  	s23 =	sadd.s32 $0x1, s23;
	s21 =	simm.s32 $0x80;
	[tilespmem:s20+$0x1EB0] =	vst @!p0 v5  }
.LBB2_29:
0x43e: {  	p2 =	slt.s32 s23, s18  }
0x43f: {  	[tilespmem:s20+$0x1EC0] =	vst @!p0 v5;
	s19 =	sadd.s32 $0x200, s19;
	s24 =	smov.u32 s21;
	s21 =	sadd.s32 $0x80, s21  }
0x440: {  	s25 =	sand.u32 @!p2 $0x7000, s19;
	s24 =	sand.u32 @!p2 $0x380, s24;
	p1 =	sne.s32 s21, $0x2000;
	[tilespmem:s20+$0x1ED0] =	vst @!p0 v5  }
0x441: {  	[tilespmem:s20+$0x1EE0] =	vst @!p0 v5;
	v5 =	vimm.f32 @!p2 $0.0e+00;
	s20 =	sor.u32 @!p2 s24, s25;
	p0 =	por p2, p2  }
0x442: {  	[tilespmem:s20+$0x1EF0] =	vst @!p0 v5  }
0x443: {  	[tilespmem:s20+$0x1280] =	vst @!p0 v5  }
0x444: {  	[tilespmem:s20+$0x1290] =	vst @!p0 v5  }
0x445: {  	[tilespmem:s20+$0x12A0] =	vst @!p0 v5  }
0x446: {  	[tilespmem:s20+$0x12B0] =	vst @!p0 v5  }
0x447: {  	[tilespmem:s20+$0x12C0] =	vst @!p0 v5  }
0x448: {  	[tilespmem:s20+$0x12D0] =	vst @!p0 v5  }
0x449: {  	[tilespmem:s20+$0x12E0] =	vst @!p0 v5  }
0x44a: {  	[tilespmem:s20+$0x12F0] =	vst @!p0 v5  }
0x44b: {  	[tilespmem:s20+$0x1680] =	vst @!p0 v5  }
0x44c: {  	[tilespmem:s20+$0x1690] =	vst @!p0 v5  }
0x44d: {  	[tilespmem:s20+$0x16A0] =	vst @!p0 v5  }
0x44e: {  	[tilespmem:s20+$0x16B0] =	vst @!p0 v5  }
0x44f: {  	[tilespmem:s20+$0x16C0] =	vst @!p0 v5  }
0x450: {  	[tilespmem:s20+$0x16D0] =	vst @!p0 v5  }
0x451: {  	[tilespmem:s20+$0x16E0] =	vst @!p0 v5  }
0x452: {  	[tilespmem:s20+$0x16F0] =	vst @!p0 v5  }
0x453: {  	[tilespmem:s20+$0x1A80] =	vst @!p0 v5  }
0x454: {  	[tilespmem:s20+$0x1A90] =	vst @!p0 v5  }
0x455: {  	[tilespmem:s20+$0x1AA0] =	vst @!p0 v5  }
0x456: {  	[tilespmem:s20+$0x1AB0] =	vst @!p0 v5  }
0x457: {  	[tilespmem:s20+$0x1AC0] =	vst @!p0 v5  }
0x458: {  	[tilespmem:s20+$0x1AD0] =	vst @!p0 v5  }
0x459: {  	[tilespmem:s20+$0x1AE0] =	vst @!p0 v5  }
.Ltmp16:
0x45a: {  	[tilespmem:s20+$0x1AF0] =	vst @!p0 v5;
	(pc) =	sbr.rel @p1 .LBB2_29-.Ltmp16, $4  }
0x45b: {  	[tilespmem:s20+$0x1E80] =	vst @!p0 v5  }
0x45c: {  	[tilespmem:s20+$0x1E90] =	vst @!p0 v5  }
0x45d: {  	[tilespmem:s20+$0x1EA0] =	vst @!p0 v5  }
0x45e: {  	s23 =	sadd.s32 $0x1, s23;
	[tilespmem:s20+$0x1EB0] =	vst @!p0 v5  }
0x45f: {  	[tilespmem:s20+$0x1EC0] =	vst @!p0 v5  }
0x460: {  	[tilespmem:s20+$0x1ED0] =	vst @!p0 v5  }
0x461: {  	[tilespmem:s20+$0x1EE0] =	vst @!p0 v5  }
.LBB2_31:
0x462: {  	s19 =	simm.s32 $0x0;
	s20 =	rddreg [dreg:$0x13]  }
0x463: {  	[hbm4b:s20+s19] =	stream.linear.scatter [tilespmem:s8], [sflag:$0x3], $0x8000, $0x38;
	[tilespmem:$0x11280] =	vst v63  }
0x464: {  	_ =	swait.ge [sflag:s3], $0x8000  }
0x465: {  	[sflag:s3] =	ssyncset.done $0x0  }
0x466: {  	[sflag:s3] =	ssyncadd.s32 $0xFFFF8000  }
0x467: {  	_ =	swait.ge [sflag:s16], $0x8000  }
0x468: {  	s25 =	rddreg [dreg:$0x15]  }
0x469: {  	p0 =	sle.s32 s25, s18  }
.Ltmp17:
0x46a: {  	_ = 	snop;
	(pc) =	sbr.rel @p0 .LBB2_35-.Ltmp17, $3  }
0x46b: {  	_ =	sdelay $0x1  }
0x46c: {  	[sflag:s16] =	ssyncset.done $0x0  }
0x46d: {  	[sflag:s16] =	ssyncadd.s32 $0xFFFF8000  }
0x46e: {  	s23 =	rddreg [dreg:$0x1e]  }
0x46f: {  	p0 =	slt.s32 s23, s18  }
0x470: {  	s20 =	sand.u32 @!p0 $0x7000, s19;
	s21 =	sand.u32 @!p0 $0x380, s19  }
0x471: {  	v5 =	vimm.f32 @!p0 $0.0e+00;
	s20 =	sor.u32 @!p0 s21, s20;
	p0 =	por p0, p0  }
0x472: {  	[tilespmem:s20+$0x9EF0] =	vst @!p0 v5  }
0x473: {  	[tilespmem:s20+$0x9280] =	vst @!p0 v5  }
0x474: {  	[tilespmem:s20+$0x9290] =	vst @!p0 v5  }
0x475: {  	[tilespmem:s20+$0x92A0] =	vst @!p0 v5  }
0x476: {  	[tilespmem:s20+$0x92B0] =	vst @!p0 v5  }
0x477: {  	[tilespmem:s20+$0x92C0] =	vst @!p0 v5  }
0x478: {  	[tilespmem:s20+$0x92D0] =	vst @!p0 v5  }
0x479: {  	[tilespmem:s20+$0x92E0] =	vst @!p0 v5  }
0x47a: {  	[tilespmem:s20+$0x92F0] =	vst @!p0 v5  }
0x47b: {  	[tilespmem:s20+$0x9680] =	vst @!p0 v5  }
0x47c: {  	[tilespmem:s20+$0x9690] =	vst @!p0 v5  }
0x47d: {  	[tilespmem:s20+$0x96A0] =	vst @!p0 v5  }
0x47e: {  	[tilespmem:s20+$0x96B0] =	vst @!p0 v5  }
0x47f: {  	[tilespmem:s20+$0x96C0] =	vst @!p0 v5  }
0x480: {  	[tilespmem:s20+$0x96D0] =	vst @!p0 v5  }
0x481: {  	[tilespmem:s20+$0x96E0] =	vst @!p0 v5  }
0x482: {  	[tilespmem:s20+$0x96F0] =	vst @!p0 v5  }
0x483: {  	[tilespmem:s20+$0x9A80] =	vst @!p0 v5  }
0x484: {  	[tilespmem:s20+$0x9A90] =	vst @!p0 v5  }
0x485: {  	[tilespmem:s20+$0x9AA0] =	vst @!p0 v5  }
0x486: {  	[tilespmem:s20+$0x9AB0] =	vst @!p0 v5  }
0x487: {  	[tilespmem:s20+$0x9AC0] =	vst @!p0 v5  }
0x488: {  	[tilespmem:s20+$0x9AD0] =	vst @!p0 v5  }
0x489: {  	[tilespmem:s20+$0x9AE0] =	vst @!p0 v5  }
0x48a: {  	[tilespmem:s20+$0x9AF0] =	vst @!p0 v5  }
0x48b: {  	[tilespmem:s20+$0x9E80] =	vst @!p0 v5  }
0x48c: {  	[tilespmem:s20+$0x9E90] =	vst @!p0 v5  }
0x48d: {  	[tilespmem:s20+$0x9EA0] =	vst @!p0 v5  }
0x48e: {  	s23 =	sadd.s32 $0x1, s23;
	s21 =	simm.s32 $0x80;
	[tilespmem:s20+$0x9EB0] =	vst @!p0 v5  }
.LBB2_33:
0x48f: {  	p2 =	slt.s32 s23, s18  }
0x490: {  	[tilespmem:s20+$0x9EC0] =	vst @!p0 v5;
	s19 =	sadd.s32 $0x200, s19;
	s24 =	smov.u32 s21;
	s21 =	sadd.s32 $0x80, s21  }
0x491: {  	s25 =	sand.u32 @!p2 $0x7000, s19;
	s24 =	sand.u32 @!p2 $0x380, s24;
	p1 =	sne.s32 s21, $0x2000;
	[tilespmem:s20+$0x9ED0] =	vst @!p0 v5  }
0x492: {  	[tilespmem:s20+$0x9EE0] =	vst @!p0 v5;
	v5 =	vimm.f32 @!p2 $0.0e+00;
	s20 =	sor.u32 @!p2 s24, s25;
	p0 =	por p2, p2  }
0x493: {  	[tilespmem:s20+$0x9EF0] =	vst @!p0 v5  }
0x494: {  	[tilespmem:s20+$0x9280] =	vst @!p0 v5  }
0x495: {  	[tilespmem:s20+$0x9290] =	vst @!p0 v5  }
0x496: {  	[tilespmem:s20+$0x92A0] =	vst @!p0 v5  }
0x497: {  	[tilespmem:s20+$0x92B0] =	vst @!p0 v5  }
0x498: {  	[tilespmem:s20+$0x92C0] =	vst @!p0 v5  }
0x499: {  	[tilespmem:s20+$0x92D0] =	vst @!p0 v5  }
0x49a: {  	[tilespmem:s20+$0x92E0] =	vst @!p0 v5  }
0x49b: {  	[tilespmem:s20+$0x92F0] =	vst @!p0 v5  }
0x49c: {  	[tilespmem:s20+$0x9680] =	vst @!p0 v5  }
0x49d: {  	[tilespmem:s20+$0x9690] =	vst @!p0 v5  }
0x49e: {  	[tilespmem:s20+$0x96A0] =	vst @!p0 v5  }
0x49f: {  	[tilespmem:s20+$0x96B0] =	vst @!p0 v5  }
0x4a0: {  	[tilespmem:s20+$0x96C0] =	vst @!p0 v5  }
0x4a1: {  	[tilespmem:s20+$0x96D0] =	vst @!p0 v5  }
0x4a2: {  	[tilespmem:s20+$0x96E0] =	vst @!p0 v5  }
0x4a3: {  	[tilespmem:s20+$0x96F0] =	vst @!p0 v5  }
0x4a4: {  	[tilespmem:s20+$0x9A80] =	vst @!p0 v5  }
0x4a5: {  	[tilespmem:s20+$0x9A90] =	vst @!p0 v5  }
0x4a6: {  	[tilespmem:s20+$0x9AA0] =	vst @!p0 v5  }
0x4a7: {  	[tilespmem:s20+$0x9AB0] =	vst @!p0 v5  }
0x4a8: {  	[tilespmem:s20+$0x9AC0] =	vst @!p0 v5  }
0x4a9: {  	[tilespmem:s20+$0x9AD0] =	vst @!p0 v5  }
0x4aa: {  	[tilespmem:s20+$0x9AE0] =	vst @!p0 v5  }
.Ltmp18:
0x4ab: {  	[tilespmem:s20+$0x9AF0] =	vst @!p0 v5;
	(pc) =	sbr.rel @p1 .LBB2_33-.Ltmp18, $4  }
0x4ac: {  	[tilespmem:s20+$0x9E80] =	vst @!p0 v5  }
0x4ad: {  	[tilespmem:s20+$0x9E90] =	vst @!p0 v5  }
0x4ae: {  	[tilespmem:s20+$0x9EA0] =	vst @!p0 v5  }
0x4af: {  	s23 =	sadd.s32 $0x1, s23;
	[tilespmem:s20+$0x9EB0] =	vst @!p0 v5  }
.Ltmp19:
0x4b0: {  	_ = 	snop;
	(pc) =	sbr.rel .LBB2_34-.Ltmp19, $1  }
0x4b1: {  	_ =	sdelay $0x3  }
.LBB2_36:
0x4b2: {  	_ =	sfence.sel $0x180000  }
0x4b3: {  	[bflag:$0x0] =	sbarrier.arrive $0xFFFF  }
0x4b4: {  	_ =	strace $0x90000047  }
0x4b5: {  	s0 =	stileid.u32;
	[bflag:$0x2] =	sbarrier.arrive $0xFFFF  }
0x4b6: {  	p0 =	sne.s32 s0, $0x0;
	s0 =	rddreg [dreg:$0x3]  }
0x4b7: {  	s0 =	sadd.s32 @!p0 $0x100000, s0  }
0x4b8: {  	[sflag:s0] =	ssyncadd.tile.s32 @!p0 $0x1;
	_ =	shalt  }
.Lfunc_end2:
_tile_overlayer_lowered:
.L_overlay_start_2:
0x4b9: {  	(tag) =	ssettag $0x2  }
0x4ba: {  	s0 =	rddreg [dreg:$0x0];
	s2 =	stileid.u32  }
0x4bb: {  	s1 =	rddreg [dreg:$0x1];
	p0 =	sne.s32 s2, $0x0  }
0x4bc: {  	s3 =	rddreg [dreg:$0x2];
	[bflag:$0x3] =	sbarrier.arrive $0xFFFF;
	s2 =	simm.s32 @!p0 $0x1C03  }
0x4bd: {  	[timem:s3], [sflag:s2] =	dma.local @!p0 [hbm:s0], s1  }
0x4be: {  	s0 =	simm.s32 @!p0 $0x3  }
0x4bf: {  	_ =	swait.ge @!p0 [sflag:s0], s1  }
0x4c0: {  	s1 =	ssub.s32 @!p0 $0x0, s1;
	[sflag:s0] =	ssyncset.done @!p0 $0x0  }
0x4c1: {  	[sflag:s0] =	ssyncadd.s32 @!p0 s1  }
0x4c2: {  	[bflag:$0x3] =	sbarrier.arrive $0xFFFF  }
0x4c3: {  	_ =	shalt  }

</sc_bundles>
